<compile_context>
chip_gen: v7x
topology: tpu7x:2x2x1
jax: 0.10.2.dev20260603
libtpu: 0.0.44.dev20260713+nightly
codegen_flags: <defaults>
</compile_context>

<pallas_src>
import functools

import jax
import jax.numpy as jnp
from jax import lax
from jax.experimental import pallas as pl
from jax.experimental.pallas import tpu as pltpu
from jax.experimental.pallas import tpu_sc as plsc

N = 10000
E = 320000
D = 128
NC = 2
NS = 16
NW = NC * NS
NP = 10240
RPT = NP // NW
RSL = NP // NS
EPW = E // NW
CH = 80
NCH = EPW // CH

f32 = jnp.float32

_mesh = plsc.VectorSubcoreMesh(
    core_axis_name="c", subcore_axis_name="s", num_cores=NC, num_subcores=NS)


@functools.partial(
    pl.kernel,
    out_type=jax.ShapeDtypeStruct((NP, D), f32),
    mesh=_mesh,
    scratch_types=[
        pltpu.VMEM((RPT,), jnp.int32),
        pltpu.VMEM((RPT, D), f32),
        pltpu.SemaphoreType.DMA,
    ],
    compiler_params=pltpu.CompilerParams(needs_layout_passes=False),
)
def _sc_gather(x_hbm, emb_hbm, h0_out, xidx, rows_v, sem):
    c = lax.axis_index("c")
    s = lax.axis_index("s")
    wid = s * NC + c
    kch = RPT // CH

    pltpu.sync_copy(x_hbm.at[pl.ds(wid * RPT, RPT)], xidx)
    for k in range(kch):
        w = pl.ds(k * CH, CH)
        pltpu.async_copy(emb_hbm.at[xidx.at[w]], rows_v.at[w], sem)
    for k in range(kch):
        w = pl.ds(k * CH, CH)
        pltpu.make_async_copy(emb_hbm.at[xidx.at[w]], rows_v.at[w],
                              sem).wait()
    pltpu.sync_copy(rows_v, h0_out.at[pl.ds(wid * RPT, RPT)])


@functools.partial(
    pl.kernel,
    out_type=jax.ShapeDtypeStruct((NC, NP), f32),
    mesh=_mesh,
    scratch_types=[
        pltpu.VMEM((EPW,), jnp.int32),
        pltpu.VMEM((NP,), f32),
        pltpu.VMEM((RSL,), f32),
        pltpu.VMEM((RSL,), f32),
        pltpu.VMEM_SHARED((NS, NP), f32),
    ],
    compiler_params=pltpu.CompilerParams(needs_layout_passes=False),
)
def _sc_cnt(dst_hbm, cnt_out, didx, cnt_v, tmp_v, acc_v, shared_cnt):
    c = lax.axis_index("c")
    s = lax.axis_index("s")
    wid = s * NC + c

    pltpu.sync_copy(dst_hbm.at[pl.ds(wid * EPW, EPW)], didx)
    zeros16 = jnp.zeros((16,), f32)

    def zero_body(i, carry):
        cnt_v[pl.ds(i * 16, 16)] = zeros16
        return carry
    lax.fori_loop(0, NP // 16, zero_body, 0)

    ones16 = jnp.ones((16,), f32)

    def cnt_body(i, carry):
        for j in range(5):
            d16 = didx[pl.ds(i * CH + j * 16, 16)]
            plsc.addupdate_scatter(cnt_v, [d16], ones16)
        return carry
    lax.fori_loop(0, NCH, cnt_body, 0)

    pltpu.sync_copy(cnt_v, shared_cnt.at[s])
    plsc.subcore_barrier()

    sl = pl.ds(s * RSL, RSL)
    pltpu.sync_copy(shared_cnt.at[0, sl], acc_v)

    def red_body(p, carry):
        pltpu.sync_copy(shared_cnt.at[p, sl], tmp_v)
        for k in range(RSL // 16):
            w = pl.ds(k * 16, 16)
            acc_v[w] = acc_v[w] + tmp_v[w]
        return carry
    lax.fori_loop(1, NS, red_body, 0)
    pltpu.sync_copy(acc_v, cnt_out.at[c, sl])


NRB = 3


@functools.partial(
    pl.kernel,
    out_type=jax.ShapeDtypeStruct((NC, NP, D), f32),
    mesh=_mesh,
    scratch_types=[
        pltpu.VMEM((NRB, CH), jnp.int32),
        pltpu.VMEM((NRB, CH), jnp.int32),
        pltpu.VMEM((NRB, CH, D), f32),
        pltpu.VMEM_SHARED((NP, D), f32),
        pltpu.SemaphoreType.DMA,
        pltpu.SemaphoreType.DMA,
        pltpu.SemaphoreType.DMA,
        pltpu.SemaphoreType.DMA,
        pltpu.SemaphoreType.DMA,
        pltpu.SemaphoreType.DMA,
    ],
    compiler_params=pltpu.CompilerParams(needs_layout_passes=False),
)
def _sc_edge(hl_hbm, src_hbm, dst_hbm, p_out,
             sidx, didx, rows, accum, g0, g1, g2, i0, i1, i2):
    c = lax.axis_index("c")
    s = lax.axis_index("s")
    wid = s * NC + c
    gsems = (g0, g1, g2)
    isems = (i0, i1, i2)

    zeros16 = jnp.zeros((16,), f32)

    def zb(r, carry):
        for j in range(D // 16):
            rows[0, r, pl.ds(j * 16, 16)] = zeros16
        return carry
    lax.fori_loop(0, CH, zb, 0)
    for q in range(RSL // CH):
        pltpu.sync_copy(rows.at[0], accum.at[pl.ds(s * RSL + q * CH, CH)])
    plsc.subcore_barrier()

    def idx_start(i, j):
        base = wid * EPW + i * CH
        pltpu.async_copy(src_hbm.at[pl.ds(base, CH)], sidx.at[j], isems[j])
        pltpu.async_copy(dst_hbm.at[pl.ds(base, CH)], didx.at[j], isems[j])

    def idx_wait(i, j):
        base = wid * EPW + i * CH
        pltpu.make_async_copy(src_hbm.at[pl.ds(base, CH)], sidx.at[j],
                              isems[j]).wait()
        pltpu.make_async_copy(dst_hbm.at[pl.ds(base, CH)], didx.at[j],
                              isems[j]).wait()

    def gather_start(j):
        pltpu.async_copy(hl_hbm.at[sidx.at[j]], rows.at[j], gsems[j])

    def gather_wait(j):
        pltpu.make_async_copy(hl_hbm.at[sidx.at[j]], rows.at[j],
                              gsems[j]).wait()

    def scatter(j):
        pltpu.sync_copy(rows.at[j], accum.at[didx.at[j]], add=True)

    for j in range(NRB):
        idx_start(j, j)
    for j in range(NRB - 1):
        idx_wait(j, j)
        gather_start(j)

    def body(k, carry):
        for j in range(NRB):
            cur = NRB * k + j
            jn = (j + NRB - 1) % NRB
            gather_wait(j)
            idx_wait(cur + 2, jn)
            gather_start(jn)
            scatter(j)
            nxt = cur + NRB

            @pl.when(nxt < NCH)
            def _():
                idx_start(nxt, j)
        return carry
    lax.fori_loop(0, NCH // NRB, body, 0)
    for cur in range(NCH - NCH % NRB, NCH):
        gather_wait(cur % NRB)
        scatter(cur % NRB)
    plsc.subcore_barrier()

    sl = pl.ds(s * RSL, RSL)
    pltpu.sync_copy(accum.at[sl], p_out.at[c, sl])



R = 1280
G = NP // R
R2 = 1000
G2 = N // R2


def _dotT(h, w_ref):
    return lax.dot_general(h, w_ref[...], (((1,), (1,)), ((), ())),
                           preferred_element_type=f32)


def _combine(p_ref, cnt_ref, hrr_ref, a_ref):
    psum = p_ref[0] + p_ref[1]
    csum = cnt_ref[0] + cnt_ref[1]
    scale = 1.0 / jnp.maximum(csum, 1.0)
    pre = psum * scale[:, None] + hrr_ref[...]
    av = a_ref[0, 0]
    return jnp.where(pre >= 0, pre, av * pre)


def _tc_first_body(h_ref, wl_ref, wr_ref, bl_ref, br_ref, hl_out, hrr_out):
    h = h_ref[...]
    hl_out[...] = _dotT(h, wl_ref)
    hrr_out[...] = _dotT(h, wr_ref) + bl_ref[...] + br_ref[...]


def _tc_mid_body(p_ref, cnt_ref, hrr_ref, a_ref, wl_ref, wr_ref,
                 bl_ref, br_ref, hl_out, hrr_out):
    h = _combine(p_ref, cnt_ref, hrr_ref, a_ref)
    hl_out[...] = _dotT(h, wl_ref)
    hrr_out[...] = _dotT(h, wr_ref) + bl_ref[...] + br_ref[...]


def _tc_final_body(p_ref, cntt_ref, hrr_ref, a_ref, wout_ref, bout_ref,
                   out_ref):
    psum = p_ref[0] + p_ref[1]
    csum = cntt_ref[:, 0] + cntt_ref[:, 1]
    scale = 1.0 / jnp.maximum(csum, 1.0)
    pre = psum * scale[:, None] + hrr_ref[...]
    av = a_ref[0, 0]
    h = jnp.where(pre >= 0, pre, av * pre)
    out_ref[...] = _dotT(h, wout_ref) + bout_ref[...]


_row_spec = pl.BlockSpec((R, D), lambda i: (i, 0))
_w_spec = pl.BlockSpec((D, D), lambda i: (0, 0))
_b_spec = pl.BlockSpec((1, D), lambda i: (0, 0))
_p_spec = pl.BlockSpec((NC, R, D), lambda i: (0, i, 0))
_cnt_spec = pl.BlockSpec((NC, R), lambda i: (0, i))
_a_spec = pl.BlockSpec((1, 1), lambda i: (0, 0))
_hD_shape = jax.ShapeDtypeStruct((NP, D), f32)


def _tc_first(h0, wl, wr, bl, br):
    return pl.pallas_call(
        _tc_first_body,
        grid=(G,),
        in_specs=[_row_spec, _w_spec, _w_spec, _b_spec, _b_spec],
        out_specs=[_row_spec, _row_spec],
        out_shape=[_hD_shape, _hD_shape],
    )(h0, wl, wr, bl.reshape(1, D), br.reshape(1, D))


def _tc_mid(p, cnt, hrr, a, wl, wr, bl, br):
    return pl.pallas_call(
        _tc_mid_body,
        grid=(G,),
        in_specs=[_p_spec, _cnt_spec, _row_spec, _a_spec,
                  _w_spec, _w_spec, _b_spec, _b_spec],
        out_specs=[_row_spec, _row_spec],
        out_shape=[_hD_shape, _hD_shape],
    )(p, cnt, hrr, a.reshape(1, 1), wl, wr,
      bl.reshape(1, D), br.reshape(1, D))


def _tc_final(p, cnt_t, hrr, a, wout, bout):
    return pl.pallas_call(
        _tc_final_body,
        grid=(G2,),
        in_specs=[pl.BlockSpec((NC, R2, D), lambda i: (0, i, 0)),
                  pl.BlockSpec((R2, NC), lambda i: (i, 0)),
                  pl.BlockSpec((R2, D), lambda i: (i, 0)),
                  _a_spec, _w_spec, _b_spec],
        out_specs=pl.BlockSpec((R2, D), lambda i: (i, 0)),
        out_shape=jax.ShapeDtypeStruct((N, D), f32),
    )(p, cnt_t, hrr, a.reshape(1, 1), wout, bout.reshape(1, D))


def kernel(x, edge_index, edge_weight, emb,
           Wl1, bl1, Wr1, br1, a1,
           Wl2, bl2, Wr2, br2, a2,
           Wl3, bl3, Wr3, br3, a3,
           Wout, bout):
    xp = jnp.pad(x.astype(jnp.int32), (0, NP - N))
    src = edge_index[0].astype(jnp.int32)
    dst = edge_index[1].astype(jnp.int32)

    h0 = _sc_gather(xp, emb.astype(f32))
    hl, hrr = _tc_first(h0, Wl1, Wr1, bl1, br1)
    cnt = _sc_cnt(dst)
    p = _sc_edge(hl, src, dst)
    hl, hrr = _tc_mid(p, cnt, hrr, a1, Wl2, Wr2, bl2, br2)
    p = _sc_edge(hl, src, dst)
    hl, hrr = _tc_mid(p, cnt, hrr, a2, Wl3, Wr3, bl3, br3)
    p = _sc_edge(hl, src, dst)
    out = _tc_final(p, cnt.T, hrr, a3, Wout, bout)
    return out

# --- scband reference (transcript-rebuilt; emitter-appended) ---
"""Pipeline reference for scband-graph-sage-85134841741498 (READ-ONLY COPY).

The authoritative reference and input builder live on the scoring server;
editing this copy changes nothing except your own understanding.
"""

import jax, jax.numpy as jnp
import numpy as np

N = 10000
E = 320000
D = 128

def _prelu(x, a):
    return jnp.where(x >= 0, x, a * x)

def _sage(h, src, dst, Wl, bl, Wr, br):
    # PyG SAGEConv with mean aggregation: lin_l(mean_{j in N(i)} x_j) + lin_r(x_i)
    msg = h[src]
    s = jax.ops.segment_sum(msg, dst, num_segments=N)
    c = jax.ops.segment_sum(jnp.ones((src.shape[0],), h.dtype), dst, num_segments=N)
    agg = s / jnp.clip(c, 1.0)[:, None]
    return agg @ Wl.T + bl + h @ Wr.T + br

def setup_inputs(seed: int = 0):
    key = jax.random.key(seed)
    ks = jax.random.split(key, 24)
    inp = {}
    inp['x'] = jax.random.randint(ks[0], (N,), 0, N)
    inp['edge_index'] = jax.random.randint(ks[1], (2, E), 0, N)
    inp['edge_weight'] = jax.random.uniform(ks[2], (E,), dtype=jnp.float32)
    inp['emb'] = jax.random.normal(ks[3], (N, D), dtype=jnp.float32) * 0.02
    s = 1.0 / np.sqrt(D)
    i = 4
    for l in (1, 2, 3):
        inp['Wl%d' % l] = jax.random.uniform(ks[i], (D, D), minval=-s, maxval=s, dtype=jnp.float32); i += 1
        inp['bl%d' % l] = jnp.zeros((D,), jnp.float32)
        inp['Wr%d' % l] = jax.random.uniform(ks[i], (D, D), minval=-s, maxval=s, dtype=jnp.float32); i += 1
        inp['br%d' % l] = jnp.zeros((D,), jnp.float32)
        inp['a%d' % l] = jnp.full((1,), 0.25, jnp.float32)
    inp['Wout'] = jax.random.uniform(ks[i], (D, D), minval=-s, maxval=s, dtype=jnp.float32)
    inp['bout'] = jnp.zeros((D,), jnp.float32)
    return inp

def reference(x, edge_index, edge_weight, emb, Wl1, bl1, Wr1, br1, a1, Wl2, bl2, Wr2, br2, a2, Wl3, bl3, Wr3, br3, a3, Wout, bout):
    # edge_weight is accepted but unused by the original forward (SAGEConv called without it)
    src, dst = edge_index[0], edge_index[1]
    h0 = emb[x]
    h1 = _prelu(_sage(h0, src, dst, Wl1, bl1, Wr1, br1), a1)  # dropout = identity (eval)
    h2 = _prelu(_sage(h1, src, dst, Wl2, bl2, Wr2, br2), a2)
    h3 = _prelu(_sage(h2, src, dst, Wl3, bl3, Wr3, br3), a3)
    return h3 @ Wout.T + bout

if __name__ == "__main__":
    import jax
    _d = setup_inputs()
    print(jax.jit(kernel)(*tuple(_d.values())))

</pallas_src>

<mosaic_0001>
#map = affine_map<(d0, d1) -> (0, 0)>
#map1 = affine_map<(d0, d1) -> (0)>
#map2 = affine_map<(d0, d1) -> (0, 0, 0)>
module attributes {stable_mosaic.version = 14 : i64} {
  func.func @_sc_edge(%arg0: i32, %arg1: i32, %arg2: memref<10240x128xf32, #tpu.memory_space<hbm>>, %arg3: memref<320000xi32, #tpu.memory_space<hbm>>, %arg4: memref<320000xi32, #tpu.memory_space<hbm>>, %arg5: memref<2x10240x128xf32, #tpu.memory_space<hbm>>, %arg6: memref<3x80xi32, #tpu.memory_space<vmem>>, %arg7: memref<3x80xi32, #tpu.memory_space<vmem>>, %arg8: memref<3x80x128xf32, #tpu.memory_space<vmem>>, %arg9: memref<10240x128xf32, #tpu.memory_space<vmem_shared>>, %arg10: memref<!tpu.dma_semaphore, #tpu.memory_space<semaphore_mem>>, %arg11: memref<!tpu.dma_semaphore, #tpu.memory_space<semaphore_mem>>, %arg12: memref<!tpu.dma_semaphore, #tpu.memory_space<semaphore_mem>>, %arg13: memref<!tpu.dma_semaphore, #tpu.memory_space<semaphore_mem>>, %arg14: memref<!tpu.dma_semaphore, #tpu.memory_space<semaphore_mem>>, %arg15: memref<!tpu.dma_semaphore, #tpu.memory_space<semaphore_mem>>) attributes {dimension_semantics = [#tpu.dimension_semantics<core_parallel>, #tpu.dimension_semantics<subcore_parallel>], iteration_bounds = array<i64: 2, 16>, scalar_prefetch = 0 : i64, scratch_operands = 10 : i64, tpu.core_type = #tpu.core_type<sc_vector_subcore>, window_params = [{transform_indices = #map}, {transform_indices = #map1}, {transform_indices = #map1}, {transform_indices = #map2}]} {
    %mul3A = arith.constant 2 : i32
    %mul3A_0 = arith.muli %arg1, %mul3A : i32
    %add3A = arith.addi %mul3A_0, %arg0 : i32
    %broadcast_in_dim3A = arith.constant 0.000000e+00 : f32
    %broadcast_in_dim3A_1 = vector.broadcast %broadcast_in_dim3A : f32 to vector<16xf32>
    %scan3A = arith.constant 0 : i32
    %scan3A_2 = arith.constant 0 : i32
    %scan3A_3 = arith.constant 80 : i32
    %scan3A_4 = arith.addi %scan3A_2, %scan3A_3 : i32
    %scan3A_5 = arith.constant 1 : i32
    scf.for %scan3A_215 = %scan3A_2 to %scan3A_4 step %scan3A_5  : i32 {
      %swap3A = arith.constant 0 : i32
      %swap3A_216 = arith.index_cast %swap3A : i32 to index
      %swap3A_217 = arith.index_cast %scan3A_215 : i32 to index
      %swap3A_218 = arith.constant 0 : index
      %swap3A_219 = tpu.vector_load %arg8[%swap3A_216, %swap3A_217, %swap3A_218] {strides = array<i32>} : memref<3x80x128xf32, #tpu.memory_space<vmem>>, vector<16xf32>,
      tpu.vector_store %arg8[%swap3A_216, %swap3A_217, %swap3A_218], %broadcast_in_dim3A_1 {strides = array<i32>} : memref<3x80x128xf32, #tpu.memory_space<vmem>>, vector<16xf32>,
      %swap3A_220 = arith.constant 0 : i32
      %swap3A_221 = arith.index_cast %swap3A_220 : i32 to index
      %swap3A_222 = arith.index_cast %scan3A_215 : i32 to index
      %swap3A_223 = arith.constant 16 : index
      %swap3A_224 = tpu.vector_load %arg8[%swap3A_221, %swap3A_222, %swap3A_223] {strides = array<i32>} : memref<3x80x128xf32, #tpu.memory_space<vmem>>, vector<16xf32>,
      tpu.vector_store %arg8[%swap3A_221, %swap3A_222, %swap3A_223], %broadcast_in_dim3A_1 {strides = array<i32>} : memref<3x80x128xf32, #tpu.memory_space<vmem>>, vector<16xf32>,
      %swap3A_225 = arith.constant 0 : i32
      %swap3A_226 = arith.index_cast %swap3A_225 : i32 to index
      %swap3A_227 = arith.index_cast %scan3A_215 : i32 to index
      %swap3A_228 = arith.constant 32 : index
      %swap3A_229 = tpu.vector_load %arg8[%swap3A_226, %swap3A_227, %swap3A_228] {strides = array<i32>} : memref<3x80x128xf32, #tpu.memory_space<vmem>>, vector<16xf32>,
      tpu.vector_store %arg8[%swap3A_226, %swap3A_227, %swap3A_228], %broadcast_in_dim3A_1 {strides = array<i32>} : memref<3x80x128xf32, #tpu.memory_space<vmem>>, vector<16xf32>,
      %swap3A_230 = arith.constant 0 : i32
      %swap3A_231 = arith.index_cast %swap3A_230 : i32 to index
      %swap3A_232 = arith.index_cast %scan3A_215 : i32 to index
      %swap3A_233 = arith.constant 48 : index
      %swap3A_234 = tpu.vector_load %arg8[%swap3A_231, %swap3A_232, %swap3A_233] {strides = array<i32>} : memref<3x80x128xf32, #tpu.memory_space<vmem>>, vector<16xf32>,
      tpu.vector_store %arg8[%swap3A_231, %swap3A_232, %swap3A_233], %broadcast_in_dim3A_1 {strides = array<i32>} : memref<3x80x128xf32, #tpu.memory_space<vmem>>, vector<16xf32>,
      %swap3A_235 = arith.constant 0 : i32
      %swap3A_236 = arith.index_cast %swap3A_235 : i32 to index
      %swap3A_237 = arith.index_cast %scan3A_215 : i32 to index
      %swap3A_238 = arith.constant 64 : index
      %swap3A_239 = tpu.vector_load %arg8[%swap3A_236, %swap3A_237, %swap3A_238] {strides = array<i32>} : memref<3x80x128xf32, #tpu.memory_space<vmem>>, vector<16xf32>,
      tpu.vector_store %arg8[%swap3A_236, %swap3A_237, %swap3A_238], %broadcast_in_dim3A_1 {strides = array<i32>} : memref<3x80x128xf32, #tpu.memory_space<vmem>>, vector<16xf32>,
      %swap3A_240 = arith.constant 0 : i32
      %swap3A_241 = arith.index_cast %swap3A_240 : i32 to index
      %swap3A_242 = arith.index_cast %scan3A_215 : i32 to index
      %swap3A_243 = arith.constant 80 : index
      %swap3A_244 = tpu.vector_load %arg8[%swap3A_241, %swap3A_242, %swap3A_243] {strides = array<i32>} : memref<3x80x128xf32, #tpu.memory_space<vmem>>, vector<16xf32>,
      tpu.vector_store %arg8[%swap3A_241, %swap3A_242, %swap3A_243], %broadcast_in_dim3A_1 {strides = array<i32>} : memref<3x80x128xf32, #tpu.memory_space<vmem>>, vector<16xf32>,
      %swap3A_245 = arith.constant 0 : i32
      %swap3A_246 = arith.index_cast %swap3A_245 : i32 to index
      %swap3A_247 = arith.index_cast %scan3A_215 : i32 to index
      %swap3A_248 = arith.constant 96 : index
      %swap3A_249 = tpu.vector_load %arg8[%swap3A_246, %swap3A_247, %swap3A_248] {strides = array<i32>} : memref<3x80x128xf32, #tpu.memory_space<vmem>>, vector<16xf32>,
      tpu.vector_store %arg8[%swap3A_246, %swap3A_247, %swap3A_248], %broadcast_in_dim3A_1 {strides = array<i32>} : memref<3x80x128xf32, #tpu.memory_space<vmem>>, vector<16xf32>,
      %swap3A_250 = arith.constant 0 : i32
      %swap3A_251 = arith.index_cast %swap3A_250 : i32 to index
      %swap3A_252 = arith.index_cast %scan3A_215 : i32 to index
      %swap3A_253 = arith.constant 112 : index
      %swap3A_254 = tpu.vector_load %arg8[%swap3A_251, %swap3A_252, %swap3A_253] {strides = array<i32>} : memref<3x80x128xf32, #tpu.memory_space<vmem>>, vector<16xf32>,
      tpu.vector_store %arg8[%swap3A_251, %swap3A_252, %swap3A_253], %broadcast_in_dim3A_1 {strides = array<i32>} : memref<3x80x128xf32, #tpu.memory_space<vmem>>, vector<16xf32>,
    }
    %scan3A_6 = arith.constant 80 : i32
    %mul3A_7 = arith.constant 640 : i32
    %mul3A_8 = arith.muli %arg1, %mul3A_7 : i32
    %add3A_9 = arith.constant 0 : i32
    %add3A_10 = arith.addi %mul3A_8, %add3A_9 : i32
    %run_scoped3A = arith.constant 0 : i32
    "tpu.region"() ({
      %run_scoped3A_215 = tpu.sem_alloc : memref<!tpu.dma_semaphore, #tpu.memory_space<semaphore_mem>>
      %dma_start3A_216 = arith.constant 0 : i32
      %dma_start3A_217 = arith.constant 0 : i32
      %dma_start3A_218 = tpu.memref_slice %arg8[%run_scoped3A, %dma_start3A_216, %dma_start3A_217] : memref<3x80x128xf32, #tpu.memory_space<vmem>> -> memref<1x80x128xf32, #tpu.memory_space<vmem>>
      %dma_start3A_219 = tpu.memref_squeeze %dma_start3A_218 : memref<1x80x128xf32, #tpu.memory_space<vmem>> -> memref<80x128xf32, #tpu.memory_space<vmem>>
      %dma_start3A_220 = arith.constant 0 : i32
      %dma_start3A_221 = tpu.memref_slice %arg9[%add3A_10, %dma_start3A_220] : memref<10240x128xf32, #tpu.memory_space<vmem_shared>> -> memref<80x128xf32, #tpu.memory_space<vmem_shared>>
      %dma_start3A_222 = arith.constant 0 : i32
      %dma_start3A_223 = tpu.memref_slice %arg9[%add3A_10, %dma_start3A_222] : memref<10240x128xf32, #tpu.memory_space<vmem_shared>> -> memref<80x128xf32, #tpu.memory_space<vmem_shared>>
      %dma_start3A_224 = arith.constant 0 : i32
      %dma_start3A_225 = arith.constant 0 : i32
      %dma_start3A_226 = tpu.memref_slice %arg8[%run_scoped3A, %dma_start3A_224, %dma_start3A_225] : memref<3x80x128xf32, #tpu.memory_space<vmem>> -> memref<1x80x128xf32, #tpu.memory_space<vmem>>
      %dma_start3A_227 = tpu.memref_squeeze %dma_start3A_226 : memref<1x80x128xf32, #tpu.memory_space<vmem>> -> memref<80x128xf32, #tpu.memory_space<vmem>>
      tpu.enqueue_dma source(%dma_start3A_227 : memref<80x128xf32, #tpu.memory_space<vmem>>) target(%dma_start3A_223 : memref<80x128xf32, #tpu.memory_space<vmem_shared>>) target_semaphore(%run_scoped3A_215 : memref<!tpu.dma_semaphore, #tpu.memory_space<semaphore_mem>>)
      %dma_wait3A_228 = arith.constant 0 : i32
      %dma_wait3A_229 = arith.constant 0 : i32
      %dma_wait3A_230 = tpu.memref_slice %arg8[%run_scoped3A, %dma_wait3A_228, %dma_wait3A_229] : memref<3x80x128xf32, #tpu.memory_space<vmem>> -> memref<1x80x128xf32, #tpu.memory_space<vmem>>
      %dma_wait3A_231 = tpu.memref_squeeze %dma_wait3A_230 : memref<1x80x128xf32, #tpu.memory_space<vmem>> -> memref<80x128xf32, #tpu.memory_space<vmem>>
      %dma_wait3A_232 = arith.constant 0 : i32
      %dma_wait3A_233 = tpu.memref_slice %arg9[%add3A_10, %dma_wait3A_232] : memref<10240x128xf32, #tpu.memory_space<vmem_shared>> -> memref<80x128xf32, #tpu.memory_space<vmem_shared>>
      %dma_wait3A_234 = arith.constant 0 : i32
      %dma_wait3A_235 = tpu.memref_slice %arg9[%add3A_10, %dma_wait3A_234] : memref<10240x128xf32, #tpu.memory_space<vmem_shared>> -> memref<80x128xf32, #tpu.memory_space<vmem_shared>>
      %dma_wait3A_236 = arith.constant 0 : i32
      %dma_wait3A_237 = arith.constant 0 : i32
      %dma_wait3A_238 = tpu.memref_slice %arg8[%run_scoped3A, %dma_wait3A_236, %dma_wait3A_237] : memref<3x80x128xf32, #tpu.memory_space<vmem>> -> memref<1x80x128xf32, #tpu.memory_space<vmem>>
      %dma_wait3A_239 = tpu.memref_squeeze %dma_wait3A_238 : memref<1x80x128xf32, #tpu.memory_space<vmem>> -> memref<80x128xf32, #tpu.memory_space<vmem>>
      tpu.wait_dma2 semaphore(%run_scoped3A_215 : memref<!tpu.dma_semaphore, #tpu.memory_space<semaphore_mem>>) src(%dma_wait3A_239 : memref<80x128xf32, #tpu.memory_space<vmem>>) dst(%dma_wait3A_235 : memref<80x128xf32, #tpu.memory_space<vmem_shared>>)
      tpu.yield
    }) : () -> ()
    %mul3A_11 = arith.constant 640 : i32
    %mul3A_12 = arith.muli %arg1, %mul3A_11 : i32
    %add3A_13 = arith.constant 80 : i32
    %add3A_14 = arith.addi %mul3A_12, %add3A_13 : i32
    %run_scoped3A_15 = arith.constant 0 : i32
    "tpu.region"() ({
      %run_scoped3A_215 = tpu.sem_alloc : memref<!tpu.dma_semaphore, #tpu.memory_space<semaphore_mem>>
      %dma_start3A_216 = arith.constant 0 : i32
      %dma_start3A_217 = arith.constant 0 : i32
      %dma_start3A_218 = tpu.memref_slice %arg8[%run_scoped3A_15, %dma_start3A_216, %dma_start3A_217] : memref<3x80x128xf32, #tpu.memory_space<vmem>> -> memref<1x80x128xf32, #tpu.memory_space<vmem>>
      %dma_start3A_219 = tpu.memref_squeeze %dma_start3A_218 : memref<1x80x128xf32, #tpu.memory_space<vmem>> -> memref<80x128xf32, #tpu.memory_space<vmem>>
      %dma_start3A_220 = arith.constant 0 : i32
      %dma_start3A_221 = tpu.memref_slice %arg9[%add3A_14, %dma_start3A_220] : memref<10240x128xf32, #tpu.memory_space<vmem_shared>> -> memref<80x128xf32, #tpu.memory_space<vmem_shared>>
      %dma_start3A_222 = arith.constant 0 : i32
      %dma_start3A_223 = tpu.memref_slice %arg9[%add3A_14, %dma_start3A_222] : memref<10240x128xf32, #tpu.memory_space<vmem_shared>> -> memref<80x128xf32, #tpu.memory_space<vmem_shared>>
      %dma_start3A_224 = arith.constant 0 : i32
      %dma_start3A_225 = arith.constant 0 : i32
      %dma_start3A_226 = tpu.memref_slice %arg8[%run_scoped3A_15, %dma_start3A_224, %dma_start3A_225] : memref<3x80x128xf32, #tpu.memory_space<vmem>> -> memref<1x80x128xf32, #tpu.memory_space<vmem>>
      %dma_start3A_227 = tpu.memref_squeeze %dma_start3A_226 : memref<1x80x128xf32, #tpu.memory_space<vmem>> -> memref<80x128xf32, #tpu.memory_space<vmem>>
      tpu.enqueue_dma source(%dma_start3A_227 : memref<80x128xf32, #tpu.memory_space<vmem>>) target(%dma_start3A_223 : memref<80x128xf32, #tpu.memory_space<vmem_shared>>) target_semaphore(%run_scoped3A_215 : memref<!tpu.dma_semaphore, #tpu.memory_space<semaphore_mem>>)
      %dma_wait3A_228 = arith.constant 0 : i32
      %dma_wait3A_229 = arith.constant 0 : i32
      %dma_wait3A_230 = tpu.memref_slice %arg8[%run_scoped3A_15, %dma_wait3A_228, %dma_wait3A_229] : memref<3x80x128xf32, #tpu.memory_space<vmem>> -> memref<1x80x128xf32, #tpu.memory_space<vmem>>
      %dma_wait3A_231 = tpu.memref_squeeze %dma_wait3A_230 : memref<1x80x128xf32, #tpu.memory_space<vmem>> -> memref<80x128xf32, #tpu.memory_space<vmem>>
      %dma_wait3A_232 = arith.constant 0 : i32
      %dma_wait3A_233 = tpu.memref_slice %arg9[%add3A_14, %dma_wait3A_232] : memref<10240x128xf32, #tpu.memory_space<vmem_shared>> -> memref<80x128xf32, #tpu.memory_space<vmem_shared>>
      %dma_wait3A_234 = arith.constant 0 : i32
      %dma_wait3A_235 = tpu.memref_slice %arg9[%add3A_14, %dma_wait3A_234] : memref<10240x128xf32, #tpu.memory_space<vmem_shared>> -> memref<80x128xf32, #tpu.memory_space<vmem_shared>>
      %dma_wait3A_236 = arith.constant 0 : i32
      %dma_wait3A_237 = arith.constant 0 : i32
      %dma_wait3A_238 = tpu.memref_slice %arg8[%run_scoped3A_15, %dma_wait3A_236, %dma_wait3A_237] : memref<3x80x128xf32, #tpu.memory_space<vmem>> -> memref<1x80x128xf32, #tpu.memory_space<vmem>>
      %dma_wait3A_239 = tpu.memref_squeeze %dma_wait3A_238 : memref<1x80x128xf32, #tpu.memory_space<vmem>> -> memref<80x128xf32, #tpu.memory_space<vmem>>
      tpu.wait_dma2 semaphore(%run_scoped3A_215 : memref<!tpu.dma_semaphore, #tpu.memory_space<semaphore_mem>>) src(%dma_wait3A_239 : memref<80x128xf32, #tpu.memory_space<vmem>>) dst(%dma_wait3A_235 : memref<80x128xf32, #tpu.memory_space<vmem_shared>>)
      tpu.yield
    }) : () -> ()
    %mul3A_16 = arith.constant 640 : i32
    %mul3A_17 = arith.muli %arg1, %mul3A_16 : i32
    %add3A_18 = arith.constant 160 : i32
    %add3A_19 = arith.addi %mul3A_17, %add3A_18 : i32
    %run_scoped3A_20 = arith.constant 0 : i32
    "tpu.region"() ({
      %run_scoped3A_215 = tpu.sem_alloc : memref<!tpu.dma_semaphore, #tpu.memory_space<semaphore_mem>>
      %dma_start3A_216 = arith.constant 0 : i32
      %dma_start3A_217 = arith.constant 0 : i32
      %dma_start3A_218 = tpu.memref_slice %arg8[%run_scoped3A_20, %dma_start3A_216, %dma_start3A_217] : memref<3x80x128xf32, #tpu.memory_space<vmem>> -> memref<1x80x128xf32, #tpu.memory_space<vmem>>
      %dma_start3A_219 = tpu.memref_squeeze %dma_start3A_218 : memref<1x80x128xf32, #tpu.memory_space<vmem>> -> memref<80x128xf32, #tpu.memory_space<vmem>>
      %dma_start3A_220 = arith.constant 0 : i32
      %dma_start3A_221 = tpu.memref_slice %arg9[%add3A_19, %dma_start3A_220] : memref<10240x128xf32, #tpu.memory_space<vmem_shared>> -> memref<80x128xf32, #tpu.memory_space<vmem_shared>>
      %dma_start3A_222 = arith.constant 0 : i32
      %dma_start3A_223 = tpu.memref_slice %arg9[%add3A_19, %dma_start3A_222] : memref<10240x128xf32, #tpu.memory_space<vmem_shared>> -> memref<80x128xf32, #tpu.memory_space<vmem_shared>>
      %dma_start3A_224 = arith.constant 0 : i32
      %dma_start3A_225 = arith.constant 0 : i32
      %dma_start3A_226 = tpu.memref_slice %arg8[%run_scoped3A_20, %dma_start3A_224, %dma_start3A_225] : memref<3x80x128xf32, #tpu.memory_space<vmem>> -> memref<1x80x128xf32, #tpu.memory_space<vmem>>
      %dma_start3A_227 = tpu.memref_squeeze %dma_start3A_226 : memref<1x80x128xf32, #tpu.memory_space<vmem>> -> memref<80x128xf32, #tpu.memory_space<vmem>>
      tpu.enqueue_dma source(%dma_start3A_227 : memref<80x128xf32, #tpu.memory_space<vmem>>) target(%dma_start3A_223 : memref<80x128xf32, #tpu.memory_space<vmem_shared>>) target_semaphore(%run_scoped3A_215 : memref<!tpu.dma_semaphore, #tpu.memory_space<semaphore_mem>>)
      %dma_wait3A_228 = arith.constant 0 : i32
      %dma_wait3A_229 = arith.constant 0 : i32
      %dma_wait3A_230 = tpu.memref_slice %arg8[%run_scoped3A_20, %dma_wait3A_228, %dma_wait3A_229] : memref<3x80x128xf32, #tpu.memory_space<vmem>> -> memref<1x80x128xf32, #tpu.memory_space<vmem>>
      %dma_wait3A_231 = tpu.memref_squeeze %dma_wait3A_230 : memref<1x80x128xf32, #tpu.memory_space<vmem>> -> memref<80x128xf32, #tpu.memory_space<vmem>>
      %dma_wait3A_232 = arith.constant 0 : i32
      %dma_wait3A_233 = tpu.memref_slice %arg9[%add3A_19, %dma_wait3A_232] : memref<10240x128xf32, #tpu.memory_space<vmem_shared>> -> memref<80x128xf32, #tpu.memory_space<vmem_shared>>
      %dma_wait3A_234 = arith.constant 0 : i32
      %dma_wait3A_235 = tpu.memref_slice %arg9[%add3A_19, %dma_wait3A_234] : memref<10240x128xf32, #tpu.memory_space<vmem_shared>> -> memref<80x128xf32, #tpu.memory_space<vmem_shared>>
      %dma_wait3A_236 = arith.constant 0 : i32
      %dma_wait3A_237 = arith.constant 0 : i32
      %dma_wait3A_238 = tpu.memref_slice %arg8[%run_scoped3A_20, %dma_wait3A_236, %dma_wait3A_237] : memref<3x80x128xf32, #tpu.memory_space<vmem>> -> memref<1x80x128xf32, #tpu.memory_space<vmem>>
      %dma_wait3A_239 = tpu.memref_squeeze %dma_wait3A_238 : memref<1x80x128xf32, #tpu.memory_space<vmem>> -> memref<80x128xf32, #tpu.memory_space<vmem>>
      tpu.wait_dma2 semaphore(%run_scoped3A_215 : memref<!tpu.dma_semaphore, #tpu.memory_space<semaphore_mem>>) src(%dma_wait3A_239 : memref<80x128xf32, #tpu.memory_space<vmem>>) dst(%dma_wait3A_235 : memref<80x128xf32, #tpu.memory_space<vmem_shared>>)
      tpu.yield
    }) : () -> ()
    %mul3A_21 = arith.constant 640 : i32
    %mul3A_22 = arith.muli %arg1, %mul3A_21 : i32
    %add3A_23 = arith.constant 240 : i32
    %add3A_24 = arith.addi %mul3A_22, %add3A_23 : i32
    %run_scoped3A_25 = arith.constant 0 : i32
    "tpu.region"() ({
      %run_scoped3A_215 = tpu.sem_alloc : memref<!tpu.dma_semaphore, #tpu.memory_space<semaphore_mem>>
      %dma_start3A_216 = arith.constant 0 : i32
      %dma_start3A_217 = arith.constant 0 : i32
      %dma_start3A_218 = tpu.memref_slice %arg8[%run_scoped3A_25, %dma_start3A_216, %dma_start3A_217] : memref<3x80x128xf32, #tpu.memory_space<vmem>> -> memref<1x80x128xf32, #tpu.memory_space<vmem>>
      %dma_start3A_219 = tpu.memref_squeeze %dma_start3A_218 : memref<1x80x128xf32, #tpu.memory_space<vmem>> -> memref<80x128xf32, #tpu.memory_space<vmem>>
      %dma_start3A_220 = arith.constant 0 : i32
      %dma_start3A_221 = tpu.memref_slice %arg9[%add3A_24, %dma_start3A_220] : memref<10240x128xf32, #tpu.memory_space<vmem_shared>> -> memref<80x128xf32, #tpu.memory_space<vmem_shared>>
      %dma_start3A_222 = arith.constant 0 : i32
      %dma_start3A_223 = tpu.memref_slice %arg9[%add3A_24, %dma_start3A_222] : memref<10240x128xf32, #tpu.memory_space<vmem_shared>> -> memref<80x128xf32, #tpu.memory_space<vmem_shared>>
      %dma_start3A_224 = arith.constant 0 : i32
      %dma_start3A_225 = arith.constant 0 : i32
      %dma_start3A_226 = tpu.memref_slice %arg8[%run_scoped3A_25, %dma_start3A_224, %dma_start3A_225] : memref<3x80x128xf32, #tpu.memory_space<vmem>> -> memref<1x80x128xf32, #tpu.memory_space<vmem>>
      %dma_start3A_227 = tpu.memref_squeeze %dma_start3A_226 : memref<1x80x128xf32, #tpu.memory_space<vmem>> -> memref<80x128xf32, #tpu.memory_space<vmem>>
      tpu.enqueue_dma source(%dma_start3A_227 : memref<80x128xf32, #tpu.memory_space<vmem>>) target(%dma_start3A_223 : memref<80x128xf32, #tpu.memory_space<vmem_shared>>) target_semaphore(%run_scoped3A_215 : memref<!tpu.dma_semaphore, #tpu.memory_space<semaphore_mem>>)
      %dma_wait3A_228 = arith.constant 0 : i32
      %dma_wait3A_229 = arith.constant 0 : i32
      %dma_wait3A_230 = tpu.memref_slice %arg8[%run_scoped3A_25, %dma_wait3A_228, %dma_wait3A_229] : memref<3x80x128xf32, #tpu.memory_space<vmem>> -> memref<1x80x128xf32, #tpu.memory_space<vmem>>
      %dma_wait3A_231 = tpu.memref_squeeze %dma_wait3A_230 : memref<1x80x128xf32, #tpu.memory_space<vmem>> -> memref<80x128xf32, #tpu.memory_space<vmem>>
      %dma_wait3A_232 = arith.constant 0 : i32
      %dma_wait3A_233 = tpu.memref_slice %arg9[%add3A_24, %dma_wait3A_232] : memref<10240x128xf32, #tpu.memory_space<vmem_shared>> -> memref<80x128xf32, #tpu.memory_space<vmem_shared>>
      %dma_wait3A_234 = arith.constant 0 : i32
      %dma_wait3A_235 = tpu.memref_slice %arg9[%add3A_24, %dma_wait3A_234] : memref<10240x128xf32, #tpu.memory_space<vmem_shared>> -> memref<80x128xf32, #tpu.memory_space<vmem_shared>>
      %dma_wait3A_236 = arith.constant 0 : i32
      %dma_wait3A_237 = arith.constant 0 : i32
      %dma_wait3A_238 = tpu.memref_slice %arg8[%run_scoped3A_25, %dma_wait3A_236, %dma_wait3A_237] : memref<3x80x128xf32, #tpu.memory_space<vmem>> -> memref<1x80x128xf32, #tpu.memory_space<vmem>>
      %dma_wait3A_239 = tpu.memref_squeeze %dma_wait3A_238 : memref<1x80x128xf32, #tpu.memory_space<vmem>> -> memref<80x128xf32, #tpu.memory_space<vmem>>
      tpu.wait_dma2 semaphore(%run_scoped3A_215 : memref<!tpu.dma_semaphore, #tpu.memory_space<semaphore_mem>>) src(%dma_wait3A_239 : memref<80x128xf32, #tpu.memory_space<vmem>>) dst(%dma_wait3A_235 : memref<80x128xf32, #tpu.memory_space<vmem_shared>>)
      tpu.yield
    }) : () -> ()
    %mul3A_26 = arith.constant 640 : i32
    %mul3A_27 = arith.muli %arg1, %mul3A_26 : i32
    %add3A_28 = arith.constant 320 : i32
    %add3A_29 = arith.addi %mul3A_27, %add3A_28 : i32
    %run_scoped3A_30 = arith.constant 0 : i32
    "tpu.region"() ({
      %run_scoped3A_215 = tpu.sem_alloc : memref<!tpu.dma_semaphore, #tpu.memory_space<semaphore_mem>>
      %dma_start3A_216 = arith.constant 0 : i32
      %dma_start3A_217 = arith.constant 0 : i32
      %dma_start3A_218 = tpu.memref_slice %arg8[%run_scoped3A_30, %dma_start3A_216, %dma_start3A_217] : memref<3x80x128xf32, #tpu.memory_space<vmem>> -> memref<1x80x128xf32, #tpu.memory_space<vmem>>
      %dma_start3A_219 = tpu.memref_squeeze %dma_start3A_218 : memref<1x80x128xf32, #tpu.memory_space<vmem>> -> memref<80x128xf32, #tpu.memory_space<vmem>>
      %dma_start3A_220 = arith.constant 0 : i32
      %dma_start3A_221 = tpu.memref_slice %arg9[%add3A_29, %dma_start3A_220] : memref<10240x128xf32, #tpu.memory_space<vmem_shared>> -> memref<80x128xf32, #tpu.memory_space<vmem_shared>>
      %dma_start3A_222 = arith.constant 0 : i32
      %dma_start3A_223 = tpu.memref_slice %arg9[%add3A_29, %dma_start3A_222] : memref<10240x128xf32, #tpu.memory_space<vmem_shared>> -> memref<80x128xf32, #tpu.memory_space<vmem_shared>>
      %dma_start3A_224 = arith.constant 0 : i32
      %dma_start3A_225 = arith.constant 0 : i32
      %dma_start3A_226 = tpu.memref_slice %arg8[%run_scoped3A_30, %dma_start3A_224, %dma_start3A_225] : memref<3x80x128xf32, #tpu.memory_space<vmem>> -> memref<1x80x128xf32, #tpu.memory_space<vmem>>
      %dma_start3A_227 = tpu.memref_squeeze %dma_start3A_226 : memref<1x80x128xf32, #tpu.memory_space<vmem>> -> memref<80x128xf32, #tpu.memory_space<vmem>>
      tpu.enqueue_dma source(%dma_start3A_227 : memref<80x128xf32, #tpu.memory_space<vmem>>) target(%dma_start3A_223 : memref<80x128xf32, #tpu.memory_space<vmem_shared>>) target_semaphore(%run_scoped3A_215 : memref<!tpu.dma_semaphore, #tpu.memory_space<semaphore_mem>>)
      %dma_wait3A_228 = arith.constant 0 : i32
      %dma_wait3A_229 = arith.constant 0 : i32
      %dma_wait3A_230 = tpu.memref_slice %arg8[%run_scoped3A_30, %dma_wait3A_228, %dma_wait3A_229] : memref<3x80x128xf32, #tpu.memory_space<vmem>> -> memref<1x80x128xf32, #tpu.memory_space<vmem>>
      %dma_wait3A_231 = tpu.memref_squeeze %dma_wait3A_230 : memref<1x80x128xf32, #tpu.memory_space<vmem>> -> memref<80x128xf32, #tpu.memory_space<vmem>>
      %dma_wait3A_232 = arith.constant 0 : i32
      %dma_wait3A_233 = tpu.memref_slice %arg9[%add3A_29, %dma_wait3A_232] : memref<10240x128xf32, #tpu.memory_space<vmem_shared>> -> memref<80x128xf32, #tpu.memory_space<vmem_shared>>
      %dma_wait3A_234 = arith.constant 0 : i32
      %dma_wait3A_235 = tpu.memref_slice %arg9[%add3A_29, %dma_wait3A_234] : memref<10240x128xf32, #tpu.memory_space<vmem_shared>> -> memref<80x128xf32, #tpu.memory_space<vmem_shared>>
      %dma_wait3A_236 = arith.constant 0 : i32
      %dma_wait3A_237 = arith.constant 0 : i32
      %dma_wait3A_238 = tpu.memref_slice %arg8[%run_scoped3A_30, %dma_wait3A_236, %dma_wait3A_237] : memref<3x80x128xf32, #tpu.memory_space<vmem>> -> memref<1x80x128xf32, #tpu.memory_space<vmem>>
      %dma_wait3A_239 = tpu.memref_squeeze %dma_wait3A_238 : memref<1x80x128xf32, #tpu.memory_space<vmem>> -> memref<80x128xf32, #tpu.memory_space<vmem>>
      tpu.wait_dma2 semaphore(%run_scoped3A_215 : memref<!tpu.dma_semaphore, #tpu.memory_space<semaphore_mem>>) src(%dma_wait3A_239 : memref<80x128xf32, #tpu.memory_space<vmem>>) dst(%dma_wait3A_235 : memref<80x128xf32, #tpu.memory_space<vmem_shared>>)
      tpu.yield
    }) : () -> ()
    %mul3A_31 = arith.constant 640 : i32
    %mul3A_32 = arith.muli %arg1, %mul3A_31 : i32
    %add3A_33 = arith.constant 400 : i32
    %add3A_34 = arith.addi %mul3A_32, %add3A_33 : i32
    %run_scoped3A_35 = arith.constant 0 : i32
    "tpu.region"() ({
      %run_scoped3A_215 = tpu.sem_alloc : memref<!tpu.dma_semaphore, #tpu.memory_space<semaphore_mem>>
      %dma_start3A_216 = arith.constant 0 : i32
      %dma_start3A_217 = arith.constant 0 : i32
      %dma_start3A_218 = tpu.memref_slice %arg8[%run_scoped3A_35, %dma_start3A_216, %dma_start3A_217] : memref<3x80x128xf32, #tpu.memory_space<vmem>> -> memref<1x80x128xf32, #tpu.memory_space<vmem>>
      %dma_start3A_219 = tpu.memref_squeeze %dma_start3A_218 : memref<1x80x128xf32, #tpu.memory_space<vmem>> -> memref<80x128xf32, #tpu.memory_space<vmem>>
      %dma_start3A_220 = arith.constant 0 : i32
      %dma_start3A_221 = tpu.memref_slice %arg9[%add3A_34, %dma_start3A_220] : memref<10240x128xf32, #tpu.memory_space<vmem_shared>> -> memref<80x128xf32, #tpu.memory_space<vmem_shared>>
      %dma_start3A_222 = arith.constant 0 : i32
      %dma_start3A_223 = tpu.memref_slice %arg9[%add3A_34, %dma_start3A_222] : memref<10240x128xf32, #tpu.memory_space<vmem_shared>> -> memref<80x128xf32, #tpu.memory_space<vmem_shared>>
      %dma_start3A_224 = arith.constant 0 : i32
      %dma_start3A_225 = arith.constant 0 : i32
      %dma_start3A_226 = tpu.memref_slice %arg8[%run_scoped3A_35, %dma_start3A_224, %dma_start3A_225] : memref<3x80x128xf32, #tpu.memory_space<vmem>> -> memref<1x80x128xf32, #tpu.memory_space<vmem>>
      %dma_start3A_227 = tpu.memref_squeeze %dma_start3A_226 : memref<1x80x128xf32, #tpu.memory_space<vmem>> -> memref<80x128xf32, #tpu.memory_space<vmem>>
      tpu.enqueue_dma source(%dma_start3A_227 : memref<80x128xf32, #tpu.memory_space<vmem>>) target(%dma_start3A_223 : memref<80x128xf32, #tpu.memory_space<vmem_shared>>) target_semaphore(%run_scoped3A_215 : memref<!tpu.dma_semaphore, #tpu.memory_space<semaphore_mem>>)
      %dma_wait3A_228 = arith.constant 0 : i32
      %dma_wait3A_229 = arith.constant 0 : i32
      %dma_wait3A_230 = tpu.memref_slice %arg8[%run_scoped3A_35, %dma_wait3A_228, %dma_wait3A_229] : memref<3x80x128xf32, #tpu.memory_space<vmem>> -> memref<1x80x128xf32, #tpu.memory_space<vmem>>
      %dma_wait3A_231 = tpu.memref_squeeze %dma_wait3A_230 : memref<1x80x128xf32, #tpu.memory_space<vmem>> -> memref<80x128xf32, #tpu.memory_space<vmem>>
      %dma_wait3A_232 = arith.constant 0 : i32
      %dma_wait3A_233 = tpu.memref_slice %arg9[%add3A_34, %dma_wait3A_232] : memref<10240x128xf32, #tpu.memory_space<vmem_shared>> -> memref<80x128xf32, #tpu.memory_space<vmem_shared>>
      %dma_wait3A_234 = arith.constant 0 : i32
      %dma_wait3A_235 = tpu.memref_slice %arg9[%add3A_34, %dma_wait3A_234] : memref<10240x128xf32, #tpu.memory_space<vmem_shared>> -> memref<80x128xf32, #tpu.memory_space<vmem_shared>>
      %dma_wait3A_236 = arith.constant 0 : i32
      %dma_wait3A_237 = arith.constant 0 : i32
      %dma_wait3A_238 = tpu.memref_slice %arg8[%run_scoped3A_35, %dma_wait3A_236, %dma_wait3A_237] : memref<3x80x128xf32, #tpu.memory_space<vmem>> -> memref<1x80x128xf32, #tpu.memory_space<vmem>>
      %dma_wait3A_239 = tpu.memref_squeeze %dma_wait3A_238 : memref<1x80x128xf32, #tpu.memory_space<vmem>> -> memref<80x128xf32, #tpu.memory_space<vmem>>
      tpu.wait_dma2 semaphore(%run_scoped3A_215 : memref<!tpu.dma_semaphore, #tpu.memory_space<semaphore_mem>>) src(%dma_wait3A_239 : memref<80x128xf32, #tpu.memory_space<vmem>>) dst(%dma_wait3A_235 : memref<80x128xf32, #tpu.memory_space<vmem_shared>>)
      tpu.yield
    }) : () -> ()
    %mul3A_36 = arith.constant 640 : i32
    %mul3A_37 = arith.muli %arg1, %mul3A_36 : i32
    %add3A_38 = arith.constant 480 : i32
    %add3A_39 = arith.addi %mul3A_37, %add3A_38 : i32
    %run_scoped3A_40 = arith.constant 0 : i32
    "tpu.region"() ({
      %run_scoped3A_215 = tpu.sem_alloc : memref<!tpu.dma_semaphore, #tpu.memory_space<semaphore_mem>>
      %dma_start3A_216 = arith.constant 0 : i32
      %dma_start3A_217 = arith.constant 0 : i32
      %dma_start3A_218 = tpu.memref_slice %arg8[%run_scoped3A_40, %dma_start3A_216, %dma_start3A_217] : memref<3x80x128xf32, #tpu.memory_space<vmem>> -> memref<1x80x128xf32, #tpu.memory_space<vmem>>
      %dma_start3A_219 = tpu.memref_squeeze %dma_start3A_218 : memref<1x80x128xf32, #tpu.memory_space<vmem>> -> memref<80x128xf32, #tpu.memory_space<vmem>>
      %dma_start3A_220 = arith.constant 0 : i32
      %dma_start3A_221 = tpu.memref_slice %arg9[%add3A_39, %dma_start3A_220] : memref<10240x128xf32, #tpu.memory_space<vmem_shared>> -> memref<80x128xf32, #tpu.memory_space<vmem_shared>>
      %dma_start3A_222 = arith.constant 0 : i32
      %dma_start3A_223 = tpu.memref_slice %arg9[%add3A_39, %dma_start3A_222] : memref<10240x128xf32, #tpu.memory_space<vmem_shared>> -> memref<80x128xf32, #tpu.memory_space<vmem_shared>>
      %dma_start3A_224 = arith.constant 0 : i32
      %dma_start3A_225 = arith.constant 0 : i32
      %dma_start3A_226 = tpu.memref_slice %arg8[%run_scoped3A_40, %dma_start3A_224, %dma_start3A_225] : memref<3x80x128xf32, #tpu.memory_space<vmem>> -> memref<1x80x128xf32, #tpu.memory_space<vmem>>
      %dma_start3A_227 = tpu.memref_squeeze %dma_start3A_226 : memref<1x80x128xf32, #tpu.memory_space<vmem>> -> memref<80x128xf32, #tpu.memory_space<vmem>>
      tpu.enqueue_dma source(%dma_start3A_227 : memref<80x128xf32, #tpu.memory_space<vmem>>) target(%dma_start3A_223 : memref<80x128xf32, #tpu.memory_space<vmem_shared>>) target_semaphore(%run_scoped3A_215 : memref<!tpu.dma_semaphore, #tpu.memory_space<semaphore_mem>>)
      %dma_wait3A_228 = arith.constant 0 : i32
      %dma_wait3A_229 = arith.constant 0 : i32
      %dma_wait3A_230 = tpu.memref_slice %arg8[%run_scoped3A_40, %dma_wait3A_228, %dma_wait3A_229] : memref<3x80x128xf32, #tpu.memory_space<vmem>> -> memref<1x80x128xf32, #tpu.memory_space<vmem>>
      %dma_wait3A_231 = tpu.memref_squeeze %dma_wait3A_230 : memref<1x80x128xf32, #tpu.memory_space<vmem>> -> memref<80x128xf32, #tpu.memory_space<vmem>>
      %dma_wait3A_232 = arith.constant 0 : i32
      %dma_wait3A_233 = tpu.memref_slice %arg9[%add3A_39, %dma_wait3A_232] : memref<10240x128xf32, #tpu.memory_space<vmem_shared>> -> memref<80x128xf32, #tpu.memory_space<vmem_shared>>
      %dma_wait3A_234 = arith.constant 0 : i32
      %dma_wait3A_235 = tpu.memref_slice %arg9[%add3A_39, %dma_wait3A_234] : memref<10240x128xf32, #tpu.memory_space<vmem_shared>> -> memref<80x128xf32, #tpu.memory_space<vmem_shared>>
      %dma_wait3A_236 = arith.constant 0 : i32
      %dma_wait3A_237 = arith.constant 0 : i32
      %dma_wait3A_238 = tpu.memref_slice %arg8[%run_scoped3A_40, %dma_wait3A_236, %dma_wait3A_237] : memref<3x80x128xf32, #tpu.memory_space<vmem>> -> memref<1x80x128xf32, #tpu.memory_space<vmem>>
      %dma_wait3A_239 = tpu.memref_squeeze %dma_wait3A_238 : memref<1x80x128xf32, #tpu.memory_space<vmem>> -> memref<80x128xf32, #tpu.memory_space<vmem>>
      tpu.wait_dma2 semaphore(%run_scoped3A_215 : memref<!tpu.dma_semaphore, #tpu.memory_space<semaphore_mem>>) src(%dma_wait3A_239 : memref<80x128xf32, #tpu.memory_space<vmem>>) dst(%dma_wait3A_235 : memref<80x128xf32, #tpu.memory_space<vmem_shared>>)
      tpu.yield
    }) : () -> ()
    %mul3A_41 = arith.constant 640 : i32
    %mul3A_42 = arith.muli %arg1, %mul3A_41 : i32
    %add3A_43 = arith.constant 560 : i32
    %add3A_44 = arith.addi %mul3A_42, %add3A_43 : i32
    %run_scoped3A_45 = arith.constant 0 : i32
    "tpu.region"() ({
      %run_scoped3A_215 = tpu.sem_alloc : memref<!tpu.dma_semaphore, #tpu.memory_space<semaphore_mem>>
      %dma_start3A_216 = arith.constant 0 : i32
      %dma_start3A_217 = arith.constant 0 : i32
      %dma_start3A_218 = tpu.memref_slice %arg8[%run_scoped3A_45, %dma_start3A_216, %dma_start3A_217] : memref<3x80x128xf32, #tpu.memory_space<vmem>> -> memref<1x80x128xf32, #tpu.memory_space<vmem>>
      %dma_start3A_219 = tpu.memref_squeeze %dma_start3A_218 : memref<1x80x128xf32, #tpu.memory_space<vmem>> -> memref<80x128xf32, #tpu.memory_space<vmem>>
      %dma_start3A_220 = arith.constant 0 : i32
      %dma_start3A_221 = tpu.memref_slice %arg9[%add3A_44, %dma_start3A_220] : memref<10240x128xf32, #tpu.memory_space<vmem_shared>> -> memref<80x128xf32, #tpu.memory_space<vmem_shared>>
      %dma_start3A_222 = arith.constant 0 : i32
      %dma_start3A_223 = tpu.memref_slice %arg9[%add3A_44, %dma_start3A_222] : memref<10240x128xf32, #tpu.memory_space<vmem_shared>> -> memref<80x128xf32, #tpu.memory_space<vmem_shared>>
      %dma_start3A_224 = arith.constant 0 : i32
      %dma_start3A_225 = arith.constant 0 : i32
      %dma_start3A_226 = tpu.memref_slice %arg8[%run_scoped3A_45, %dma_start3A_224, %dma_start3A_225] : memref<3x80x128xf32, #tpu.memory_space<vmem>> -> memref<1x80x128xf32, #tpu.memory_space<vmem>>
      %dma_start3A_227 = tpu.memref_squeeze %dma_start3A_226 : memref<1x80x128xf32, #tpu.memory_space<vmem>> -> memref<80x128xf32, #tpu.memory_space<vmem>>
      tpu.enqueue_dma source(%dma_start3A_227 : memref<80x128xf32, #tpu.memory_space<vmem>>) target(%dma_start3A_223 : memref<80x128xf32, #tpu.memory_space<vmem_shared>>) target_semaphore(%run_scoped3A_215 : memref<!tpu.dma_semaphore, #tpu.memory_space<semaphore_mem>>)
      %dma_wait3A_228 = arith.constant 0 : i32
      %dma_wait3A_229 = arith.constant 0 : i32
      %dma_wait3A_230 = tpu.memref_slice %arg8[%run_scoped3A_45, %dma_wait3A_228, %dma_wait3A_229] : memref<3x80x128xf32, #tpu.memory_space<vmem>> -> memref<1x80x128xf32, #tpu.memory_space<vmem>>
      %dma_wait3A_231 = tpu.memref_squeeze %dma_wait3A_230 : memref<1x80x128xf32, #tpu.memory_space<vmem>> -> memref<80x128xf32, #tpu.memory_space<vmem>>
      %dma_wait3A_232 = arith.constant 0 : i32
      %dma_wait3A_233 = tpu.memref_slice %arg9[%add3A_44, %dma_wait3A_232] : memref<10240x128xf32, #tpu.memory_space<vmem_shared>> -> memref<80x128xf32, #tpu.memory_space<vmem_shared>>
      %dma_wait3A_234 = arith.constant 0 : i32
      %dma_wait3A_235 = tpu.memref_slice %arg9[%add3A_44, %dma_wait3A_234] : memref<10240x128xf32, #tpu.memory_space<vmem_shared>> -> memref<80x128xf32, #tpu.memory_space<vmem_shared>>
      %dma_wait3A_236 = arith.constant 0 : i32
      %dma_wait3A_237 = arith.constant 0 : i32
      %dma_wait3A_238 = tpu.memref_slice %arg8[%run_scoped3A_45, %dma_wait3A_236, %dma_wait3A_237] : memref<3x80x128xf32, #tpu.memory_space<vmem>> -> memref<1x80x128xf32, #tpu.memory_space<vmem>>
      %dma_wait3A_239 = tpu.memref_squeeze %dma_wait3A_238 : memref<1x80x128xf32, #tpu.memory_space<vmem>> -> memref<80x128xf32, #tpu.memory_space<vmem>>
      tpu.wait_dma2 semaphore(%run_scoped3A_215 : memref<!tpu.dma_semaphore, #tpu.memory_space<semaphore_mem>>) src(%dma_wait3A_239 : memref<80x128xf32, #tpu.memory_space<vmem>>) dst(%dma_wait3A_235 : memref<80x128xf32, #tpu.memory_space<vmem_shared>>)
      tpu.yield
    }) : () -> ()
    %barrier3A = arith.constant 0 : index
    tpu.barrier barrier_id(%barrier3A)
    %mul3A_46 = arith.constant 10000 : i32
    %mul3A_47 = arith.muli %add3A, %mul3A_46 : i32
    %add3A_48 = arith.constant 0 : i32
    %add3A_49 = arith.addi %mul3A_47, %add3A_48 : i32
    %dma_start3A = arith.constant 0 : i32
    %dma_start3A_50 = arith.constant 0 : i32
    %dma_start3A_51 = tpu.memref_slice %arg6[%dma_start3A, %dma_start3A_50] : memref<3x80xi32, #tpu.memory_space<vmem>> -> memref<1x80xi32, #tpu.memory_space<vmem>>
    %dma_start3A_52 = tpu.memref_squeeze %dma_start3A_51 : memref<1x80xi32, #tpu.memory_space<vmem>> -> memref<80xi32, #tpu.memory_space<vmem>>
    %dma_start3A_53 = tpu.memref_slice %arg3[%add3A_49] : memref<320000xi32, #tpu.memory_space<hbm>> -> memref<80xi32, #tpu.memory_space<hbm>>
    %dma_start3A_54 = arith.constant 0 : i32
    %dma_start3A_55 = tpu.memref_slice %arg6[%dma_start3A, %dma_start3A_54] : memref<3x80xi32, #tpu.memory_space<vmem>> -> memref<1x80xi32, #tpu.memory_space<vmem>>
    %dma_start3A_56 = tpu.memref_squeeze %dma_start3A_55 : memref<1x80xi32, #tpu.memory_space<vmem>> -> memref<80xi32, #tpu.memory_space<vmem>>
    %dma_start3A_57 = tpu.memref_slice %arg3[%add3A_49] : memref<320000xi32, #tpu.memory_space<hbm>> -> memref<80xi32, #tpu.memory_space<hbm>>
    tpu.enqueue_dma source(%dma_start3A_57 : memref<80xi32, #tpu.memory_space<hbm>>) target(%dma_start3A_56 : memref<80xi32, #tpu.memory_space<vmem>>) target_semaphore(%arg13 : memref<!tpu.dma_semaphore, #tpu.memory_space<semaphore_mem>>)
    %dma_start3A_58 = arith.constant 0 : i32
    %dma_start3A_59 = arith.constant 0 : i32
    %dma_start3A_60 = tpu.memref_slice %arg7[%dma_start3A_58, %dma_start3A_59] : memref<3x80xi32, #tpu.memory_space<vmem>> -> memref<1x80xi32, #tpu.memory_space<vmem>>
    %dma_start3A_61 = tpu.memref_squeeze %dma_start3A_60 : memref<1x80xi32, #tpu.memory_space<vmem>> -> memref<80xi32, #tpu.memory_space<vmem>>
    %dma_start3A_62 = tpu.memref_slice %arg4[%add3A_49] : memref<320000xi32, #tpu.memory_space<hbm>> -> memref<80xi32, #tpu.memory_space<hbm>>
    %dma_start3A_63 = arith.constant 0 : i32
    %dma_start3A_64 = tpu.memref_slice %arg7[%dma_start3A_58, %dma_start3A_63] : memref<3x80xi32, #tpu.memory_space<vmem>> -> memref<1x80xi32, #tpu.memory_space<vmem>>
    %dma_start3A_65 = tpu.memref_squeeze %dma_start3A_64 : memref<1x80xi32, #tpu.memory_space<vmem>> -> memref<80xi32, #tpu.memory_space<vmem>>
    %dma_start3A_66 = tpu.memref_slice %arg4[%add3A_49] : memref<320000xi32, #tpu.memory_space<hbm>> -> memref<80xi32, #tpu.memory_space<hbm>>
    tpu.enqueue_dma source(%dma_start3A_66 : memref<80xi32, #tpu.memory_space<hbm>>) target(%dma_start3A_65 : memref<80xi32, #tpu.memory_space<vmem>>) target_semaphore(%arg13 : memref<!tpu.dma_semaphore, #tpu.memory_space<semaphore_mem>>)
    %mul3A_67 = arith.constant 10000 : i32
    %mul3A_68 = arith.muli %add3A, %mul3A_67 : i32
    %add3A_69 = arith.constant 80 : i32
    %add3A_70 = arith.addi %mul3A_68, %add3A_69 : i32
    %dma_start3A_71 = arith.constant 1 : i32
    %dma_start3A_72 = arith.constant 0 : i32
    %dma_start3A_73 = tpu.memref_slice %arg6[%dma_start3A_71, %dma_start3A_72] : memref<3x80xi32, #tpu.memory_space<vmem>> -> memref<1x80xi32, #tpu.memory_space<vmem>>
    %dma_start3A_74 = tpu.memref_squeeze %dma_start3A_73 : memref<1x80xi32, #tpu.memory_space<vmem>> -> memref<80xi32, #tpu.memory_space<vmem>>
    %dma_start3A_75 = tpu.memref_slice %arg3[%add3A_70] : memref<320000xi32, #tpu.memory_space<hbm>> -> memref<80xi32, #tpu.memory_space<hbm>>
    %dma_start3A_76 = arith.constant 0 : i32
    %dma_start3A_77 = tpu.memref_slice %arg6[%dma_start3A_71, %dma_start3A_76] : memref<3x80xi32, #tpu.memory_space<vmem>> -> memref<1x80xi32, #tpu.memory_space<vmem>>
    %dma_start3A_78 = tpu.memref_squeeze %dma_start3A_77 : memref<1x80xi32, #tpu.memory_space<vmem>> -> memref<80xi32, #tpu.memory_space<vmem>>
    %dma_start3A_79 = tpu.memref_slice %arg3[%add3A_70] : memref<320000xi32, #tpu.memory_space<hbm>> -> memref<80xi32, #tpu.memory_space<hbm>>
    tpu.enqueue_dma source(%dma_start3A_79 : memref<80xi32, #tpu.memory_space<hbm>>) target(%dma_start3A_78 : memref<80xi32, #tpu.memory_space<vmem>>) target_semaphore(%arg14 : memref<!tpu.dma_semaphore, #tpu.memory_space<semaphore_mem>>)
    %dma_start3A_80 = arith.constant 1 : i32
    %dma_start3A_81 = arith.constant 0 : i32
    %dma_start3A_82 = tpu.memref_slice %arg7[%dma_start3A_80, %dma_start3A_81] : memref<3x80xi32, #tpu.memory_space<vmem>> -> memref<1x80xi32, #tpu.memory_space<vmem>>
    %dma_start3A_83 = tpu.memref_squeeze %dma_start3A_82 : memref<1x80xi32, #tpu.memory_space<vmem>> -> memref<80xi32, #tpu.memory_space<vmem>>
    %dma_start3A_84 = tpu.memref_slice %arg4[%add3A_70] : memref<320000xi32, #tpu.memory_space<hbm>> -> memref<80xi32, #tpu.memory_space<hbm>>
    %dma_start3A_85 = arith.constant 0 : i32
    %dma_start3A_86 = tpu.memref_slice %arg7[%dma_start3A_80, %dma_start3A_85] : memref<3x80xi32, #tpu.memory_space<vmem>> -> memref<1x80xi32, #tpu.memory_space<vmem>>
    %dma_start3A_87 = tpu.memref_squeeze %dma_start3A_86 : memref<1x80xi32, #tpu.memory_space<vmem>> -> memref<80xi32, #tpu.memory_space<vmem>>
    %dma_start3A_88 = tpu.memref_slice %arg4[%add3A_70] : memref<320000xi32, #tpu.memory_space<hbm>> -> memref<80xi32, #tpu.memory_space<hbm>>
    tpu.enqueue_dma source(%dma_start3A_88 : memref<80xi32, #tpu.memory_space<hbm>>) target(%dma_start3A_87 : memref<80xi32, #tpu.memory_space<vmem>>) target_semaphore(%arg14 : memref<!tpu.dma_semaphore, #tpu.memory_space<semaphore_mem>>)
    %mul3A_89 = arith.constant 10000 : i32
    %mul3A_90 = arith.muli %add3A, %mul3A_89 : i32
    %add3A_91 = arith.constant 160 : i32
    %add3A_92 = arith.addi %mul3A_90, %add3A_91 : i32
    %dma_start3A_93 = arith.constant 2 : i32
    %dma_start3A_94 = arith.constant 0 : i32
    %dma_start3A_95 = tpu.memref_slice %arg6[%dma_start3A_93, %dma_start3A_94] : memref<3x80xi32, #tpu.memory_space<vmem>> -> memref<1x80xi32, #tpu.memory_space<vmem>>
    %dma_start3A_96 = tpu.memref_squeeze %dma_start3A_95 : memref<1x80xi32, #tpu.memory_space<vmem>> -> memref<80xi32, #tpu.memory_space<vmem>>
    %dma_start3A_97 = tpu.memref_slice %arg3[%add3A_92] : memref<320000xi32, #tpu.memory_space<hbm>> -> memref<80xi32, #tpu.memory_space<hbm>>
    %dma_start3A_98 = arith.constant 0 : i32
    %dma_start3A_99 = tpu.memref_slice %arg6[%dma_start3A_93, %dma_start3A_98] : memref<3x80xi32, #tpu.memory_space<vmem>> -> memref<1x80xi32, #tpu.memory_space<vmem>>
    %dma_start3A_100 = tpu.memref_squeeze %dma_start3A_99 : memref<1x80xi32, #tpu.memory_space<vmem>> -> memref<80xi32, #tpu.memory_space<vmem>>
    %dma_start3A_101 = tpu.memref_slice %arg3[%add3A_92] : memref<320000xi32, #tpu.memory_space<hbm>> -> memref<80xi32, #tpu.memory_space<hbm>>
    tpu.enqueue_dma source(%dma_start3A_101 : memref<80xi32, #tpu.memory_space<hbm>>) target(%dma_start3A_100 : memref<80xi32, #tpu.memory_space<vmem>>) target_semaphore(%arg15 : memref<!tpu.dma_semaphore, #tpu.memory_space<semaphore_mem>>)
    %dma_start3A_102 = arith.constant 2 : i32
    %dma_start3A_103 = arith.constant 0 : i32
    %dma_start3A_104 = tpu.memref_slice %arg7[%dma_start3A_102, %dma_start3A_103] : memref<3x80xi32, #tpu.memory_space<vmem>> -> memref<1x80xi32, #tpu.memory_space<vmem>>
    %dma_start3A_105 = tpu.memref_squeeze %dma_start3A_104 : memref<1x80xi32, #tpu.memory_space<vmem>> -> memref<80xi32, #tpu.memory_space<vmem>>
    %dma_start3A_106 = tpu.memref_slice %arg4[%add3A_92] : memref<320000xi32, #tpu.memory_space<hbm>> -> memref<80xi32, #tpu.memory_space<hbm>>
    %dma_start3A_107 = arith.constant 0 : i32
    %dma_start3A_108 = tpu.memref_slice %arg7[%dma_start3A_102, %dma_start3A_107] : memref<3x80xi32, #tpu.memory_space<vmem>> -> memref<1x80xi32, #tpu.memory_space<vmem>>
    %dma_start3A_109 = tpu.memref_squeeze %dma_start3A_108 : memref<1x80xi32, #tpu.memory_space<vmem>> -> memref<80xi32, #tpu.memory_space<vmem>>
    %dma_start3A_110 = tpu.memref_slice %arg4[%add3A_92] : memref<320000xi32, #tpu.memory_space<hbm>> -> memref<80xi32, #tpu.memory_space<hbm>>
    tpu.enqueue_dma source(%dma_start3A_110 : memref<80xi32, #tpu.memory_space<hbm>>) target(%dma_start3A_109 : memref<80xi32, #tpu.memory_space<vmem>>) target_semaphore(%arg15 : memref<!tpu.dma_semaphore, #tpu.memory_space<semaphore_mem>>)
    %mul3A_111 = arith.constant 10000 : i32
    %mul3A_112 = arith.muli %add3A, %mul3A_111 : i32
    %add3A_113 = arith.constant 0 : i32
    %add3A_114 = arith.addi %mul3A_112, %add3A_113 : i32
    %dma_wait3A = arith.constant 0 : i32
    %dma_wait3A_115 = arith.constant 0 : i32
    %dma_wait3A_116 = tpu.memref_slice %arg6[%dma_wait3A, %dma_wait3A_115] : memref<3x80xi32, #tpu.memory_space<vmem>> -> memref<1x80xi32, #tpu.memory_space<vmem>>
    %dma_wait3A_117 = tpu.memref_squeeze %dma_wait3A_116 : memref<1x80xi32, #tpu.memory_space<vmem>> -> memref<80xi32, #tpu.memory_space<vmem>>
    %dma_wait3A_118 = tpu.memref_slice %arg3[%add3A_114] : memref<320000xi32, #tpu.memory_space<hbm>> -> memref<80xi32, #tpu.memory_space<hbm>>
    %dma_wait3A_119 = arith.constant 0 : i32
    %dma_wait3A_120 = tpu.memref_slice %arg6[%dma_wait3A, %dma_wait3A_119] : memref<3x80xi32, #tpu.memory_space<vmem>> -> memref<1x80xi32, #tpu.memory_space<vmem>>
    %dma_wait3A_121 = tpu.memref_squeeze %dma_wait3A_120 : memref<1x80xi32, #tpu.memory_space<vmem>> -> memref<80xi32, #tpu.memory_space<vmem>>
    %dma_wait3A_122 = tpu.memref_slice %arg3[%add3A_114] : memref<320000xi32, #tpu.memory_space<hbm>> -> memref<80xi32, #tpu.memory_space<hbm>>
    tpu.wait_dma2 semaphore(%arg13 : memref<!tpu.dma_semaphore, #tpu.memory_space<semaphore_mem>>) src(%dma_wait3A_122 : memref<80xi32, #tpu.memory_space<hbm>>) dst(%dma_wait3A_121 : memref<80xi32, #tpu.memory_space<vmem>>)
    %dma_wait3A_123 = arith.constant 0 : i32
    %dma_wait3A_124 = arith.constant 0 : i32
    %dma_wait3A_125 = tpu.memref_slice %arg7[%dma_wait3A_123, %dma_wait3A_124] : memref<3x80xi32, #tpu.memory_space<vmem>> -> memref<1x80xi32, #tpu.memory_space<vmem>>
    %dma_wait3A_126 = tpu.memref_squeeze %dma_wait3A_125 : memref<1x80xi32, #tpu.memory_space<vmem>> -> memref<80xi32, #tpu.memory_space<vmem>>
    %dma_wait3A_127 = tpu.memref_slice %arg4[%add3A_114] : memref<320000xi32, #tpu.memory_space<hbm>> -> memref<80xi32, #tpu.memory_space<hbm>>
    %dma_wait3A_128 = arith.constant 0 : i32
    %dma_wait3A_129 = tpu.memref_slice %arg7[%dma_wait3A_123, %dma_wait3A_128] : memref<3x80xi32, #tpu.memory_space<vmem>> -> memref<1x80xi32, #tpu.memory_space<vmem>>
    %dma_wait3A_130 = tpu.memref_squeeze %dma_wait3A_129 : memref<1x80xi32, #tpu.memory_space<vmem>> -> memref<80xi32, #tpu.memory_space<vmem>>
    %dma_wait3A_131 = tpu.memref_slice %arg4[%add3A_114] : memref<320000xi32, #tpu.memory_space<hbm>> -> memref<80xi32, #tpu.memory_space<hbm>>
    tpu.wait_dma2 semaphore(%arg13 : memref<!tpu.dma_semaphore, #tpu.memory_space<semaphore_mem>>) src(%dma_wait3A_131 : memref<80xi32, #tpu.memory_space<hbm>>) dst(%dma_wait3A_130 : memref<80xi32, #tpu.memory_space<vmem>>)
    %dma_start3A_132 = arith.constant 0 : i32
    %dma_start3A_133 = arith.constant 0 : i32
    %dma_start3A_134 = arith.constant 0 : i32
    %dma_start3A_135 = arith.constant 0 : i32
    %dma_start3A_136 = tpu.memref_slice %arg8[%dma_start3A_133, %dma_start3A_134, %dma_start3A_135] : memref<3x80x128xf32, #tpu.memory_space<vmem>> -> memref<1x80x128xf32, #tpu.memory_space<vmem>>
    %dma_start3A_137 = tpu.memref_squeeze %dma_start3A_136 : memref<1x80x128xf32, #tpu.memory_space<vmem>> -> memref<80x128xf32, #tpu.memory_space<vmem>>
    %dma_start3A_138 = arith.constant 0 : i32
    %dma_start3A_139 = tpu.memref_slice %arg6[%dma_start3A_132, %dma_start3A_138] : memref<3x80xi32, #tpu.memory_space<vmem>> -> memref<1x80xi32, #tpu.memory_space<vmem>>
    %dma_start3A_140 = tpu.memref_squeeze %dma_start3A_139 : memref<1x80xi32, #tpu.memory_space<vmem>> -> memref<80xi32, #tpu.memory_space<vmem>>
    %dma_start3A_141 = arith.constant 0 : i32
    %dma_start3A_142 = arith.constant 0 : i32
    %dma_start3A_143 = tpu.memref_slice %arg2[%dma_start3A_141, %dma_start3A_142] : memref<10240x128xf32, #tpu.memory_space<hbm>> -> memref<10240x128xf32, #tpu.memory_space<hbm>>
    tpu.enqueue_indirect_dma source(%dma_start3A_143 : memref<10240x128xf32, #tpu.memory_space<hbm>>) target(%dma_start3A_137 : memref<80x128xf32, #tpu.memory_space<vmem>>) offsets(%dma_start3A_140 : memref<80xi32, #tpu.memory_space<vmem>>) semaphore(%arg10 : memref<!tpu.dma_semaphore, #tpu.memory_space<semaphore_mem>>)
    %mul3A_144 = arith.constant 10000 : i32
    %mul3A_145 = arith.muli %add3A, %mul3A_144 : i32
    %add3A_146 = arith.constant 80 : i32
    %add3A_147 = arith.addi %mul3A_145, %add3A_146 : i32
    %dma_wait3A_148 = arith.constant 1 : i32
    %dma_wait3A_149 = arith.constant 0 : i32
    %dma_wait3A_150 = tpu.memref_slice %arg6[%dma_wait3A_148, %dma_wait3A_149] : memref<3x80xi32, #tpu.memory_space<vmem>> -> memref<1x80xi32, #tpu.memory_space<vmem>>
    %dma_wait3A_151 = tpu.memref_squeeze %dma_wait3A_150 : memref<1x80xi32, #tpu.memory_space<vmem>> -> memref<80xi32, #tpu.memory_space<vmem>>
    %dma_wait3A_152 = tpu.memref_slice %arg3[%add3A_147] : memref<320000xi32, #tpu.memory_space<hbm>> -> memref<80xi32, #tpu.memory_space<hbm>>
    %dma_wait3A_153 = arith.constant 0 : i32
    %dma_wait3A_154 = tpu.memref_slice %arg6[%dma_wait3A_148, %dma_wait3A_153] : memref<3x80xi32, #tpu.memory_space<vmem>> -> memref<1x80xi32, #tpu.memory_space<vmem>>
    %dma_wait3A_155 = tpu.memref_squeeze %dma_wait3A_154 : memref<1x80xi32, #tpu.memory_space<vmem>> -> memref<80xi32, #tpu.memory_space<vmem>>
    %dma_wait3A_156 = tpu.memref_slice %arg3[%add3A_147] : memref<320000xi32, #tpu.memory_space<hbm>> -> memref<80xi32, #tpu.memory_space<hbm>>
    tpu.wait_dma2 semaphore(%arg14 : memref<!tpu.dma_semaphore, #tpu.memory_space<semaphore_mem>>) src(%dma_wait3A_156 : memref<80xi32, #tpu.memory_space<hbm>>) dst(%dma_wait3A_155 : memref<80xi32, #tpu.memory_space<vmem>>)
    %dma_wait3A_157 = arith.constant 1 : i32
    %dma_wait3A_158 = arith.constant 0 : i32
    %dma_wait3A_159 = tpu.memref_slice %arg7[%dma_wait3A_157, %dma_wait3A_158] : memref<3x80xi32, #tpu.memory_space<vmem>> -> memref<1x80xi32, #tpu.memory_space<vmem>>
    %dma_wait3A_160 = tpu.memref_squeeze %dma_wait3A_159 : memref<1x80xi32, #tpu.memory_space<vmem>> -> memref<80xi32, #tpu.memory_space<vmem>>
    %dma_wait3A_161 = tpu.memref_slice %arg4[%add3A_147] : memref<320000xi32, #tpu.memory_space<hbm>> -> memref<80xi32, #tpu.memory_space<hbm>>
    %dma_wait3A_162 = arith.constant 0 : i32
    %dma_wait3A_163 = tpu.memref_slice %arg7[%dma_wait3A_157, %dma_wait3A_162] : memref<3x80xi32, #tpu.memory_space<vmem>> -> memref<1x80xi32, #tpu.memory_space<vmem>>
    %dma_wait3A_164 = tpu.memref_squeeze %dma_wait3A_163 : memref<1x80xi32, #tpu.memory_space<vmem>> -> memref<80xi32, #tpu.memory_space<vmem>>
    %dma_wait3A_165 = tpu.memref_slice %arg4[%add3A_147] : memref<320000xi32, #tpu.memory_space<hbm>> -> memref<80xi32, #tpu.memory_space<hbm>>
    tpu.wait_dma2 semaphore(%arg14 : memref<!tpu.dma_semaphore, #tpu.memory_space<semaphore_mem>>) src(%dma_wait3A_165 : memref<80xi32, #tpu.memory_space<hbm>>) dst(%dma_wait3A_164 : memref<80xi32, #tpu.memory_space<vmem>>)
    %dma_start3A_166 = arith.constant 1 : i32
    %dma_start3A_167 = arith.constant 1 : i32
    %dma_start3A_168 = arith.constant 0 : i32
    %dma_start3A_169 = arith.constant 0 : i32
    %dma_start3A_170 = tpu.memref_slice %arg8[%dma_start3A_167, %dma_start3A_168, %dma_start3A_169] : memref<3x80x128xf32, #tpu.memory_space<vmem>> -> memref<1x80x128xf32, #tpu.memory_space<vmem>>
    %dma_start3A_171 = tpu.memref_squeeze %dma_start3A_170 : memref<1x80x128xf32, #tpu.memory_space<vmem>> -> memref<80x128xf32, #tpu.memory_space<vmem>>
    %dma_start3A_172 = arith.constant 0 : i32
    %dma_start3A_173 = tpu.memref_slice %arg6[%dma_start3A_166, %dma_start3A_172] : memref<3x80xi32, #tpu.memory_space<vmem>> -> memref<1x80xi32, #tpu.memory_space<vmem>>
    %dma_start3A_174 = tpu.memref_squeeze %dma_start3A_173 : memref<1x80xi32, #tpu.memory_space<vmem>> -> memref<80xi32, #tpu.memory_space<vmem>>
    %dma_start3A_175 = arith.constant 0 : i32
    %dma_start3A_176 = arith.constant 0 : i32
    %dma_start3A_177 = tpu.memref_slice %arg2[%dma_start3A_175, %dma_start3A_176] : memref<10240x128xf32, #tpu.memory_space<hbm>> -> memref<10240x128xf32, #tpu.memory_space<hbm>>
    tpu.enqueue_indirect_dma source(%dma_start3A_177 : memref<10240x128xf32, #tpu.memory_space<hbm>>) target(%dma_start3A_171 : memref<80x128xf32, #tpu.memory_space<vmem>>) offsets(%dma_start3A_174 : memref<80xi32, #tpu.memory_space<vmem>>) semaphore(%arg11 : memref<!tpu.dma_semaphore, #tpu.memory_space<semaphore_mem>>)
    %scan3A_178 = arith.constant 0 : i32
    %scan3A_179 = arith.constant 0 : i32
    %scan3A_180 = arith.constant 41 : i32
    %scan3A_181 = arith.addi %scan3A_179, %scan3A_180 : i32
    %scan3A_182 = arith.constant 1 : i32
    scf.for %scan3A_215 = %scan3A_179 to %scan3A_181 step %scan3A_182  : i32 {
      %mul3A_216 = arith.constant 3 : i32
      %mul3A_217 = arith.muli %mul3A_216, %scan3A_215 : i32
      %add3A_218 = arith.constant 0 : i32
      %add3A_219 = arith.addi %mul3A_217, %add3A_218 : i32
      %dma_wait3A_220 = arith.constant 0 : i32
      %dma_wait3A_221 = arith.constant 0 : i32
      %dma_wait3A_222 = arith.constant 0 : i32
      %dma_wait3A_223 = arith.constant 0 : i32
      %dma_wait3A_224 = tpu.memref_slice %arg8[%dma_wait3A_221, %dma_wait3A_222, %dma_wait3A_223] : memref<3x80x128xf32, #tpu.memory_space<vmem>> -> memref<1x80x128xf32, #tpu.memory_space<vmem>>
      %dma_wait3A_225 = tpu.memref_squeeze %dma_wait3A_224 : memref<1x80x128xf32, #tpu.memory_space<vmem>> -> memref<80x128xf32, #tpu.memory_space<vmem>>
      %dma_wait3A_226 = arith.constant 0 : i32
      %dma_wait3A_227 = tpu.memref_slice %arg6[%dma_wait3A_220, %dma_wait3A_226] : memref<3x80xi32, #tpu.memory_space<vmem>> -> memref<1x80xi32, #tpu.memory_space<vmem>>
      %dma_wait3A_228 = tpu.memref_squeeze %dma_wait3A_227 : memref<1x80xi32, #tpu.memory_space<vmem>> -> memref<80xi32, #tpu.memory_space<vmem>>
      %dma_wait3A_229 = arith.constant 0 : i32
      %dma_wait3A_230 = arith.constant 0 : i32
      %dma_wait3A_231 = tpu.memref_slice %arg2[%dma_wait3A_229, %dma_wait3A_230] : memref<10240x128xf32, #tpu.memory_space<hbm>> -> memref<10240x128xf32, #tpu.memory_space<hbm>>
      tpu.wait_indirect_dma semaphore(%arg10 : memref<!tpu.dma_semaphore, #tpu.memory_space<semaphore_mem>>) src(%dma_wait3A_231 : memref<10240x128xf32, #tpu.memory_space<hbm>>) dst(%dma_wait3A_225 : memref<80x128xf32, #tpu.memory_space<vmem>>)
      %add3A_232 = arith.constant 2 : i32
      %add3A_233 = arith.addi %add3A_219, %add3A_232 : i32
      %mul3A_234 = arith.constant 10000 : i32
      %mul3A_235 = arith.muli %add3A, %mul3A_234 : i32
      %mul3A_236 = arith.constant 80 : i32
      %mul3A_237 = arith.muli %add3A_233, %mul3A_236 : i32
      %add3A_238 = arith.addi %mul3A_235, %mul3A_237 : i32
      %dma_wait3A_239 = arith.constant 2 : i32
      %dma_wait3A_240 = arith.constant 0 : i32
      %dma_wait3A_241 = tpu.memref_slice %arg6[%dma_wait3A_239, %dma_wait3A_240] : memref<3x80xi32, #tpu.memory_space<vmem>> -> memref<1x80xi32, #tpu.memory_space<vmem>>
      %dma_wait3A_242 = tpu.memref_squeeze %dma_wait3A_241 : memref<1x80xi32, #tpu.memory_space<vmem>> -> memref<80xi32, #tpu.memory_space<vmem>>
      %dma_wait3A_243 = tpu.memref_slice %arg3[%add3A_238] : memref<320000xi32, #tpu.memory_space<hbm>> -> memref<80xi32, #tpu.memory_space<hbm>>
      %dma_wait3A_244 = arith.constant 0 : i32
      %dma_wait3A_245 = tpu.memref_slice %arg6[%dma_wait3A_239, %dma_wait3A_244] : memref<3x80xi32, #tpu.memory_space<vmem>> -> memref<1x80xi32, #tpu.memory_space<vmem>>
      %dma_wait3A_246 = tpu.memref_squeeze %dma_wait3A_245 : memref<1x80xi32, #tpu.memory_space<vmem>> -> memref<80xi32, #tpu.memory_space<vmem>>
      %dma_wait3A_247 = tpu.memref_slice %arg3[%add3A_238] : memref<320000xi32, #tpu.memory_space<hbm>> -> memref<80xi32, #tpu.memory_space<hbm>>
      tpu.wait_dma2 semaphore(%arg15 : memref<!tpu.dma_semaphore, #tpu.memory_space<semaphore_mem>>) src(%dma_wait3A_247 : memref<80xi32, #tpu.memory_space<hbm>>) dst(%dma_wait3A_246 : memref<80xi32, #tpu.memory_space<vmem>>)
      %dma_wait3A_248 = arith.constant 2 : i32
      %dma_wait3A_249 = arith.constant 0 : i32
      %dma_wait3A_250 = tpu.memref_slice %arg7[%dma_wait3A_248, %dma_wait3A_249] : memref<3x80xi32, #tpu.memory_space<vmem>> -> memref<1x80xi32, #tpu.memory_space<vmem>>
      %dma_wait3A_251 = tpu.memref_squeeze %dma_wait3A_250 : memref<1x80xi32, #tpu.memory_space<vmem>> -> memref<80xi32, #tpu.memory_space<vmem>>
      %dma_wait3A_252 = tpu.memref_slice %arg4[%add3A_238] : memref<320000xi32, #tpu.memory_space<hbm>> -> memref<80xi32, #tpu.memory_space<hbm>>
      %dma_wait3A_253 = arith.constant 0 : i32
      %dma_wait3A_254 = tpu.memref_slice %arg7[%dma_wait3A_248, %dma_wait3A_253] : memref<3x80xi32, #tpu.memory_space<vmem>> -> memref<1x80xi32, #tpu.memory_space<vmem>>
      %dma_wait3A_255 = tpu.memref_squeeze %dma_wait3A_254 : memref<1x80xi32, #tpu.memory_space<vmem>> -> memref<80xi32, #tpu.memory_space<vmem>>
      %dma_wait3A_256 = tpu.memref_slice %arg4[%add3A_238] : memref<320000xi32, #tpu.memory_space<hbm>> -> memref<80xi32, #tpu.memory_space<hbm>>
      tpu.wait_dma2 semaphore(%arg15 : memref<!tpu.dma_semaphore, #tpu.memory_space<semaphore_mem>>) src(%dma_wait3A_256 : memref<80xi32, #tpu.memory_space<hbm>>) dst(%dma_wait3A_255 : memref<80xi32, #tpu.memory_space<vmem>>)
      %dma_start3A_257 = arith.constant 2 : i32
      %dma_start3A_258 = arith.constant 2 : i32
      %dma_start3A_259 = arith.constant 0 : i32
      %dma_start3A_260 = arith.constant 0 : i32
      %dma_start3A_261 = tpu.memref_slice %arg8[%dma_start3A_258, %dma_start3A_259, %dma_start3A_260] : memref<3x80x128xf32, #tpu.memory_space<vmem>> -> memref<1x80x128xf32, #tpu.memory_space<vmem>>
      %dma_start3A_262 = tpu.memref_squeeze %dma_start3A_261 : memref<1x80x128xf32, #tpu.memory_space<vmem>> -> memref<80x128xf32, #tpu.memory_space<vmem>>
      %dma_start3A_263 = arith.constant 0 : i32
      %dma_start3A_264 = tpu.memref_slice %arg6[%dma_start3A_257, %dma_start3A_263] : memref<3x80xi32, #tpu.memory_space<vmem>> -> memref<1x80xi32, #tpu.memory_space<vmem>>
      %dma_start3A_265 = tpu.memref_squeeze %dma_start3A_264 : memref<1x80xi32, #tpu.memory_space<vmem>> -> memref<80xi32, #tpu.memory_space<vmem>>
      %dma_start3A_266 = arith.constant 0 : i32
      %dma_start3A_267 = arith.constant 0 : i32
      %dma_start3A_268 = tpu.memref_slice %arg2[%dma_start3A_266, %dma_start3A_267] : memref<10240x128xf32, #tpu.memory_space<hbm>> -> memref<10240x128xf32, #tpu.memory_space<hbm>>
      tpu.enqueue_indirect_dma source(%dma_start3A_268 : memref<10240x128xf32, #tpu.memory_space<hbm>>) target(%dma_start3A_262 : memref<80x128xf32, #tpu.memory_space<vmem>>) offsets(%dma_start3A_265 : memref<80xi32, #tpu.memory_space<vmem>>) semaphore(%arg12 : memref<!tpu.dma_semaphore, #tpu.memory_space<semaphore_mem>>)
      %run_scoped3A_269 = arith.constant 0 : i32
      %run_scoped3A_270 = arith.constant 0 : i32
      "tpu.region"() ({
        %run_scoped3A_399 = tpu.sem_alloc : memref<!tpu.dma_semaphore, #tpu.memory_space<semaphore_mem>>
        %dma_start3A_400 = arith.constant 0 : i32
        %dma_start3A_401 = arith.constant 0 : i32
        %dma_start3A_402 = tpu.memref_slice %arg8[%run_scoped3A_269, %dma_start3A_400, %dma_start3A_401] : memref<3x80x128xf32, #tpu.memory_space<vmem>> -> memref<1x80x128xf32, #tpu.memory_space<vmem>>
        %dma_start3A_403 = tpu.memref_squeeze %dma_start3A_402 : memref<1x80x128xf32, #tpu.memory_space<vmem>> -> memref<80x128xf32, #tpu.memory_space<vmem>>
        %dma_start3A_404 = arith.constant 0 : i32
        %dma_start3A_405 = tpu.memref_slice %arg7[%run_scoped3A_270, %dma_start3A_404] : memref<3x80xi32, #tpu.memory_space<vmem>> -> memref<1x80xi32, #tpu.memory_space<vmem>>
        %dma_start3A_406 = tpu.memref_squeeze %dma_start3A_405 : memref<1x80xi32, #tpu.memory_space<vmem>> -> memref<80xi32, #tpu.memory_space<vmem>>
        %dma_start3A_407 = arith.constant 0 : i32
        %dma_start3A_408 = arith.constant 0 : i32
        %dma_start3A_409 = tpu.memref_slice %arg9[%dma_start3A_407, %dma_start3A_408] : memref<10240x128xf32, #tpu.memory_space<vmem_shared>> -> memref<10240x128xf32, #tpu.memory_space<vmem_shared>>
        tpu.enqueue_indirect_dma source(%dma_start3A_403 : memref<80x128xf32, #tpu.memory_space<vmem>>) target(%dma_start3A_409 : memref<10240x128xf32, #tpu.memory_space<vmem_shared>>) offsets(%dma_start3A_406 : memref<80xi32, #tpu.memory_space<vmem>>) semaphore(%run_scoped3A_399 : memref<!tpu.dma_semaphore, #tpu.memory_space<semaphore_mem>>) {add = true}
        %dma_wait3A_410 = arith.constant 0 : i32
        %dma_wait3A_411 = arith.constant 0 : i32
        %dma_wait3A_412 = tpu.memref_slice %arg8[%run_scoped3A_269, %dma_wait3A_410, %dma_wait3A_411] : memref<3x80x128xf32, #tpu.memory_space<vmem>> -> memref<1x80x128xf32, #tpu.memory_space<vmem>>
        %dma_wait3A_413 = tpu.memref_squeeze %dma_wait3A_412 : memref<1x80x128xf32, #tpu.memory_space<vmem>> -> memref<80x128xf32, #tpu.memory_space<vmem>>
        %dma_wait3A_414 = arith.constant 0 : i32
        %dma_wait3A_415 = tpu.memref_slice %arg7[%run_scoped3A_270, %dma_wait3A_414] : memref<3x80xi32, #tpu.memory_space<vmem>> -> memref<1x80xi32, #tpu.memory_space<vmem>>
        %dma_wait3A_416 = tpu.memref_squeeze %dma_wait3A_415 : memref<1x80xi32, #tpu.memory_space<vmem>> -> memref<80xi32, #tpu.memory_space<vmem>>
        %dma_wait3A_417 = arith.constant 0 : i32
        %dma_wait3A_418 = arith.constant 0 : i32
        %dma_wait3A_419 = tpu.memref_slice %arg9[%dma_wait3A_417, %dma_wait3A_418] : memref<10240x128xf32, #tpu.memory_space<vmem_shared>> -> memref<10240x128xf32, #tpu.memory_space<vmem_shared>>
        tpu.wait_indirect_dma semaphore(%run_scoped3A_399 : memref<!tpu.dma_semaphore, #tpu.memory_space<semaphore_mem>>) src(%dma_wait3A_413 : memref<80x128xf32, #tpu.memory_space<vmem>>) dst(%dma_wait3A_419 : memref<10240x128xf32, #tpu.memory_space<vmem_shared>>)
        tpu.yield
      }) : () -> ()
      %add3A_271 = arith.constant 3 : i32
      %add3A_272 = arith.addi %add3A_219, %add3A_271 : i32
      %lt3A = arith.constant 125 : i32
      %lt3A_273 = arith.cmpi slt, %add3A_272, %lt3A : i32
      %convert_element_type3A = arith.extui %lt3A_273 : i1 to i32
      %cond3A = arith.constant 0 : i32
      %cond3A_274 = arith.cmpi ne, %convert_element_type3A, %cond3A : i32
      scf.if %cond3A_274 {
        %mul3A_399 = arith.constant 10000 : i32
        %mul3A_400 = arith.muli %add3A, %mul3A_399 : i32
        %mul3A_401 = arith.constant 80 : i32
        %mul3A_402 = arith.muli %add3A_272, %mul3A_401 : i32
        %add3A_403 = arith.addi %mul3A_400, %mul3A_402 : i32
        %dma_start3A_404 = arith.constant 0 : i32
        %dma_start3A_405 = arith.constant 0 : i32
        %dma_start3A_406 = tpu.memref_slice %arg6[%dma_start3A_404, %dma_start3A_405] : memref<3x80xi32, #tpu.memory_space<vmem>> -> memref<1x80xi32, #tpu.memory_space<vmem>>
        %dma_start3A_407 = tpu.memref_squeeze %dma_start3A_406 : memref<1x80xi32, #tpu.memory_space<vmem>> -> memref<80xi32, #tpu.memory_space<vmem>>
        %dma_start3A_408 = tpu.memref_slice %arg3[%add3A_403] : memref<320000xi32, #tpu.memory_space<hbm>> -> memref<80xi32, #tpu.memory_space<hbm>>
        %dma_start3A_409 = arith.constant 0 : i32
        %dma_start3A_410 = tpu.memref_slice %arg6[%dma_start3A_404, %dma_start3A_409] : memref<3x80xi32, #tpu.memory_space<vmem>> -> memref<1x80xi32, #tpu.memory_space<vmem>>
        %dma_start3A_411 = tpu.memref_squeeze %dma_start3A_410 : memref<1x80xi32, #tpu.memory_space<vmem>> -> memref<80xi32, #tpu.memory_space<vmem>>
        %dma_start3A_412 = tpu.memref_slice %arg3[%add3A_403] : memref<320000xi32, #tpu.memory_space<hbm>> -> memref<80xi32, #tpu.memory_space<hbm>>
        tpu.enqueue_dma source(%dma_start3A_412 : memref<80xi32, #tpu.memory_space<hbm>>) target(%dma_start3A_411 : memref<80xi32, #tpu.memory_space<vmem>>) target_semaphore(%arg13 : memref<!tpu.dma_semaphore, #tpu.memory_space<semaphore_mem>>)
        %dma_start3A_413 = arith.constant 0 : i32
        %dma_start3A_414 = arith.constant 0 : i32
        %dma_start3A_415 = tpu.memref_slice %arg7[%dma_start3A_413, %dma_start3A_414] : memref<3x80xi32, #tpu.memory_space<vmem>> -> memref<1x80xi32, #tpu.memory_space<vmem>>
        %dma_start3A_416 = tpu.memref_squeeze %dma_start3A_415 : memref<1x80xi32, #tpu.memory_space<vmem>> -> memref<80xi32, #tpu.memory_space<vmem>>
        %dma_start3A_417 = tpu.memref_slice %arg4[%add3A_403] : memref<320000xi32, #tpu.memory_space<hbm>> -> memref<80xi32, #tpu.memory_space<hbm>>
        %dma_start3A_418 = arith.constant 0 : i32
        %dma_start3A_419 = tpu.memref_slice %arg7[%dma_start3A_413, %dma_start3A_418] : memref<3x80xi32, #tpu.memory_space<vmem>> -> memref<1x80xi32, #tpu.memory_space<vmem>>
        %dma_start3A_420 = tpu.memref_squeeze %dma_start3A_419 : memref<1x80xi32, #tpu.memory_space<vmem>> -> memref<80xi32, #tpu.memory_space<vmem>>
        %dma_start3A_421 = tpu.memref_slice %arg4[%add3A_403] : memref<320000xi32, #tpu.memory_space<hbm>> -> memref<80xi32, #tpu.memory_space<hbm>>
        tpu.enqueue_dma source(%dma_start3A_421 : memref<80xi32, #tpu.memory_space<hbm>>) target(%dma_start3A_420 : memref<80xi32, #tpu.memory_space<vmem>>) target_semaphore(%arg13 : memref<!tpu.dma_semaphore, #tpu.memory_space<semaphore_mem>>)
      } else {
      }
      %mul3A_275 = arith.constant 3 : i32
      %mul3A_276 = arith.muli %mul3A_275, %scan3A_215 : i32
      %add3A_277 = arith.constant 1 : i32
      %add3A_278 = arith.addi %mul3A_276, %add3A_277 : i32
      %dma_wait3A_279 = arith.constant 1 : i32
      %dma_wait3A_280 = arith.constant 1 : i32
      %dma_wait3A_281 = arith.constant 0 : i32
      %dma_wait3A_282 = arith.constant 0 : i32
      %dma_wait3A_283 = tpu.memref_slice %arg8[%dma_wait3A_280, %dma_wait3A_281, %dma_wait3A_282] : memref<3x80x128xf32, #tpu.memory_space<vmem>> -> memref<1x80x128xf32, #tpu.memory_space<vmem>>
      %dma_wait3A_284 = tpu.memref_squeeze %dma_wait3A_283 : memref<1x80x128xf32, #tpu.memory_space<vmem>> -> memref<80x128xf32, #tpu.memory_space<vmem>>
      %dma_wait3A_285 = arith.constant 0 : i32
      %dma_wait3A_286 = tpu.memref_slice %arg6[%dma_wait3A_279, %dma_wait3A_285] : memref<3x80xi32, #tpu.memory_space<vmem>> -> memref<1x80xi32, #tpu.memory_space<vmem>>
      %dma_wait3A_287 = tpu.memref_squeeze %dma_wait3A_286 : memref<1x80xi32, #tpu.memory_space<vmem>> -> memref<80xi32, #tpu.memory_space<vmem>>
      %dma_wait3A_288 = arith.constant 0 : i32
      %dma_wait3A_289 = arith.constant 0 : i32
      %dma_wait3A_290 = tpu.memref_slice %arg2[%dma_wait3A_288, %dma_wait3A_289] : memref<10240x128xf32, #tpu.memory_space<hbm>> -> memref<10240x128xf32, #tpu.memory_space<hbm>>
      tpu.wait_indirect_dma semaphore(%arg11 : memref<!tpu.dma_semaphore, #tpu.memory_space<semaphore_mem>>) src(%dma_wait3A_290 : memref<10240x128xf32, #tpu.memory_space<hbm>>) dst(%dma_wait3A_284 : memref<80x128xf32, #tpu.memory_space<vmem>>)
      %add3A_291 = arith.constant 2 : i32
      %add3A_292 = arith.addi %add3A_278, %add3A_291 : i32
      %mul3A_293 = arith.constant 10000 : i32
      %mul3A_294 = arith.muli %add3A, %mul3A_293 : i32
      %mul3A_295 = arith.constant 80 : i32
      %mul3A_296 = arith.muli %add3A_292, %mul3A_295 : i32
      %add3A_297 = arith.addi %mul3A_294, %mul3A_296 : i32
      %dma_wait3A_298 = arith.constant 0 : i32
      %dma_wait3A_299 = arith.constant 0 : i32
      %dma_wait3A_300 = tpu.memref_slice %arg6[%dma_wait3A_298, %dma_wait3A_299] : memref<3x80xi32, #tpu.memory_space<vmem>> -> memref<1x80xi32, #tpu.memory_space<vmem>>
      %dma_wait3A_301 = tpu.memref_squeeze %dma_wait3A_300 : memref<1x80xi32, #tpu.memory_space<vmem>> -> memref<80xi32, #tpu.memory_space<vmem>>
      %dma_wait3A_302 = tpu.memref_slice %arg3[%add3A_297] : memref<320000xi32, #tpu.memory_space<hbm>> -> memref<80xi32, #tpu.memory_space<hbm>>
      %dma_wait3A_303 = arith.constant 0 : i32
      %dma_wait3A_304 = tpu.memref_slice %arg6[%dma_wait3A_298, %dma_wait3A_303] : memref<3x80xi32, #tpu.memory_space<vmem>> -> memref<1x80xi32, #tpu.memory_space<vmem>>
      %dma_wait3A_305 = tpu.memref_squeeze %dma_wait3A_304 : memref<1x80xi32, #tpu.memory_space<vmem>> -> memref<80xi32, #tpu.memory_space<vmem>>
      %dma_wait3A_306 = tpu.memref_slice %arg3[%add3A_297] : memref<320000xi32, #tpu.memory_space<hbm>> -> memref<80xi32, #tpu.memory_space<hbm>>
      tpu.wait_dma2 semaphore(%arg13 : memref<!tpu.dma_semaphore, #tpu.memory_space<semaphore_mem>>) src(%dma_wait3A_306 : memref<80xi32, #tpu.memory_space<hbm>>) dst(%dma_wait3A_305 : memref<80xi32, #tpu.memory_space<vmem>>)
      %dma_wait3A_307 = arith.constant 0 : i32
      %dma_wait3A_308 = arith.constant 0 : i32
      %dma_wait3A_309 = tpu.memref_slice %arg7[%dma_wait3A_307, %dma_wait3A_308] : memref<3x80xi32, #tpu.memory_space<vmem>> -> memref<1x80xi32, #tpu.memory_space<vmem>>
      %dma_wait3A_310 = tpu.memref_squeeze %dma_wait3A_309 : memref<1x80xi32, #tpu.memory_space<vmem>> -> memref<80xi32, #tpu.memory_space<vmem>>
      %dma_wait3A_311 = tpu.memref_slice %arg4[%add3A_297] : memref<320000xi32, #tpu.memory_space<hbm>> -> memref<80xi32, #tpu.memory_space<hbm>>
      %dma_wait3A_312 = arith.constant 0 : i32
      %dma_wait3A_313 = tpu.memref_slice %arg7[%dma_wait3A_307, %dma_wait3A_312] : memref<3x80xi32, #tpu.memory_space<vmem>> -> memref<1x80xi32, #tpu.memory_space<vmem>>
      %dma_wait3A_314 = tpu.memref_squeeze %dma_wait3A_313 : memref<1x80xi32, #tpu.memory_space<vmem>> -> memref<80xi32, #tpu.memory_space<vmem>>
      %dma_wait3A_315 = tpu.memref_slice %arg4[%add3A_297] : memref<320000xi32, #tpu.memory_space<hbm>> -> memref<80xi32, #tpu.memory_space<hbm>>
      tpu.wait_dma2 semaphore(%arg13 : memref<!tpu.dma_semaphore, #tpu.memory_space<semaphore_mem>>) src(%dma_wait3A_315 : memref<80xi32, #tpu.memory_space<hbm>>) dst(%dma_wait3A_314 : memref<80xi32, #tpu.memory_space<vmem>>)
      %dma_start3A_316 = arith.constant 0 : i32
      %dma_start3A_317 = arith.constant 0 : i32
      %dma_start3A_318 = arith.constant 0 : i32
      %dma_start3A_319 = arith.constant 0 : i32
      %dma_start3A_320 = tpu.memref_slice %arg8[%dma_start3A_317, %dma_start3A_318, %dma_start3A_319] : memref<3x80x128xf32, #tpu.memory_space<vmem>> -> memref<1x80x128xf32, #tpu.memory_space<vmem>>
      %dma_start3A_321 = tpu.memref_squeeze %dma_start3A_320 : memref<1x80x128xf32, #tpu.memory_space<vmem>> -> memref<80x128xf32, #tpu.memory_space<vmem>>
      %dma_start3A_322 = arith.constant 0 : i32
      %dma_start3A_323 = tpu.memref_slice %arg6[%dma_start3A_316, %dma_start3A_322] : memref<3x80xi32, #tpu.memory_space<vmem>> -> memref<1x80xi32, #tpu.memory_space<vmem>>
      %dma_start3A_324 = tpu.memref_squeeze %dma_start3A_323 : memref<1x80xi32, #tpu.memory_space<vmem>> -> memref<80xi32, #tpu.memory_space<vmem>>
      %dma_start3A_325 = arith.constant 0 : i32
      %dma_start3A_326 = arith.constant 0 : i32
      %dma_start3A_327 = tpu.memref_slice %arg2[%dma_start3A_325, %dma_start3A_326] : memref<10240x128xf32, #tpu.memory_space<hbm>> -> memref<10240x128xf32, #tpu.memory_space<hbm>>
      tpu.enqueue_indirect_dma source(%dma_start3A_327 : memref<10240x128xf32, #tpu.memory_space<hbm>>) target(%dma_start3A_321 : memref<80x128xf32, #tpu.memory_space<vmem>>) offsets(%dma_start3A_324 : memref<80xi32, #tpu.memory_space<vmem>>) semaphore(%arg10 : memref<!tpu.dma_semaphore, #tpu.memory_space<semaphore_mem>>)
      %run_scoped3A_328 = arith.constant 1 : i32
      %run_scoped3A_329 = arith.constant 1 : i32
      "tpu.region"() ({
        %run_scoped3A_399 = tpu.sem_alloc : memref<!tpu.dma_semaphore, #tpu.memory_space<semaphore_mem>>
        %dma_start3A_400 = arith.constant 0 : i32
        %dma_start3A_401 = arith.constant 0 : i32
        %dma_start3A_402 = tpu.memref_slice %arg8[%run_scoped3A_328, %dma_start3A_400, %dma_start3A_401] : memref<3x80x128xf32, #tpu.memory_space<vmem>> -> memref<1x80x128xf32, #tpu.memory_space<vmem>>
        %dma_start3A_403 = tpu.memref_squeeze %dma_start3A_402 : memref<1x80x128xf32, #tpu.memory_space<vmem>> -> memref<80x128xf32, #tpu.memory_space<vmem>>
        %dma_start3A_404 = arith.constant 0 : i32
        %dma_start3A_405 = tpu.memref_slice %arg7[%run_scoped3A_329, %dma_start3A_404] : memref<3x80xi32, #tpu.memory_space<vmem>> -> memref<1x80xi32, #tpu.memory_space<vmem>>
        %dma_start3A_406 = tpu.memref_squeeze %dma_start3A_405 : memref<1x80xi32, #tpu.memory_space<vmem>> -> memref<80xi32, #tpu.memory_space<vmem>>
        %dma_start3A_407 = arith.constant 0 : i32
        %dma_start3A_408 = arith.constant 0 : i32
        %dma_start3A_409 = tpu.memref_slice %arg9[%dma_start3A_407, %dma_start3A_408] : memref<10240x128xf32, #tpu.memory_space<vmem_shared>> -> memref<10240x128xf32, #tpu.memory_space<vmem_shared>>
        tpu.enqueue_indirect_dma source(%dma_start3A_403 : memref<80x128xf32, #tpu.memory_space<vmem>>) target(%dma_start3A_409 : memref<10240x128xf32, #tpu.memory_space<vmem_shared>>) offsets(%dma_start3A_406 : memref<80xi32, #tpu.memory_space<vmem>>) semaphore(%run_scoped3A_399 : memref<!tpu.dma_semaphore, #tpu.memory_space<semaphore_mem>>) {add = true}
        %dma_wait3A_410 = arith.constant 0 : i32
        %dma_wait3A_411 = arith.constant 0 : i32
        %dma_wait3A_412 = tpu.memref_slice %arg8[%run_scoped3A_328, %dma_wait3A_410, %dma_wait3A_411] : memref<3x80x128xf32, #tpu.memory_space<vmem>> -> memref<1x80x128xf32, #tpu.memory_space<vmem>>
        %dma_wait3A_413 = tpu.memref_squeeze %dma_wait3A_412 : memref<1x80x128xf32, #tpu.memory_space<vmem>> -> memref<80x128xf32, #tpu.memory_space<vmem>>
        %dma_wait3A_414 = arith.constant 0 : i32
        %dma_wait3A_415 = tpu.memref_slice %arg7[%run_scoped3A_329, %dma_wait3A_414] : memref<3x80xi32, #tpu.memory_space<vmem>> -> memref<1x80xi32, #tpu.memory_space<vmem>>
        %dma_wait3A_416 = tpu.memref_squeeze %dma_wait3A_415 : memref<1x80xi32, #tpu.memory_space<vmem>> -> memref<80xi32, #tpu.memory_space<vmem>>
        %dma_wait3A_417 = arith.constant 0 : i32
        %dma_wait3A_418 = arith.constant 0 : i32
        %dma_wait3A_419 = tpu.memref_slice %arg9[%dma_wait3A_417, %dma_wait3A_418] : memref<10240x128xf32, #tpu.memory_space<vmem_shared>> -> memref<10240x128xf32, #tpu.memory_space<vmem_shared>>
        tpu.wait_indirect_dma semaphore(%run_scoped3A_399 : memref<!tpu.dma_semaphore, #tpu.memory_space<semaphore_mem>>) src(%dma_wait3A_413 : memref<80x128xf32, #tpu.memory_space<vmem>>) dst(%dma_wait3A_419 : memref<10240x128xf32, #tpu.memory_space<vmem_shared>>)
        tpu.yield
      }) : () -> ()
      %add3A_330 = arith.constant 3 : i32
      %add3A_331 = arith.addi %add3A_278, %add3A_330 : i32
      %lt3A_332 = arith.constant 125 : i32
      %lt3A_333 = arith.cmpi slt, %add3A_331, %lt3A_332 : i32
      %convert_element_type3A_334 = arith.extui %lt3A_333 : i1 to i32
      %cond3A_335 = arith.constant 0 : i32
      %cond3A_336 = arith.cmpi ne, %convert_element_type3A_334, %cond3A_335 : i32
      scf.if %cond3A_336 {
        %mul3A_399 = arith.constant 10000 : i32
        %mul3A_400 = arith.muli %add3A, %mul3A_399 : i32
        %mul3A_401 = arith.constant 80 : i32
        %mul3A_402 = arith.muli %add3A_331, %mul3A_401 : i32
        %add3A_403 = arith.addi %mul3A_400, %mul3A_402 : i32
        %dma_start3A_404 = arith.constant 1 : i32
        %dma_start3A_405 = arith.constant 0 : i32
        %dma_start3A_406 = tpu.memref_slice %arg6[%dma_start3A_404, %dma_start3A_405] : memref<3x80xi32, #tpu.memory_space<vmem>> -> memref<1x80xi32, #tpu.memory_space<vmem>>
        %dma_start3A_407 = tpu.memref_squeeze %dma_start3A_406 : memref<1x80xi32, #tpu.memory_space<vmem>> -> memref<80xi32, #tpu.memory_space<vmem>>
        %dma_start3A_408 = tpu.memref_slice %arg3[%add3A_403] : memref<320000xi32, #tpu.memory_space<hbm>> -> memref<80xi32, #tpu.memory_space<hbm>>
        %dma_start3A_409 = arith.constant 0 : i32
        %dma_start3A_410 = tpu.memref_slice %arg6[%dma_start3A_404, %dma_start3A_409] : memref<3x80xi32, #tpu.memory_space<vmem>> -> memref<1x80xi32, #tpu.memory_space<vmem>>
        %dma_start3A_411 = tpu.memref_squeeze %dma_start3A_410 : memref<1x80xi32, #tpu.memory_space<vmem>> -> memref<80xi32, #tpu.memory_space<vmem>>
        %dma_start3A_412 = tpu.memref_slice %arg3[%add3A_403] : memref<320000xi32, #tpu.memory_space<hbm>> -> memref<80xi32, #tpu.memory_space<hbm>>
        tpu.enqueue_dma source(%dma_start3A_412 : memref<80xi32, #tpu.memory_space<hbm>>) target(%dma_start3A_411 : memref<80xi32, #tpu.memory_space<vmem>>) target_semaphore(%arg14 : memref<!tpu.dma_semaphore, #tpu.memory_space<semaphore_mem>>)
        %dma_start3A_413 = arith.constant 1 : i32
        %dma_start3A_414 = arith.constant 0 : i32
        %dma_start3A_415 = tpu.memref_slice %arg7[%dma_start3A_413, %dma_start3A_414] : memref<3x80xi32, #tpu.memory_space<vmem>> -> memref<1x80xi32, #tpu.memory_space<vmem>>
        %dma_start3A_416 = tpu.memref_squeeze %dma_start3A_415 : memref<1x80xi32, #tpu.memory_space<vmem>> -> memref<80xi32, #tpu.memory_space<vmem>>
        %dma_start3A_417 = tpu.memref_slice %arg4[%add3A_403] : memref<320000xi32, #tpu.memory_space<hbm>> -> memref<80xi32, #tpu.memory_space<hbm>>
        %dma_start3A_418 = arith.constant 0 : i32
        %dma_start3A_419 = tpu.memref_slice %arg7[%dma_start3A_413, %dma_start3A_418] : memref<3x80xi32, #tpu.memory_space<vmem>> -> memref<1x80xi32, #tpu.memory_space<vmem>>
        %dma_start3A_420 = tpu.memref_squeeze %dma_start3A_419 : memref<1x80xi32, #tpu.memory_space<vmem>> -> memref<80xi32, #tpu.memory_space<vmem>>
        %dma_start3A_421 = tpu.memref_slice %arg4[%add3A_403] : memref<320000xi32, #tpu.memory_space<hbm>> -> memref<80xi32, #tpu.memory_space<hbm>>
        tpu.enqueue_dma source(%dma_start3A_421 : memref<80xi32, #tpu.memory_space<hbm>>) target(%dma_start3A_420 : memref<80xi32, #tpu.memory_space<vmem>>) target_semaphore(%arg14 : memref<!tpu.dma_semaphore, #tpu.memory_space<semaphore_mem>>)
      } else {
      }
      %mul3A_337 = arith.constant 3 : i32
      %mul3A_338 = arith.muli %mul3A_337, %scan3A_215 : i32
      %add3A_339 = arith.constant 2 : i32
      %add3A_340 = arith.addi %mul3A_338, %add3A_339 : i32
      %dma_wait3A_341 = arith.constant 2 : i32
      %dma_wait3A_342 = arith.constant 2 : i32
      %dma_wait3A_343 = arith.constant 0 : i32
      %dma_wait3A_344 = arith.constant 0 : i32
      %dma_wait3A_345 = tpu.memref_slice %arg8[%dma_wait3A_342, %dma_wait3A_343, %dma_wait3A_344] : memref<3x80x128xf32, #tpu.memory_space<vmem>> -> memref<1x80x128xf32, #tpu.memory_space<vmem>>
      %dma_wait3A_346 = tpu.memref_squeeze %dma_wait3A_345 : memref<1x80x128xf32, #tpu.memory_space<vmem>> -> memref<80x128xf32, #tpu.memory_space<vmem>>
      %dma_wait3A_347 = arith.constant 0 : i32
      %dma_wait3A_348 = tpu.memref_slice %arg6[%dma_wait3A_341, %dma_wait3A_347] : memref<3x80xi32, #tpu.memory_space<vmem>> -> memref<1x80xi32, #tpu.memory_space<vmem>>
      %dma_wait3A_349 = tpu.memref_squeeze %dma_wait3A_348 : memref<1x80xi32, #tpu.memory_space<vmem>> -> memref<80xi32, #tpu.memory_space<vmem>>
      %dma_wait3A_350 = arith.constant 0 : i32
      %dma_wait3A_351 = arith.constant 0 : i32
      %dma_wait3A_352 = tpu.memref_slice %arg2[%dma_wait3A_350, %dma_wait3A_351] : memref<10240x128xf32, #tpu.memory_space<hbm>> -> memref<10240x128xf32, #tpu.memory_space<hbm>>
      tpu.wait_indirect_dma semaphore(%arg12 : memref<!tpu.dma_semaphore, #tpu.memory_space<semaphore_mem>>) src(%dma_wait3A_352 : memref<10240x128xf32, #tpu.memory_space<hbm>>) dst(%dma_wait3A_346 : memref<80x128xf32, #tpu.memory_space<vmem>>)
      %add3A_353 = arith.constant 2 : i32
      %add3A_354 = arith.addi %add3A_340, %add3A_353 : i32
      %mul3A_355 = arith.constant 10000 : i32
      %mul3A_356 = arith.muli %add3A, %mul3A_355 : i32
      %mul3A_357 = arith.constant 80 : i32
      %mul3A_358 = arith.muli %add3A_354, %mul3A_357 : i32
      %add3A_359 = arith.addi %mul3A_356, %mul3A_358 : i32
      %dma_wait3A_360 = arith.constant 1 : i32
      %dma_wait3A_361 = arith.constant 0 : i32
      %dma_wait3A_362 = tpu.memref_slice %arg6[%dma_wait3A_360, %dma_wait3A_361] : memref<3x80xi32, #tpu.memory_space<vmem>> -> memref<1x80xi32, #tpu.memory_space<vmem>>
      %dma_wait3A_363 = tpu.memref_squeeze %dma_wait3A_362 : memref<1x80xi32, #tpu.memory_space<vmem>> -> memref<80xi32, #tpu.memory_space<vmem>>
      %dma_wait3A_364 = tpu.memref_slice %arg3[%add3A_359] : memref<320000xi32, #tpu.memory_space<hbm>> -> memref<80xi32, #tpu.memory_space<hbm>>
      %dma_wait3A_365 = arith.constant 0 : i32
      %dma_wait3A_366 = tpu.memref_slice %arg6[%dma_wait3A_360, %dma_wait3A_365] : memref<3x80xi32, #tpu.memory_space<vmem>> -> memref<1x80xi32, #tpu.memory_space<vmem>>
      %dma_wait3A_367 = tpu.memref_squeeze %dma_wait3A_366 : memref<1x80xi32, #tpu.memory_space<vmem>> -> memref<80xi32, #tpu.memory_space<vmem>>
      %dma_wait3A_368 = tpu.memref_slice %arg3[%add3A_359] : memref<320000xi32, #tpu.memory_space<hbm>> -> memref<80xi32, #tpu.memory_space<hbm>>
      tpu.wait_dma2 semaphore(%arg14 : memref<!tpu.dma_semaphore, #tpu.memory_space<semaphore_mem>>) src(%dma_wait3A_368 : memref<80xi32, #tpu.memory_space<hbm>>) dst(%dma_wait3A_367 : memref<80xi32, #tpu.memory_space<vmem>>)
      %dma_wait3A_369 = arith.constant 1 : i32
      %dma_wait3A_370 = arith.constant 0 : i32
      %dma_wait3A_371 = tpu.memref_slice %arg7[%dma_wait3A_369, %dma_wait3A_370] : memref<3x80xi32, #tpu.memory_space<vmem>> -> memref<1x80xi32, #tpu.memory_space<vmem>>
      %dma_wait3A_372 = tpu.memref_squeeze %dma_wait3A_371 : memref<1x80xi32, #tpu.memory_space<vmem>> -> memref<80xi32, #tpu.memory_space<vmem>>
      %dma_wait3A_373 = tpu.memref_slice %arg4[%add3A_359] : memref<320000xi32, #tpu.memory_space<hbm>> -> memref<80xi32, #tpu.memory_space<hbm>>
      %dma_wait3A_374 = arith.constant 0 : i32
      %dma_wait3A_375 = tpu.memref_slice %arg7[%dma_wait3A_369, %dma_wait3A_374] : memref<3x80xi32, #tpu.memory_space<vmem>> -> memref<1x80xi32, #tpu.memory_space<vmem>>
      %dma_wait3A_376 = tpu.memref_squeeze %dma_wait3A_375 : memref<1x80xi32, #tpu.memory_space<vmem>> -> memref<80xi32, #tpu.memory_space<vmem>>
      %dma_wait3A_377 = tpu.memref_slice %arg4[%add3A_359] : memref<320000xi32, #tpu.memory_space<hbm>> -> memref<80xi32, #tpu.memory_space<hbm>>
      tpu.wait_dma2 semaphore(%arg14 : memref<!tpu.dma_semaphore, #tpu.memory_space<semaphore_mem>>) src(%dma_wait3A_377 : memref<80xi32, #tpu.memory_space<hbm>>) dst(%dma_wait3A_376 : memref<80xi32, #tpu.memory_space<vmem>>)
      %dma_start3A_378 = arith.constant 1 : i32
      %dma_start3A_379 = arith.constant 1 : i32
      %dma_start3A_380 = arith.constant 0 : i32
      %dma_start3A_381 = arith.constant 0 : i32
      %dma_start3A_382 = tpu.memref_slice %arg8[%dma_start3A_379, %dma_start3A_380, %dma_start3A_381] : memref<3x80x128xf32, #tpu.memory_space<vmem>> -> memref<1x80x128xf32, #tpu.memory_space<vmem>>
      %dma_start3A_383 = tpu.memref_squeeze %dma_start3A_382 : memref<1x80x128xf32, #tpu.memory_space<vmem>> -> memref<80x128xf32, #tpu.memory_space<vmem>>
      %dma_start3A_384 = arith.constant 0 : i32
      %dma_start3A_385 = tpu.memref_slice %arg6[%dma_start3A_378, %dma_start3A_384] : memref<3x80xi32, #tpu.memory_space<vmem>> -> memref<1x80xi32, #tpu.memory_space<vmem>>
      %dma_start3A_386 = tpu.memref_squeeze %dma_start3A_385 : memref<1x80xi32, #tpu.memory_space<vmem>> -> memref<80xi32, #tpu.memory_space<vmem>>
      %dma_start3A_387 = arith.constant 0 : i32
      %dma_start3A_388 = arith.constant 0 : i32
      %dma_start3A_389 = tpu.memref_slice %arg2[%dma_start3A_387, %dma_start3A_388] : memref<10240x128xf32, #tpu.memory_space<hbm>> -> memref<10240x128xf32, #tpu.memory_space<hbm>>
      tpu.enqueue_indirect_dma source(%dma_start3A_389 : memref<10240x128xf32, #tpu.memory_space<hbm>>) target(%dma_start3A_383 : memref<80x128xf32, #tpu.memory_space<vmem>>) offsets(%dma_start3A_386 : memref<80xi32, #tpu.memory_space<vmem>>) semaphore(%arg11 : memref<!tpu.dma_semaphore, #tpu.memory_space<semaphore_mem>>)
      %run_scoped3A_390 = arith.constant 2 : i32
      %run_scoped3A_391 = arith.constant 2 : i32
      "tpu.region"() ({
        %run_scoped3A_399 = tpu.sem_alloc : memref<!tpu.dma_semaphore, #tpu.memory_space<semaphore_mem>>
        %dma_start3A_400 = arith.constant 0 : i32
        %dma_start3A_401 = arith.constant 0 : i32
        %dma_start3A_402 = tpu.memref_slice %arg8[%run_scoped3A_390, %dma_start3A_400, %dma_start3A_401] : memref<3x80x128xf32, #tpu.memory_space<vmem>> -> memref<1x80x128xf32, #tpu.memory_space<vmem>>
        %dma_start3A_403 = tpu.memref_squeeze %dma_start3A_402 : memref<1x80x128xf32, #tpu.memory_space<vmem>> -> memref<80x128xf32, #tpu.memory_space<vmem>>
        %dma_start3A_404 = arith.constant 0 : i32
        %dma_start3A_405 = tpu.memref_slice %arg7[%run_scoped3A_391, %dma_start3A_404] : memref<3x80xi32, #tpu.memory_space<vmem>> -> memref<1x80xi32, #tpu.memory_space<vmem>>
        %dma_start3A_406 = tpu.memref_squeeze %dma_start3A_405 : memref<1x80xi32, #tpu.memory_space<vmem>> -> memref<80xi32, #tpu.memory_space<vmem>>
        %dma_start3A_407 = arith.constant 0 : i32
        %dma_start3A_408 = arith.constant 0 : i32
        %dma_start3A_409 = tpu.memref_slice %arg9[%dma_start3A_407, %dma_start3A_408] : memref<10240x128xf32, #tpu.memory_space<vmem_shared>> -> memref<10240x128xf32, #tpu.memory_space<vmem_shared>>
        tpu.enqueue_indirect_dma source(%dma_start3A_403 : memref<80x128xf32, #tpu.memory_space<vmem>>) target(%dma_start3A_409 : memref<10240x128xf32, #tpu.memory_space<vmem_shared>>) offsets(%dma_start3A_406 : memref<80xi32, #tpu.memory_space<vmem>>) semaphore(%run_scoped3A_399 : memref<!tpu.dma_semaphore, #tpu.memory_space<semaphore_mem>>) {add = true}
        %dma_wait3A_410 = arith.constant 0 : i32
        %dma_wait3A_411 = arith.constant 0 : i32
        %dma_wait3A_412 = tpu.memref_slice %arg8[%run_scoped3A_390, %dma_wait3A_410, %dma_wait3A_411] : memref<3x80x128xf32, #tpu.memory_space<vmem>> -> memref<1x80x128xf32, #tpu.memory_space<vmem>>
        %dma_wait3A_413 = tpu.memref_squeeze %dma_wait3A_412 : memref<1x80x128xf32, #tpu.memory_space<vmem>> -> memref<80x128xf32, #tpu.memory_space<vmem>>
        %dma_wait3A_414 = arith.constant 0 : i32
        %dma_wait3A_415 = tpu.memref_slice %arg7[%run_scoped3A_391, %dma_wait3A_414] : memref<3x80xi32, #tpu.memory_space<vmem>> -> memref<1x80xi32, #tpu.memory_space<vmem>>
        %dma_wait3A_416 = tpu.memref_squeeze %dma_wait3A_415 : memref<1x80xi32, #tpu.memory_space<vmem>> -> memref<80xi32, #tpu.memory_space<vmem>>
        %dma_wait3A_417 = arith.constant 0 : i32
        %dma_wait3A_418 = arith.constant 0 : i32
        %dma_wait3A_419 = tpu.memref_slice %arg9[%dma_wait3A_417, %dma_wait3A_418] : memref<10240x128xf32, #tpu.memory_space<vmem_shared>> -> memref<10240x128xf32, #tpu.memory_space<vmem_shared>>
        tpu.wait_indirect_dma semaphore(%run_scoped3A_399 : memref<!tpu.dma_semaphore, #tpu.memory_space<semaphore_mem>>) src(%dma_wait3A_413 : memref<80x128xf32, #tpu.memory_space<vmem>>) dst(%dma_wait3A_419 : memref<10240x128xf32, #tpu.memory_space<vmem_shared>>)
        tpu.yield
      }) : () -> ()
      %add3A_392 = arith.constant 3 : i32
      %add3A_393 = arith.addi %add3A_340, %add3A_392 : i32
      %lt3A_394 = arith.constant 125 : i32
      %lt3A_395 = arith.cmpi slt, %add3A_393, %lt3A_394 : i32
      %convert_element_type3A_396 = arith.extui %lt3A_395 : i1 to i32
      %cond3A_397 = arith.constant 0 : i32
      %cond3A_398 = arith.cmpi ne, %convert_element_type3A_396, %cond3A_397 : i32
      scf.if %cond3A_398 {
        %mul3A_399 = arith.constant 10000 : i32
        %mul3A_400 = arith.muli %add3A, %mul3A_399 : i32
        %mul3A_401 = arith.constant 80 : i32
        %mul3A_402 = arith.muli %add3A_393, %mul3A_401 : i32
        %add3A_403 = arith.addi %mul3A_400, %mul3A_402 : i32
        %dma_start3A_404 = arith.constant 2 : i32
        %dma_start3A_405 = arith.constant 0 : i32
        %dma_start3A_406 = tpu.memref_slice %arg6[%dma_start3A_404, %dma_start3A_405] : memref<3x80xi32, #tpu.memory_space<vmem>> -> memref<1x80xi32, #tpu.memory_space<vmem>>
        %dma_start3A_407 = tpu.memref_squeeze %dma_start3A_406 : memref<1x80xi32, #tpu.memory_space<vmem>> -> memref<80xi32, #tpu.memory_space<vmem>>
        %dma_start3A_408 = tpu.memref_slice %arg3[%add3A_403] : memref<320000xi32, #tpu.memory_space<hbm>> -> memref<80xi32, #tpu.memory_space<hbm>>
        %dma_start3A_409 = arith.constant 0 : i32
        %dma_start3A_410 = tpu.memref_slice %arg6[%dma_start3A_404, %dma_start3A_409] : memref<3x80xi32, #tpu.memory_space<vmem>> -> memref<1x80xi32, #tpu.memory_space<vmem>>
        %dma_start3A_411 = tpu.memref_squeeze %dma_start3A_410 : memref<1x80xi32, #tpu.memory_space<vmem>> -> memref<80xi32, #tpu.memory_space<vmem>>
        %dma_start3A_412 = tpu.memref_slice %arg3[%add3A_403] : memref<320000xi32, #tpu.memory_space<hbm>> -> memref<80xi32, #tpu.memory_space<hbm>>
        tpu.enqueue_dma source(%dma_start3A_412 : memref<80xi32, #tpu.memory_space<hbm>>) target(%dma_start3A_411 : memref<80xi32, #tpu.memory_space<vmem>>) target_semaphore(%arg15 : memref<!tpu.dma_semaphore, #tpu.memory_space<semaphore_mem>>)
        %dma_start3A_413 = arith.constant 2 : i32
        %dma_start3A_414 = arith.constant 0 : i32
        %dma_start3A_415 = tpu.memref_slice %arg7[%dma_start3A_413, %dma_start3A_414] : memref<3x80xi32, #tpu.memory_space<vmem>> -> memref<1x80xi32, #tpu.memory_space<vmem>>
        %dma_start3A_416 = tpu.memref_squeeze %dma_start3A_415 : memref<1x80xi32, #tpu.memory_space<vmem>> -> memref<80xi32, #tpu.memory_space<vmem>>
        %dma_start3A_417 = tpu.memref_slice %arg4[%add3A_403] : memref<320000xi32, #tpu.memory_space<hbm>> -> memref<80xi32, #tpu.memory_space<hbm>>
        %dma_start3A_418 = arith.constant 0 : i32
        %dma_start3A_419 = tpu.memref_slice %arg7[%dma_start3A_413, %dma_start3A_418] : memref<3x80xi32, #tpu.memory_space<vmem>> -> memref<1x80xi32, #tpu.memory_space<vmem>>
        %dma_start3A_420 = tpu.memref_squeeze %dma_start3A_419 : memref<1x80xi32, #tpu.memory_space<vmem>> -> memref<80xi32, #tpu.memory_space<vmem>>
        %dma_start3A_421 = tpu.memref_slice %arg4[%add3A_403] : memref<320000xi32, #tpu.memory_space<hbm>> -> memref<80xi32, #tpu.memory_space<hbm>>
        tpu.enqueue_dma source(%dma_start3A_421 : memref<80xi32, #tpu.memory_space<hbm>>) target(%dma_start3A_420 : memref<80xi32, #tpu.memory_space<vmem>>) target_semaphore(%arg15 : memref<!tpu.dma_semaphore, #tpu.memory_space<semaphore_mem>>)
      } else {
      }
    }
    %scan3A_183 = arith.constant 41 : i32
    %dma_wait3A_184 = arith.constant 0 : i32
    %dma_wait3A_185 = arith.constant 0 : i32
    %dma_wait3A_186 = arith.constant 0 : i32
    %dma_wait3A_187 = arith.constant 0 : i32
    %dma_wait3A_188 = tpu.memref_slice %arg8[%dma_wait3A_185, %dma_wait3A_186, %dma_wait3A_187] : memref<3x80x128xf32, #tpu.memory_space<vmem>> -> memref<1x80x128xf32, #tpu.memory_space<vmem>>
    %dma_wait3A_189 = tpu.memref_squeeze %dma_wait3A_188 : memref<1x80x128xf32, #tpu.memory_space<vmem>> -> memref<80x128xf32, #tpu.memory_space<vmem>>
    %dma_wait3A_190 = arith.constant 0 : i32
    %dma_wait3A_191 = tpu.memref_slice %arg6[%dma_wait3A_184, %dma_wait3A_190] : memref<3x80xi32, #tpu.memory_space<vmem>> -> memref<1x80xi32, #tpu.memory_space<vmem>>
    %dma_wait3A_192 = tpu.memref_squeeze %dma_wait3A_191 : memref<1x80xi32, #tpu.memory_space<vmem>> -> memref<80xi32, #tpu.memory_space<vmem>>
    %dma_wait3A_193 = arith.constant 0 : i32
    %dma_wait3A_194 = arith.constant 0 : i32
    %dma_wait3A_195 = tpu.memref_slice %arg2[%dma_wait3A_193, %dma_wait3A_194] : memref<10240x128xf32, #tpu.memory_space<hbm>> -> memref<10240x128xf32, #tpu.memory_space<hbm>>
    tpu.wait_indirect_dma semaphore(%arg10 : memref<!tpu.dma_semaphore, #tpu.memory_space<semaphore_mem>>) src(%dma_wait3A_195 : memref<10240x128xf32, #tpu.memory_space<hbm>>) dst(%dma_wait3A_189 : memref<80x128xf32, #tpu.memory_space<vmem>>)
    %run_scoped3A_196 = arith.constant 0 : i32
    %run_scoped3A_197 = arith.constant 0 : i32
    "tpu.region"() ({
      %run_scoped3A_215 = tpu.sem_alloc : memref<!tpu.dma_semaphore, #tpu.memory_space<semaphore_mem>>
      %dma_start3A_216 = arith.constant 0 : i32
      %dma_start3A_217 = arith.constant 0 : i32
      %dma_start3A_218 = tpu.memref_slice %arg8[%run_scoped3A_196, %dma_start3A_216, %dma_start3A_217] : memref<3x80x128xf32, #tpu.memory_space<vmem>> -> memref<1x80x128xf32, #tpu.memory_space<vmem>>
      %dma_start3A_219 = tpu.memref_squeeze %dma_start3A_218 : memref<1x80x128xf32, #tpu.memory_space<vmem>> -> memref<80x128xf32, #tpu.memory_space<vmem>>
      %dma_start3A_220 = arith.constant 0 : i32
      %dma_start3A_221 = tpu.memref_slice %arg7[%run_scoped3A_197, %dma_start3A_220] : memref<3x80xi32, #tpu.memory_space<vmem>> -> memref<1x80xi32, #tpu.memory_space<vmem>>
      %dma_start3A_222 = tpu.memref_squeeze %dma_start3A_221 : memref<1x80xi32, #tpu.memory_space<vmem>> -> memref<80xi32, #tpu.memory_space<vmem>>
      %dma_start3A_223 = arith.constant 0 : i32
      %dma_start3A_224 = arith.constant 0 : i32
      %dma_start3A_225 = tpu.memref_slice %arg9[%dma_start3A_223, %dma_start3A_224] : memref<10240x128xf32, #tpu.memory_space<vmem_shared>> -> memref<10240x128xf32, #tpu.memory_space<vmem_shared>>
      tpu.enqueue_indirect_dma source(%dma_start3A_219 : memref<80x128xf32, #tpu.memory_space<vmem>>) target(%dma_start3A_225 : memref<10240x128xf32, #tpu.memory_space<vmem_shared>>) offsets(%dma_start3A_222 : memref<80xi32, #tpu.memory_space<vmem>>) semaphore(%run_scoped3A_215 : memref<!tpu.dma_semaphore, #tpu.memory_space<semaphore_mem>>) {add = true}
      %dma_wait3A_226 = arith.constant 0 : i32
      %dma_wait3A_227 = arith.constant 0 : i32
      %dma_wait3A_228 = tpu.memref_slice %arg8[%run_scoped3A_196, %dma_wait3A_226, %dma_wait3A_227] : memref<3x80x128xf32, #tpu.memory_space<vmem>> -> memref<1x80x128xf32, #tpu.memory_space<vmem>>
      %dma_wait3A_229 = tpu.memref_squeeze %dma_wait3A_228 : memref<1x80x128xf32, #tpu.memory_space<vmem>> -> memref<80x128xf32, #tpu.memory_space<vmem>>
      %dma_wait3A_230 = arith.constant 0 : i32
      %dma_wait3A_231 = tpu.memref_slice %arg7[%run_scoped3A_197, %dma_wait3A_230] : memref<3x80xi32, #tpu.memory_space<vmem>> -> memref<1x80xi32, #tpu.memory_space<vmem>>
      %dma_wait3A_232 = tpu.memref_squeeze %dma_wait3A_231 : memref<1x80xi32, #tpu.memory_space<vmem>> -> memref<80xi32, #tpu.memory_space<vmem>>
      %dma_wait3A_233 = arith.constant 0 : i32
      %dma_wait3A_234 = arith.constant 0 : i32
      %dma_wait3A_235 = tpu.memref_slice %arg9[%dma_wait3A_233, %dma_wait3A_234] : memref<10240x128xf32, #tpu.memory_space<vmem_shared>> -> memref<10240x128xf32, #tpu.memory_space<vmem_shared>>
      tpu.wait_indirect_dma semaphore(%run_scoped3A_215 : memref<!tpu.dma_semaphore, #tpu.memory_space<semaphore_mem>>) src(%dma_wait3A_229 : memref<80x128xf32, #tpu.memory_space<vmem>>) dst(%dma_wait3A_235 : memref<10240x128xf32, #tpu.memory_space<vmem_shared>>)
      tpu.yield
    }) : () -> ()
    %dma_wait3A_198 = arith.constant 1 : i32
    %dma_wait3A_199 = arith.constant 1 : i32
    %dma_wait3A_200 = arith.constant 0 : i32
    %dma_wait3A_201 = arith.constant 0 : i32
    %dma_wait3A_202 = tpu.memref_slice %arg8[%dma_wait3A_199, %dma_wait3A_200, %dma_wait3A_201] : memref<3x80x128xf32, #tpu.memory_space<vmem>> -> memref<1x80x128xf32, #tpu.memory_space<vmem>>
    %dma_wait3A_203 = tpu.memref_squeeze %dma_wait3A_202 : memref<1x80x128xf32, #tpu.memory_space<vmem>> -> memref<80x128xf32, #tpu.memory_space<vmem>>
    %dma_wait3A_204 = arith.constant 0 : i32
    %dma_wait3A_205 = tpu.memref_slice %arg6[%dma_wait3A_198, %dma_wait3A_204] : memref<3x80xi32, #tpu.memory_space<vmem>> -> memref<1x80xi32, #tpu.memory_space<vmem>>
    %dma_wait3A_206 = tpu.memref_squeeze %dma_wait3A_205 : memref<1x80xi32, #tpu.memory_space<vmem>> -> memref<80xi32, #tpu.memory_space<vmem>>
    %dma_wait3A_207 = arith.constant 0 : i32
    %dma_wait3A_208 = arith.constant 0 : i32
    %dma_wait3A_209 = tpu.memref_slice %arg2[%dma_wait3A_207, %dma_wait3A_208] : memref<10240x128xf32, #tpu.memory_space<hbm>> -> memref<10240x128xf32, #tpu.memory_space<hbm>>
    tpu.wait_indirect_dma semaphore(%arg11 : memref<!tpu.dma_semaphore, #tpu.memory_space<semaphore_mem>>) src(%dma_wait3A_209 : memref<10240x128xf32, #tpu.memory_space<hbm>>) dst(%dma_wait3A_203 : memref<80x128xf32, #tpu.memory_space<vmem>>)
    %run_scoped3A_210 = arith.constant 1 : i32
    %run_scoped3A_211 = arith.constant 1 : i32
    "tpu.region"() ({
      %run_scoped3A_215 = tpu.sem_alloc : memref<!tpu.dma_semaphore, #tpu.memory_space<semaphore_mem>>
      %dma_start3A_216 = arith.constant 0 : i32
      %dma_start3A_217 = arith.constant 0 : i32
      %dma_start3A_218 = tpu.memref_slice %arg8[%run_scoped3A_210, %dma_start3A_216, %dma_start3A_217] : memref<3x80x128xf32, #tpu.memory_space<vmem>> -> memref<1x80x128xf32, #tpu.memory_space<vmem>>
      %dma_start3A_219 = tpu.memref_squeeze %dma_start3A_218 : memref<1x80x128xf32, #tpu.memory_space<vmem>> -> memref<80x128xf32, #tpu.memory_space<vmem>>
      %dma_start3A_220 = arith.constant 0 : i32
      %dma_start3A_221 = tpu.memref_slice %arg7[%run_scoped3A_211, %dma_start3A_220] : memref<3x80xi32, #tpu.memory_space<vmem>> -> memref<1x80xi32, #tpu.memory_space<vmem>>
      %dma_start3A_222 = tpu.memref_squeeze %dma_start3A_221 : memref<1x80xi32, #tpu.memory_space<vmem>> -> memref<80xi32, #tpu.memory_space<vmem>>
      %dma_start3A_223 = arith.constant 0 : i32
      %dma_start3A_224 = arith.constant 0 : i32
      %dma_start3A_225 = tpu.memref_slice %arg9[%dma_start3A_223, %dma_start3A_224] : memref<10240x128xf32, #tpu.memory_space<vmem_shared>> -> memref<10240x128xf32, #tpu.memory_space<vmem_shared>>
      tpu.enqueue_indirect_dma source(%dma_start3A_219 : memref<80x128xf32, #tpu.memory_space<vmem>>) target(%dma_start3A_225 : memref<10240x128xf32, #tpu.memory_space<vmem_shared>>) offsets(%dma_start3A_222 : memref<80xi32, #tpu.memory_space<vmem>>) semaphore(%run_scoped3A_215 : memref<!tpu.dma_semaphore, #tpu.memory_space<semaphore_mem>>) {add = true}
      %dma_wait3A_226 = arith.constant 0 : i32
      %dma_wait3A_227 = arith.constant 0 : i32
      %dma_wait3A_228 = tpu.memref_slice %arg8[%run_scoped3A_210, %dma_wait3A_226, %dma_wait3A_227] : memref<3x80x128xf32, #tpu.memory_space<vmem>> -> memref<1x80x128xf32, #tpu.memory_space<vmem>>
      %dma_wait3A_229 = tpu.memref_squeeze %dma_wait3A_228 : memref<1x80x128xf32, #tpu.memory_space<vmem>> -> memref<80x128xf32, #tpu.memory_space<vmem>>
      %dma_wait3A_230 = arith.constant 0 : i32
      %dma_wait3A_231 = tpu.memref_slice %arg7[%run_scoped3A_211, %dma_wait3A_230] : memref<3x80xi32, #tpu.memory_space<vmem>> -> memref<1x80xi32, #tpu.memory_space<vmem>>
      %dma_wait3A_232 = tpu.memref_squeeze %dma_wait3A_231 : memref<1x80xi32, #tpu.memory_space<vmem>> -> memref<80xi32, #tpu.memory_space<vmem>>
      %dma_wait3A_233 = arith.constant 0 : i32
      %dma_wait3A_234 = arith.constant 0 : i32
      %dma_wait3A_235 = tpu.memref_slice %arg9[%dma_wait3A_233, %dma_wait3A_234] : memref<10240x128xf32, #tpu.memory_space<vmem_shared>> -> memref<10240x128xf32, #tpu.memory_space<vmem_shared>>
      tpu.wait_indirect_dma semaphore(%run_scoped3A_215 : memref<!tpu.dma_semaphore, #tpu.memory_space<semaphore_mem>>) src(%dma_wait3A_229 : memref<80x128xf32, #tpu.memory_space<vmem>>) dst(%dma_wait3A_235 : memref<10240x128xf32, #tpu.memory_space<vmem_shared>>)
      tpu.yield
    }) : () -> ()
    %barrier3A_212 = arith.constant 0 : index
    tpu.barrier barrier_id(%barrier3A_212)
    %mul3A_213 = arith.constant 640 : i32
    %mul3A_214 = arith.muli %arg1, %mul3A_213 : i32
    "tpu.region"() ({
      %run_scoped3A_215 = tpu.sem_alloc : memref<!tpu.dma_semaphore, #tpu.memory_space<semaphore_mem>>
      %dma_start3A_216 = arith.constant 0 : i32
      %dma_start3A_217 = tpu.memref_slice %arg5[%arg0, %mul3A_214, %dma_start3A_216] : memref<2x10240x128xf32, #tpu.memory_space<hbm>> -> memref<1x640x128xf32, #tpu.memory_space<hbm>>
      %dma_start3A_218 = tpu.memref_squeeze %dma_start3A_217 : memref<1x640x128xf32, #tpu.memory_space<hbm>> -> memref<640x128xf32, #tpu.memory_space<hbm>>
      %dma_start3A_219 = arith.constant 0 : i32
      %dma_start3A_220 = tpu.memref_slice %arg9[%mul3A_214, %dma_start3A_219] : memref<10240x128xf32, #tpu.memory_space<vmem_shared>> -> memref<640x128xf32, #tpu.memory_space<vmem_shared>>
      tpu.enqueue_dma source(%dma_start3A_220 : memref<640x128xf32, #tpu.memory_space<vmem_shared>>) target(%dma_start3A_218 : memref<640x128xf32, #tpu.memory_space<hbm>>) target_semaphore(%run_scoped3A_215 : memref<!tpu.dma_semaphore, #tpu.memory_space<semaphore_mem>>)
      %dma_wait3A_221 = arith.constant 0 : i32
      %dma_wait3A_222 = tpu.memref_slice %arg5[%arg0, %mul3A_214, %dma_wait3A_221] : memref<2x10240x128xf32, #tpu.memory_space<hbm>> -> memref<1x640x128xf32, #tpu.memory_space<hbm>>
      %dma_wait3A_223 = tpu.memref_squeeze %dma_wait3A_222 : memref<1x640x128xf32, #tpu.memory_space<hbm>> -> memref<640x128xf32, #tpu.memory_space<hbm>>
      %dma_wait3A_224 = arith.constant 0 : i32
      %dma_wait3A_225 = tpu.memref_slice %arg9[%mul3A_214, %dma_wait3A_224] : memref<10240x128xf32, #tpu.memory_space<vmem_shared>> -> memref<640x128xf32, #tpu.memory_space<vmem_shared>>
      tpu.wait_dma2 semaphore(%run_scoped3A_215 : memref<!tpu.dma_semaphore, #tpu.memory_space<semaphore_mem>>) src(%dma_wait3A_225 : memref<640x128xf32, #tpu.memory_space<vmem_shared>>) dst(%dma_wait3A_223 : memref<640x128xf32, #tpu.memory_space<hbm>>)
      tpu.yield
    }) : () -> ()
    return
  }
}

#map = affine_map<(d0, d1) -> (0)>
#map1 = affine_map<(d0, d1) -> (0, 0)>
module attributes {stable_mosaic.version = 14 : i64} {
  func.func @_sc_gather(%arg0: i32, %arg1: i32, %arg2: memref<10240xi32, #tpu.memory_space<hbm>>, %arg3: memref<10000x128xf32, #tpu.memory_space<hbm>>, %arg4: memref<10240x128xf32, #tpu.memory_space<hbm>>, %arg5: memref<320xi32, #tpu.memory_space<vmem>>, %arg6: memref<320x128xf32, #tpu.memory_space<vmem>>, %arg7: memref<!tpu.dma_semaphore, #tpu.memory_space<semaphore_mem>>) attributes {dimension_semantics = [#tpu.dimension_semantics<core_parallel>, #tpu.dimension_semantics<subcore_parallel>], iteration_bounds = array<i64: 2, 16>, scalar_prefetch = 0 : i64, scratch_operands = 3 : i64, tpu.core_type = #tpu.core_type<sc_vector_subcore>, window_params = [{transform_indices = #map}, {transform_indices = #map1}, {transform_indices = #map1}]} {
    %mul3A = arith.constant 2 : i32
    %mul3A_0 = arith.muli %arg1, %mul3A : i32
    %add3A = arith.addi %mul3A_0, %arg0 : i32
    %mul3A_1 = arith.constant 320 : i32
    %mul3A_2 = arith.muli %add3A, %mul3A_1 : i32
    "tpu.region"() ({
      %run_scoped3A = tpu.sem_alloc : memref<!tpu.dma_semaphore, #tpu.memory_space<semaphore_mem>>
      %dma_start3A_67 = tpu.memref_slice %arg2[%mul3A_2] : memref<10240xi32, #tpu.memory_space<hbm>> -> memref<320xi32, #tpu.memory_space<hbm>>
      %dma_start3A_68 = tpu.memref_slice %arg2[%mul3A_2] : memref<10240xi32, #tpu.memory_space<hbm>> -> memref<320xi32, #tpu.memory_space<hbm>>
      tpu.enqueue_dma source(%dma_start3A_68 : memref<320xi32, #tpu.memory_space<hbm>>) target(%arg5 : memref<320xi32, #tpu.memory_space<vmem>>) target_semaphore(%run_scoped3A : memref<!tpu.dma_semaphore, #tpu.memory_space<semaphore_mem>>)
      %dma_wait3A_69 = tpu.memref_slice %arg2[%mul3A_2] : memref<10240xi32, #tpu.memory_space<hbm>> -> memref<320xi32, #tpu.memory_space<hbm>>
      %dma_wait3A_70 = tpu.memref_slice %arg2[%mul3A_2] : memref<10240xi32, #tpu.memory_space<hbm>> -> memref<320xi32, #tpu.memory_space<hbm>>
      tpu.wait_dma2 semaphore(%run_scoped3A : memref<!tpu.dma_semaphore, #tpu.memory_space<semaphore_mem>>) src(%dma_wait3A_70 : memref<320xi32, #tpu.memory_space<hbm>>) dst(%arg5 : memref<320xi32, #tpu.memory_space<vmem>>)
      tpu.yield
    }) : () -> ()
    %dma_start3A = arith.constant 0 : i32
    %dma_start3A_3 = arith.constant 0 : i32
    %dma_start3A_4 = tpu.memref_slice %arg6[%dma_start3A, %dma_start3A_3] : memref<320x128xf32, #tpu.memory_space<vmem>> -> memref<80x128xf32, #tpu.memory_space<vmem>>
    %dma_start3A_5 = arith.constant 0 : i32
    %dma_start3A_6 = tpu.memref_slice %arg5[%dma_start3A_5] : memref<320xi32, #tpu.memory_space<vmem>> -> memref<80xi32, #tpu.memory_space<vmem>>
    %dma_start3A_7 = arith.constant 0 : i32
    %dma_start3A_8 = arith.constant 0 : i32
    %dma_start3A_9 = tpu.memref_slice %arg3[%dma_start3A_7, %dma_start3A_8] : memref<10000x128xf32, #tpu.memory_space<hbm>> -> memref<10000x128xf32, #tpu.memory_space<hbm>>
    tpu.enqueue_indirect_dma source(%dma_start3A_9 : memref<10000x128xf32, #tpu.memory_space<hbm>>) target(%dma_start3A_4 : memref<80x128xf32, #tpu.memory_space<vmem>>) offsets(%dma_start3A_6 : memref<80xi32, #tpu.memory_space<vmem>>) semaphore(%arg7 : memref<!tpu.dma_semaphore, #tpu.memory_space<semaphore_mem>>)
    %dma_start3A_10 = arith.constant 80 : i32
    %dma_start3A_11 = arith.constant 0 : i32
    %dma_start3A_12 = tpu.memref_slice %arg6[%dma_start3A_10, %dma_start3A_11] : memref<320x128xf32, #tpu.memory_space<vmem>> -> memref<80x128xf32, #tpu.memory_space<vmem>>
    %dma_start3A_13 = arith.constant 80 : i32
    %dma_start3A_14 = tpu.memref_slice %arg5[%dma_start3A_13] : memref<320xi32, #tpu.memory_space<vmem>> -> memref<80xi32, #tpu.memory_space<vmem>>
    %dma_start3A_15 = arith.constant 0 : i32
    %dma_start3A_16 = arith.constant 0 : i32
    %dma_start3A_17 = tpu.memref_slice %arg3[%dma_start3A_15, %dma_start3A_16] : memref<10000x128xf32, #tpu.memory_space<hbm>> -> memref<10000x128xf32, #tpu.memory_space<hbm>>
    tpu.enqueue_indirect_dma source(%dma_start3A_17 : memref<10000x128xf32, #tpu.memory_space<hbm>>) target(%dma_start3A_12 : memref<80x128xf32, #tpu.memory_space<vmem>>) offsets(%dma_start3A_14 : memref<80xi32, #tpu.memory_space<vmem>>) semaphore(%arg7 : memref<!tpu.dma_semaphore, #tpu.memory_space<semaphore_mem>>)
    %dma_start3A_18 = arith.constant 160 : i32
    %dma_start3A_19 = arith.constant 0 : i32
    %dma_start3A_20 = tpu.memref_slice %arg6[%dma_start3A_18, %dma_start3A_19] : memref<320x128xf32, #tpu.memory_space<vmem>> -> memref<80x128xf32, #tpu.memory_space<vmem>>
    %dma_start3A_21 = arith.constant 160 : i32
    %dma_start3A_22 = tpu.memref_slice %arg5[%dma_start3A_21] : memref<320xi32, #tpu.memory_space<vmem>> -> memref<80xi32, #tpu.memory_space<vmem>>
    %dma_start3A_23 = arith.constant 0 : i32
    %dma_start3A_24 = arith.constant 0 : i32
    %dma_start3A_25 = tpu.memref_slice %arg3[%dma_start3A_23, %dma_start3A_24] : memref<10000x128xf32, #tpu.memory_space<hbm>> -> memref<10000x128xf32, #tpu.memory_space<hbm>>
    tpu.enqueue_indirect_dma source(%dma_start3A_25 : memref<10000x128xf32, #tpu.memory_space<hbm>>) target(%dma_start3A_20 : memref<80x128xf32, #tpu.memory_space<vmem>>) offsets(%dma_start3A_22 : memref<80xi32, #tpu.memory_space<vmem>>) semaphore(%arg7 : memref<!tpu.dma_semaphore, #tpu.memory_space<semaphore_mem>>)
    %dma_start3A_26 = arith.constant 240 : i32
    %dma_start3A_27 = arith.constant 0 : i32
    %dma_start3A_28 = tpu.memref_slice %arg6[%dma_start3A_26, %dma_start3A_27] : memref<320x128xf32, #tpu.memory_space<vmem>> -> memref<80x128xf32, #tpu.memory_space<vmem>>
    %dma_start3A_29 = arith.constant 240 : i32
    %dma_start3A_30 = tpu.memref_slice %arg5[%dma_start3A_29] : memref<320xi32, #tpu.memory_space<vmem>> -> memref<80xi32, #tpu.memory_space<vmem>>
    %dma_start3A_31 = arith.constant 0 : i32
    %dma_start3A_32 = arith.constant 0 : i32
    %dma_start3A_33 = tpu.memref_slice %arg3[%dma_start3A_31, %dma_start3A_32] : memref<10000x128xf32, #tpu.memory_space<hbm>> -> memref<10000x128xf32, #tpu.memory_space<hbm>>
    tpu.enqueue_indirect_dma source(%dma_start3A_33 : memref<10000x128xf32, #tpu.memory_space<hbm>>) target(%dma_start3A_28 : memref<80x128xf32, #tpu.memory_space<vmem>>) offsets(%dma_start3A_30 : memref<80xi32, #tpu.memory_space<vmem>>) semaphore(%arg7 : memref<!tpu.dma_semaphore, #tpu.memory_space<semaphore_mem>>)
    %dma_wait3A = arith.constant 0 : i32
    %dma_wait3A_34 = arith.constant 0 : i32
    %dma_wait3A_35 = tpu.memref_slice %arg6[%dma_wait3A, %dma_wait3A_34] : memref<320x128xf32, #tpu.memory_space<vmem>> -> memref<80x128xf32, #tpu.memory_space<vmem>>
    %dma_wait3A_36 = arith.constant 0 : i32
    %dma_wait3A_37 = tpu.memref_slice %arg5[%dma_wait3A_36] : memref<320xi32, #tpu.memory_space<vmem>> -> memref<80xi32, #tpu.memory_space<vmem>>
    %dma_wait3A_38 = arith.constant 0 : i32
    %dma_wait3A_39 = arith.constant 0 : i32
    %dma_wait3A_40 = tpu.memref_slice %arg3[%dma_wait3A_38, %dma_wait3A_39] : memref<10000x128xf32, #tpu.memory_space<hbm>> -> memref<10000x128xf32, #tpu.memory_space<hbm>>
    tpu.wait_indirect_dma semaphore(%arg7 : memref<!tpu.dma_semaphore, #tpu.memory_space<semaphore_mem>>) src(%dma_wait3A_40 : memref<10000x128xf32, #tpu.memory_space<hbm>>) dst(%dma_wait3A_35 : memref<80x128xf32, #tpu.memory_space<vmem>>)
    %dma_wait3A_41 = arith.constant 80 : i32
    %dma_wait3A_42 = arith.constant 0 : i32
    %dma_wait3A_43 = tpu.memref_slice %arg6[%dma_wait3A_41, %dma_wait3A_42] : memref<320x128xf32, #tpu.memory_space<vmem>> -> memref<80x128xf32, #tpu.memory_space<vmem>>
    %dma_wait3A_44 = arith.constant 80 : i32
    %dma_wait3A_45 = tpu.memref_slice %arg5[%dma_wait3A_44] : memref<320xi32, #tpu.memory_space<vmem>> -> memref<80xi32, #tpu.memory_space<vmem>>
    %dma_wait3A_46 = arith.constant 0 : i32
    %dma_wait3A_47 = arith.constant 0 : i32
    %dma_wait3A_48 = tpu.memref_slice %arg3[%dma_wait3A_46, %dma_wait3A_47] : memref<10000x128xf32, #tpu.memory_space<hbm>> -> memref<10000x128xf32, #tpu.memory_space<hbm>>
    tpu.wait_indirect_dma semaphore(%arg7 : memref<!tpu.dma_semaphore, #tpu.memory_space<semaphore_mem>>) src(%dma_wait3A_48 : memref<10000x128xf32, #tpu.memory_space<hbm>>) dst(%dma_wait3A_43 : memref<80x128xf32, #tpu.memory_space<vmem>>)
    %dma_wait3A_49 = arith.constant 160 : i32
    %dma_wait3A_50 = arith.constant 0 : i32
    %dma_wait3A_51 = tpu.memref_slice %arg6[%dma_wait3A_49, %dma_wait3A_50] : memref<320x128xf32, #tpu.memory_space<vmem>> -> memref<80x128xf32, #tpu.memory_space<vmem>>
    %dma_wait3A_52 = arith.constant 160 : i32
    %dma_wait3A_53 = tpu.memref_slice %arg5[%dma_wait3A_52] : memref<320xi32, #tpu.memory_space<vmem>> -> memref<80xi32, #tpu.memory_space<vmem>>
    %dma_wait3A_54 = arith.constant 0 : i32
    %dma_wait3A_55 = arith.constant 0 : i32
    %dma_wait3A_56 = tpu.memref_slice %arg3[%dma_wait3A_54, %dma_wait3A_55] : memref<10000x128xf32, #tpu.memory_space<hbm>> -> memref<10000x128xf32, #tpu.memory_space<hbm>>
    tpu.wait_indirect_dma semaphore(%arg7 : memref<!tpu.dma_semaphore, #tpu.memory_space<semaphore_mem>>) src(%dma_wait3A_56 : memref<10000x128xf32, #tpu.memory_space<hbm>>) dst(%dma_wait3A_51 : memref<80x128xf32, #tpu.memory_space<vmem>>)
    %dma_wait3A_57 = arith.constant 240 : i32
    %dma_wait3A_58 = arith.constant 0 : i32
    %dma_wait3A_59 = tpu.memref_slice %arg6[%dma_wait3A_57, %dma_wait3A_58] : memref<320x128xf32, #tpu.memory_space<vmem>> -> memref<80x128xf32, #tpu.memory_space<vmem>>
    %dma_wait3A_60 = arith.constant 240 : i32
    %dma_wait3A_61 = tpu.memref_slice %arg5[%dma_wait3A_60] : memref<320xi32, #tpu.memory_space<vmem>> -> memref<80xi32, #tpu.memory_space<vmem>>
    %dma_wait3A_62 = arith.constant 0 : i32
    %dma_wait3A_63 = arith.constant 0 : i32
    %dma_wait3A_64 = tpu.memref_slice %arg3[%dma_wait3A_62, %dma_wait3A_63] : memref<10000x128xf32, #tpu.memory_space<hbm>> -> memref<10000x128xf32, #tpu.memory_space<hbm>>
    tpu.wait_indirect_dma semaphore(%arg7 : memref<!tpu.dma_semaphore, #tpu.memory_space<semaphore_mem>>) src(%dma_wait3A_64 : memref<10000x128xf32, #tpu.memory_space<hbm>>) dst(%dma_wait3A_59 : memref<80x128xf32, #tpu.memory_space<vmem>>)
    %mul3A_65 = arith.constant 320 : i32
    %mul3A_66 = arith.muli %add3A, %mul3A_65 : i32
    "tpu.region"() ({
      %run_scoped3A = tpu.sem_alloc : memref<!tpu.dma_semaphore, #tpu.memory_space<semaphore_mem>>
      %dma_start3A_67 = arith.constant 0 : i32
      %dma_start3A_68 = tpu.memref_slice %arg4[%mul3A_66, %dma_start3A_67] : memref<10240x128xf32, #tpu.memory_space<hbm>> -> memref<320x128xf32, #tpu.memory_space<hbm>>
      %dma_start3A_69 = arith.constant 0 : i32
      %dma_start3A_70 = tpu.memref_slice %arg4[%mul3A_66, %dma_start3A_69] : memref<10240x128xf32, #tpu.memory_space<hbm>> -> memref<320x128xf32, #tpu.memory_space<hbm>>
      tpu.enqueue_dma source(%arg6 : memref<320x128xf32, #tpu.memory_space<vmem>>) target(%dma_start3A_70 : memref<320x128xf32, #tpu.memory_space<hbm>>) target_semaphore(%run_scoped3A : memref<!tpu.dma_semaphore, #tpu.memory_space<semaphore_mem>>)
      %dma_wait3A_71 = arith.constant 0 : i32
      %dma_wait3A_72 = tpu.memref_slice %arg4[%mul3A_66, %dma_wait3A_71] : memref<10240x128xf32, #tpu.memory_space<hbm>> -> memref<320x128xf32, #tpu.memory_space<hbm>>
      %dma_wait3A_73 = arith.constant 0 : i32
      %dma_wait3A_74 = tpu.memref_slice %arg4[%mul3A_66, %dma_wait3A_73] : memref<10240x128xf32, #tpu.memory_space<hbm>> -> memref<320x128xf32, #tpu.memory_space<hbm>>
      tpu.wait_dma2 semaphore(%run_scoped3A : memref<!tpu.dma_semaphore, #tpu.memory_space<semaphore_mem>>) src(%arg6 : memref<320x128xf32, #tpu.memory_space<vmem>>) dst(%dma_wait3A_74 : memref<320x128xf32, #tpu.memory_space<hbm>>)
      tpu.yield
    }) : () -> ()
    return
  }
}

#map = affine_map<(d0, d1) -> (0, 0)>
#map1 = affine_map<(d0, d1) -> (0)>
#map2 = affine_map<(d0, d1) -> (0, 0, 0)>
module attributes {stable_mosaic.version = 14 : i64} {
  func.func @_sc_edge(%arg0: i32, %arg1: i32, %arg2: memref<10240x128xf32, #tpu.memory_space<hbm>>, %arg3: memref<320000xi32, #tpu.memory_space<hbm>>, %arg4: memref<320000xi32, #tpu.memory_space<hbm>>, %arg5: memref<2x10240x128xf32, #tpu.memory_space<hbm>>, %arg6: memref<3x80xi32, #tpu.memory_space<vmem>>, %arg7: memref<3x80xi32, #tpu.memory_space<vmem>>, %arg8: memref<3x80x128xf32, #tpu.memory_space<vmem>>, %arg9: memref<10240x128xf32, #tpu.memory_space<vmem_shared>>, %arg10: memref<!tpu.dma_semaphore, #tpu.memory_space<semaphore_mem>>, %arg11: memref<!tpu.dma_semaphore, #tpu.memory_space<semaphore_mem>>, %arg12: memref<!tpu.dma_semaphore, #tpu.memory_space<semaphore_mem>>, %arg13: memref<!tpu.dma_semaphore, #tpu.memory_space<semaphore_mem>>, %arg14: memref<!tpu.dma_semaphore, #tpu.memory_space<semaphore_mem>>, %arg15: memref<!tpu.dma_semaphore, #tpu.memory_space<semaphore_mem>>) attributes {dimension_semantics = [#tpu.dimension_semantics<core_parallel>, #tpu.dimension_semantics<subcore_parallel>], iteration_bounds = array<i64: 2, 16>, scalar_prefetch = 0 : i64, scratch_operands = 10 : i64, tpu.core_type = #tpu.core_type<sc_vector_subcore>, window_params = [{transform_indices = #map}, {transform_indices = #map1}, {transform_indices = #map1}, {transform_indices = #map2}]} {
    %mul3A = arith.constant 2 : i32
    %mul3A_0 = arith.muli %arg1, %mul3A : i32
    %add3A = arith.addi %mul3A_0, %arg0 : i32
    %broadcast_in_dim3A = arith.constant 0.000000e+00 : f32
    %broadcast_in_dim3A_1 = vector.broadcast %broadcast_in_dim3A : f32 to vector<16xf32>
    %scan3A = arith.constant 0 : i32
    %scan3A_2 = arith.constant 0 : i32
    %scan3A_3 = arith.constant 80 : i32
    %scan3A_4 = arith.addi %scan3A_2, %scan3A_3 : i32
    %scan3A_5 = arith.constant 1 : i32
    scf.for %scan3A_215 = %scan3A_2 to %scan3A_4 step %scan3A_5  : i32 {
      %swap3A = arith.constant 0 : i32
      %swap3A_216 = arith.index_cast %swap3A : i32 to index
      %swap3A_217 = arith.index_cast %scan3A_215 : i32 to index
      %swap3A_218 = arith.constant 0 : index
      %swap3A_219 = tpu.vector_load %arg8[%swap3A_216, %swap3A_217, %swap3A_218] {strides = array<i32>} : memref<3x80x128xf32, #tpu.memory_space<vmem>>, vector<16xf32>,
      tpu.vector_store %arg8[%swap3A_216, %swap3A_217, %swap3A_218], %broadcast_in_dim3A_1 {strides = array<i32>} : memref<3x80x128xf32, #tpu.memory_space<vmem>>, vector<16xf32>,
      %swap3A_220 = arith.constant 0 : i32
      %swap3A_221 = arith.index_cast %swap3A_220 : i32 to index
      %swap3A_222 = arith.index_cast %scan3A_215 : i32 to index
      %swap3A_223 = arith.constant 16 : index
      %swap3A_224 = tpu.vector_load %arg8[%swap3A_221, %swap3A_222, %swap3A_223] {strides = array<i32>} : memref<3x80x128xf32, #tpu.memory_space<vmem>>, vector<16xf32>,
      tpu.vector_store %arg8[%swap3A_221, %swap3A_222, %swap3A_223], %broadcast_in_dim3A_1 {strides = array<i32>} : memref<3x80x128xf32, #tpu.memory_space<vmem>>, vector<16xf32>,
      %swap3A_225 = arith.constant 0 : i32
      %swap3A_226 = arith.index_cast %swap3A_225 : i32 to index
      %swap3A_227 = arith.index_cast %scan3A_215 : i32 to index
      %swap3A_228 = arith.constant 32 : index
      %swap3A_229 = tpu.vector_load %arg8[%swap3A_226, %swap3A_227, %swap3A_228] {strides = array<i32>} : memref<3x80x128xf32, #tpu.memory_space<vmem>>, vector<16xf32>,
      tpu.vector_store %arg8[%swap3A_226, %swap3A_227, %swap3A_228], %broadcast_in_dim3A_1 {strides = array<i32>} : memref<3x80x128xf32, #tpu.memory_space<vmem>>, vector<16xf32>,
      %swap3A_230 = arith.constant 0 : i32
      %swap3A_231 = arith.index_cast %swap3A_230 : i32 to index
      %swap3A_232 = arith.index_cast %scan3A_215 : i32 to index
      %swap3A_233 = arith.constant 48 : index
      %swap3A_234 = tpu.vector_load %arg8[%swap3A_231, %swap3A_232, %swap3A_233] {strides = array<i32>} : memref<3x80x128xf32, #tpu.memory_space<vmem>>, vector<16xf32>,
      tpu.vector_store %arg8[%swap3A_231, %swap3A_232, %swap3A_233], %broadcast_in_dim3A_1 {strides = array<i32>} : memref<3x80x128xf32, #tpu.memory_space<vmem>>, vector<16xf32>,
      %swap3A_235 = arith.constant 0 : i32
      %swap3A_236 = arith.index_cast %swap3A_235 : i32 to index
      %swap3A_237 = arith.index_cast %scan3A_215 : i32 to index
      %swap3A_238 = arith.constant 64 : index
      %swap3A_239 = tpu.vector_load %arg8[%swap3A_236, %swap3A_237, %swap3A_238] {strides = array<i32>} : memref<3x80x128xf32, #tpu.memory_space<vmem>>, vector<16xf32>,
      tpu.vector_store %arg8[%swap3A_236, %swap3A_237, %swap3A_238], %broadcast_in_dim3A_1 {strides = array<i32>} : memref<3x80x128xf32, #tpu.memory_space<vmem>>, vector<16xf32>,
      %swap3A_240 = arith.constant 0 : i32
      %swap3A_241 = arith.index_cast %swap3A_240 : i32 to index
      %swap3A_242 = arith.index_cast %scan3A_215 : i32 to index
      %swap3A_243 = arith.constant 80 : index
      %swap3A_244 = tpu.vector_load %arg8[%swap3A_241, %swap3A_242, %swap3A_243] {strides = array<i32>} : memref<3x80x128xf32, #tpu.memory_space<vmem>>, vector<16xf32>,
      tpu.vector_store %arg8[%swap3A_241, %swap3A_242, %swap3A_243], %broadcast_in_dim3A_1 {strides = array<i32>} : memref<3x80x128xf32, #tpu.memory_space<vmem>>, vector<16xf32>,
      %swap3A_245 = arith.constant 0 : i32
      %swap3A_246 = arith.index_cast %swap3A_245 : i32 to index
      %swap3A_247 = arith.index_cast %scan3A_215 : i32 to index
      %swap3A_248 = arith.constant 96 : index
      %swap3A_249 = tpu.vector_load %arg8[%swap3A_246, %swap3A_247, %swap3A_248] {strides = array<i32>} : memref<3x80x128xf32, #tpu.memory_space<vmem>>, vector<16xf32>,
      tpu.vector_store %arg8[%swap3A_246, %swap3A_247, %swap3A_248], %broadcast_in_dim3A_1 {strides = array<i32>} : memref<3x80x128xf32, #tpu.memory_space<vmem>>, vector<16xf32>,
      %swap3A_250 = arith.constant 0 : i32
      %swap3A_251 = arith.index_cast %swap3A_250 : i32 to index
      %swap3A_252 = arith.index_cast %scan3A_215 : i32 to index
      %swap3A_253 = arith.constant 112 : index
      %swap3A_254 = tpu.vector_load %arg8[%swap3A_251, %swap3A_252, %swap3A_253] {strides = array<i32>} : memref<3x80x128xf32, #tpu.memory_space<vmem>>, vector<16xf32>,
      tpu.vector_store %arg8[%swap3A_251, %swap3A_252, %swap3A_253], %broadcast_in_dim3A_1 {strides = array<i32>} : memref<3x80x128xf32, #tpu.memory_space<vmem>>, vector<16xf32>,
    }
    %scan3A_6 = arith.constant 80 : i32
    %mul3A_7 = arith.constant 640 : i32
    %mul3A_8 = arith.muli %arg1, %mul3A_7 : i32
    %add3A_9 = arith.constant 0 : i32
    %add3A_10 = arith.addi %mul3A_8, %add3A_9 : i32
    %run_scoped3A = arith.constant 0 : i32
    "tpu.region"() ({
      %run_scoped3A_215 = tpu.sem_alloc : memref<!tpu.dma_semaphore, #tpu.memory_space<semaphore_mem>>
      %dma_start3A_216 = arith.constant 0 : i32
      %dma_start3A_217 = arith.constant 0 : i32
      %dma_start3A_218 = tpu.memref_slice %arg8[%run_scoped3A, %dma_start3A_216, %dma_start3A_217] : memref<3x80x128xf32, #tpu.memory_space<vmem>> -> memref<1x80x128xf32, #tpu.memory_space<vmem>>
      %dma_start3A_219 = tpu.memref_squeeze %dma_start3A_218 : memref<1x80x128xf32, #tpu.memory_space<vmem>> -> memref<80x128xf32, #tpu.memory_space<vmem>>
      %dma_start3A_220 = arith.constant 0 : i32
      %dma_start3A_221 = tpu.memref_slice %arg9[%add3A_10, %dma_start3A_220] : memref<10240x128xf32, #tpu.memory_space<vmem_shared>> -> memref<80x128xf32, #tpu.memory_space<vmem_shared>>
      %dma_start3A_222 = arith.constant 0 : i32
      %dma_start3A_223 = tpu.memref_slice %arg9[%add3A_10, %dma_start3A_222] : memref<10240x128xf32, #tpu.memory_space<vmem_shared>> -> memref<80x128xf32, #tpu.memory_space<vmem_shared>>
      %dma_start3A_224 = arith.constant 0 : i32
      %dma_start3A_225 = arith.constant 0 : i32
      %dma_start3A_226 = tpu.memref_slice %arg8[%run_scoped3A, %dma_start3A_224, %dma_start3A_225] : memref<3x80x128xf32, #tpu.memory_space<vmem>> -> memref<1x80x128xf32, #tpu.memory_space<vmem>>
      %dma_start3A_227 = tpu.memref_squeeze %dma_start3A_226 : memref<1x80x128xf32, #tpu.memory_space<vmem>> -> memref<80x128xf32, #tpu.memory_space<vmem>>
      tpu.enqueue_dma source(%dma_start3A_227 : memref<80x128xf32, #tpu.memory_space<vmem>>) target(%dma_start3A_223 : memref<80x128xf32, #tpu.memory_space<vmem_shared>>) target_semaphore(%run_scoped3A_215 : memref<!tpu.dma_semaphore, #tpu.memory_space<semaphore_mem>>)
      %dma_wait3A_228 = arith.constant 0 : i32
      %dma_wait3A_229 = arith.constant 0 : i32
      %dma_wait3A_230 = tpu.memref_slice %arg8[%run_scoped3A, %dma_wait3A_228, %dma_wait3A_229] : memref<3x80x128xf32, #tpu.memory_space<vmem>> -> memref<1x80x128xf32, #tpu.memory_space<vmem>>
      %dma_wait3A_231 = tpu.memref_squeeze %dma_wait3A_230 : memref<1x80x128xf32, #tpu.memory_space<vmem>> -> memref<80x128xf32, #tpu.memory_space<vmem>>
      %dma_wait3A_232 = arith.constant 0 : i32
      %dma_wait3A_233 = tpu.memref_slice %arg9[%add3A_10, %dma_wait3A_232] : memref<10240x128xf32, #tpu.memory_space<vmem_shared>> -> memref<80x128xf32, #tpu.memory_space<vmem_shared>>
      %dma_wait3A_234 = arith.constant 0 : i32
      %dma_wait3A_235 = tpu.memref_slice %arg9[%add3A_10, %dma_wait3A_234] : memref<10240x128xf32, #tpu.memory_space<vmem_shared>> -> memref<80x128xf32, #tpu.memory_space<vmem_shared>>
      %dma_wait3A_236 = arith.constant 0 : i32
      %dma_wait3A_237 = arith.constant 0 : i32
      %dma_wait3A_238 = tpu.memref_slice %arg8[%run_scoped3A, %dma_wait3A_236, %dma_wait3A_237] : memref<3x80x128xf32, #tpu.memory_space<vmem>> -> memref<1x80x128xf32, #tpu.memory_space<vmem>>
      %dma_wait3A_239 = tpu.memref_squeeze %dma_wait3A_238 : memref<1x80x128xf32, #tpu.memory_space<vmem>> -> memref<80x128xf32, #tpu.memory_space<vmem>>
      tpu.wait_dma2 semaphore(%run_scoped3A_215 : memref<!tpu.dma_semaphore, #tpu.memory_space<semaphore_mem>>) src(%dma_wait3A_239 : memref<80x128xf32, #tpu.memory_space<vmem>>) dst(%dma_wait3A_235 : memref<80x128xf32, #tpu.memory_space<vmem_shared>>)
      tpu.yield
    }) : () -> ()
    %mul3A_11 = arith.constant 640 : i32
    %mul3A_12 = arith.muli %arg1, %mul3A_11 : i32
    %add3A_13 = arith.constant 80 : i32
    %add3A_14 = arith.addi %mul3A_12, %add3A_13 : i32
    %run_scoped3A_15 = arith.constant 0 : i32
    "tpu.region"() ({
      %run_scoped3A_215 = tpu.sem_alloc : memref<!tpu.dma_semaphore, #tpu.memory_space<semaphore_mem>>
      %dma_start3A_216 = arith.constant 0 : i32
      %dma_start3A_217 = arith.constant 0 : i32
      %dma_start3A_218 = tpu.memref_slice %arg8[%run_scoped3A_15, %dma_start3A_216, %dma_start3A_217] : memref<3x80x128xf32, #tpu.memory_space<vmem>> -> memref<1x80x128xf32, #tpu.memory_space<vmem>>
      %dma_start3A_219 = tpu.memref_squeeze %dma_start3A_218 : memref<1x80x128xf32, #tpu.memory_space<vmem>> -> memref<80x128xf32, #tpu.memory_space<vmem>>
      %dma_start3A_220 = arith.constant 0 : i32
      %dma_start3A_221 = tpu.memref_slice %arg9[%add3A_14, %dma_start3A_220] : memref<10240x128xf32, #tpu.memory_space<vmem_shared>> -> memref<80x128xf32, #tpu.memory_space<vmem_shared>>
      %dma_start3A_222 = arith.constant 0 : i32
      %dma_start3A_223 = tpu.memref_slice %arg9[%add3A_14, %dma_start3A_222] : memref<10240x128xf32, #tpu.memory_space<vmem_shared>> -> memref<80x128xf32, #tpu.memory_space<vmem_shared>>
      %dma_start3A_224 = arith.constant 0 : i32
      %dma_start3A_225 = arith.constant 0 : i32
      %dma_start3A_226 = tpu.memref_slice %arg8[%run_scoped3A_15, %dma_start3A_224, %dma_start3A_225] : memref<3x80x128xf32, #tpu.memory_space<vmem>> -> memref<1x80x128xf32, #tpu.memory_space<vmem>>
      %dma_start3A_227 = tpu.memref_squeeze %dma_start3A_226 : memref<1x80x128xf32, #tpu.memory_space<vmem>> -> memref<80x128xf32, #tpu.memory_space<vmem>>
      tpu.enqueue_dma source(%dma_start3A_227 : memref<80x128xf32, #tpu.memory_space<vmem>>) target(%dma_start3A_223 : memref<80x128xf32, #tpu.memory_space<vmem_shared>>) target_semaphore(%run_scoped3A_215 : memref<!tpu.dma_semaphore, #tpu.memory_space<semaphore_mem>>)
      %dma_wait3A_228 = arith.constant 0 : i32
      %dma_wait3A_229 = arith.constant 0 : i32
      %dma_wait3A_230 = tpu.memref_slice %arg8[%run_scoped3A_15, %dma_wait3A_228, %dma_wait3A_229] : memref<3x80x128xf32, #tpu.memory_space<vmem>> -> memref<1x80x128xf32, #tpu.memory_space<vmem>>
      %dma_wait3A_231 = tpu.memref_squeeze %dma_wait3A_230 : memref<1x80x128xf32, #tpu.memory_space<vmem>> -> memref<80x128xf32, #tpu.memory_space<vmem>>
      %dma_wait3A_232 = arith.constant 0 : i32
      %dma_wait3A_233 = tpu.memref_slice %arg9[%add3A_14, %dma_wait3A_232] : memref<10240x128xf32, #tpu.memory_space<vmem_shared>> -> memref<80x128xf32, #tpu.memory_space<vmem_shared>>
      %dma_wait3A_234 = arith.constant 0 : i32
      %dma_wait3A_235 = tpu.memref_slice %arg9[%add3A_14, %dma_wait3A_234] : memref<10240x128xf32, #tpu.memory_space<vmem_shared>> -> memref<80x128xf32, #tpu.memory_space<vmem_shared>>
      %dma_wait3A_236 = arith.constant 0 : i32
      %dma_wait3A_237 = arith.constant 0 : i32
      %dma_wait3A_238 = tpu.memref_slice %arg8[%run_scoped3A_15, %dma_wait3A_236, %dma_wait3A_237] : memref<3x80x128xf32, #tpu.memory_space<vmem>> -> memref<1x80x128xf32, #tpu.memory_space<vmem>>
      %dma_wait3A_239 = tpu.memref_squeeze %dma_wait3A_238 : memref<1x80x128xf32, #tpu.memory_space<vmem>> -> memref<80x128xf32, #tpu.memory_space<vmem>>
      tpu.wait_dma2 semaphore(%run_scoped3A_215 : memref<!tpu.dma_semaphore, #tpu.memory_space<semaphore_mem>>) src(%dma_wait3A_239 : memref<80x128xf32, #tpu.memory_space<vmem>>) dst(%dma_wait3A_235 : memref<80x128xf32, #tpu.memory_space<vmem_shared>>)
      tpu.yield
    }) : () -> ()
    %mul3A_16 = arith.constant 640 : i32
    %mul3A_17 = arith.muli %arg1, %mul3A_16 : i32
    %add3A_18 = arith.constant 160 : i32
    %add3A_19 = arith.addi %mul3A_17, %add3A_18 : i32
    %run_scoped3A_20 = arith.constant 0 : i32
    "tpu.region"() ({
      %run_scoped3A_215 = tpu.sem_alloc : memref<!tpu.dma_semaphore, #tpu.memory_space<semaphore_mem>>
      %dma_start3A_216 = arith.constant 0 : i32
      %dma_start3A_217 = arith.constant 0 : i32
      %dma_start3A_218 = tpu.memref_slice %arg8[%run_scoped3A_20, %dma_start3A_216, %dma_start3A_217] : memref<3x80x128xf32, #tpu.memory_space<vmem>> -> memref<1x80x128xf32, #tpu.memory_space<vmem>>
      %dma_start3A_219 = tpu.memref_squeeze %dma_start3A_218 : memref<1x80x128xf32, #tpu.memory_space<vmem>> -> memref<80x128xf32, #tpu.memory_space<vmem>>
      %dma_start3A_220 = arith.constant 0 : i32
      %dma_start3A_221 = tpu.memref_slice %arg9[%add3A_19, %dma_start3A_220] : memref<10240x128xf32, #tpu.memory_space<vmem_shared>> -> memref<80x128xf32, #tpu.memory_space<vmem_shared>>
      %dma_start3A_222 = arith.constant 0 : i32
      %dma_start3A_223 = tpu.memref_slice %arg9[%add3A_19, %dma_start3A_222] : memref<10240x128xf32, #tpu.memory_space<vmem_shared>> -> memref<80x128xf32, #tpu.memory_space<vmem_shared>>
      %dma_start3A_224 = arith.constant 0 : i32
      %dma_start3A_225 = arith.constant 0 : i32
      %dma_start3A_226 = tpu.memref_slice %arg8[%run_scoped3A_20, %dma_start3A_224, %dma_start3A_225] : memref<3x80x128xf32, #tpu.memory_space<vmem>> -> memref<1x80x128xf32, #tpu.memory_space<vmem>>
      %dma_start3A_227 = tpu.memref_squeeze %dma_start3A_226 : memref<1x80x128xf32, #tpu.memory_space<vmem>> -> memref<80x128xf32, #tpu.memory_space<vmem>>
      tpu.enqueue_dma source(%dma_start3A_227 : memref<80x128xf32, #tpu.memory_space<vmem>>) target(%dma_start3A_223 : memref<80x128xf32, #tpu.memory_space<vmem_shared>>) target_semaphore(%run_scoped3A_215 : memref<!tpu.dma_semaphore, #tpu.memory_space<semaphore_mem>>)
      %dma_wait3A_228 = arith.constant 0 : i32
      %dma_wait3A_229 = arith.constant 0 : i32
      %dma_wait3A_230 = tpu.memref_slice %arg8[%run_scoped3A_20, %dma_wait3A_228, %dma_wait3A_229] : memref<3x80x128xf32, #tpu.memory_space<vmem>> -> memref<1x80x128xf32, #tpu.memory_space<vmem>>
      %dma_wait3A_231 = tpu.memref_squeeze %dma_wait3A_230 : memref<1x80x128xf32, #tpu.memory_space<vmem>> -> memref<80x128xf32, #tpu.memory_space<vmem>>
      %dma_wait3A_232 = arith.constant 0 : i32
      %dma_wait3A_233 = tpu.memref_slice %arg9[%add3A_19, %dma_wait3A_232] : memref<10240x128xf32, #tpu.memory_space<vmem_shared>> -> memref<80x128xf32, #tpu.memory_space<vmem_shared>>
      %dma_wait3A_234 = arith.constant 0 : i32
      %dma_wait3A_235 = tpu.memref_slice %arg9[%add3A_19, %dma_wait3A_234] : memref<10240x128xf32, #tpu.memory_space<vmem_shared>> -> memref<80x128xf32, #tpu.memory_space<vmem_shared>>
      %dma_wait3A_236 = arith.constant 0 : i32
      %dma_wait3A_237 = arith.constant 0 : i32
      %dma_wait3A_238 = tpu.memref_slice %arg8[%run_scoped3A_20, %dma_wait3A_236, %dma_wait3A_237] : memref<3x80x128xf32, #tpu.memory_space<vmem>> -> memref<1x80x128xf32, #tpu.memory_space<vmem>>
      %dma_wait3A_239 = tpu.memref_squeeze %dma_wait3A_238 : memref<1x80x128xf32, #tpu.memory_space<vmem>> -> memref<80x128xf32, #tpu.memory_space<vmem>>
      tpu.wait_dma2 semaphore(%run_scoped3A_215 : memref<!tpu.dma_semaphore, #tpu.memory_space<semaphore_mem>>) src(%dma_wait3A_239 : memref<80x128xf32, #tpu.memory_space<vmem>>) dst(%dma_wait3A_235 : memref<80x128xf32, #tpu.memory_space<vmem_shared>>)
      tpu.yield
    }) : () -> ()
    %mul3A_21 = arith.constant 640 : i32
    %mul3A_22 = arith.muli %arg1, %mul3A_21 : i32
    %add3A_23 = arith.constant 240 : i32
    %add3A_24 = arith.addi %mul3A_22, %add3A_23 : i32
    %run_scoped3A_25 = arith.constant 0 : i32
    "tpu.region"() ({
      %run_scoped3A_215 = tpu.sem_alloc : memref<!tpu.dma_semaphore, #tpu.memory_space<semaphore_mem>>
      %dma_start3A_216 = arith.constant 0 : i32
      %dma_start3A_217 = arith.constant 0 : i32
      %dma_start3A_218 = tpu.memref_slice %arg8[%run_scoped3A_25, %dma_start3A_216, %dma_start3A_217] : memref<3x80x128xf32, #tpu.memory_space<vmem>> -> memref<1x80x128xf32, #tpu.memory_space<vmem>>
      %dma_start3A_219 = tpu.memref_squeeze %dma_start3A_218 : memref<1x80x128xf32, #tpu.memory_space<vmem>> -> memref<80x128xf32, #tpu.memory_space<vmem>>
      %dma_start3A_220 = arith.constant 0 : i32
      %dma_start3A_221 = tpu.memref_slice %arg9[%add3A_24, %dma_start3A_220] : memref<10240x128xf32, #tpu.memory_space<vmem_shared>> -> memref<80x128xf32, #tpu.memory_space<vmem_shared>>
      %dma_start3A_222 = arith.constant 0 : i32
      %dma_start3A_223 = tpu.memref_slice %arg9[%add3A_24, %dma_start3A_222] : memref<10240x128xf32, #tpu.memory_space<vmem_shared>> -> memref<80x128xf32, #tpu.memory_space<vmem_shared>>
      %dma_start3A_224 = arith.constant 0 : i32
      %dma_start3A_225 = arith.constant 0 : i32
      %dma_start3A_226 = tpu.memref_slice %arg8[%run_scoped3A_25, %dma_start3A_224, %dma_start3A_225] : memref<3x80x128xf32, #tpu.memory_space<vmem>> -> memref<1x80x128xf32, #tpu.memory_space<vmem>>
      %dma_start3A_227 = tpu.memref_squeeze %dma_start3A_226 : memref<1x80x128xf32, #tpu.memory_space<vmem>> -> memref<80x128xf32, #tpu.memory_space<vmem>>
      tpu.enqueue_dma source(%dma_start3A_227 : memref<80x128xf32, #tpu.memory_space<vmem>>) target(%dma_start3A_223 : memref<80x128xf32, #tpu.memory_space<vmem_shared>>) target_semaphore(%run_scoped3A_215 : memref<!tpu.dma_semaphore, #tpu.memory_space<semaphore_mem>>)
      %dma_wait3A_228 = arith.constant 0 : i32
      %dma_wait3A_229 = arith.constant 0 : i32
      %dma_wait3A_230 = tpu.memref_slice %arg8[%run_scoped3A_25, %dma_wait3A_228, %dma_wait3A_229] : memref<3x80x128xf32, #tpu.memory_space<vmem>> -> memref<1x80x128xf32, #tpu.memory_space<vmem>>
      %dma_wait3A_231 = tpu.memref_squeeze %dma_wait3A_230 : memref<1x80x128xf32, #tpu.memory_space<vmem>> -> memref<80x128xf32, #tpu.memory_space<vmem>>
      %dma_wait3A_232 = arith.constant 0 : i32
      %dma_wait3A_233 = tpu.memref_slice %arg9[%add3A_24, %dma_wait3A_232] : memref<10240x128xf32, #tpu.memory_space<vmem_shared>> -> memref<80x128xf32, #tpu.memory_space<vmem_shared>>
      %dma_wait3A_234 = arith.constant 0 : i32
      %dma_wait3A_235 = tpu.memref_slice %arg9[%add3A_24, %dma_wait3A_234] : memref<10240x128xf32, #tpu.memory_space<vmem_shared>> -> memref<80x128xf32, #tpu.memory_space<vmem_shared>>
      %dma_wait3A_236 = arith.constant 0 : i32
      %dma_wait3A_237 = arith.constant 0 : i32
      %dma_wait3A_238 = tpu.memref_slice %arg8[%run_scoped3A_25, %dma_wait3A_236, %dma_wait3A_237] : memref<3x80x128xf32, #tpu.memory_space<vmem>> -> memref<1x80x128xf32, #tpu.memory_space<vmem>>
      %dma_wait3A_239 = tpu.memref_squeeze %dma_wait3A_238 : memref<1x80x128xf32, #tpu.memory_space<vmem>> -> memref<80x128xf32, #tpu.memory_space<vmem>>
      tpu.wait_dma2 semaphore(%run_scoped3A_215 : memref<!tpu.dma_semaphore, #tpu.memory_space<semaphore_mem>>) src(%dma_wait3A_239 : memref<80x128xf32, #tpu.memory_space<vmem>>) dst(%dma_wait3A_235 : memref<80x128xf32, #tpu.memory_space<vmem_shared>>)
      tpu.yield
    }) : () -> ()
    %mul3A_26 = arith.constant 640 : i32
    %mul3A_27 = arith.muli %arg1, %mul3A_26 : i32
    %add3A_28 = arith.constant 320 : i32
    %add3A_29 = arith.addi %mul3A_27, %add3A_28 : i32
    %run_scoped3A_30 = arith.constant 0 : i32
    "tpu.region"() ({
      %run_scoped3A_215 = tpu.sem_alloc : memref<!tpu.dma_semaphore, #tpu.memory_space<semaphore_mem>>
      %dma_start3A_216 = arith.constant 0 : i32
      %dma_start3A_217 = arith.constant 0 : i32
      %dma_start3A_218 = tpu.memref_slice %arg8[%run_scoped3A_30, %dma_start3A_216, %dma_start3A_217] : memref<3x80x128xf32, #tpu.memory_space<vmem>> -> memref<1x80x128xf32, #tpu.memory_space<vmem>>
      %dma_start3A_219 = tpu.memref_squeeze %dma_start3A_218 : memref<1x80x128xf32, #tpu.memory_space<vmem>> -> memref<80x128xf32, #tpu.memory_space<vmem>>
      %dma_start3A_220 = arith.constant 0 : i32
      %dma_start3A_221 = tpu.memref_slice %arg9[%add3A_29, %dma_start3A_220] : memref<10240x128xf32, #tpu.memory_space<vmem_shared>> -> memref<80x128xf32, #tpu.memory_space<vmem_shared>>
      %dma_start3A_222 = arith.constant 0 : i32
      %dma_start3A_223 = tpu.memref_slice %arg9[%add3A_29, %dma_start3A_222] : memref<10240x128xf32, #tpu.memory_space<vmem_shared>> -> memref<80x128xf32, #tpu.memory_space<vmem_shared>>
      %dma_start3A_224 = arith.constant 0 : i32
      %dma_start3A_225 = arith.constant 0 : i32
      %dma_start3A_226 = tpu.memref_slice %arg8[%run_scoped3A_30, %dma_start3A_224, %dma_start3A_225] : memref<3x80x128xf32, #tpu.memory_space<vmem>> -> memref<1x80x128xf32, #tpu.memory_space<vmem>>
      %dma_start3A_227 = tpu.memref_squeeze %dma_start3A_226 : memref<1x80x128xf32, #tpu.memory_space<vmem>> -> memref<80x128xf32, #tpu.memory_space<vmem>>
      tpu.enqueue_dma source(%dma_start3A_227 : memref<80x128xf32, #tpu.memory_space<vmem>>) target(%dma_start3A_223 : memref<80x128xf32, #tpu.memory_space<vmem_shared>>) target_semaphore(%run_scoped3A_215 : memref<!tpu.dma_semaphore, #tpu.memory_space<semaphore_mem>>)
      %dma_wait3A_228 = arith.constant 0 : i32
      %dma_wait3A_229 = arith.constant 0 : i32
      %dma_wait3A_230 = tpu.memref_slice %arg8[%run_scoped3A_30, %dma_wait3A_228, %dma_wait3A_229] : memref<3x80x128xf32, #tpu.memory_space<vmem>> -> memref<1x80x128xf32, #tpu.memory_space<vmem>>
      %dma_wait3A_231 = tpu.memref_squeeze %dma_wait3A_230 : memref<1x80x128xf32, #tpu.memory_space<vmem>> -> memref<80x128xf32, #tpu.memory_space<vmem>>
      %dma_wait3A_232 = arith.constant 0 : i32
      %dma_wait3A_233 = tpu.memref_slice %arg9[%add3A_29, %dma_wait3A_232] : memref<10240x128xf32, #tpu.memory_space<vmem_shared>> -> memref<80x128xf32, #tpu.memory_space<vmem_shared>>
      %dma_wait3A_234 = arith.constant 0 : i32
      %dma_wait3A_235 = tpu.memref_slice %arg9[%add3A_29, %dma_wait3A_234] : memref<10240x128xf32, #tpu.memory_space<vmem_shared>> -> memref<80x128xf32, #tpu.memory_space<vmem_shared>>
      %dma_wait3A_236 = arith.constant 0 : i32
      %dma_wait3A_237 = arith.constant 0 : i32
      %dma_wait3A_238 = tpu.memref_slice %arg8[%run_scoped3A_30, %dma_wait3A_236, %dma_wait3A_237] : memref<3x80x128xf32, #tpu.memory_space<vmem>> -> memref<1x80x128xf32, #tpu.memory_space<vmem>>
      %dma_wait3A_239 = tpu.memref_squeeze %dma_wait3A_238 : memref<1x80x128xf32, #tpu.memory_space<vmem>> -> memref<80x128xf32, #tpu.memory_space<vmem>>
      tpu.wait_dma2 semaphore(%run_scoped3A_215 : memref<!tpu.dma_semaphore, #tpu.memory_space<semaphore_mem>>) src(%dma_wait3A_239 : memref<80x128xf32, #tpu.memory_space<vmem>>) dst(%dma_wait3A_235 : memref<80x128xf32, #tpu.memory_space<vmem_shared>>)
      tpu.yield
    }) : () -> ()
    %mul3A_31 = arith.constant 640 : i32
    %mul3A_32 = arith.muli %arg1, %mul3A_31 : i32
    %add3A_33 = arith.constant 400 : i32
    %add3A_34 = arith.addi %mul3A_32, %add3A_33 : i32
    %run_scoped3A_35 = arith.constant 0 : i32
    "tpu.region"() ({
      %run_scoped3A_215 = tpu.sem_alloc : memref<!tpu.dma_semaphore, #tpu.memory_space<semaphore_mem>>
      %dma_start3A_216 = arith.constant 0 : i32
      %dma_start3A_217 = arith.constant 0 : i32
      %dma_start3A_218 = tpu.memref_slice %arg8[%run_scoped3A_35, %dma_start3A_216, %dma_start3A_217] : memref<3x80x128xf32, #tpu.memory_space<vmem>> -> memref<1x80x128xf32, #tpu.memory_space<vmem>>
      %dma_start3A_219 = tpu.memref_squeeze %dma_start3A_218 : memref<1x80x128xf32, #tpu.memory_space<vmem>> -> memref<80x128xf32, #tpu.memory_space<vmem>>
      %dma_start3A_220 = arith.constant 0 : i32
      %dma_start3A_221 = tpu.memref_slice %arg9[%add3A_34, %dma_start3A_220] : memref<10240x128xf32, #tpu.memory_space<vmem_shared>> -> memref<80x128xf32, #tpu.memory_space<vmem_shared>>
      %dma_start3A_222 = arith.constant 0 : i32
      %dma_start3A_223 = tpu.memref_slice %arg9[%add3A_34, %dma_start3A_222] : memref<10240x128xf32, #tpu.memory_space<vmem_shared>> -> memref<80x128xf32, #tpu.memory_space<vmem_shared>>
      %dma_start3A_224 = arith.constant 0 : i32
      %dma_start3A_225 = arith.constant 0 : i32
      %dma_start3A_226 = tpu.memref_slice %arg8[%run_scoped3A_35, %dma_start3A_224, %dma_start3A_225] : memref<3x80x128xf32, #tpu.memory_space<vmem>> -> memref<1x80x128xf32, #tpu.memory_space<vmem>>
      %dma_start3A_227 = tpu.memref_squeeze %dma_start3A_226 : memref<1x80x128xf32, #tpu.memory_space<vmem>> -> memref<80x128xf32, #tpu.memory_space<vmem>>
      tpu.enqueue_dma source(%dma_start3A_227 : memref<80x128xf32, #tpu.memory_space<vmem>>) target(%dma_start3A_223 : memref<80x128xf32, #tpu.memory_space<vmem_shared>>) target_semaphore(%run_scoped3A_215 : memref<!tpu.dma_semaphore, #tpu.memory_space<semaphore_mem>>)
      %dma_wait3A_228 = arith.constant 0 : i32
      %dma_wait3A_229 = arith.constant 0 : i32
      %dma_wait3A_230 = tpu.memref_slice %arg8[%run_scoped3A_35, %dma_wait3A_228, %dma_wait3A_229] : memref<3x80x128xf32, #tpu.memory_space<vmem>> -> memref<1x80x128xf32, #tpu.memory_space<vmem>>
      %dma_wait3A_231 = tpu.memref_squeeze %dma_wait3A_230 : memref<1x80x128xf32, #tpu.memory_space<vmem>> -> memref<80x128xf32, #tpu.memory_space<vmem>>
      %dma_wait3A_232 = arith.constant 0 : i32
      %dma_wait3A_233 = tpu.memref_slice %arg9[%add3A_34, %dma_wait3A_232] : memref<10240x128xf32, #tpu.memory_space<vmem_shared>> -> memref<80x128xf32, #tpu.memory_space<vmem_shared>>
      %dma_wait3A_234 = arith.constant 0 : i32
      %dma_wait3A_235 = tpu.memref_slice %arg9[%add3A_34, %dma_wait3A_234] : memref<10240x128xf32, #tpu.memory_space<vmem_shared>> -> memref<80x128xf32, #tpu.memory_space<vmem_shared>>
      %dma_wait3A_236 = arith.constant 0 : i32
      %dma_wait3A_237 = arith.constant 0 : i32
      %dma_wait3A_238 = tpu.memref_slice %arg8[%run_scoped3A_35, %dma_wait3A_236, %dma_wait3A_237] : memref<3x80x128xf32, #tpu.memory_space<vmem>> -> memref<1x80x128xf32, #tpu.memory_space<vmem>>
      %dma_wait3A_239 = tpu.memref_squeeze %dma_wait3A_238 : memref<1x80x128xf32, #tpu.memory_space<vmem>> -> memref<80x128xf32, #tpu.memory_space<vmem>>
      tpu.wait_dma2 semaphore(%run_scoped3A_215 : memref<!tpu.dma_semaphore, #tpu.memory_space<semaphore_mem>>) src(%dma_wait3A_239 : memref<80x128xf32, #tpu.memory_space<vmem>>) dst(%dma_wait3A_235 : memref<80x128xf32, #tpu.memory_space<vmem_shared>>)
      tpu.yield
    }) : () -> ()
    %mul3A_36 = arith.constant 640 : i32
    %mul3A_37 = arith.muli %arg1, %mul3A_36 : i32
    %add3A_38 = arith.constant 480 : i32
    %add3A_39 = arith.addi %mul3A_37, %add3A_38 : i32
    %run_scoped3A_40 = arith.constant 0 : i32
    "tpu.region"() ({
      %run_scoped3A_215 = tpu.sem_alloc : memref<!tpu.dma_semaphore, #tpu.memory_space<semaphore_mem>>
      %dma_start3A_216 = arith.constant 0 : i32
      %dma_start3A_217 = arith.constant 0 : i32
      %dma_start3A_218 = tpu.memref_slice %arg8[%run_scoped3A_40, %dma_start3A_216, %dma_start3A_217] : memref<3x80x128xf32, #tpu.memory_space<vmem>> -> memref<1x80x128xf32, #tpu.memory_space<vmem>>
      %dma_start3A_219 = tpu.memref_squeeze %dma_start3A_218 : memref<1x80x128xf32, #tpu.memory_space<vmem>> -> memref<80x128xf32, #tpu.memory_space<vmem>>
      %dma_start3A_220 = arith.constant 0 : i32
      %dma_start3A_221 = tpu.memref_slice %arg9[%add3A_39, %dma_start3A_220] : memref<10240x128xf32, #tpu.memory_space<vmem_shared>> -> memref<80x128xf32, #tpu.memory_space<vmem_shared>>
      %dma_start3A_222 = arith.constant 0 : i32
      %dma_start3A_223 = tpu.memref_slice %arg9[%add3A_39, %dma_start3A_222] : memref<10240x128xf32, #tpu.memory_space<vmem_shared>> -> memref<80x128xf32, #tpu.memory_space<vmem_shared>>
      %dma_start3A_224 = arith.constant 0 : i32
      %dma_start3A_225 = arith.constant 0 : i32
      %dma_start3A_226 = tpu.memref_slice %arg8[%run_scoped3A_40, %dma_start3A_224, %dma_start3A_225] : memref<3x80x128xf32, #tpu.memory_space<vmem>> -> memref<1x80x128xf32, #tpu.memory_space<vmem>>
      %dma_start3A_227 = tpu.memref_squeeze %dma_start3A_226 : memref<1x80x128xf32, #tpu.memory_space<vmem>> -> memref<80x128xf32, #tpu.memory_space<vmem>>
      tpu.enqueue_dma source(%dma_start3A_227 : memref<80x128xf32, #tpu.memory_space<vmem>>) target(%dma_start3A_223 : memref<80x128xf32, #tpu.memory_space<vmem_shared>>) target_semaphore(%run_scoped3A_215 : memref<!tpu.dma_semaphore, #tpu.memory_space<semaphore_mem>>)
      %dma_wait3A_228 = arith.constant 0 : i32
      %dma_wait3A_229 = arith.constant 0 : i32
      %dma_wait3A_230 = tpu.memref_slice %arg8[%run_scoped3A_40, %dma_wait3A_228, %dma_wait3A_229] : memref<3x80x128xf32, #tpu.memory_space<vmem>> -> memref<1x80x128xf32, #tpu.memory_space<vmem>>
      %dma_wait3A_231 = tpu.memref_squeeze %dma_wait3A_230 : memref<1x80x128xf32, #tpu.memory_space<vmem>> -> memref<80x128xf32, #tpu.memory_space<vmem>>
      %dma_wait3A_232 = arith.constant 0 : i32
      %dma_wait3A_233 = tpu.memref_slice %arg9[%add3A_39, %dma_wait3A_232] : memref<10240x128xf32, #tpu.memory_space<vmem_shared>> -> memref<80x128xf32, #tpu.memory_space<vmem_shared>>
      %dma_wait3A_234 = arith.constant 0 : i32
      %dma_wait3A_235 = tpu.memref_slice %arg9[%add3A_39, %dma_wait3A_234] : memref<10240x128xf32, #tpu.memory_space<vmem_shared>> -> memref<80x128xf32, #tpu.memory_space<vmem_shared>>
      %dma_wait3A_236 = arith.constant 0 : i32
      %dma_wait3A_237 = arith.constant 0 : i32
      %dma_wait3A_238 = tpu.memref_slice %arg8[%run_scoped3A_40, %dma_wait3A_236, %dma_wait3A_237] : memref<3x80x128xf32, #tpu.memory_space<vmem>> -> memref<1x80x128xf32, #tpu.memory_space<vmem>>
      %dma_wait3A_239 = tpu.memref_squeeze %dma_wait3A_238 : memref<1x80x128xf32, #tpu.memory_space<vmem>> -> memref<80x128xf32, #tpu.memory_space<vmem>>
      tpu.wait_dma2 semaphore(%run_scoped3A_215 : memref<!tpu.dma_semaphore, #tpu.memory_space<semaphore_mem>>) src(%dma_wait3A_239 : memref<80x128xf32, #tpu.memory_space<vmem>>) dst(%dma_wait3A_235 : memref<80x128xf32, #tpu.memory_space<vmem_shared>>)
      tpu.yield
    }) : () -> ()
    %mul3A_41 = arith.constant 640 : i32
    %mul3A_42 = arith.muli %arg1, %mul3A_41 : i32
    %add3A_43 = arith.constant 560 : i32
    %add3A_44 = arith.addi %mul3A_42, %add3A_43 : i32
    %run_scoped3A_45 = arith.constant 0 : i32
    "tpu.region"() ({
      %run_scoped3A_215 = tpu.sem_alloc : memref<!tpu.dma_semaphore, #tpu.memory_space<semaphore_mem>>
      %dma_start3A_216 = arith.constant 0 : i32
      %dma_start3A_217 = arith.constant 0 : i32
      %dma_start3A_218 = tpu.memref_slice %arg8[%run_scoped3A_45, %dma_start3A_216, %dma_start3A_217] : memref<3x80x128xf32, #tpu.memory_space<vmem>> -> memref<1x80x128xf32, #tpu.memory_space<vmem>>
      %dma_start3A_219 = tpu.memref_squeeze %dma_start3A_218 : memref<1x80x128xf32, #tpu.memory_space<vmem>> -> memref<80x128xf32, #tpu.memory_space<vmem>>
      %dma_start3A_220 = arith.constant 0 : i32
      %dma_start3A_221 = tpu.memref_slice %arg9[%add3A_44, %dma_start3A_220] : memref<10240x128xf32, #tpu.memory_space<vmem_shared>> -> memref<80x128xf32, #tpu.memory_space<vmem_shared>>
      %dma_start3A_222 = arith.constant 0 : i32
      %dma_start3A_223 = tpu.memref_slice %arg9[%add3A_44, %dma_start3A_222] : memref<10240x128xf32, #tpu.memory_space<vmem_shared>> -> memref<80x128xf32, #tpu.memory_space<vmem_shared>>
      %dma_start3A_224 = arith.constant 0 : i32
      %dma_start3A_225 = arith.constant 0 : i32
      %dma_start3A_226 = tpu.memref_slice %arg8[%run_scoped3A_45, %dma_start3A_224, %dma_start3A_225] : memref<3x80x128xf32, #tpu.memory_space<vmem>> -> memref<1x80x128xf32, #tpu.memory_space<vmem>>
      %dma_start3A_227 = tpu.memref_squeeze %dma_start3A_226 : memref<1x80x128xf32, #tpu.memory_space<vmem>> -> memref<80x128xf32, #tpu.memory_space<vmem>>
      tpu.enqueue_dma source(%dma_start3A_227 : memref<80x128xf32, #tpu.memory_space<vmem>>) target(%dma_start3A_223 : memref<80x128xf32, #tpu.memory_space<vmem_shared>>) target_semaphore(%run_scoped3A_215 : memref<!tpu.dma_semaphore, #tpu.memory_space<semaphore_mem>>)
      %dma_wait3A_228 = arith.constant 0 : i32
      %dma_wait3A_229 = arith.constant 0 : i32
      %dma_wait3A_230 = tpu.memref_slice %arg8[%run_scoped3A_45, %dma_wait3A_228, %dma_wait3A_229] : memref<3x80x128xf32, #tpu.memory_space<vmem>> -> memref<1x80x128xf32, #tpu.memory_space<vmem>>
      %dma_wait3A_231 = tpu.memref_squeeze %dma_wait3A_230 : memref<1x80x128xf32, #tpu.memory_space<vmem>> -> memref<80x128xf32, #tpu.memory_space<vmem>>
      %dma_wait3A_232 = arith.constant 0 : i32
      %dma_wait3A_233 = tpu.memref_slice %arg9[%add3A_44, %dma_wait3A_232] : memref<10240x128xf32, #tpu.memory_space<vmem_shared>> -> memref<80x128xf32, #tpu.memory_space<vmem_shared>>
      %dma_wait3A_234 = arith.constant 0 : i32
      %dma_wait3A_235 = tpu.memref_slice %arg9[%add3A_44, %dma_wait3A_234] : memref<10240x128xf32, #tpu.memory_space<vmem_shared>> -> memref<80x128xf32, #tpu.memory_space<vmem_shared>>
      %dma_wait3A_236 = arith.constant 0 : i32
      %dma_wait3A_237 = arith.constant 0 : i32
      %dma_wait3A_238 = tpu.memref_slice %arg8[%run_scoped3A_45, %dma_wait3A_236, %dma_wait3A_237] : memref<3x80x128xf32, #tpu.memory_space<vmem>> -> memref<1x80x128xf32, #tpu.memory_space<vmem>>
      %dma_wait3A_239 = tpu.memref_squeeze %dma_wait3A_238 : memref<1x80x128xf32, #tpu.memory_space<vmem>> -> memref<80x128xf32, #tpu.memory_space<vmem>>
      tpu.wait_dma2 semaphore(%run_scoped3A_215 : memref<!tpu.dma_semaphore, #tpu.memory_space<semaphore_mem>>) src(%dma_wait3A_239 : memref<80x128xf32, #tpu.memory_space<vmem>>) dst(%dma_wait3A_235 : memref<80x128xf32, #tpu.memory_space<vmem_shared>>)
      tpu.yield
    }) : () -> ()
    %barrier3A = arith.constant 0 : index
    tpu.barrier barrier_id(%barrier3A)
    %mul3A_46 = arith.constant 10000 : i32
    %mul3A_47 = arith.muli %add3A, %mul3A_46 : i32
    %add3A_48 = arith.constant 0 : i32
    %add3A_49 = arith.addi %mul3A_47, %add3A_48 : i32
    %dma_start3A = arith.constant 0 : i32
    %dma_start3A_50 = arith.constant 0 : i32
    %dma_start3A_51 = tpu.memref_slice %arg6[%dma_start3A, %dma_start3A_50] : memref<3x80xi32, #tpu.memory_space<vmem>> -> memref<1x80xi32, #tpu.memory_space<vmem>>
    %dma_start3A_52 = tpu.memref_squeeze %dma_start3A_51 : memref<1x80xi32, #tpu.memory_space<vmem>> -> memref<80xi32, #tpu.memory_space<vmem>>
    %dma_start3A_53 = tpu.memref_slice %arg3[%add3A_49] : memref<320000xi32, #tpu.memory_space<hbm>> -> memref<80xi32, #tpu.memory_space<hbm>>
    %dma_start3A_54 = arith.constant 0 : i32
    %dma_start3A_55 = tpu.memref_slice %arg6[%dma_start3A, %dma_start3A_54] : memref<3x80xi32, #tpu.memory_space<vmem>> -> memref<1x80xi32, #tpu.memory_space<vmem>>
    %dma_start3A_56 = tpu.memref_squeeze %dma_start3A_55 : memref<1x80xi32, #tpu.memory_space<vmem>> -> memref<80xi32, #tpu.memory_space<vmem>>
    %dma_start3A_57 = tpu.memref_slice %arg3[%add3A_49] : memref<320000xi32, #tpu.memory_space<hbm>> -> memref<80xi32, #tpu.memory_space<hbm>>
    tpu.enqueue_dma source(%dma_start3A_57 : memref<80xi32, #tpu.memory_space<hbm>>) target(%dma_start3A_56 : memref<80xi32, #tpu.memory_space<vmem>>) target_semaphore(%arg13 : memref<!tpu.dma_semaphore, #tpu.memory_space<semaphore_mem>>)
    %dma_start3A_58 = arith.constant 0 : i32
    %dma_start3A_59 = arith.constant 0 : i32
    %dma_start3A_60 = tpu.memref_slice %arg7[%dma_start3A_58, %dma_start3A_59] : memref<3x80xi32, #tpu.memory_space<vmem>> -> memref<1x80xi32, #tpu.memory_space<vmem>>
    %dma_start3A_61 = tpu.memref_squeeze %dma_start3A_60 : memref<1x80xi32, #tpu.memory_space<vmem>> -> memref<80xi32, #tpu.memory_space<vmem>>
    %dma_start3A_62 = tpu.memref_slice %arg4[%add3A_49] : memref<320000xi32, #tpu.memory_space<hbm>> -> memref<80xi32, #tpu.memory_space<hbm>>
    %dma_start3A_63 = arith.constant 0 : i32
    %dma_start3A_64 = tpu.memref_slice %arg7[%dma_start3A_58, %dma_start3A_63] : memref<3x80xi32, #tpu.memory_space<vmem>> -> memref<1x80xi32, #tpu.memory_space<vmem>>
    %dma_start3A_65 = tpu.memref_squeeze %dma_start3A_64 : memref<1x80xi32, #tpu.memory_space<vmem>> -> memref<80xi32, #tpu.memory_space<vmem>>
    %dma_start3A_66 = tpu.memref_slice %arg4[%add3A_49] : memref<320000xi32, #tpu.memory_space<hbm>> -> memref<80xi32, #tpu.memory_space<hbm>>
    tpu.enqueue_dma source(%dma_start3A_66 : memref<80xi32, #tpu.memory_space<hbm>>) target(%dma_start3A_65 : memref<80xi32, #tpu.memory_space<vmem>>) target_semaphore(%arg13 : memref<!tpu.dma_semaphore, #tpu.memory_space<semaphore_mem>>)
    %mul3A_67 = arith.constant 10000 : i32
    %mul3A_68 = arith.muli %add3A, %mul3A_67 : i32
    %add3A_69 = arith.constant 80 : i32
    %add3A_70 = arith.addi %mul3A_68, %add3A_69 : i32
    %dma_start3A_71 = arith.constant 1 : i32
    %dma_start3A_72 = arith.constant 0 : i32
    %dma_start3A_73 = tpu.memref_slice %arg6[%dma_start3A_71, %dma_start3A_72] : memref<3x80xi32, #tpu.memory_space<vmem>> -> memref<1x80xi32, #tpu.memory_space<vmem>>
    %dma_start3A_74 = tpu.memref_squeeze %dma_start3A_73 : memref<1x80xi32, #tpu.memory_space<vmem>> -> memref<80xi32, #tpu.memory_space<vmem>>
    %dma_start3A_75 = tpu.memref_slice %arg3[%add3A_70] : memref<320000xi32, #tpu.memory_space<hbm>> -> memref<80xi32, #tpu.memory_space<hbm>>
    %dma_start3A_76 = arith.constant 0 : i32
    %dma_start3A_77 = tpu.memref_slice %arg6[%dma_start3A_71, %dma_start3A_76] : memref<3x80xi32, #tpu.memory_space<vmem>> -> memref<1x80xi32, #tpu.memory_space<vmem>>
    %dma_start3A_78 = tpu.memref_squeeze %dma_start3A_77 : memref<1x80xi32, #tpu.memory_space<vmem>> -> memref<80xi32, #tpu.memory_space<vmem>>
    %dma_start3A_79 = tpu.memref_slice %arg3[%add3A_70] : memref<320000xi32, #tpu.memory_space<hbm>> -> memref<80xi32, #tpu.memory_space<hbm>>
    tpu.enqueue_dma source(%dma_start3A_79 : memref<80xi32, #tpu.memory_space<hbm>>) target(%dma_start3A_78 : memref<80xi32, #tpu.memory_space<vmem>>) target_semaphore(%arg14 : memref<!tpu.dma_semaphore, #tpu.memory_space<semaphore_mem>>)
    %dma_start3A_80 = arith.constant 1 : i32
    %dma_start3A_81 = arith.constant 0 : i32
    %dma_start3A_82 = tpu.memref_slice %arg7[%dma_start3A_80, %dma_start3A_81] : memref<3x80xi32, #tpu.memory_space<vmem>> -> memref<1x80xi32, #tpu.memory_space<vmem>>
    %dma_start3A_83 = tpu.memref_squeeze %dma_start3A_82 : memref<1x80xi32, #tpu.memory_space<vmem>> -> memref<80xi32, #tpu.memory_space<vmem>>
    %dma_start3A_84 = tpu.memref_slice %arg4[%add3A_70] : memref<320000xi32, #tpu.memory_space<hbm>> -> memref<80xi32, #tpu.memory_space<hbm>>
    %dma_start3A_85 = arith.constant 0 : i32
    %dma_start3A_86 = tpu.memref_slice %arg7[%dma_start3A_80, %dma_start3A_85] : memref<3x80xi32, #tpu.memory_space<vmem>> -> memref<1x80xi32, #tpu.memory_space<vmem>>
    %dma_start3A_87 = tpu.memref_squeeze %dma_start3A_86 : memref<1x80xi32, #tpu.memory_space<vmem>> -> memref<80xi32, #tpu.memory_space<vmem>>
    %dma_start3A_88 = tpu.memref_slice %arg4[%add3A_70] : memref<320000xi32, #tpu.memory_space<hbm>> -> memref<80xi32, #tpu.memory_space<hbm>>
    tpu.enqueue_dma source(%dma_start3A_88 : memref<80xi32, #tpu.memory_space<hbm>>) target(%dma_start3A_87 : memref<80xi32, #tpu.memory_space<vmem>>) target_semaphore(%arg14 : memref<!tpu.dma_semaphore, #tpu.memory_space<semaphore_mem>>)
    %mul3A_89 = arith.constant 10000 : i32
    %mul3A_90 = arith.muli %add3A, %mul3A_89 : i32
    %add3A_91 = arith.constant 160 : i32
    %add3A_92 = arith.addi %mul3A_90, %add3A_91 : i32
    %dma_start3A_93 = arith.constant 2 : i32
    %dma_start3A_94 = arith.constant 0 : i32
    %dma_start3A_95 = tpu.memref_slice %arg6[%dma_start3A_93, %dma_start3A_94] : memref<3x80xi32, #tpu.memory_space<vmem>> -> memref<1x80xi32, #tpu.memory_space<vmem>>
    %dma_start3A_96 = tpu.memref_squeeze %dma_start3A_95 : memref<1x80xi32, #tpu.memory_space<vmem>> -> memref<80xi32, #tpu.memory_space<vmem>>
    %dma_start3A_97 = tpu.memref_slice %arg3[%add3A_92] : memref<320000xi32, #tpu.memory_space<hbm>> -> memref<80xi32, #tpu.memory_space<hbm>>
    %dma_start3A_98 = arith.constant 0 : i32
    %dma_start3A_99 = tpu.memref_slice %arg6[%dma_start3A_93, %dma_start3A_98] : memref<3x80xi32, #tpu.memory_space<vmem>> -> memref<1x80xi32, #tpu.memory_space<vmem>>
    %dma_start3A_100 = tpu.memref_squeeze %dma_start3A_99 : memref<1x80xi32, #tpu.memory_space<vmem>> -> memref<80xi32, #tpu.memory_space<vmem>>
    %dma_start3A_101 = tpu.memref_slice %arg3[%add3A_92] : memref<320000xi32, #tpu.memory_space<hbm>> -> memref<80xi32, #tpu.memory_space<hbm>>
    tpu.enqueue_dma source(%dma_start3A_101 : memref<80xi32, #tpu.memory_space<hbm>>) target(%dma_start3A_100 : memref<80xi32, #tpu.memory_space<vmem>>) target_semaphore(%arg15 : memref<!tpu.dma_semaphore, #tpu.memory_space<semaphore_mem>>)
    %dma_start3A_102 = arith.constant 2 : i32
    %dma_start3A_103 = arith.constant 0 : i32
    %dma_start3A_104 = tpu.memref_slice %arg7[%dma_start3A_102, %dma_start3A_103] : memref<3x80xi32, #tpu.memory_space<vmem>> -> memref<1x80xi32, #tpu.memory_space<vmem>>
    %dma_start3A_105 = tpu.memref_squeeze %dma_start3A_104 : memref<1x80xi32, #tpu.memory_space<vmem>> -> memref<80xi32, #tpu.memory_space<vmem>>
    %dma_start3A_106 = tpu.memref_slice %arg4[%add3A_92] : memref<320000xi32, #tpu.memory_space<hbm>> -> memref<80xi32, #tpu.memory_space<hbm>>
    %dma_start3A_107 = arith.constant 0 : i32
    %dma_start3A_108 = tpu.memref_slice %arg7[%dma_start3A_102, %dma_start3A_107] : memref<3x80xi32, #tpu.memory_space<vmem>> -> memref<1x80xi32, #tpu.memory_space<vmem>>
    %dma_start3A_109 = tpu.memref_squeeze %dma_start3A_108 : memref<1x80xi32, #tpu.memory_space<vmem>> -> memref<80xi32, #tpu.memory_space<vmem>>
    %dma_start3A_110 = tpu.memref_slice %arg4[%add3A_92] : memref<320000xi32, #tpu.memory_space<hbm>> -> memref<80xi32, #tpu.memory_space<hbm>>
    tpu.enqueue_dma source(%dma_start3A_110 : memref<80xi32, #tpu.memory_space<hbm>>) target(%dma_start3A_109 : memref<80xi32, #tpu.memory_space<vmem>>) target_semaphore(%arg15 : memref<!tpu.dma_semaphore, #tpu.memory_space<semaphore_mem>>)
    %mul3A_111 = arith.constant 10000 : i32
    %mul3A_112 = arith.muli %add3A, %mul3A_111 : i32
    %add3A_113 = arith.constant 0 : i32
    %add3A_114 = arith.addi %mul3A_112, %add3A_113 : i32
    %dma_wait3A = arith.constant 0 : i32
    %dma_wait3A_115 = arith.constant 0 : i32
    %dma_wait3A_116 = tpu.memref_slice %arg6[%dma_wait3A, %dma_wait3A_115] : memref<3x80xi32, #tpu.memory_space<vmem>> -> memref<1x80xi32, #tpu.memory_space<vmem>>
    %dma_wait3A_117 = tpu.memref_squeeze %dma_wait3A_116 : memref<1x80xi32, #tpu.memory_space<vmem>> -> memref<80xi32, #tpu.memory_space<vmem>>
    %dma_wait3A_118 = tpu.memref_slice %arg3[%add3A_114] : memref<320000xi32, #tpu.memory_space<hbm>> -> memref<80xi32, #tpu.memory_space<hbm>>
    %dma_wait3A_119 = arith.constant 0 : i32
    %dma_wait3A_120 = tpu.memref_slice %arg6[%dma_wait3A, %dma_wait3A_119] : memref<3x80xi32, #tpu.memory_space<vmem>> -> memref<1x80xi32, #tpu.memory_space<vmem>>
    %dma_wait3A_121 = tpu.memref_squeeze %dma_wait3A_120 : memref<1x80xi32, #tpu.memory_space<vmem>> -> memref<80xi32, #tpu.memory_space<vmem>>
    %dma_wait3A_122 = tpu.memref_slice %arg3[%add3A_114] : memref<320000xi32, #tpu.memory_space<hbm>> -> memref<80xi32, #tpu.memory_space<hbm>>
    tpu.wait_dma2 semaphore(%arg13 : memref<!tpu.dma_semaphore, #tpu.memory_space<semaphore_mem>>) src(%dma_wait3A_122 : memref<80xi32, #tpu.memory_space<hbm>>) dst(%dma_wait3A_121 : memref<80xi32, #tpu.memory_space<vmem>>)
    %dma_wait3A_123 = arith.constant 0 : i32
    %dma_wait3A_124 = arith.constant 0 : i32
    %dma_wait3A_125 = tpu.memref_slice %arg7[%dma_wait3A_123, %dma_wait3A_124] : memref<3x80xi32, #tpu.memory_space<vmem>> -> memref<1x80xi32, #tpu.memory_space<vmem>>
    %dma_wait3A_126 = tpu.memref_squeeze %dma_wait3A_125 : memref<1x80xi32, #tpu.memory_space<vmem>> -> memref<80xi32, #tpu.memory_space<vmem>>
    %dma_wait3A_127 = tpu.memref_slice %arg4[%add3A_114] : memref<320000xi32, #tpu.memory_space<hbm>> -> memref<80xi32, #tpu.memory_space<hbm>>
    %dma_wait3A_128 = arith.constant 0 : i32
    %dma_wait3A_129 = tpu.memref_slice %arg7[%dma_wait3A_123, %dma_wait3A_128] : memref<3x80xi32, #tpu.memory_space<vmem>> -> memref<1x80xi32, #tpu.memory_space<vmem>>
    %dma_wait3A_130 = tpu.memref_squeeze %dma_wait3A_129 : memref<1x80xi32, #tpu.memory_space<vmem>> -> memref<80xi32, #tpu.memory_space<vmem>>
    %dma_wait3A_131 = tpu.memref_slice %arg4[%add3A_114] : memref<320000xi32, #tpu.memory_space<hbm>> -> memref<80xi32, #tpu.memory_space<hbm>>
    tpu.wait_dma2 semaphore(%arg13 : memref<!tpu.dma_semaphore, #tpu.memory_space<semaphore_mem>>) src(%dma_wait3A_131 : memref<80xi32, #tpu.memory_space<hbm>>) dst(%dma_wait3A_130 : memref<80xi32, #tpu.memory_space<vmem>>)
    %dma_start3A_132 = arith.constant 0 : i32
    %dma_start3A_133 = arith.constant 0 : i32
    %dma_start3A_134 = arith.constant 0 : i32
    %dma_start3A_135 = arith.constant 0 : i32
    %dma_start3A_136 = tpu.memref_slice %arg8[%dma_start3A_133, %dma_start3A_134, %dma_start3A_135] : memref<3x80x128xf32, #tpu.memory_space<vmem>> -> memref<1x80x128xf32, #tpu.memory_space<vmem>>
    %dma_start3A_137 = tpu.memref_squeeze %dma_start3A_136 : memref<1x80x128xf32, #tpu.memory_space<vmem>> -> memref<80x128xf32, #tpu.memory_space<vmem>>
    %dma_start3A_138 = arith.constant 0 : i32
    %dma_start3A_139 = tpu.memref_slice %arg6[%dma_start3A_132, %dma_start3A_138] : memref<3x80xi32, #tpu.memory_space<vmem>> -> memref<1x80xi32, #tpu.memory_space<vmem>>
    %dma_start3A_140 = tpu.memref_squeeze %dma_start3A_139 : memref<1x80xi32, #tpu.memory_space<vmem>> -> memref<80xi32, #tpu.memory_space<vmem>>
    %dma_start3A_141 = arith.constant 0 : i32
    %dma_start3A_142 = arith.constant 0 : i32
    %dma_start3A_143 = tpu.memref_slice %arg2[%dma_start3A_141, %dma_start3A_142] : memref<10240x128xf32, #tpu.memory_space<hbm>> -> memref<10240x128xf32, #tpu.memory_space<hbm>>
    tpu.enqueue_indirect_dma source(%dma_start3A_143 : memref<10240x128xf32, #tpu.memory_space<hbm>>) target(%dma_start3A_137 : memref<80x128xf32, #tpu.memory_space<vmem>>) offsets(%dma_start3A_140 : memref<80xi32, #tpu.memory_space<vmem>>) semaphore(%arg10 : memref<!tpu.dma_semaphore, #tpu.memory_space<semaphore_mem>>)
    %mul3A_144 = arith.constant 10000 : i32
    %mul3A_145 = arith.muli %add3A, %mul3A_144 : i32
    %add3A_146 = arith.constant 80 : i32
    %add3A_147 = arith.addi %mul3A_145, %add3A_146 : i32
    %dma_wait3A_148 = arith.constant 1 : i32
    %dma_wait3A_149 = arith.constant 0 : i32
    %dma_wait3A_150 = tpu.memref_slice %arg6[%dma_wait3A_148, %dma_wait3A_149] : memref<3x80xi32, #tpu.memory_space<vmem>> -> memref<1x80xi32, #tpu.memory_space<vmem>>
    %dma_wait3A_151 = tpu.memref_squeeze %dma_wait3A_150 : memref<1x80xi32, #tpu.memory_space<vmem>> -> memref<80xi32, #tpu.memory_space<vmem>>
    %dma_wait3A_152 = tpu.memref_slice %arg3[%add3A_147] : memref<320000xi32, #tpu.memory_space<hbm>> -> memref<80xi32, #tpu.memory_space<hbm>>
    %dma_wait3A_153 = arith.constant 0 : i32
    %dma_wait3A_154 = tpu.memref_slice %arg6[%dma_wait3A_148, %dma_wait3A_153] : memref<3x80xi32, #tpu.memory_space<vmem>> -> memref<1x80xi32, #tpu.memory_space<vmem>>
    %dma_wait3A_155 = tpu.memref_squeeze %dma_wait3A_154 : memref<1x80xi32, #tpu.memory_space<vmem>> -> memref<80xi32, #tpu.memory_space<vmem>>
    %dma_wait3A_156 = tpu.memref_slice %arg3[%add3A_147] : memref<320000xi32, #tpu.memory_space<hbm>> -> memref<80xi32, #tpu.memory_space<hbm>>
    tpu.wait_dma2 semaphore(%arg14 : memref<!tpu.dma_semaphore, #tpu.memory_space<semaphore_mem>>) src(%dma_wait3A_156 : memref<80xi32, #tpu.memory_space<hbm>>) dst(%dma_wait3A_155 : memref<80xi32, #tpu.memory_space<vmem>>)
    %dma_wait3A_157 = arith.constant 1 : i32
    %dma_wait3A_158 = arith.constant 0 : i32
    %dma_wait3A_159 = tpu.memref_slice %arg7[%dma_wait3A_157, %dma_wait3A_158] : memref<3x80xi32, #tpu.memory_space<vmem>> -> memref<1x80xi32, #tpu.memory_space<vmem>>
    %dma_wait3A_160 = tpu.memref_squeeze %dma_wait3A_159 : memref<1x80xi32, #tpu.memory_space<vmem>> -> memref<80xi32, #tpu.memory_space<vmem>>
    %dma_wait3A_161 = tpu.memref_slice %arg4[%add3A_147] : memref<320000xi32, #tpu.memory_space<hbm>> -> memref<80xi32, #tpu.memory_space<hbm>>
    %dma_wait3A_162 = arith.constant 0 : i32
    %dma_wait3A_163 = tpu.memref_slice %arg7[%dma_wait3A_157, %dma_wait3A_162] : memref<3x80xi32, #tpu.memory_space<vmem>> -> memref<1x80xi32, #tpu.memory_space<vmem>>
    %dma_wait3A_164 = tpu.memref_squeeze %dma_wait3A_163 : memref<1x80xi32, #tpu.memory_space<vmem>> -> memref<80xi32, #tpu.memory_space<vmem>>
    %dma_wait3A_165 = tpu.memref_slice %arg4[%add3A_147] : memref<320000xi32, #tpu.memory_space<hbm>> -> memref<80xi32, #tpu.memory_space<hbm>>
    tpu.wait_dma2 semaphore(%arg14 : memref<!tpu.dma_semaphore, #tpu.memory_space<semaphore_mem>>) src(%dma_wait3A_165 : memref<80xi32, #tpu.memory_space<hbm>>) dst(%dma_wait3A_164 : memref<80xi32, #tpu.memory_space<vmem>>)
    %dma_start3A_166 = arith.constant 1 : i32
    %dma_start3A_167 = arith.constant 1 : i32
    %dma_start3A_168 = arith.constant 0 : i32
    %dma_start3A_169 = arith.constant 0 : i32
    %dma_start3A_170 = tpu.memref_slice %arg8[%dma_start3A_167, %dma_start3A_168, %dma_start3A_169] : memref<3x80x128xf32, #tpu.memory_space<vmem>> -> memref<1x80x128xf32, #tpu.memory_space<vmem>>
    %dma_start3A_171 = tpu.memref_squeeze %dma_start3A_170 : memref<1x80x128xf32, #tpu.memory_space<vmem>> -> memref<80x128xf32, #tpu.memory_space<vmem>>
    %dma_start3A_172 = arith.constant 0 : i32
    %dma_start3A_173 = tpu.memref_slice %arg6[%dma_start3A_166, %dma_start3A_172] : memref<3x80xi32, #tpu.memory_space<vmem>> -> memref<1x80xi32, #tpu.memory_space<vmem>>
    %dma_start3A_174 = tpu.memref_squeeze %dma_start3A_173 : memref<1x80xi32, #tpu.memory_space<vmem>> -> memref<80xi32, #tpu.memory_space<vmem>>
    %dma_start3A_175 = arith.constant 0 : i32
    %dma_start3A_176 = arith.constant 0 : i32
    %dma_start3A_177 = tpu.memref_slice %arg2[%dma_start3A_175, %dma_start3A_176] : memref<10240x128xf32, #tpu.memory_space<hbm>> -> memref<10240x128xf32, #tpu.memory_space<hbm>>
    tpu.enqueue_indirect_dma source(%dma_start3A_177 : memref<10240x128xf32, #tpu.memory_space<hbm>>) target(%dma_start3A_171 : memref<80x128xf32, #tpu.memory_space<vmem>>) offsets(%dma_start3A_174 : memref<80xi32, #tpu.memory_space<vmem>>) semaphore(%arg11 : memref<!tpu.dma_semaphore, #tpu.memory_space<semaphore_mem>>)
    %scan3A_178 = arith.constant 0 : i32
    %scan3A_179 = arith.constant 0 : i32
    %scan3A_180 = arith.constant 41 : i32
    %scan3A_181 = arith.addi %scan3A_179, %scan3A_180 : i32
    %scan3A_182 = arith.constant 1 : i32
    scf.for %scan3A_215 = %scan3A_179 to %scan3A_181 step %scan3A_182  : i32 {
      %mul3A_216 = arith.constant 3 : i32
      %mul3A_217 = arith.muli %mul3A_216, %scan3A_215 : i32
      %add3A_218 = arith.constant 0 : i32
      %add3A_219 = arith.addi %mul3A_217, %add3A_218 : i32
      %dma_wait3A_220 = arith.constant 0 : i32
      %dma_wait3A_221 = arith.constant 0 : i32
      %dma_wait3A_222 = arith.constant 0 : i32
      %dma_wait3A_223 = arith.constant 0 : i32
      %dma_wait3A_224 = tpu.memref_slice %arg8[%dma_wait3A_221, %dma_wait3A_222, %dma_wait3A_223] : memref<3x80x128xf32, #tpu.memory_space<vmem>> -> memref<1x80x128xf32, #tpu.memory_space<vmem>>
      %dma_wait3A_225 = tpu.memref_squeeze %dma_wait3A_224 : memref<1x80x128xf32, #tpu.memory_space<vmem>> -> memref<80x128xf32, #tpu.memory_space<vmem>>
      %dma_wait3A_226 = arith.constant 0 : i32
      %dma_wait3A_227 = tpu.memref_slice %arg6[%dma_wait3A_220, %dma_wait3A_226] : memref<3x80xi32, #tpu.memory_space<vmem>> -> memref<1x80xi32, #tpu.memory_space<vmem>>
      %dma_wait3A_228 = tpu.memref_squeeze %dma_wait3A_227 : memref<1x80xi32, #tpu.memory_space<vmem>> -> memref<80xi32, #tpu.memory_space<vmem>>
      %dma_wait3A_229 = arith.constant 0 : i32
      %dma_wait3A_230 = arith.constant 0 : i32
      %dma_wait3A_231 = tpu.memref_slice %arg2[%dma_wait3A_229, %dma_wait3A_230] : memref<10240x128xf32, #tpu.memory_space<hbm>> -> memref<10240x128xf32, #tpu.memory_space<hbm>>
      tpu.wait_indirect_dma semaphore(%arg10 : memref<!tpu.dma_semaphore, #tpu.memory_space<semaphore_mem>>) src(%dma_wait3A_231 : memref<10240x128xf32, #tpu.memory_space<hbm>>) dst(%dma_wait3A_225 : memref<80x128xf32, #tpu.memory_space<vmem>>)
      %add3A_232 = arith.constant 2 : i32
      %add3A_233 = arith.addi %add3A_219, %add3A_232 : i32
      %mul3A_234 = arith.constant 10000 : i32
      %mul3A_235 = arith.muli %add3A, %mul3A_234 : i32
      %mul3A_236 = arith.constant 80 : i32
      %mul3A_237 = arith.muli %add3A_233, %mul3A_236 : i32
      %add3A_238 = arith.addi %mul3A_235, %mul3A_237 : i32
      %dma_wait3A_239 = arith.constant 2 : i32
      %dma_wait3A_240 = arith.constant 0 : i32
      %dma_wait3A_241 = tpu.memref_slice %arg6[%dma_wait3A_239, %dma_wait3A_240] : memref<3x80xi32, #tpu.memory_space<vmem>> -> memref<1x80xi32, #tpu.memory_space<vmem>>
      %dma_wait3A_242 = tpu.memref_squeeze %dma_wait3A_241 : memref<1x80xi32, #tpu.memory_space<vmem>> -> memref<80xi32, #tpu.memory_space<vmem>>
      %dma_wait3A_243 = tpu.memref_slice %arg3[%add3A_238] : memref<320000xi32, #tpu.memory_space<hbm>> -> memref<80xi32, #tpu.memory_space<hbm>>
      %dma_wait3A_244 = arith.constant 0 : i32
      %dma_wait3A_245 = tpu.memref_slice %arg6[%dma_wait3A_239, %dma_wait3A_244] : memref<3x80xi32, #tpu.memory_space<vmem>> -> memref<1x80xi32, #tpu.memory_space<vmem>>
      %dma_wait3A_246 = tpu.memref_squeeze %dma_wait3A_245 : memref<1x80xi32, #tpu.memory_space<vmem>> -> memref<80xi32, #tpu.memory_space<vmem>>
      %dma_wait3A_247 = tpu.memref_slice %arg3[%add3A_238] : memref<320000xi32, #tpu.memory_space<hbm>> -> memref<80xi32, #tpu.memory_space<hbm>>
      tpu.wait_dma2 semaphore(%arg15 : memref<!tpu.dma_semaphore, #tpu.memory_space<semaphore_mem>>) src(%dma_wait3A_247 : memref<80xi32, #tpu.memory_space<hbm>>) dst(%dma_wait3A_246 : memref<80xi32, #tpu.memory_space<vmem>>)
      %dma_wait3A_248 = arith.constant 2 : i32
      %dma_wait3A_249 = arith.constant 0 : i32
      %dma_wait3A_250 = tpu.memref_slice %arg7[%dma_wait3A_248, %dma_wait3A_249] : memref<3x80xi32, #tpu.memory_space<vmem>> -> memref<1x80xi32, #tpu.memory_space<vmem>>
      %dma_wait3A_251 = tpu.memref_squeeze %dma_wait3A_250 : memref<1x80xi32, #tpu.memory_space<vmem>> -> memref<80xi32, #tpu.memory_space<vmem>>
      %dma_wait3A_252 = tpu.memref_slice %arg4[%add3A_238] : memref<320000xi32, #tpu.memory_space<hbm>> -> memref<80xi32, #tpu.memory_space<hbm>>
      %dma_wait3A_253 = arith.constant 0 : i32
      %dma_wait3A_254 = tpu.memref_slice %arg7[%dma_wait3A_248, %dma_wait3A_253] : memref<3x80xi32, #tpu.memory_space<vmem>> -> memref<1x80xi32, #tpu.memory_space<vmem>>
      %dma_wait3A_255 = tpu.memref_squeeze %dma_wait3A_254 : memref<1x80xi32, #tpu.memory_space<vmem>> -> memref<80xi32, #tpu.memory_space<vmem>>
      %dma_wait3A_256 = tpu.memref_slice %arg4[%add3A_238] : memref<320000xi32, #tpu.memory_space<hbm>> -> memref<80xi32, #tpu.memory_space<hbm>>
      tpu.wait_dma2 semaphore(%arg15 : memref<!tpu.dma_semaphore, #tpu.memory_space<semaphore_mem>>) src(%dma_wait3A_256 : memref<80xi32, #tpu.memory_space<hbm>>) dst(%dma_wait3A_255 : memref<80xi32, #tpu.memory_space<vmem>>)
      %dma_start3A_257 = arith.constant 2 : i32
      %dma_start3A_258 = arith.constant 2 : i32
      %dma_start3A_259 = arith.constant 0 : i32
      %dma_start3A_260 = arith.constant 0 : i32
      %dma_start3A_261 = tpu.memref_slice %arg8[%dma_start3A_258, %dma_start3A_259, %dma_start3A_260] : memref<3x80x128xf32, #tpu.memory_space<vmem>> -> memref<1x80x128xf32, #tpu.memory_space<vmem>>
      %dma_start3A_262 = tpu.memref_squeeze %dma_start3A_261 : memref<1x80x128xf32, #tpu.memory_space<vmem>> -> memref<80x128xf32, #tpu.memory_space<vmem>>
      %dma_start3A_263 = arith.constant 0 : i32
      %dma_start3A_264 = tpu.memref_slice %arg6[%dma_start3A_257, %dma_start3A_263] : memref<3x80xi32, #tpu.memory_space<vmem>> -> memref<1x80xi32, #tpu.memory_space<vmem>>
      %dma_start3A_265 = tpu.memref_squeeze %dma_start3A_264 : memref<1x80xi32, #tpu.memory_space<vmem>> -> memref<80xi32, #tpu.memory_space<vmem>>
      %dma_start3A_266 = arith.constant 0 : i32
      %dma_start3A_267 = arith.constant 0 : i32
      %dma_start3A_268 = tpu.memref_slice %arg2[%dma_start3A_266, %dma_start3A_267] : memref<10240x128xf32, #tpu.memory_space<hbm>> -> memref<10240x128xf32, #tpu.memory_space<hbm>>
      tpu.enqueue_indirect_dma source(%dma_start3A_268 : memref<10240x128xf32, #tpu.memory_space<hbm>>) target(%dma_start3A_262 : memref<80x128xf32, #tpu.memory_space<vmem>>) offsets(%dma_start3A_265 : memref<80xi32, #tpu.memory_space<vmem>>) semaphore(%arg12 : memref<!tpu.dma_semaphore, #tpu.memory_space<semaphore_mem>>)
      %run_scoped3A_269 = arith.constant 0 : i32
      %run_scoped3A_270 = arith.constant 0 : i32
      "tpu.region"() ({
        %run_scoped3A_399 = tpu.sem_alloc : memref<!tpu.dma_semaphore, #tpu.memory_space<semaphore_mem>>
        %dma_start3A_400 = arith.constant 0 : i32
        %dma_start3A_401 = arith.constant 0 : i32
        %dma_start3A_402 = tpu.memref_slice %arg8[%run_scoped3A_269, %dma_start3A_400, %dma_start3A_401] : memref<3x80x128xf32, #tpu.memory_space<vmem>> -> memref<1x80x128xf32, #tpu.memory_space<vmem>>
        %dma_start3A_403 = tpu.memref_squeeze %dma_start3A_402 : memref<1x80x128xf32, #tpu.memory_space<vmem>> -> memref<80x128xf32, #tpu.memory_space<vmem>>
        %dma_start3A_404 = arith.constant 0 : i32
        %dma_start3A_405 = tpu.memref_slice %arg7[%run_scoped3A_270, %dma_start3A_404] : memref<3x80xi32, #tpu.memory_space<vmem>> -> memref<1x80xi32, #tpu.memory_space<vmem>>
        %dma_start3A_406 = tpu.memref_squeeze %dma_start3A_405 : memref<1x80xi32, #tpu.memory_space<vmem>> -> memref<80xi32, #tpu.memory_space<vmem>>
        %dma_start3A_407 = arith.constant 0 : i32
        %dma_start3A_408 = arith.constant 0 : i32
        %dma_start3A_409 = tpu.memref_slice %arg9[%dma_start3A_407, %dma_start3A_408] : memref<10240x128xf32, #tpu.memory_space<vmem_shared>> -> memref<10240x128xf32, #tpu.memory_space<vmem_shared>>
        tpu.enqueue_indirect_dma source(%dma_start3A_403 : memref<80x128xf32, #tpu.memory_space<vmem>>) target(%dma_start3A_409 : memref<10240x128xf32, #tpu.memory_space<vmem_shared>>) offsets(%dma_start3A_406 : memref<80xi32, #tpu.memory_space<vmem>>) semaphore(%run_scoped3A_399 : memref<!tpu.dma_semaphore, #tpu.memory_space<semaphore_mem>>) {add = true}
        %dma_wait3A_410 = arith.constant 0 : i32
        %dma_wait3A_411 = arith.constant 0 : i32
        %dma_wait3A_412 = tpu.memref_slice %arg8[%run_scoped3A_269, %dma_wait3A_410, %dma_wait3A_411] : memref<3x80x128xf32, #tpu.memory_space<vmem>> -> memref<1x80x128xf32, #tpu.memory_space<vmem>>
        %dma_wait3A_413 = tpu.memref_squeeze %dma_wait3A_412 : memref<1x80x128xf32, #tpu.memory_space<vmem>> -> memref<80x128xf32, #tpu.memory_space<vmem>>
        %dma_wait3A_414 = arith.constant 0 : i32
        %dma_wait3A_415 = tpu.memref_slice %arg7[%run_scoped3A_270, %dma_wait3A_414] : memref<3x80xi32, #tpu.memory_space<vmem>> -> memref<1x80xi32, #tpu.memory_space<vmem>>
        %dma_wait3A_416 = tpu.memref_squeeze %dma_wait3A_415 : memref<1x80xi32, #tpu.memory_space<vmem>> -> memref<80xi32, #tpu.memory_space<vmem>>
        %dma_wait3A_417 = arith.constant 0 : i32
        %dma_wait3A_418 = arith.constant 0 : i32
        %dma_wait3A_419 = tpu.memref_slice %arg9[%dma_wait3A_417, %dma_wait3A_418] : memref<10240x128xf32, #tpu.memory_space<vmem_shared>> -> memref<10240x128xf32, #tpu.memory_space<vmem_shared>>
        tpu.wait_indirect_dma semaphore(%run_scoped3A_399 : memref<!tpu.dma_semaphore, #tpu.memory_space<semaphore_mem>>) src(%dma_wait3A_413 : memref<80x128xf32, #tpu.memory_space<vmem>>) dst(%dma_wait3A_419 : memref<10240x128xf32, #tpu.memory_space<vmem_shared>>)
        tpu.yield
      }) : () -> ()
      %add3A_271 = arith.constant 3 : i32
      %add3A_272 = arith.addi %add3A_219, %add3A_271 : i32
      %lt3A = arith.constant 125 : i32
      %lt3A_273 = arith.cmpi slt, %add3A_272, %lt3A : i32
      %convert_element_type3A = arith.extui %lt3A_273 : i1 to i32
      %cond3A = arith.constant 0 : i32
      %cond3A_274 = arith.cmpi ne, %convert_element_type3A, %cond3A : i32
      scf.if %cond3A_274 {
        %mul3A_399 = arith.constant 10000 : i32
        %mul3A_400 = arith.muli %add3A, %mul3A_399 : i32
        %mul3A_401 = arith.constant 80 : i32
        %mul3A_402 = arith.muli %add3A_272, %mul3A_401 : i32
        %add3A_403 = arith.addi %mul3A_400, %mul3A_402 : i32
        %dma_start3A_404 = arith.constant 0 : i32
        %dma_start3A_405 = arith.constant 0 : i32
        %dma_start3A_406 = tpu.memref_slice %arg6[%dma_start3A_404, %dma_start3A_405] : memref<3x80xi32, #tpu.memory_space<vmem>> -> memref<1x80xi32, #tpu.memory_space<vmem>>
        %dma_start3A_407 = tpu.memref_squeeze %dma_start3A_406 : memref<1x80xi32, #tpu.memory_space<vmem>> -> memref<80xi32, #tpu.memory_space<vmem>>
        %dma_start3A_408 = tpu.memref_slice %arg3[%add3A_403] : memref<320000xi32, #tpu.memory_space<hbm>> -> memref<80xi32, #tpu.memory_space<hbm>>
        %dma_start3A_409 = arith.constant 0 : i32
        %dma_start3A_410 = tpu.memref_slice %arg6[%dma_start3A_404, %dma_start3A_409] : memref<3x80xi32, #tpu.memory_space<vmem>> -> memref<1x80xi32, #tpu.memory_space<vmem>>
        %dma_start3A_411 = tpu.memref_squeeze %dma_start3A_410 : memref<1x80xi32, #tpu.memory_space<vmem>> -> memref<80xi32, #tpu.memory_space<vmem>>
        %dma_start3A_412 = tpu.memref_slice %arg3[%add3A_403] : memref<320000xi32, #tpu.memory_space<hbm>> -> memref<80xi32, #tpu.memory_space<hbm>>
        tpu.enqueue_dma source(%dma_start3A_412 : memref<80xi32, #tpu.memory_space<hbm>>) target(%dma_start3A_411 : memref<80xi32, #tpu.memory_space<vmem>>) target_semaphore(%arg13 : memref<!tpu.dma_semaphore, #tpu.memory_space<semaphore_mem>>)
        %dma_start3A_413 = arith.constant 0 : i32
        %dma_start3A_414 = arith.constant 0 : i32
        %dma_start3A_415 = tpu.memref_slice %arg7[%dma_start3A_413, %dma_start3A_414] : memref<3x80xi32, #tpu.memory_space<vmem>> -> memref<1x80xi32, #tpu.memory_space<vmem>>
        %dma_start3A_416 = tpu.memref_squeeze %dma_start3A_415 : memref<1x80xi32, #tpu.memory_space<vmem>> -> memref<80xi32, #tpu.memory_space<vmem>>
        %dma_start3A_417 = tpu.memref_slice %arg4[%add3A_403] : memref<320000xi32, #tpu.memory_space<hbm>> -> memref<80xi32, #tpu.memory_space<hbm>>
        %dma_start3A_418 = arith.constant 0 : i32
        %dma_start3A_419 = tpu.memref_slice %arg7[%dma_start3A_413, %dma_start3A_418] : memref<3x80xi32, #tpu.memory_space<vmem>> -> memref<1x80xi32, #tpu.memory_space<vmem>>
        %dma_start3A_420 = tpu.memref_squeeze %dma_start3A_419 : memref<1x80xi32, #tpu.memory_space<vmem>> -> memref<80xi32, #tpu.memory_space<vmem>>
        %dma_start3A_421 = tpu.memref_slice %arg4[%add3A_403] : memref<320000xi32, #tpu.memory_space<hbm>> -> memref<80xi32, #tpu.memory_space<hbm>>
        tpu.enqueue_dma source(%dma_start3A_421 : memref<80xi32, #tpu.memory_space<hbm>>) target(%dma_start3A_420 : memref<80xi32, #tpu.memory_space<vmem>>) target_semaphore(%arg13 : memref<!tpu.dma_semaphore, #tpu.memory_space<semaphore_mem>>)
      } else {
      }
      %mul3A_275 = arith.constant 3 : i32
      %mul3A_276 = arith.muli %mul3A_275, %scan3A_215 : i32
      %add3A_277 = arith.constant 1 : i32
      %add3A_278 = arith.addi %mul3A_276, %add3A_277 : i32
      %dma_wait3A_279 = arith.constant 1 : i32
      %dma_wait3A_280 = arith.constant 1 : i32
      %dma_wait3A_281 = arith.constant 0 : i32
      %dma_wait3A_282 = arith.constant 0 : i32
      %dma_wait3A_283 = tpu.memref_slice %arg8[%dma_wait3A_280, %dma_wait3A_281, %dma_wait3A_282] : memref<3x80x128xf32, #tpu.memory_space<vmem>> -> memref<1x80x128xf32, #tpu.memory_space<vmem>>
      %dma_wait3A_284 = tpu.memref_squeeze %dma_wait3A_283 : memref<1x80x128xf32, #tpu.memory_space<vmem>> -> memref<80x128xf32, #tpu.memory_space<vmem>>
      %dma_wait3A_285 = arith.constant 0 : i32
      %dma_wait3A_286 = tpu.memref_slice %arg6[%dma_wait3A_279, %dma_wait3A_285] : memref<3x80xi32, #tpu.memory_space<vmem>> -> memref<1x80xi32, #tpu.memory_space<vmem>>
      %dma_wait3A_287 = tpu.memref_squeeze %dma_wait3A_286 : memref<1x80xi32, #tpu.memory_space<vmem>> -> memref<80xi32, #tpu.memory_space<vmem>>
      %dma_wait3A_288 = arith.constant 0 : i32
      %dma_wait3A_289 = arith.constant 0 : i32
      %dma_wait3A_290 = tpu.memref_slice %arg2[%dma_wait3A_288, %dma_wait3A_289] : memref<10240x128xf32, #tpu.memory_space<hbm>> -> memref<10240x128xf32, #tpu.memory_space<hbm>>
      tpu.wait_indirect_dma semaphore(%arg11 : memref<!tpu.dma_semaphore, #tpu.memory_space<semaphore_mem>>) src(%dma_wait3A_290 : memref<10240x128xf32, #tpu.memory_space<hbm>>) dst(%dma_wait3A_284 : memref<80x128xf32, #tpu.memory_space<vmem>>)
      %add3A_291 = arith.constant 2 : i32
      %add3A_292 = arith.addi %add3A_278, %add3A_291 : i32
      %mul3A_293 = arith.constant 10000 : i32
      %mul3A_294 = arith.muli %add3A, %mul3A_293 : i32
      %mul3A_295 = arith.constant 80 : i32
      %mul3A_296 = arith.muli %add3A_292, %mul3A_295 : i32
      %add3A_297 = arith.addi %mul3A_294, %mul3A_296 : i32
      %dma_wait3A_298 = arith.constant 0 : i32
      %dma_wait3A_299 = arith.constant 0 : i32
      %dma_wait3A_300 = tpu.memref_slice %arg6[%dma_wait3A_298, %dma_wait3A_299] : memref<3x80xi32, #tpu.memory_space<vmem>> -> memref<1x80xi32, #tpu.memory_space<vmem>>
      %dma_wait3A_301 = tpu.memref_squeeze %dma_wait3A_300 : memref<1x80xi32, #tpu.memory_space<vmem>> -> memref<80xi32, #tpu.memory_space<vmem>>
      %dma_wait3A_302 = tpu.memref_slice %arg3[%add3A_297] : memref<320000xi32, #tpu.memory_space<hbm>> -> memref<80xi32, #tpu.memory_space<hbm>>
      %dma_wait3A_303 = arith.constant 0 : i32
      %dma_wait3A_304 = tpu.memref_slice %arg6[%dma_wait3A_298, %dma_wait3A_303] : memref<3x80xi32, #tpu.memory_space<vmem>> -> memref<1x80xi32, #tpu.memory_space<vmem>>
      %dma_wait3A_305 = tpu.memref_squeeze %dma_wait3A_304 : memref<1x80xi32, #tpu.memory_space<vmem>> -> memref<80xi32, #tpu.memory_space<vmem>>
      %dma_wait3A_306 = tpu.memref_slice %arg3[%add3A_297] : memref<320000xi32, #tpu.memory_space<hbm>> -> memref<80xi32, #tpu.memory_space<hbm>>
      tpu.wait_dma2 semaphore(%arg13 : memref<!tpu.dma_semaphore, #tpu.memory_space<semaphore_mem>>) src(%dma_wait3A_306 : memref<80xi32, #tpu.memory_space<hbm>>) dst(%dma_wait3A_305 : memref<80xi32, #tpu.memory_space<vmem>>)
      %dma_wait3A_307 = arith.constant 0 : i32
      %dma_wait3A_308 = arith.constant 0 : i32
      %dma_wait3A_309 = tpu.memref_slice %arg7[%dma_wait3A_307, %dma_wait3A_308] : memref<3x80xi32, #tpu.memory_space<vmem>> -> memref<1x80xi32, #tpu.memory_space<vmem>>
      %dma_wait3A_310 = tpu.memref_squeeze %dma_wait3A_309 : memref<1x80xi32, #tpu.memory_space<vmem>> -> memref<80xi32, #tpu.memory_space<vmem>>
      %dma_wait3A_311 = tpu.memref_slice %arg4[%add3A_297] : memref<320000xi32, #tpu.memory_space<hbm>> -> memref<80xi32, #tpu.memory_space<hbm>>
      %dma_wait3A_312 = arith.constant 0 : i32
      %dma_wait3A_313 = tpu.memref_slice %arg7[%dma_wait3A_307, %dma_wait3A_312] : memref<3x80xi32, #tpu.memory_space<vmem>> -> memref<1x80xi32, #tpu.memory_space<vmem>>
      %dma_wait3A_314 = tpu.memref_squeeze %dma_wait3A_313 : memref<1x80xi32, #tpu.memory_space<vmem>> -> memref<80xi32, #tpu.memory_space<vmem>>
      %dma_wait3A_315 = tpu.memref_slice %arg4[%add3A_297] : memref<320000xi32, #tpu.memory_space<hbm>> -> memref<80xi32, #tpu.memory_space<hbm>>
      tpu.wait_dma2 semaphore(%arg13 : memref<!tpu.dma_semaphore, #tpu.memory_space<semaphore_mem>>) src(%dma_wait3A_315 : memref<80xi32, #tpu.memory_space<hbm>>) dst(%dma_wait3A_314 : memref<80xi32, #tpu.memory_space<vmem>>)
      %dma_start3A_316 = arith.constant 0 : i32
      %dma_start3A_317 = arith.constant 0 : i32
      %dma_start3A_318 = arith.constant 0 : i32
      %dma_start3A_319 = arith.constant 0 : i32
      %dma_start3A_320 = tpu.memref_slice %arg8[%dma_start3A_317, %dma_start3A_318, %dma_start3A_319] : memref<3x80x128xf32, #tpu.memory_space<vmem>> -> memref<1x80x128xf32, #tpu.memory_space<vmem>>
      %dma_start3A_321 = tpu.memref_squeeze %dma_start3A_320 : memref<1x80x128xf32, #tpu.memory_space<vmem>> -> memref<80x128xf32, #tpu.memory_space<vmem>>
      %dma_start3A_322 = arith.constant 0 : i32
      %dma_start3A_323 = tpu.memref_slice %arg6[%dma_start3A_316, %dma_start3A_322] : memref<3x80xi32, #tpu.memory_space<vmem>> -> memref<1x80xi32, #tpu.memory_space<vmem>>
      %dma_start3A_324 = tpu.memref_squeeze %dma_start3A_323 : memref<1x80xi32, #tpu.memory_space<vmem>> -> memref<80xi32, #tpu.memory_space<vmem>>
      %dma_start3A_325 = arith.constant 0 : i32
      %dma_start3A_326 = arith.constant 0 : i32
      %dma_start3A_327 = tpu.memref_slice %arg2[%dma_start3A_325, %dma_start3A_326] : memref<10240x128xf32, #tpu.memory_space<hbm>> -> memref<10240x128xf32, #tpu.memory_space<hbm>>
      tpu.enqueue_indirect_dma source(%dma_start3A_327 : memref<10240x128xf32, #tpu.memory_space<hbm>>) target(%dma_start3A_321 : memref<80x128xf32, #tpu.memory_space<vmem>>) offsets(%dma_start3A_324 : memref<80xi32, #tpu.memory_space<vmem>>) semaphore(%arg10 : memref<!tpu.dma_semaphore, #tpu.memory_space<semaphore_mem>>)
      %run_scoped3A_328 = arith.constant 1 : i32
      %run_scoped3A_329 = arith.constant 1 : i32
      "tpu.region"() ({
        %run_scoped3A_399 = tpu.sem_alloc : memref<!tpu.dma_semaphore, #tpu.memory_space<semaphore_mem>>
        %dma_start3A_400 = arith.constant 0 : i32
        %dma_start3A_401 = arith.constant 0 : i32
        %dma_start3A_402 = tpu.memref_slice %arg8[%run_scoped3A_328, %dma_start3A_400, %dma_start3A_401] : memref<3x80x128xf32, #tpu.memory_space<vmem>> -> memref<1x80x128xf32, #tpu.memory_space<vmem>>
        %dma_start3A_403 = tpu.memref_squeeze %dma_start3A_402 : memref<1x80x128xf32, #tpu.memory_space<vmem>> -> memref<80x128xf32, #tpu.memory_space<vmem>>
        %dma_start3A_404 = arith.constant 0 : i32
        %dma_start3A_405 = tpu.memref_slice %arg7[%run_scoped3A_329, %dma_start3A_404] : memref<3x80xi32, #tpu.memory_space<vmem>> -> memref<1x80xi32, #tpu.memory_space<vmem>>
        %dma_start3A_406 = tpu.memref_squeeze %dma_start3A_405 : memref<1x80xi32, #tpu.memory_space<vmem>> -> memref<80xi32, #tpu.memory_space<vmem>>
        %dma_start3A_407 = arith.constant 0 : i32
        %dma_start3A_408 = arith.constant 0 : i32
        %dma_start3A_409 = tpu.memref_slice %arg9[%dma_start3A_407, %dma_start3A_408] : memref<10240x128xf32, #tpu.memory_space<vmem_shared>> -> memref<10240x128xf32, #tpu.memory_space<vmem_shared>>
        tpu.enqueue_indirect_dma source(%dma_start3A_403 : memref<80x128xf32, #tpu.memory_space<vmem>>) target(%dma_start3A_409 : memref<10240x128xf32, #tpu.memory_space<vmem_shared>>) offsets(%dma_start3A_406 : memref<80xi32, #tpu.memory_space<vmem>>) semaphore(%run_scoped3A_399 : memref<!tpu.dma_semaphore, #tpu.memory_space<semaphore_mem>>) {add = true}
        %dma_wait3A_410 = arith.constant 0 : i32
        %dma_wait3A_411 = arith.constant 0 : i32
        %dma_wait3A_412 = tpu.memref_slice %arg8[%run_scoped3A_328, %dma_wait3A_410, %dma_wait3A_411] : memref<3x80x128xf32, #tpu.memory_space<vmem>> -> memref<1x80x128xf32, #tpu.memory_space<vmem>>
        %dma_wait3A_413 = tpu.memref_squeeze %dma_wait3A_412 : memref<1x80x128xf32, #tpu.memory_space<vmem>> -> memref<80x128xf32, #tpu.memory_space<vmem>>
        %dma_wait3A_414 = arith.constant 0 : i32
        %dma_wait3A_415 = tpu.memref_slice %arg7[%run_scoped3A_329, %dma_wait3A_414] : memref<3x80xi32, #tpu.memory_space<vmem>> -> memref<1x80xi32, #tpu.memory_space<vmem>>
        %dma_wait3A_416 = tpu.memref_squeeze %dma_wait3A_415 : memref<1x80xi32, #tpu.memory_space<vmem>> -> memref<80xi32, #tpu.memory_space<vmem>>
        %dma_wait3A_417 = arith.constant 0 : i32
        %dma_wait3A_418 = arith.constant 0 : i32
        %dma_wait3A_419 = tpu.memref_slice %arg9[%dma_wait3A_417, %dma_wait3A_418] : memref<10240x128xf32, #tpu.memory_space<vmem_shared>> -> memref<10240x128xf32, #tpu.memory_space<vmem_shared>>
        tpu.wait_indirect_dma semaphore(%run_scoped3A_399 : memref<!tpu.dma_semaphore, #tpu.memory_space<semaphore_mem>>) src(%dma_wait3A_413 : memref<80x128xf32, #tpu.memory_space<vmem>>) dst(%dma_wait3A_419 : memref<10240x128xf32, #tpu.memory_space<vmem_shared>>)
        tpu.yield
      }) : () -> ()
      %add3A_330 = arith.constant 3 : i32
      %add3A_331 = arith.addi %add3A_278, %add3A_330 : i32
      %lt3A_332 = arith.constant 125 : i32
      %lt3A_333 = arith.cmpi slt, %add3A_331, %lt3A_332 : i32
      %convert_element_type3A_334 = arith.extui %lt3A_333 : i1 to i32
      %cond3A_335 = arith.constant 0 : i32
      %cond3A_336 = arith.cmpi ne, %convert_element_type3A_334, %cond3A_335 : i32
      scf.if %cond3A_336 {
        %mul3A_399 = arith.constant 10000 : i32
        %mul3A_400 = arith.muli %add3A, %mul3A_399 : i32
        %mul3A_401 = arith.constant 80 : i32
        %mul3A_402 = arith.muli %add3A_331, %mul3A_401 : i32
        %add3A_403 = arith.addi %mul3A_400, %mul3A_402 : i32
        %dma_start3A_404 = arith.constant 1 : i32
        %dma_start3A_405 = arith.constant 0 : i32
        %dma_start3A_406 = tpu.memref_slice %arg6[%dma_start3A_404, %dma_start3A_405] : memref<3x80xi32, #tpu.memory_space<vmem>> -> memref<1x80xi32, #tpu.memory_space<vmem>>
        %dma_start3A_407 = tpu.memref_squeeze %dma_start3A_406 : memref<1x80xi32, #tpu.memory_space<vmem>> -> memref<80xi32, #tpu.memory_space<vmem>>
        %dma_start3A_408 = tpu.memref_slice %arg3[%add3A_403] : memref<320000xi32, #tpu.memory_space<hbm>> -> memref<80xi32, #tpu.memory_space<hbm>>
        %dma_start3A_409 = arith.constant 0 : i32
        %dma_start3A_410 = tpu.memref_slice %arg6[%dma_start3A_404, %dma_start3A_409] : memref<3x80xi32, #tpu.memory_space<vmem>> -> memref<1x80xi32, #tpu.memory_space<vmem>>
        %dma_start3A_411 = tpu.memref_squeeze %dma_start3A_410 : memref<1x80xi32, #tpu.memory_space<vmem>> -> memref<80xi32, #tpu.memory_space<vmem>>
        %dma_start3A_412 = tpu.memref_slice %arg3[%add3A_403] : memref<320000xi32, #tpu.memory_space<hbm>> -> memref<80xi32, #tpu.memory_space<hbm>>
        tpu.enqueue_dma source(%dma_start3A_412 : memref<80xi32, #tpu.memory_space<hbm>>) target(%dma_start3A_411 : memref<80xi32, #tpu.memory_space<vmem>>) target_semaphore(%arg14 : memref<!tpu.dma_semaphore, #tpu.memory_space<semaphore_mem>>)
        %dma_start3A_413 = arith.constant 1 : i32
        %dma_start3A_414 = arith.constant 0 : i32
        %dma_start3A_415 = tpu.memref_slice %arg7[%dma_start3A_413, %dma_start3A_414] : memref<3x80xi32, #tpu.memory_space<vmem>> -> memref<1x80xi32, #tpu.memory_space<vmem>>
        %dma_start3A_416 = tpu.memref_squeeze %dma_start3A_415 : memref<1x80xi32, #tpu.memory_space<vmem>> -> memref<80xi32, #tpu.memory_space<vmem>>
        %dma_start3A_417 = tpu.memref_slice %arg4[%add3A_403] : memref<320000xi32, #tpu.memory_space<hbm>> -> memref<80xi32, #tpu.memory_space<hbm>>
        %dma_start3A_418 = arith.constant 0 : i32
        %dma_start3A_419 = tpu.memref_slice %arg7[%dma_start3A_413, %dma_start3A_418] : memref<3x80xi32, #tpu.memory_space<vmem>> -> memref<1x80xi32, #tpu.memory_space<vmem>>
        %dma_start3A_420 = tpu.memref_squeeze %dma_start3A_419 : memref<1x80xi32, #tpu.memory_space<vmem>> -> memref<80xi32, #tpu.memory_space<vmem>>
        %dma_start3A_421 = tpu.memref_slice %arg4[%add3A_403] : memref<320000xi32, #tpu.memory_space<hbm>> -> memref<80xi32, #tpu.memory_space<hbm>>
        tpu.enqueue_dma source(%dma_start3A_421 : memref<80xi32, #tpu.memory_space<hbm>>) target(%dma_start3A_420 : memref<80xi32, #tpu.memory_space<vmem>>) target_semaphore(%arg14 : memref<!tpu.dma_semaphore, #tpu.memory_space<semaphore_mem>>)
      } else {
      }
      %mul3A_337 = arith.constant 3 : i32
      %mul3A_338 = arith.muli %mul3A_337, %scan3A_215 : i32
      %add3A_339 = arith.constant 2 : i32
      %add3A_340 = arith.addi %mul3A_338, %add3A_339 : i32
      %dma_wait3A_341 = arith.constant 2 : i32
      %dma_wait3A_342 = arith.constant 2 : i32
      %dma_wait3A_343 = arith.constant 0 : i32
      %dma_wait3A_344 = arith.constant 0 : i32
      %dma_wait3A_345 = tpu.memref_slice %arg8[%dma_wait3A_342, %dma_wait3A_343, %dma_wait3A_344] : memref<3x80x128xf32, #tpu.memory_space<vmem>> -> memref<1x80x128xf32, #tpu.memory_space<vmem>>
      %dma_wait3A_346 = tpu.memref_squeeze %dma_wait3A_345 : memref<1x80x128xf32, #tpu.memory_space<vmem>> -> memref<80x128xf32, #tpu.memory_space<vmem>>
      %dma_wait3A_347 = arith.constant 0 : i32
      %dma_wait3A_348 = tpu.memref_slice %arg6[%dma_wait3A_341, %dma_wait3A_347] : memref<3x80xi32, #tpu.memory_space<vmem>> -> memref<1x80xi32, #tpu.memory_space<vmem>>
      %dma_wait3A_349 = tpu.memref_squeeze %dma_wait3A_348 : memref<1x80xi32, #tpu.memory_space<vmem>> -> memref<80xi32, #tpu.memory_space<vmem>>
      %dma_wait3A_350 = arith.constant 0 : i32
      %dma_wait3A_351 = arith.constant 0 : i32
      %dma_wait3A_352 = tpu.memref_slice %arg2[%dma_wait3A_350, %dma_wait3A_351] : memref<10240x128xf32, #tpu.memory_space<hbm>> -> memref<10240x128xf32, #tpu.memory_space<hbm>>
      tpu.wait_indirect_dma semaphore(%arg12 : memref<!tpu.dma_semaphore, #tpu.memory_space<semaphore_mem>>) src(%dma_wait3A_352 : memref<10240x128xf32, #tpu.memory_space<hbm>>) dst(%dma_wait3A_346 : memref<80x128xf32, #tpu.memory_space<vmem>>)
      %add3A_353 = arith.constant 2 : i32
      %add3A_354 = arith.addi %add3A_340, %add3A_353 : i32
      %mul3A_355 = arith.constant 10000 : i32
      %mul3A_356 = arith.muli %add3A, %mul3A_355 : i32
      %mul3A_357 = arith.constant 80 : i32
      %mul3A_358 = arith.muli %add3A_354, %mul3A_357 : i32
      %add3A_359 = arith.addi %mul3A_356, %mul3A_358 : i32
      %dma_wait3A_360 = arith.constant 1 : i32
      %dma_wait3A_361 = arith.constant 0 : i32
      %dma_wait3A_362 = tpu.memref_slice %arg6[%dma_wait3A_360, %dma_wait3A_361] : memref<3x80xi32, #tpu.memory_space<vmem>> -> memref<1x80xi32, #tpu.memory_space<vmem>>
      %dma_wait3A_363 = tpu.memref_squeeze %dma_wait3A_362 : memref<1x80xi32, #tpu.memory_space<vmem>> -> memref<80xi32, #tpu.memory_space<vmem>>
      %dma_wait3A_364 = tpu.memref_slice %arg3[%add3A_359] : memref<320000xi32, #tpu.memory_space<hbm>> -> memref<80xi32, #tpu.memory_space<hbm>>
      %dma_wait3A_365 = arith.constant 0 : i32
      %dma_wait3A_366 = tpu.memref_slice %arg6[%dma_wait3A_360, %dma_wait3A_365] : memref<3x80xi32, #tpu.memory_space<vmem>> -> memref<1x80xi32, #tpu.memory_space<vmem>>
      %dma_wait3A_367 = tpu.memref_squeeze %dma_wait3A_366 : memref<1x80xi32, #tpu.memory_space<vmem>> -> memref<80xi32, #tpu.memory_space<vmem>>
      %dma_wait3A_368 = tpu.memref_slice %arg3[%add3A_359] : memref<320000xi32, #tpu.memory_space<hbm>> -> memref<80xi32, #tpu.memory_space<hbm>>
      tpu.wait_dma2 semaphore(%arg14 : memref<!tpu.dma_semaphore, #tpu.memory_space<semaphore_mem>>) src(%dma_wait3A_368 : memref<80xi32, #tpu.memory_space<hbm>>) dst(%dma_wait3A_367 : memref<80xi32, #tpu.memory_space<vmem>>)
      %dma_wait3A_369 = arith.constant 1 : i32
      %dma_wait3A_370 = arith.constant 0 : i32
      %dma_wait3A_371 = tpu.memref_slice %arg7[%dma_wait3A_369, %dma_wait3A_370] : memref<3x80xi32, #tpu.memory_space<vmem>> -> memref<1x80xi32, #tpu.memory_space<vmem>>
      %dma_wait3A_372 = tpu.memref_squeeze %dma_wait3A_371 : memref<1x80xi32, #tpu.memory_space<vmem>> -> memref<80xi32, #tpu.memory_space<vmem>>
      %dma_wait3A_373 = tpu.memref_slice %arg4[%add3A_359] : memref<320000xi32, #tpu.memory_space<hbm>> -> memref<80xi32, #tpu.memory_space<hbm>>
      %dma_wait3A_374 = arith.constant 0 : i32
      %dma_wait3A_375 = tpu.memref_slice %arg7[%dma_wait3A_369, %dma_wait3A_374] : memref<3x80xi32, #tpu.memory_space<vmem>> -> memref<1x80xi32, #tpu.memory_space<vmem>>
      %dma_wait3A_376 = tpu.memref_squeeze %dma_wait3A_375 : memref<1x80xi32, #tpu.memory_space<vmem>> -> memref<80xi32, #tpu.memory_space<vmem>>
      %dma_wait3A_377 = tpu.memref_slice %arg4[%add3A_359] : memref<320000xi32, #tpu.memory_space<hbm>> -> memref<80xi32, #tpu.memory_space<hbm>>
      tpu.wait_dma2 semaphore(%arg14 : memref<!tpu.dma_semaphore, #tpu.memory_space<semaphore_mem>>) src(%dma_wait3A_377 : memref<80xi32, #tpu.memory_space<hbm>>) dst(%dma_wait3A_376 : memref<80xi32, #tpu.memory_space<vmem>>)
      %dma_start3A_378 = arith.constant 1 : i32
      %dma_start3A_379 = arith.constant 1 : i32
      %dma_start3A_380 = arith.constant 0 : i32
      %dma_start3A_381 = arith.constant 0 : i32
      %dma_start3A_382 = tpu.memref_slice %arg8[%dma_start3A_379, %dma_start3A_380, %dma_start3A_381] : memref<3x80x128xf32, #tpu.memory_space<vmem>> -> memref<1x80x128xf32, #tpu.memory_space<vmem>>
      %dma_start3A_383 = tpu.memref_squeeze %dma_start3A_382 : memref<1x80x128xf32, #tpu.memory_space<vmem>> -> memref<80x128xf32, #tpu.memory_space<vmem>>
      %dma_start3A_384 = arith.constant 0 : i32
      %dma_start3A_385 = tpu.memref_slice %arg6[%dma_start3A_378, %dma_start3A_384] : memref<3x80xi32, #tpu.memory_space<vmem>> -> memref<1x80xi32, #tpu.memory_space<vmem>>
      %dma_start3A_386 = tpu.memref_squeeze %dma_start3A_385 : memref<1x80xi32, #tpu.memory_space<vmem>> -> memref<80xi32, #tpu.memory_space<vmem>>
      %dma_start3A_387 = arith.constant 0 : i32
      %dma_start3A_388 = arith.constant 0 : i32
      %dma_start3A_389 = tpu.memref_slice %arg2[%dma_start3A_387, %dma_start3A_388] : memref<10240x128xf32, #tpu.memory_space<hbm>> -> memref<10240x128xf32, #tpu.memory_space<hbm>>
      tpu.enqueue_indirect_dma source(%dma_start3A_389 : memref<10240x128xf32, #tpu.memory_space<hbm>>) target(%dma_start3A_383 : memref<80x128xf32, #tpu.memory_space<vmem>>) offsets(%dma_start3A_386 : memref<80xi32, #tpu.memory_space<vmem>>) semaphore(%arg11 : memref<!tpu.dma_semaphore, #tpu.memory_space<semaphore_mem>>)
      %run_scoped3A_390 = arith.constant 2 : i32
      %run_scoped3A_391 = arith.constant 2 : i32
      "tpu.region"() ({
        %run_scoped3A_399 = tpu.sem_alloc : memref<!tpu.dma_semaphore, #tpu.memory_space<semaphore_mem>>
        %dma_start3A_400 = arith.constant 0 : i32
        %dma_start3A_401 = arith.constant 0 : i32
        %dma_start3A_402 = tpu.memref_slice %arg8[%run_scoped3A_390, %dma_start3A_400, %dma_start3A_401] : memref<3x80x128xf32, #tpu.memory_space<vmem>> -> memref<1x80x128xf32, #tpu.memory_space<vmem>>
        %dma_start3A_403 = tpu.memref_squeeze %dma_start3A_402 : memref<1x80x128xf32, #tpu.memory_space<vmem>> -> memref<80x128xf32, #tpu.memory_space<vmem>>
        %dma_start3A_404 = arith.constant 0 : i32
        %dma_start3A_405 = tpu.memref_slice %arg7[%run_scoped3A_391, %dma_start3A_404] : memref<3x80xi32, #tpu.memory_space<vmem>> -> memref<1x80xi32, #tpu.memory_space<vmem>>
        %dma_start3A_406 = tpu.memref_squeeze %dma_start3A_405 : memref<1x80xi32, #tpu.memory_space<vmem>> -> memref<80xi32, #tpu.memory_space<vmem>>
        %dma_start3A_407 = arith.constant 0 : i32
        %dma_start3A_408 = arith.constant 0 : i32
        %dma_start3A_409 = tpu.memref_slice %arg9[%dma_start3A_407, %dma_start3A_408] : memref<10240x128xf32, #tpu.memory_space<vmem_shared>> -> memref<10240x128xf32, #tpu.memory_space<vmem_shared>>
        tpu.enqueue_indirect_dma source(%dma_start3A_403 : memref<80x128xf32, #tpu.memory_space<vmem>>) target(%dma_start3A_409 : memref<10240x128xf32, #tpu.memory_space<vmem_shared>>) offsets(%dma_start3A_406 : memref<80xi32, #tpu.memory_space<vmem>>) semaphore(%run_scoped3A_399 : memref<!tpu.dma_semaphore, #tpu.memory_space<semaphore_mem>>) {add = true}
        %dma_wait3A_410 = arith.constant 0 : i32
        %dma_wait3A_411 = arith.constant 0 : i32
        %dma_wait3A_412 = tpu.memref_slice %arg8[%run_scoped3A_390, %dma_wait3A_410, %dma_wait3A_411] : memref<3x80x128xf32, #tpu.memory_space<vmem>> -> memref<1x80x128xf32, #tpu.memory_space<vmem>>
        %dma_wait3A_413 = tpu.memref_squeeze %dma_wait3A_412 : memref<1x80x128xf32, #tpu.memory_space<vmem>> -> memref<80x128xf32, #tpu.memory_space<vmem>>
        %dma_wait3A_414 = arith.constant 0 : i32
        %dma_wait3A_415 = tpu.memref_slice %arg7[%run_scoped3A_391, %dma_wait3A_414] : memref<3x80xi32, #tpu.memory_space<vmem>> -> memref<1x80xi32, #tpu.memory_space<vmem>>
        %dma_wait3A_416 = tpu.memref_squeeze %dma_wait3A_415 : memref<1x80xi32, #tpu.memory_space<vmem>> -> memref<80xi32, #tpu.memory_space<vmem>>
        %dma_wait3A_417 = arith.constant 0 : i32
        %dma_wait3A_418 = arith.constant 0 : i32
        %dma_wait3A_419 = tpu.memref_slice %arg9[%dma_wait3A_417, %dma_wait3A_418] : memref<10240x128xf32, #tpu.memory_space<vmem_shared>> -> memref<10240x128xf32, #tpu.memory_space<vmem_shared>>
        tpu.wait_indirect_dma semaphore(%run_scoped3A_399 : memref<!tpu.dma_semaphore, #tpu.memory_space<semaphore_mem>>) src(%dma_wait3A_413 : memref<80x128xf32, #tpu.memory_space<vmem>>) dst(%dma_wait3A_419 : memref<10240x128xf32, #tpu.memory_space<vmem_shared>>)
        tpu.yield
      }) : () -> ()
      %add3A_392 = arith.constant 3 : i32
      %add3A_393 = arith.addi %add3A_340, %add3A_392 : i32
      %lt3A_394 = arith.constant 125 : i32
      %lt3A_395 = arith.cmpi slt, %add3A_393, %lt3A_394 : i32
      %convert_element_type3A_396 = arith.extui %lt3A_395 : i1 to i32
      %cond3A_397 = arith.constant 0 : i32
      %cond3A_398 = arith.cmpi ne, %convert_element_type3A_396, %cond3A_397 : i32
      scf.if %cond3A_398 {
        %mul3A_399 = arith.constant 10000 : i32
        %mul3A_400 = arith.muli %add3A, %mul3A_399 : i32
        %mul3A_401 = arith.constant 80 : i32
        %mul3A_402 = arith.muli %add3A_393, %mul3A_401 : i32
        %add3A_403 = arith.addi %mul3A_400, %mul3A_402 : i32
        %dma_start3A_404 = arith.constant 2 : i32
        %dma_start3A_405 = arith.constant 0 : i32
        %dma_start3A_406 = tpu.memref_slice %arg6[%dma_start3A_404, %dma_start3A_405] : memref<3x80xi32, #tpu.memory_space<vmem>> -> memref<1x80xi32, #tpu.memory_space<vmem>>
        %dma_start3A_407 = tpu.memref_squeeze %dma_start3A_406 : memref<1x80xi32, #tpu.memory_space<vmem>> -> memref<80xi32, #tpu.memory_space<vmem>>
        %dma_start3A_408 = tpu.memref_slice %arg3[%add3A_403] : memref<320000xi32, #tpu.memory_space<hbm>> -> memref<80xi32, #tpu.memory_space<hbm>>
        %dma_start3A_409 = arith.constant 0 : i32
        %dma_start3A_410 = tpu.memref_slice %arg6[%dma_start3A_404, %dma_start3A_409] : memref<3x80xi32, #tpu.memory_space<vmem>> -> memref<1x80xi32, #tpu.memory_space<vmem>>
        %dma_start3A_411 = tpu.memref_squeeze %dma_start3A_410 : memref<1x80xi32, #tpu.memory_space<vmem>> -> memref<80xi32, #tpu.memory_space<vmem>>
        %dma_start3A_412 = tpu.memref_slice %arg3[%add3A_403] : memref<320000xi32, #tpu.memory_space<hbm>> -> memref<80xi32, #tpu.memory_space<hbm>>
        tpu.enqueue_dma source(%dma_start3A_412 : memref<80xi32, #tpu.memory_space<hbm>>) target(%dma_start3A_411 : memref<80xi32, #tpu.memory_space<vmem>>) target_semaphore(%arg15 : memref<!tpu.dma_semaphore, #tpu.memory_space<semaphore_mem>>)
        %dma_start3A_413 = arith.constant 2 : i32
        %dma_start3A_414 = arith.constant 0 : i32
        %dma_start3A_415 = tpu.memref_slice %arg7[%dma_start3A_413, %dma_start3A_414] : memref<3x80xi32, #tpu.memory_space<vmem>> -> memref<1x80xi32, #tpu.memory_space<vmem>>
        %dma_start3A_416 = tpu.memref_squeeze %dma_start3A_415 : memref<1x80xi32, #tpu.memory_space<vmem>> -> memref<80xi32, #tpu.memory_space<vmem>>
        %dma_start3A_417 = tpu.memref_slice %arg4[%add3A_403] : memref<320000xi32, #tpu.memory_space<hbm>> -> memref<80xi32, #tpu.memory_space<hbm>>
        %dma_start3A_418 = arith.constant 0 : i32
        %dma_start3A_419 = tpu.memref_slice %arg7[%dma_start3A_413, %dma_start3A_418] : memref<3x80xi32, #tpu.memory_space<vmem>> -> memref<1x80xi32, #tpu.memory_space<vmem>>
        %dma_start3A_420 = tpu.memref_squeeze %dma_start3A_419 : memref<1x80xi32, #tpu.memory_space<vmem>> -> memref<80xi32, #tpu.memory_space<vmem>>
        %dma_start3A_421 = tpu.memref_slice %arg4[%add3A_403] : memref<320000xi32, #tpu.memory_space<hbm>> -> memref<80xi32, #tpu.memory_space<hbm>>
        tpu.enqueue_dma source(%dma_start3A_421 : memref<80xi32, #tpu.memory_space<hbm>>) target(%dma_start3A_420 : memref<80xi32, #tpu.memory_space<vmem>>) target_semaphore(%arg15 : memref<!tpu.dma_semaphore, #tpu.memory_space<semaphore_mem>>)
      } else {
      }
    }
    %scan3A_183 = arith.constant 41 : i32
    %dma_wait3A_184 = arith.constant 0 : i32
    %dma_wait3A_185 = arith.constant 0 : i32
    %dma_wait3A_186 = arith.constant 0 : i32
    %dma_wait3A_187 = arith.constant 0 : i32
    %dma_wait3A_188 = tpu.memref_slice %arg8[%dma_wait3A_185, %dma_wait3A_186, %dma_wait3A_187] : memref<3x80x128xf32, #tpu.memory_space<vmem>> -> memref<1x80x128xf32, #tpu.memory_space<vmem>>
    %dma_wait3A_189 = tpu.memref_squeeze %dma_wait3A_188 : memref<1x80x128xf32, #tpu.memory_space<vmem>> -> memref<80x128xf32, #tpu.memory_space<vmem>>
    %dma_wait3A_190 = arith.constant 0 : i32
    %dma_wait3A_191 = tpu.memref_slice %arg6[%dma_wait3A_184, %dma_wait3A_190] : memref<3x80xi32, #tpu.memory_space<vmem>> -> memref<1x80xi32, #tpu.memory_space<vmem>>
    %dma_wait3A_192 = tpu.memref_squeeze %dma_wait3A_191 : memref<1x80xi32, #tpu.memory_space<vmem>> -> memref<80xi32, #tpu.memory_space<vmem>>
    %dma_wait3A_193 = arith.constant 0 : i32
    %dma_wait3A_194 = arith.constant 0 : i32
    %dma_wait3A_195 = tpu.memref_slice %arg2[%dma_wait3A_193, %dma_wait3A_194] : memref<10240x128xf32, #tpu.memory_space<hbm>> -> memref<10240x128xf32, #tpu.memory_space<hbm>>
    tpu.wait_indirect_dma semaphore(%arg10 : memref<!tpu.dma_semaphore, #tpu.memory_space<semaphore_mem>>) src(%dma_wait3A_195 : memref<10240x128xf32, #tpu.memory_space<hbm>>) dst(%dma_wait3A_189 : memref<80x128xf32, #tpu.memory_space<vmem>>)
    %run_scoped3A_196 = arith.constant 0 : i32
    %run_scoped3A_197 = arith.constant 0 : i32
    "tpu.region"() ({
      %run_scoped3A_215 = tpu.sem_alloc : memref<!tpu.dma_semaphore, #tpu.memory_space<semaphore_mem>>
      %dma_start3A_216 = arith.constant 0 : i32
      %dma_start3A_217 = arith.constant 0 : i32
      %dma_start3A_218 = tpu.memref_slice %arg8[%run_scoped3A_196, %dma_start3A_216, %dma_start3A_217] : memref<3x80x128xf32, #tpu.memory_space<vmem>> -> memref<1x80x128xf32, #tpu.memory_space<vmem>>
      %dma_start3A_219 = tpu.memref_squeeze %dma_start3A_218 : memref<1x80x128xf32, #tpu.memory_space<vmem>> -> memref<80x128xf32, #tpu.memory_space<vmem>>
      %dma_start3A_220 = arith.constant 0 : i32
      %dma_start3A_221 = tpu.memref_slice %arg7[%run_scoped3A_197, %dma_start3A_220] : memref<3x80xi32, #tpu.memory_space<vmem>> -> memref<1x80xi32, #tpu.memory_space<vmem>>
      %dma_start3A_222 = tpu.memref_squeeze %dma_start3A_221 : memref<1x80xi32, #tpu.memory_space<vmem>> -> memref<80xi32, #tpu.memory_space<vmem>>
      %dma_start3A_223 = arith.constant 0 : i32
      %dma_start3A_224 = arith.constant 0 : i32
      %dma_start3A_225 = tpu.memref_slice %arg9[%dma_start3A_223, %dma_start3A_224] : memref<10240x128xf32, #tpu.memory_space<vmem_shared>> -> memref<10240x128xf32, #tpu.memory_space<vmem_shared>>
      tpu.enqueue_indirect_dma source(%dma_start3A_219 : memref<80x128xf32, #tpu.memory_space<vmem>>) target(%dma_start3A_225 : memref<10240x128xf32, #tpu.memory_space<vmem_shared>>) offsets(%dma_start3A_222 : memref<80xi32, #tpu.memory_space<vmem>>) semaphore(%run_scoped3A_215 : memref<!tpu.dma_semaphore, #tpu.memory_space<semaphore_mem>>) {add = true}
      %dma_wait3A_226 = arith.constant 0 : i32
      %dma_wait3A_227 = arith.constant 0 : i32
      %dma_wait3A_228 = tpu.memref_slice %arg8[%run_scoped3A_196, %dma_wait3A_226, %dma_wait3A_227] : memref<3x80x128xf32, #tpu.memory_space<vmem>> -> memref<1x80x128xf32, #tpu.memory_space<vmem>>
      %dma_wait3A_229 = tpu.memref_squeeze %dma_wait3A_228 : memref<1x80x128xf32, #tpu.memory_space<vmem>> -> memref<80x128xf32, #tpu.memory_space<vmem>>
      %dma_wait3A_230 = arith.constant 0 : i32
      %dma_wait3A_231 = tpu.memref_slice %arg7[%run_scoped3A_197, %dma_wait3A_230] : memref<3x80xi32, #tpu.memory_space<vmem>> -> memref<1x80xi32, #tpu.memory_space<vmem>>
      %dma_wait3A_232 = tpu.memref_squeeze %dma_wait3A_231 : memref<1x80xi32, #tpu.memory_space<vmem>> -> memref<80xi32, #tpu.memory_space<vmem>>
      %dma_wait3A_233 = arith.constant 0 : i32
      %dma_wait3A_234 = arith.constant 0 : i32
      %dma_wait3A_235 = tpu.memref_slice %arg9[%dma_wait3A_233, %dma_wait3A_234] : memref<10240x128xf32, #tpu.memory_space<vmem_shared>> -> memref<10240x128xf32, #tpu.memory_space<vmem_shared>>
      tpu.wait_indirect_dma semaphore(%run_scoped3A_215 : memref<!tpu.dma_semaphore, #tpu.memory_space<semaphore_mem>>) src(%dma_wait3A_229 : memref<80x128xf32, #tpu.memory_space<vmem>>) dst(%dma_wait3A_235 : memref<10240x128xf32, #tpu.memory_space<vmem_shared>>)
      tpu.yield
    }) : () -> ()
    %dma_wait3A_198 = arith.constant 1 : i32
    %dma_wait3A_199 = arith.constant 1 : i32
    %dma_wait3A_200 = arith.constant 0 : i32
    %dma_wait3A_201 = arith.constant 0 : i32
    %dma_wait3A_202 = tpu.memref_slice %arg8[%dma_wait3A_199, %dma_wait3A_200, %dma_wait3A_201] : memref<3x80x128xf32, #tpu.memory_space<vmem>> -> memref<1x80x128xf32, #tpu.memory_space<vmem>>
    %dma_wait3A_203 = tpu.memref_squeeze %dma_wait3A_202 : memref<1x80x128xf32, #tpu.memory_space<vmem>> -> memref<80x128xf32, #tpu.memory_space<vmem>>
    %dma_wait3A_204 = arith.constant 0 : i32
    %dma_wait3A_205 = tpu.memref_slice %arg6[%dma_wait3A_198, %dma_wait3A_204] : memref<3x80xi32, #tpu.memory_space<vmem>> -> memref<1x80xi32, #tpu.memory_space<vmem>>
    %dma_wait3A_206 = tpu.memref_squeeze %dma_wait3A_205 : memref<1x80xi32, #tpu.memory_space<vmem>> -> memref<80xi32, #tpu.memory_space<vmem>>
    %dma_wait3A_207 = arith.constant 0 : i32
    %dma_wait3A_208 = arith.constant 0 : i32
    %dma_wait3A_209 = tpu.memref_slice %arg2[%dma_wait3A_207, %dma_wait3A_208] : memref<10240x128xf32, #tpu.memory_space<hbm>> -> memref<10240x128xf32, #tpu.memory_space<hbm>>
    tpu.wait_indirect_dma semaphore(%arg11 : memref<!tpu.dma_semaphore, #tpu.memory_space<semaphore_mem>>) src(%dma_wait3A_209 : memref<10240x128xf32, #tpu.memory_space<hbm>>) dst(%dma_wait3A_203 : memref<80x128xf32, #tpu.memory_space<vmem>>)
    %run_scoped3A_210 = arith.constant 1 : i32
    %run_scoped3A_211 = arith.constant 1 : i32
    "tpu.region"() ({
      %run_scoped3A_215 = tpu.sem_alloc : memref<!tpu.dma_semaphore, #tpu.memory_space<semaphore_mem>>
      %dma_start3A_216 = arith.constant 0 : i32
      %dma_start3A_217 = arith.constant 0 : i32
      %dma_start3A_218 = tpu.memref_slice %arg8[%run_scoped3A_210, %dma_start3A_216, %dma_start3A_217] : memref<3x80x128xf32, #tpu.memory_space<vmem>> -> memref<1x80x128xf32, #tpu.memory_space<vmem>>
      %dma_start3A_219 = tpu.memref_squeeze %dma_start3A_218 : memref<1x80x128xf32, #tpu.memory_space<vmem>> -> memref<80x128xf32, #tpu.memory_space<vmem>>
      %dma_start3A_220 = arith.constant 0 : i32
      %dma_start3A_221 = tpu.memref_slice %arg7[%run_scoped3A_211, %dma_start3A_220] : memref<3x80xi32, #tpu.memory_space<vmem>> -> memref<1x80xi32, #tpu.memory_space<vmem>>
      %dma_start3A_222 = tpu.memref_squeeze %dma_start3A_221 : memref<1x80xi32, #tpu.memory_space<vmem>> -> memref<80xi32, #tpu.memory_space<vmem>>
      %dma_start3A_223 = arith.constant 0 : i32
      %dma_start3A_224 = arith.constant 0 : i32
      %dma_start3A_225 = tpu.memref_slice %arg9[%dma_start3A_223, %dma_start3A_224] : memref<10240x128xf32, #tpu.memory_space<vmem_shared>> -> memref<10240x128xf32, #tpu.memory_space<vmem_shared>>
      tpu.enqueue_indirect_dma source(%dma_start3A_219 : memref<80x128xf32, #tpu.memory_space<vmem>>) target(%dma_start3A_225 : memref<10240x128xf32, #tpu.memory_space<vmem_shared>>) offsets(%dma_start3A_222 : memref<80xi32, #tpu.memory_space<vmem>>) semaphore(%run_scoped3A_215 : memref<!tpu.dma_semaphore, #tpu.memory_space<semaphore_mem>>) {add = true}
      %dma_wait3A_226 = arith.constant 0 : i32
      %dma_wait3A_227 = arith.constant 0 : i32
      %dma_wait3A_228 = tpu.memref_slice %arg8[%run_scoped3A_210, %dma_wait3A_226, %dma_wait3A_227] : memref<3x80x128xf32, #tpu.memory_space<vmem>> -> memref<1x80x128xf32, #tpu.memory_space<vmem>>
      %dma_wait3A_229 = tpu.memref_squeeze %dma_wait3A_228 : memref<1x80x128xf32, #tpu.memory_space<vmem>> -> memref<80x128xf32, #tpu.memory_space<vmem>>
      %dma_wait3A_230 = arith.constant 0 : i32
      %dma_wait3A_231 = tpu.memref_slice %arg7[%run_scoped3A_211, %dma_wait3A_230] : memref<3x80xi32, #tpu.memory_space<vmem>> -> memref<1x80xi32, #tpu.memory_space<vmem>>
      %dma_wait3A_232 = tpu.memref_squeeze %dma_wait3A_231 : memref<1x80xi32, #tpu.memory_space<vmem>> -> memref<80xi32, #tpu.memory_space<vmem>>
      %dma_wait3A_233 = arith.constant 0 : i32
      %dma_wait3A_234 = arith.constant 0 : i32
      %dma_wait3A_235 = tpu.memref_slice %arg9[%dma_wait3A_233, %dma_wait3A_234] : memref<10240x128xf32, #tpu.memory_space<vmem_shared>> -> memref<10240x128xf32, #tpu.memory_space<vmem_shared>>
      tpu.wait_indirect_dma semaphore(%run_scoped3A_215 : memref<!tpu.dma_semaphore, #tpu.memory_space<semaphore_mem>>) src(%dma_wait3A_229 : memref<80x128xf32, #tpu.memory_space<vmem>>) dst(%dma_wait3A_235 : memref<10240x128xf32, #tpu.memory_space<vmem_shared>>)
      tpu.yield
    }) : () -> ()
    %barrier3A_212 = arith.constant 0 : index
    tpu.barrier barrier_id(%barrier3A_212)
    %mul3A_213 = arith.constant 640 : i32
    %mul3A_214 = arith.muli %arg1, %mul3A_213 : i32
    "tpu.region"() ({
      %run_scoped3A_215 = tpu.sem_alloc : memref<!tpu.dma_semaphore, #tpu.memory_space<semaphore_mem>>
      %dma_start3A_216 = arith.constant 0 : i32
      %dma_start3A_217 = tpu.memref_slice %arg5[%arg0, %mul3A_214, %dma_start3A_216] : memref<2x10240x128xf32, #tpu.memory_space<hbm>> -> memref<1x640x128xf32, #tpu.memory_space<hbm>>
      %dma_start3A_218 = tpu.memref_squeeze %dma_start3A_217 : memref<1x640x128xf32, #tpu.memory_space<hbm>> -> memref<640x128xf32, #tpu.memory_space<hbm>>
      %dma_start3A_219 = arith.constant 0 : i32
      %dma_start3A_220 = tpu.memref_slice %arg9[%mul3A_214, %dma_start3A_219] : memref<10240x128xf32, #tpu.memory_space<vmem_shared>> -> memref<640x128xf32, #tpu.memory_space<vmem_shared>>
      tpu.enqueue_dma source(%dma_start3A_220 : memref<640x128xf32, #tpu.memory_space<vmem_shared>>) target(%dma_start3A_218 : memref<640x128xf32, #tpu.memory_space<hbm>>) target_semaphore(%run_scoped3A_215 : memref<!tpu.dma_semaphore, #tpu.memory_space<semaphore_mem>>)
      %dma_wait3A_221 = arith.constant 0 : i32
      %dma_wait3A_222 = tpu.memref_slice %arg5[%arg0, %mul3A_214, %dma_wait3A_221] : memref<2x10240x128xf32, #tpu.memory_space<hbm>> -> memref<1x640x128xf32, #tpu.memory_space<hbm>>
      %dma_wait3A_223 = tpu.memref_squeeze %dma_wait3A_222 : memref<1x640x128xf32, #tpu.memory_space<hbm>> -> memref<640x128xf32, #tpu.memory_space<hbm>>
      %dma_wait3A_224 = arith.constant 0 : i32
      %dma_wait3A_225 = tpu.memref_slice %arg9[%mul3A_214, %dma_wait3A_224] : memref<10240x128xf32, #tpu.memory_space<vmem_shared>> -> memref<640x128xf32, #tpu.memory_space<vmem_shared>>
      tpu.wait_dma2 semaphore(%run_scoped3A_215 : memref<!tpu.dma_semaphore, #tpu.memory_space<semaphore_mem>>) src(%dma_wait3A_225 : memref<640x128xf32, #tpu.memory_space<vmem_shared>>) dst(%dma_wait3A_223 : memref<640x128xf32, #tpu.memory_space<hbm>>)
      tpu.yield
    }) : () -> ()
    return
  }
}

#map = affine_map<(d0, d1) -> (0)>
#map1 = affine_map<(d0, d1) -> (0, 0)>
module attributes {stable_mosaic.version = 14 : i64} {
  func.func @_sc_cnt(%arg0: i32, %arg1: i32, %arg2: memref<320000xi32, #tpu.memory_space<hbm>>, %arg3: memref<2x10240xf32, #tpu.memory_space<hbm>>, %arg4: memref<10000xi32, #tpu.memory_space<vmem>>, %arg5: memref<10240xf32, #tpu.memory_space<vmem>>, %arg6: memref<640xf32, #tpu.memory_space<vmem>>, %arg7: memref<640xf32, #tpu.memory_space<vmem>>, %arg8: memref<16x10240xf32, #tpu.memory_space<vmem_shared>>) attributes {dimension_semantics = [#tpu.dimension_semantics<core_parallel>, #tpu.dimension_semantics<subcore_parallel>], iteration_bounds = array<i64: 2, 16>, scalar_prefetch = 0 : i64, scratch_operands = 5 : i64, tpu.core_type = #tpu.core_type<sc_vector_subcore>, window_params = [{transform_indices = #map}, {transform_indices = #map1}]} {
    %mul3A = arith.constant 2 : i32
    %mul3A_0 = arith.muli %arg1, %mul3A : i32
    %add3A = arith.addi %mul3A_0, %arg0 : i32
    %mul3A_1 = arith.constant 10000 : i32
    %mul3A_2 = arith.muli %add3A, %mul3A_1 : i32
    "tpu.region"() ({
      %run_scoped3A_25 = tpu.sem_alloc : memref<!tpu.dma_semaphore, #tpu.memory_space<semaphore_mem>>
      %dma_start3A = tpu.memref_slice %arg2[%mul3A_2] : memref<320000xi32, #tpu.memory_space<hbm>> -> memref<10000xi32, #tpu.memory_space<hbm>>
      %dma_start3A_26 = tpu.memref_slice %arg2[%mul3A_2] : memref<320000xi32, #tpu.memory_space<hbm>> -> memref<10000xi32, #tpu.memory_space<hbm>>
      tpu.enqueue_dma source(%dma_start3A_26 : memref<10000xi32, #tpu.memory_space<hbm>>) target(%arg4 : memref<10000xi32, #tpu.memory_space<vmem>>) target_semaphore(%run_scoped3A_25 : memref<!tpu.dma_semaphore, #tpu.memory_space<semaphore_mem>>)
      %dma_wait3A = tpu.memref_slice %arg2[%mul3A_2] : memref<320000xi32, #tpu.memory_space<hbm>> -> memref<10000xi32, #tpu.memory_space<hbm>>
      %dma_wait3A_27 = tpu.memref_slice %arg2[%mul3A_2] : memref<320000xi32, #tpu.memory_space<hbm>> -> memref<10000xi32, #tpu.memory_space<hbm>>
      tpu.wait_dma2 semaphore(%run_scoped3A_25 : memref<!tpu.dma_semaphore, #tpu.memory_space<semaphore_mem>>) src(%dma_wait3A_27 : memref<10000xi32, #tpu.memory_space<hbm>>) dst(%arg4 : memref<10000xi32, #tpu.memory_space<vmem>>)
      tpu.yield
    }) : () -> ()
    %broadcast_in_dim3A = arith.constant 0.000000e+00 : f32
    %broadcast_in_dim3A_3 = vector.broadcast %broadcast_in_dim3A : f32 to vector<16xf32>
    %scan3A = arith.constant 0 : i32
    %scan3A_4 = arith.constant 0 : i32
    %scan3A_5 = arith.constant 640 : i32
    %scan3A_6 = arith.addi %scan3A_4, %scan3A_5 : i32
    %scan3A_7 = arith.constant 1 : i32
    scf.for %scan3A_25 = %scan3A_4 to %scan3A_6 step %scan3A_7  : i32 {
      %mul3A_26 = arith.constant 16 : i32
      %mul3A_27 = arith.muli %scan3A_25, %mul3A_26 : i32
      %swap3A = arith.index_cast %mul3A_27 : i32 to index
      %swap3A_28 = tpu.vector_load %arg5[%swap3A] {strides = array<i32>} : memref<10240xf32, #tpu.memory_space<vmem>>, vector<16xf32>,
      tpu.vector_store %arg5[%swap3A], %broadcast_in_dim3A_3 {strides = array<i32>} : memref<10240xf32, #tpu.memory_space<vmem>>, vector<16xf32>,
    }
    %scan3A_8 = arith.constant 640 : i32
    %broadcast_in_dim3A_9 = arith.constant 1.000000e+00 : f32
    %broadcast_in_dim3A_10 = vector.broadcast %broadcast_in_dim3A_9 : f32 to vector<16xf32>
    %scan3A_11 = arith.constant 0 : i32
    %scan3A_12 = arith.constant 0 : i32
    %scan3A_13 = arith.constant 125 : i32
    %scan3A_14 = arith.addi %scan3A_12, %scan3A_13 : i32
    %scan3A_15 = arith.constant 1 : i32
    scf.for %scan3A_25 = %scan3A_12 to %scan3A_14 step %scan3A_15  : i32 {
      %mul3A_26 = arith.constant 80 : i32
      %mul3A_27 = arith.muli %scan3A_25, %mul3A_26 : i32
      %add3A_28 = arith.constant 0 : i32
      %add3A_29 = arith.addi %mul3A_27, %add3A_28 : i32
      %get3A = arith.index_cast %add3A_29 : i32 to index
      %get3A_30 = tpu.vector_load %arg4[%get3A] {strides = array<i32>} : memref<10000xi32, #tpu.memory_space<vmem>>, vector<16xi32>,
      tpu.vector_store_idx %arg5[%get3A_30], %broadcast_in_dim3A_10 {add = true} : memref<10240xf32, #tpu.memory_space<vmem>>[vector<16xi32>], vector<16xf32>,
      %mul3A_31 = arith.constant 80 : i32
      %mul3A_32 = arith.muli %scan3A_25, %mul3A_31 : i32
      %add3A_33 = arith.constant 16 : i32
      %add3A_34 = arith.addi %mul3A_32, %add3A_33 : i32
      %get3A_35 = arith.index_cast %add3A_34 : i32 to index
      %get3A_36 = tpu.vector_load %arg4[%get3A_35] {strides = array<i32>} : memref<10000xi32, #tpu.memory_space<vmem>>, vector<16xi32>,
      tpu.vector_store_idx %arg5[%get3A_36], %broadcast_in_dim3A_10 {add = true} : memref<10240xf32, #tpu.memory_space<vmem>>[vector<16xi32>], vector<16xf32>,
      %mul3A_37 = arith.constant 80 : i32
      %mul3A_38 = arith.muli %scan3A_25, %mul3A_37 : i32
      %add3A_39 = arith.constant 32 : i32
      %add3A_40 = arith.addi %mul3A_38, %add3A_39 : i32
      %get3A_41 = arith.index_cast %add3A_40 : i32 to index
      %get3A_42 = tpu.vector_load %arg4[%get3A_41] {strides = array<i32>} : memref<10000xi32, #tpu.memory_space<vmem>>, vector<16xi32>,
      tpu.vector_store_idx %arg5[%get3A_42], %broadcast_in_dim3A_10 {add = true} : memref<10240xf32, #tpu.memory_space<vmem>>[vector<16xi32>], vector<16xf32>,
      %mul3A_43 = arith.constant 80 : i32
      %mul3A_44 = arith.muli %scan3A_25, %mul3A_43 : i32
      %add3A_45 = arith.constant 48 : i32
      %add3A_46 = arith.addi %mul3A_44, %add3A_45 : i32
      %get3A_47 = arith.index_cast %add3A_46 : i32 to index
      %get3A_48 = tpu.vector_load %arg4[%get3A_47] {strides = array<i32>} : memref<10000xi32, #tpu.memory_space<vmem>>, vector<16xi32>,
      tpu.vector_store_idx %arg5[%get3A_48], %broadcast_in_dim3A_10 {add = true} : memref<10240xf32, #tpu.memory_space<vmem>>[vector<16xi32>], vector<16xf32>,
      %mul3A_49 = arith.constant 80 : i32
      %mul3A_50 = arith.muli %scan3A_25, %mul3A_49 : i32
      %add3A_51 = arith.constant 64 : i32
      %add3A_52 = arith.addi %mul3A_50, %add3A_51 : i32
      %get3A_53 = arith.index_cast %add3A_52 : i32 to index
      %get3A_54 = tpu.vector_load %arg4[%get3A_53] {strides = array<i32>} : memref<10000xi32, #tpu.memory_space<vmem>>, vector<16xi32>,
      tpu.vector_store_idx %arg5[%get3A_54], %broadcast_in_dim3A_10 {add = true} : memref<10240xf32, #tpu.memory_space<vmem>>[vector<16xi32>], vector<16xf32>,
    }
    %scan3A_16 = arith.constant 125 : i32
    "tpu.region"() ({
      %run_scoped3A_25 = tpu.sem_alloc : memref<!tpu.dma_semaphore, #tpu.memory_space<semaphore_mem>>
      %dma_start3A = arith.constant 0 : i32
      %dma_start3A_26 = tpu.memref_slice %arg8[%arg1, %dma_start3A] : memref<16x10240xf32, #tpu.memory_space<vmem_shared>> -> memref<1x10240xf32, #tpu.memory_space<vmem_shared>>
      %dma_start3A_27 = tpu.memref_squeeze %dma_start3A_26 : memref<1x10240xf32, #tpu.memory_space<vmem_shared>> -> memref<10240xf32, #tpu.memory_space<vmem_shared>>
      %dma_start3A_28 = arith.constant 0 : i32
      %dma_start3A_29 = tpu.memref_slice %arg8[%arg1, %dma_start3A_28] : memref<16x10240xf32, #tpu.memory_space<vmem_shared>> -> memref<1x10240xf32, #tpu.memory_space<vmem_shared>>
      %dma_start3A_30 = tpu.memref_squeeze %dma_start3A_29 : memref<1x10240xf32, #tpu.memory_space<vmem_shared>> -> memref<10240xf32, #tpu.memory_space<vmem_shared>>
      tpu.enqueue_dma source(%arg5 : memref<10240xf32, #tpu.memory_space<vmem>>) target(%dma_start3A_30 : memref<10240xf32, #tpu.memory_space<vmem_shared>>) target_semaphore(%run_scoped3A_25 : memref<!tpu.dma_semaphore, #tpu.memory_space<semaphore_mem>>)
      %dma_wait3A = arith.constant 0 : i32
      %dma_wait3A_31 = tpu.memref_slice %arg8[%arg1, %dma_wait3A] : memref<16x10240xf32, #tpu.memory_space<vmem_shared>> -> memref<1x10240xf32, #tpu.memory_space<vmem_shared>>
      %dma_wait3A_32 = tpu.memref_squeeze %dma_wait3A_31 : memref<1x10240xf32, #tpu.memory_space<vmem_shared>> -> memref<10240xf32, #tpu.memory_space<vmem_shared>>
      %dma_wait3A_33 = arith.constant 0 : i32
      %dma_wait3A_34 = tpu.memref_slice %arg8[%arg1, %dma_wait3A_33] : memref<16x10240xf32, #tpu.memory_space<vmem_shared>> -> memref<1x10240xf32, #tpu.memory_space<vmem_shared>>
      %dma_wait3A_35 = tpu.memref_squeeze %dma_wait3A_34 : memref<1x10240xf32, #tpu.memory_space<vmem_shared>> -> memref<10240xf32, #tpu.memory_space<vmem_shared>>
      tpu.wait_dma2 semaphore(%run_scoped3A_25 : memref<!tpu.dma_semaphore, #tpu.memory_space<semaphore_mem>>) src(%arg5 : memref<10240xf32, #tpu.memory_space<vmem>>) dst(%dma_wait3A_35 : memref<10240xf32, #tpu.memory_space<vmem_shared>>)
      tpu.yield
    }) : () -> ()
    %barrier3A = arith.constant 0 : index
    tpu.barrier barrier_id(%barrier3A)
    %mul3A_17 = arith.constant 640 : i32
    %mul3A_18 = arith.muli %arg1, %mul3A_17 : i32
    %run_scoped3A = arith.constant 0 : i32
    "tpu.region"() ({
      %run_scoped3A_25 = tpu.sem_alloc : memref<!tpu.dma_semaphore, #tpu.memory_space<semaphore_mem>>
      %dma_start3A = tpu.memref_slice %arg8[%run_scoped3A, %mul3A_18] : memref<16x10240xf32, #tpu.memory_space<vmem_shared>> -> memref<1x640xf32, #tpu.memory_space<vmem_shared>>
      %dma_start3A_26 = tpu.memref_squeeze %dma_start3A : memref<1x640xf32, #tpu.memory_space<vmem_shared>> -> memref<640xf32, #tpu.memory_space<vmem_shared>>
      %dma_start3A_27 = tpu.memref_slice %arg8[%run_scoped3A, %mul3A_18] : memref<16x10240xf32, #tpu.memory_space<vmem_shared>> -> memref<1x640xf32, #tpu.memory_space<vmem_shared>>
      %dma_start3A_28 = tpu.memref_squeeze %dma_start3A_27 : memref<1x640xf32, #tpu.memory_space<vmem_shared>> -> memref<640xf32, #tpu.memory_space<vmem_shared>>
      tpu.enqueue_dma source(%dma_start3A_28 : memref<640xf32, #tpu.memory_space<vmem_shared>>) target(%arg7 : memref<640xf32, #tpu.memory_space<vmem>>) target_semaphore(%run_scoped3A_25 : memref<!tpu.dma_semaphore, #tpu.memory_space<semaphore_mem>>)
      %dma_wait3A = tpu.memref_slice %arg8[%run_scoped3A, %mul3A_18] : memref<16x10240xf32, #tpu.memory_space<vmem_shared>> -> memref<1x640xf32, #tpu.memory_space<vmem_shared>>
      %dma_wait3A_29 = tpu.memref_squeeze %dma_wait3A : memref<1x640xf32, #tpu.memory_space<vmem_shared>> -> memref<640xf32, #tpu.memory_space<vmem_shared>>
      %dma_wait3A_30 = tpu.memref_slice %arg8[%run_scoped3A, %mul3A_18] : memref<16x10240xf32, #tpu.memory_space<vmem_shared>> -> memref<1x640xf32, #tpu.memory_space<vmem_shared>>
      %dma_wait3A_31 = tpu.memref_squeeze %dma_wait3A_30 : memref<1x640xf32, #tpu.memory_space<vmem_shared>> -> memref<640xf32, #tpu.memory_space<vmem_shared>>
      tpu.wait_dma2 semaphore(%run_scoped3A_25 : memref<!tpu.dma_semaphore, #tpu.memory_space<semaphore_mem>>) src(%dma_wait3A_31 : memref<640xf32, #tpu.memory_space<vmem_shared>>) dst(%arg7 : memref<640xf32, #tpu.memory_space<vmem>>)
      tpu.yield
    }) : () -> ()
    %scan3A_19 = arith.constant 0 : i32
    %scan3A_20 = arith.constant 1 : i32
    %scan3A_21 = arith.constant 15 : i32
    %scan3A_22 = arith.addi %scan3A_20, %scan3A_21 : i32
    %scan3A_23 = arith.constant 1 : i32
    scf.for %scan3A_25 = %scan3A_20 to %scan3A_22 step %scan3A_23  : i32 {
      "tpu.region"() ({
        %run_scoped3A_304 = tpu.sem_alloc : memref<!tpu.dma_semaphore, #tpu.memory_space<semaphore_mem>>
        %dma_start3A = tpu.memref_slice %arg8[%scan3A_25, %mul3A_18] : memref<16x10240xf32, #tpu.memory_space<vmem_shared>> -> memref<1x640xf32, #tpu.memory_space<vmem_shared>>
        %dma_start3A_305 = tpu.memref_squeeze %dma_start3A : memref<1x640xf32, #tpu.memory_space<vmem_shared>> -> memref<640xf32, #tpu.memory_space<vmem_shared>>
        %dma_start3A_306 = tpu.memref_slice %arg8[%scan3A_25, %mul3A_18] : memref<16x10240xf32, #tpu.memory_space<vmem_shared>> -> memref<1x640xf32, #tpu.memory_space<vmem_shared>>
        %dma_start3A_307 = tpu.memref_squeeze %dma_start3A_306 : memref<1x640xf32, #tpu.memory_space<vmem_shared>> -> memref<640xf32, #tpu.memory_space<vmem_shared>>
        tpu.enqueue_dma source(%dma_start3A_307 : memref<640xf32, #tpu.memory_space<vmem_shared>>) target(%arg6 : memref<640xf32, #tpu.memory_space<vmem>>) target_semaphore(%run_scoped3A_304 : memref<!tpu.dma_semaphore, #tpu.memory_space<semaphore_mem>>)
        %dma_wait3A = tpu.memref_slice %arg8[%scan3A_25, %mul3A_18] : memref<16x10240xf32, #tpu.memory_space<vmem_shared>> -> memref<1x640xf32, #tpu.memory_space<vmem_shared>>
        %dma_wait3A_308 = tpu.memref_squeeze %dma_wait3A : memref<1x640xf32, #tpu.memory_space<vmem_shared>> -> memref<640xf32, #tpu.memory_space<vmem_shared>>
        %dma_wait3A_309 = tpu.memref_slice %arg8[%scan3A_25, %mul3A_18] : memref<16x10240xf32, #tpu.memory_space<vmem_shared>> -> memref<1x640xf32, #tpu.memory_space<vmem_shared>>
        %dma_wait3A_310 = tpu.memref_squeeze %dma_wait3A_309 : memref<1x640xf32, #tpu.memory_space<vmem_shared>> -> memref<640xf32, #tpu.memory_space<vmem_shared>>
        tpu.wait_dma2 semaphore(%run_scoped3A_304 : memref<!tpu.dma_semaphore, #tpu.memory_space<semaphore_mem>>) src(%dma_wait3A_310 : memref<640xf32, #tpu.memory_space<vmem_shared>>) dst(%arg6 : memref<640xf32, #tpu.memory_space<vmem>>)
        tpu.yield
      }) : () -> ()
      %get3A = arith.constant 0 : index
      %get3A_26 = tpu.vector_load %arg7[%get3A] {strides = array<i32>} : memref<640xf32, #tpu.memory_space<vmem>>, vector<16xf32>,
      %get3A_27 = arith.constant 0 : index
      %get3A_28 = tpu.vector_load %arg6[%get3A_27] {strides = array<i32>} : memref<640xf32, #tpu.memory_space<vmem>>, vector<16xf32>,
      %add3A_29 = arith.addf %get3A_26, %get3A_28 : vector<16xf32>
      %swap3A = arith.constant 0 : index
      %swap3A_30 = tpu.vector_load %arg7[%swap3A] {strides = array<i32>} : memref<640xf32, #tpu.memory_space<vmem>>, vector<16xf32>,
      tpu.vector_store %arg7[%swap3A], %add3A_29 {strides = array<i32>} : memref<640xf32, #tpu.memory_space<vmem>>, vector<16xf32>,
      %get3A_31 = arith.constant 16 : index
      %get3A_32 = tpu.vector_load %arg7[%get3A_31] {strides = array<i32>} : memref<640xf32, #tpu.memory_space<vmem>>, vector<16xf32>,
      %get3A_33 = arith.constant 16 : index
      %get3A_34 = tpu.vector_load %arg6[%get3A_33] {strides = array<i32>} : memref<640xf32, #tpu.memory_space<vmem>>, vector<16xf32>,
      %add3A_35 = arith.addf %get3A_32, %get3A_34 : vector<16xf32>
      %swap3A_36 = arith.constant 16 : index
      %swap3A_37 = tpu.vector_load %arg7[%swap3A_36] {strides = array<i32>} : memref<640xf32, #tpu.memory_space<vmem>>, vector<16xf32>,
      tpu.vector_store %arg7[%swap3A_36], %add3A_35 {strides = array<i32>} : memref<640xf32, #tpu.memory_space<vmem>>, vector<16xf32>,
      %get3A_38 = arith.constant 32 : index
      %get3A_39 = tpu.vector_load %arg7[%get3A_38] {strides = array<i32>} : memref<640xf32, #tpu.memory_space<vmem>>, vector<16xf32>,
      %get3A_40 = arith.constant 32 : index
      %get3A_41 = tpu.vector_load %arg6[%get3A_40] {strides = array<i32>} : memref<640xf32, #tpu.memory_space<vmem>>, vector<16xf32>,
      %add3A_42 = arith.addf %get3A_39, %get3A_41 : vector<16xf32>
      %swap3A_43 = arith.constant 32 : index
      %swap3A_44 = tpu.vector_load %arg7[%swap3A_43] {strides = array<i32>} : memref<640xf32, #tpu.memory_space<vmem>>, vector<16xf32>,
      tpu.vector_store %arg7[%swap3A_43], %add3A_42 {strides = array<i32>} : memref<640xf32, #tpu.memory_space<vmem>>, vector<16xf32>,
      %get3A_45 = arith.constant 48 : index
      %get3A_46 = tpu.vector_load %arg7[%get3A_45] {strides = array<i32>} : memref<640xf32, #tpu.memory_space<vmem>>, vector<16xf32>,
      %get3A_47 = arith.constant 48 : index
      %get3A_48 = tpu.vector_load %arg6[%get3A_47] {strides = array<i32>} : memref<640xf32, #tpu.memory_space<vmem>>, vector<16xf32>,
      %add3A_49 = arith.addf %get3A_46, %get3A_48 : vector<16xf32>
      %swap3A_50 = arith.constant 48 : index
      %swap3A_51 = tpu.vector_load %arg7[%swap3A_50] {strides = array<i32>} : memref<640xf32, #tpu.memory_space<vmem>>, vector<16xf32>,
      tpu.vector_store %arg7[%swap3A_50], %add3A_49 {strides = array<i32>} : memref<640xf32, #tpu.memory_space<vmem>>, vector<16xf32>,
      %get3A_52 = arith.constant 64 : index
      %get3A_53 = tpu.vector_load %arg7[%get3A_52] {strides = array<i32>} : memref<640xf32, #tpu.memory_space<vmem>>, vector<16xf32>,
      %get3A_54 = arith.constant 64 : index
      %get3A_55 = tpu.vector_load %arg6[%get3A_54] {strides = array<i32>} : memref<640xf32, #tpu.memory_space<vmem>>, vector<16xf32>,
      %add3A_56 = arith.addf %get3A_53, %get3A_55 : vector<16xf32>
      %swap3A_57 = arith.constant 64 : index
      %swap3A_58 = tpu.vector_load %arg7[%swap3A_57] {strides = array<i32>} : memref<640xf32, #tpu.memory_space<vmem>>, vector<16xf32>,
      tpu.vector_store %arg7[%swap3A_57], %add3A_56 {strides = array<i32>} : memref<640xf32, #tpu.memory_space<vmem>>, vector<16xf32>,
      %get3A_59 = arith.constant 80 : index
      %get3A_60 = tpu.vector_load %arg7[%get3A_59] {strides = array<i32>} : memref<640xf32, #tpu.memory_space<vmem>>, vector<16xf32>,
      %get3A_61 = arith.constant 80 : index
      %get3A_62 = tpu.vector_load %arg6[%get3A_61] {strides = array<i32>} : memref<640xf32, #tpu.memory_space<vmem>>, vector<16xf32>,
      %add3A_63 = arith.addf %get3A_60, %get3A_62 : vector<16xf32>
      %swap3A_64 = arith.constant 80 : index
      %swap3A_65 = tpu.vector_load %arg7[%swap3A_64] {strides = array<i32>} : memref<640xf32, #tpu.memory_space<vmem>>, vector<16xf32>,
      tpu.vector_store %arg7[%swap3A_64], %add3A_63 {strides = array<i32>} : memref<640xf32, #tpu.memory_space<vmem>>, vector<16xf32>,
      %get3A_66 = arith.constant 96 : index
      %get3A_67 = tpu.vector_load %arg7[%get3A_66] {strides = array<i32>} : memref<640xf32, #tpu.memory_space<vmem>>, vector<16xf32>,
      %get3A_68 = arith.constant 96 : index
      %get3A_69 = tpu.vector_load %arg6[%get3A_68] {strides = array<i32>} : memref<640xf32, #tpu.memory_space<vmem>>, vector<16xf32>,
      %add3A_70 = arith.addf %get3A_67, %get3A_69 : vector<16xf32>
      %swap3A_71 = arith.constant 96 : index
      %swap3A_72 = tpu.vector_load %arg7[%swap3A_71] {strides = array<i32>} : memref<640xf32, #tpu.memory_space<vmem>>, vector<16xf32>,
      tpu.vector_store %arg7[%swap3A_71], %add3A_70 {strides = array<i32>} : memref<640xf32, #tpu.memory_space<vmem>>, vector<16xf32>,
      %get3A_73 = arith.constant 112 : index
      %get3A_74 = tpu.vector_load %arg7[%get3A_73] {strides = array<i32>} : memref<640xf32, #tpu.memory_space<vmem>>, vector<16xf32>,
      %get3A_75 = arith.constant 112 : index
      %get3A_76 = tpu.vector_load %arg6[%get3A_75] {strides = array<i32>} : memref<640xf32, #tpu.memory_space<vmem>>, vector<16xf32>,
      %add3A_77 = arith.addf %get3A_74, %get3A_76 : vector<16xf32>
      %swap3A_78 = arith.constant 112 : index
      %swap3A_79 = tpu.vector_load %arg7[%swap3A_78] {strides = array<i32>} : memref<640xf32, #tpu.memory_space<vmem>>, vector<16xf32>,
      tpu.vector_store %arg7[%swap3A_78], %add3A_77 {strides = array<i32>} : memref<640xf32, #tpu.memory_space<vmem>>, vector<16xf32>,
      %get3A_80 = arith.constant 128 : index
      %get3A_81 = tpu.vector_load %arg7[%get3A_80] {strides = array<i32>} : memref<640xf32, #tpu.memory_space<vmem>>, vector<16xf32>,
      %get3A_82 = arith.constant 128 : index
      %get3A_83 = tpu.vector_load %arg6[%get3A_82] {strides = array<i32>} : memref<640xf32, #tpu.memory_space<vmem>>, vector<16xf32>,
      %add3A_84 = arith.addf %get3A_81, %get3A_83 : vector<16xf32>
      %swap3A_85 = arith.constant 128 : index
      %swap3A_86 = tpu.vector_load %arg7[%swap3A_85] {strides = array<i32>} : memref<640xf32, #tpu.memory_space<vmem>>, vector<16xf32>,
      tpu.vector_store %arg7[%swap3A_85], %add3A_84 {strides = array<i32>} : memref<640xf32, #tpu.memory_space<vmem>>, vector<16xf32>,
      %get3A_87 = arith.constant 144 : index
      %get3A_88 = tpu.vector_load %arg7[%get3A_87] {strides = array<i32>} : memref<640xf32, #tpu.memory_space<vmem>>, vector<16xf32>,
      %get3A_89 = arith.constant 144 : index
      %get3A_90 = tpu.vector_load %arg6[%get3A_89] {strides = array<i32>} : memref<640xf32, #tpu.memory_space<vmem>>, vector<16xf32>,
      %add3A_91 = arith.addf %get3A_88, %get3A_90 : vector<16xf32>
      %swap3A_92 = arith.constant 144 : index
      %swap3A_93 = tpu.vector_load %arg7[%swap3A_92] {strides = array<i32>} : memref<640xf32, #tpu.memory_space<vmem>>, vector<16xf32>,
      tpu.vector_store %arg7[%swap3A_92], %add3A_91 {strides = array<i32>} : memref<640xf32, #tpu.memory_space<vmem>>, vector<16xf32>,
      %get3A_94 = arith.constant 160 : index
      %get3A_95 = tpu.vector_load %arg7[%get3A_94] {strides = array<i32>} : memref<640xf32, #tpu.memory_space<vmem>>, vector<16xf32>,
      %get3A_96 = arith.constant 160 : index
      %get3A_97 = tpu.vector_load %arg6[%get3A_96] {strides = array<i32>} : memref<640xf32, #tpu.memory_space<vmem>>, vector<16xf32>,
      %add3A_98 = arith.addf %get3A_95, %get3A_97 : vector<16xf32>
      %swap3A_99 = arith.constant 160 : index
      %swap3A_100 = tpu.vector_load %arg7[%swap3A_99] {strides = array<i32>} : memref<640xf32, #tpu.memory_space<vmem>>, vector<16xf32>,
      tpu.vector_store %arg7[%swap3A_99], %add3A_98 {strides = array<i32>} : memref<640xf32, #tpu.memory_space<vmem>>, vector<16xf32>,
      %get3A_101 = arith.constant 176 : index
      %get3A_102 = tpu.vector_load %arg7[%get3A_101] {strides = array<i32>} : memref<640xf32, #tpu.memory_space<vmem>>, vector<16xf32>,
      %get3A_103 = arith.constant 176 : index
      %get3A_104 = tpu.vector_load %arg6[%get3A_103] {strides = array<i32>} : memref<640xf32, #tpu.memory_space<vmem>>, vector<16xf32>,
      %add3A_105 = arith.addf %get3A_102, %get3A_104 : vector<16xf32>
      %swap3A_106 = arith.constant 176 : index
      %swap3A_107 = tpu.vector_load %arg7[%swap3A_106] {strides = array<i32>} : memref<640xf32, #tpu.memory_space<vmem>>, vector<16xf32>,
      tpu.vector_store %arg7[%swap3A_106], %add3A_105 {strides = array<i32>} : memref<640xf32, #tpu.memory_space<vmem>>, vector<16xf32>,
      %get3A_108 = arith.constant 192 : index
      %get3A_109 = tpu.vector_load %arg7[%get3A_108] {strides = array<i32>} : memref<640xf32, #tpu.memory_space<vmem>>, vector<16xf32>,
      %get3A_110 = arith.constant 192 : index
      %get3A_111 = tpu.vector_load %arg6[%get3A_110] {strides = array<i32>} : memref<640xf32, #tpu.memory_space<vmem>>, vector<16xf32>,
      %add3A_112 = arith.addf %get3A_109, %get3A_111 : vector<16xf32>
      %swap3A_113 = arith.constant 192 : index
      %swap3A_114 = tpu.vector_load %arg7[%swap3A_113] {strides = array<i32>} : memref<640xf32, #tpu.memory_space<vmem>>, vector<16xf32>,
      tpu.vector_store %arg7[%swap3A_113], %add3A_112 {strides = array<i32>} : memref<640xf32, #tpu.memory_space<vmem>>, vector<16xf32>,
      %get3A_115 = arith.constant 208 : index
      %get3A_116 = tpu.vector_load %arg7[%get3A_115] {strides = array<i32>} : memref<640xf32, #tpu.memory_space<vmem>>, vector<16xf32>,
      %get3A_117 = arith.constant 208 : index
      %get3A_118 = tpu.vector_load %arg6[%get3A_117] {strides = array<i32>} : memref<640xf32, #tpu.memory_space<vmem>>, vector<16xf32>,
      %add3A_119 = arith.addf %get3A_116, %get3A_118 : vector<16xf32>
      %swap3A_120 = arith.constant 208 : index
      %swap3A_121 = tpu.vector_load %arg7[%swap3A_120] {strides = array<i32>} : memref<640xf32, #tpu.memory_space<vmem>>, vector<16xf32>,
      tpu.vector_store %arg7[%swap3A_120], %add3A_119 {strides = array<i32>} : memref<640xf32, #tpu.memory_space<vmem>>, vector<16xf32>,
      %get3A_122 = arith.constant 224 : index
      %get3A_123 = tpu.vector_load %arg7[%get3A_122] {strides = array<i32>} : memref<640xf32, #tpu.memory_space<vmem>>, vector<16xf32>,
      %get3A_124 = arith.constant 224 : index
      %get3A_125 = tpu.vector_load %arg6[%get3A_124] {strides = array<i32>} : memref<640xf32, #tpu.memory_space<vmem>>, vector<16xf32>,
      %add3A_126 = arith.addf %get3A_123, %get3A_125 : vector<16xf32>
      %swap3A_127 = arith.constant 224 : index
      %swap3A_128 = tpu.vector_load %arg7[%swap3A_127] {strides = array<i32>} : memref<640xf32, #tpu.memory_space<vmem>>, vector<16xf32>,
      tpu.vector_store %arg7[%swap3A_127], %add3A_126 {strides = array<i32>} : memref<640xf32, #tpu.memory_space<vmem>>, vector<16xf32>,
      %get3A_129 = arith.constant 240 : index
      %get3A_130 = tpu.vector_load %arg7[%get3A_129] {strides = array<i32>} : memref<640xf32, #tpu.memory_space<vmem>>, vector<16xf32>,
      %get3A_131 = arith.constant 240 : index
      %get3A_132 = tpu.vector_load %arg6[%get3A_131] {strides = array<i32>} : memref<640xf32, #tpu.memory_space<vmem>>, vector<16xf32>,
      %add3A_133 = arith.addf %get3A_130, %get3A_132 : vector<16xf32>
      %swap3A_134 = arith.constant 240 : index
      %swap3A_135 = tpu.vector_load %arg7[%swap3A_134] {strides = array<i32>} : memref<640xf32, #tpu.memory_space<vmem>>, vector<16xf32>,
      tpu.vector_store %arg7[%swap3A_134], %add3A_133 {strides = array<i32>} : memref<640xf32, #tpu.memory_space<vmem>>, vector<16xf32>,
      %get3A_136 = arith.constant 256 : index
      %get3A_137 = tpu.vector_load %arg7[%get3A_136] {strides = array<i32>} : memref<640xf32, #tpu.memory_space<vmem>>, vector<16xf32>,
      %get3A_138 = arith.constant 256 : index
      %get3A_139 = tpu.vector_load %arg6[%get3A_138] {strides = array<i32>} : memref<640xf32, #tpu.memory_space<vmem>>, vector<16xf32>,
      %add3A_140 = arith.addf %get3A_137, %get3A_139 : vector<16xf32>
      %swap3A_141 = arith.constant 256 : index
      %swap3A_142 = tpu.vector_load %arg7[%swap3A_141] {strides = array<i32>} : memref<640xf32, #tpu.memory_space<vmem>>, vector<16xf32>,
      tpu.vector_store %arg7[%swap3A_141], %add3A_140 {strides = array<i32>} : memref<640xf32, #tpu.memory_space<vmem>>, vector<16xf32>,
      %get3A_143 = arith.constant 272 : index
      %get3A_144 = tpu.vector_load %arg7[%get3A_143] {strides = array<i32>} : memref<640xf32, #tpu.memory_space<vmem>>, vector<16xf32>,
      %get3A_145 = arith.constant 272 : index
      %get3A_146 = tpu.vector_load %arg6[%get3A_145] {strides = array<i32>} : memref<640xf32, #tpu.memory_space<vmem>>, vector<16xf32>,
      %add3A_147 = arith.addf %get3A_144, %get3A_146 : vector<16xf32>
      %swap3A_148 = arith.constant 272 : index
      %swap3A_149 = tpu.vector_load %arg7[%swap3A_148] {strides = array<i32>} : memref<640xf32, #tpu.memory_space<vmem>>, vector<16xf32>,
      tpu.vector_store %arg7[%swap3A_148], %add3A_147 {strides = array<i32>} : memref<640xf32, #tpu.memory_space<vmem>>, vector<16xf32>,
      %get3A_150 = arith.constant 288 : index
      %get3A_151 = tpu.vector_load %arg7[%get3A_150] {strides = array<i32>} : memref<640xf32, #tpu.memory_space<vmem>>, vector<16xf32>,
      %get3A_152 = arith.constant 288 : index
      %get3A_153 = tpu.vector_load %arg6[%get3A_152] {strides = array<i32>} : memref<640xf32, #tpu.memory_space<vmem>>, vector<16xf32>,
      %add3A_154 = arith.addf %get3A_151, %get3A_153 : vector<16xf32>
      %swap3A_155 = arith.constant 288 : index
      %swap3A_156 = tpu.vector_load %arg7[%swap3A_155] {strides = array<i32>} : memref<640xf32, #tpu.memory_space<vmem>>, vector<16xf32>,
      tpu.vector_store %arg7[%swap3A_155], %add3A_154 {strides = array<i32>} : memref<640xf32, #tpu.memory_space<vmem>>, vector<16xf32>,
      %get3A_157 = arith.constant 304 : index
      %get3A_158 = tpu.vector_load %arg7[%get3A_157] {strides = array<i32>} : memref<640xf32, #tpu.memory_space<vmem>>, vector<16xf32>,
      %get3A_159 = arith.constant 304 : index
      %get3A_160 = tpu.vector_load %arg6[%get3A_159] {strides = array<i32>} : memref<640xf32, #tpu.memory_space<vmem>>, vector<16xf32>,
      %add3A_161 = arith.addf %get3A_158, %get3A_160 : vector<16xf32>
      %swap3A_162 = arith.constant 304 : index
      %swap3A_163 = tpu.vector_load %arg7[%swap3A_162] {strides = array<i32>} : memref<640xf32, #tpu.memory_space<vmem>>, vector<16xf32>,
      tpu.vector_store %arg7[%swap3A_162], %add3A_161 {strides = array<i32>} : memref<640xf32, #tpu.memory_space<vmem>>, vector<16xf32>,
      %get3A_164 = arith.constant 320 : index
      %get3A_165 = tpu.vector_load %arg7[%get3A_164] {strides = array<i32>} : memref<640xf32, #tpu.memory_space<vmem>>, vector<16xf32>,
      %get3A_166 = arith.constant 320 : index
      %get3A_167 = tpu.vector_load %arg6[%get3A_166] {strides = array<i32>} : memref<640xf32, #tpu.memory_space<vmem>>, vector<16xf32>,
      %add3A_168 = arith.addf %get3A_165, %get3A_167 : vector<16xf32>
      %swap3A_169 = arith.constant 320 : index
      %swap3A_170 = tpu.vector_load %arg7[%swap3A_169] {strides = array<i32>} : memref<640xf32, #tpu.memory_space<vmem>>, vector<16xf32>,
      tpu.vector_store %arg7[%swap3A_169], %add3A_168 {strides = array<i32>} : memref<640xf32, #tpu.memory_space<vmem>>, vector<16xf32>,
      %get3A_171 = arith.constant 336 : index
      %get3A_172 = tpu.vector_load %arg7[%get3A_171] {strides = array<i32>} : memref<640xf32, #tpu.memory_space<vmem>>, vector<16xf32>,
      %get3A_173 = arith.constant 336 : index
      %get3A_174 = tpu.vector_load %arg6[%get3A_173] {strides = array<i32>} : memref<640xf32, #tpu.memory_space<vmem>>, vector<16xf32>,
      %add3A_175 = arith.addf %get3A_172, %get3A_174 : vector<16xf32>
      %swap3A_176 = arith.constant 336 : index
      %swap3A_177 = tpu.vector_load %arg7[%swap3A_176] {strides = array<i32>} : memref<640xf32, #tpu.memory_space<vmem>>, vector<16xf32>,
      tpu.vector_store %arg7[%swap3A_176], %add3A_175 {strides = array<i32>} : memref<640xf32, #tpu.memory_space<vmem>>, vector<16xf32>,
      %get3A_178 = arith.constant 352 : index
      %get3A_179 = tpu.vector_load %arg7[%get3A_178] {strides = array<i32>} : memref<640xf32, #tpu.memory_space<vmem>>, vector<16xf32>,
      %get3A_180 = arith.constant 352 : index
      %get3A_181 = tpu.vector_load %arg6[%get3A_180] {strides = array<i32>} : memref<640xf32, #tpu.memory_space<vmem>>, vector<16xf32>,
      %add3A_182 = arith.addf %get3A_179, %get3A_181 : vector<16xf32>
      %swap3A_183 = arith.constant 352 : index
      %swap3A_184 = tpu.vector_load %arg7[%swap3A_183] {strides = array<i32>} : memref<640xf32, #tpu.memory_space<vmem>>, vector<16xf32>,
      tpu.vector_store %arg7[%swap3A_183], %add3A_182 {strides = array<i32>} : memref<640xf32, #tpu.memory_space<vmem>>, vector<16xf32>,
      %get3A_185 = arith.constant 368 : index
      %get3A_186 = tpu.vector_load %arg7[%get3A_185] {strides = array<i32>} : memref<640xf32, #tpu.memory_space<vmem>>, vector<16xf32>,
      %get3A_187 = arith.constant 368 : index
      %get3A_188 = tpu.vector_load %arg6[%get3A_187] {strides = array<i32>} : memref<640xf32, #tpu.memory_space<vmem>>, vector<16xf32>,
      %add3A_189 = arith.addf %get3A_186, %get3A_188 : vector<16xf32>
      %swap3A_190 = arith.constant 368 : index
      %swap3A_191 = tpu.vector_load %arg7[%swap3A_190] {strides = array<i32>} : memref<640xf32, #tpu.memory_space<vmem>>, vector<16xf32>,
      tpu.vector_store %arg7[%swap3A_190], %add3A_189 {strides = array<i32>} : memref<640xf32, #tpu.memory_space<vmem>>, vector<16xf32>,
      %get3A_192 = arith.constant 384 : index
      %get3A_193 = tpu.vector_load %arg7[%get3A_192] {strides = array<i32>} : memref<640xf32, #tpu.memory_space<vmem>>, vector<16xf32>,
      %get3A_194 = arith.constant 384 : index
      %get3A_195 = tpu.vector_load %arg6[%get3A_194] {strides = array<i32>} : memref<640xf32, #tpu.memory_space<vmem>>, vector<16xf32>,
      %add3A_196 = arith.addf %get3A_193, %get3A_195 : vector<16xf32>
      %swap3A_197 = arith.constant 384 : index
      %swap3A_198 = tpu.vector_load %arg7[%swap3A_197] {strides = array<i32>} : memref<640xf32, #tpu.memory_space<vmem>>, vector<16xf32>,
      tpu.vector_store %arg7[%swap3A_197], %add3A_196 {strides = array<i32>} : memref<640xf32, #tpu.memory_space<vmem>>, vector<16xf32>,
      %get3A_199 = arith.constant 400 : index
      %get3A_200 = tpu.vector_load %arg7[%get3A_199] {strides = array<i32>} : memref<640xf32, #tpu.memory_space<vmem>>, vector<16xf32>,
      %get3A_201 = arith.constant 400 : index
      %get3A_202 = tpu.vector_load %arg6[%get3A_201] {strides = array<i32>} : memref<640xf32, #tpu.memory_space<vmem>>, vector<16xf32>,
      %add3A_203 = arith.addf %get3A_200, %get3A_202 : vector<16xf32>
      %swap3A_204 = arith.constant 400 : index
      %swap3A_205 = tpu.vector_load %arg7[%swap3A_204] {strides = array<i32>} : memref<640xf32, #tpu.memory_space<vmem>>, vector<16xf32>,
      tpu.vector_store %arg7[%swap3A_204], %add3A_203 {strides = array<i32>} : memref<640xf32, #tpu.memory_space<vmem>>, vector<16xf32>,
      %get3A_206 = arith.constant 416 : index
      %get3A_207 = tpu.vector_load %arg7[%get3A_206] {strides = array<i32>} : memref<640xf32, #tpu.memory_space<vmem>>, vector<16xf32>,
      %get3A_208 = arith.constant 416 : index
      %get3A_209 = tpu.vector_load %arg6[%get3A_208] {strides = array<i32>} : memref<640xf32, #tpu.memory_space<vmem>>, vector<16xf32>,
      %add3A_210 = arith.addf %get3A_207, %get3A_209 : vector<16xf32>
      %swap3A_211 = arith.constant 416 : index
      %swap3A_212 = tpu.vector_load %arg7[%swap3A_211] {strides = array<i32>} : memref<640xf32, #tpu.memory_space<vmem>>, vector<16xf32>,
      tpu.vector_store %arg7[%swap3A_211], %add3A_210 {strides = array<i32>} : memref<640xf32, #tpu.memory_space<vmem>>, vector<16xf32>,
      %get3A_213 = arith.constant 432 : index
      %get3A_214 = tpu.vector_load %arg7[%get3A_213] {strides = array<i32>} : memref<640xf32, #tpu.memory_space<vmem>>, vector<16xf32>,
      %get3A_215 = arith.constant 432 : index
      %get3A_216 = tpu.vector_load %arg6[%get3A_215] {strides = array<i32>} : memref<640xf32, #tpu.memory_space<vmem>>, vector<16xf32>,
      %add3A_217 = arith.addf %get3A_214, %get3A_216 : vector<16xf32>
      %swap3A_218 = arith.constant 432 : index
      %swap3A_219 = tpu.vector_load %arg7[%swap3A_218] {strides = array<i32>} : memref<640xf32, #tpu.memory_space<vmem>>, vector<16xf32>,
      tpu.vector_store %arg7[%swap3A_218], %add3A_217 {strides = array<i32>} : memref<640xf32, #tpu.memory_space<vmem>>, vector<16xf32>,
      %get3A_220 = arith.constant 448 : index
      %get3A_221 = tpu.vector_load %arg7[%get3A_220] {strides = array<i32>} : memref<640xf32, #tpu.memory_space<vmem>>, vector<16xf32>,
      %get3A_222 = arith.constant 448 : index
      %get3A_223 = tpu.vector_load %arg6[%get3A_222] {strides = array<i32>} : memref<640xf32, #tpu.memory_space<vmem>>, vector<16xf32>,
      %add3A_224 = arith.addf %get3A_221, %get3A_223 : vector<16xf32>
      %swap3A_225 = arith.constant 448 : index
      %swap3A_226 = tpu.vector_load %arg7[%swap3A_225] {strides = array<i32>} : memref<640xf32, #tpu.memory_space<vmem>>, vector<16xf32>,
      tpu.vector_store %arg7[%swap3A_225], %add3A_224 {strides = array<i32>} : memref<640xf32, #tpu.memory_space<vmem>>, vector<16xf32>,
      %get3A_227 = arith.constant 464 : index
      %get3A_228 = tpu.vector_load %arg7[%get3A_227] {strides = array<i32>} : memref<640xf32, #tpu.memory_space<vmem>>, vector<16xf32>,
      %get3A_229 = arith.constant 464 : index
      %get3A_230 = tpu.vector_load %arg6[%get3A_229] {strides = array<i32>} : memref<640xf32, #tpu.memory_space<vmem>>, vector<16xf32>,
      %add3A_231 = arith.addf %get3A_228, %get3A_230 : vector<16xf32>
      %swap3A_232 = arith.constant 464 : index
      %swap3A_233 = tpu.vector_load %arg7[%swap3A_232] {strides = array<i32>} : memref<640xf32, #tpu.memory_space<vmem>>, vector<16xf32>,
      tpu.vector_store %arg7[%swap3A_232], %add3A_231 {strides = array<i32>} : memref<640xf32, #tpu.memory_space<vmem>>, vector<16xf32>,
      %get3A_234 = arith.constant 480 : index
      %get3A_235 = tpu.vector_load %arg7[%get3A_234] {strides = array<i32>} : memref<640xf32, #tpu.memory_space<vmem>>, vector<16xf32>,
      %get3A_236 = arith.constant 480 : index
      %get3A_237 = tpu.vector_load %arg6[%get3A_236] {strides = array<i32>} : memref<640xf32, #tpu.memory_space<vmem>>, vector<16xf32>,
      %add3A_238 = arith.addf %get3A_235, %get3A_237 : vector<16xf32>
      %swap3A_239 = arith.constant 480 : index
      %swap3A_240 = tpu.vector_load %arg7[%swap3A_239] {strides = array<i32>} : memref<640xf32, #tpu.memory_space<vmem>>, vector<16xf32>,
      tpu.vector_store %arg7[%swap3A_239], %add3A_238 {strides = array<i32>} : memref<640xf32, #tpu.memory_space<vmem>>, vector<16xf32>,
      %get3A_241 = arith.constant 496 : index
      %get3A_242 = tpu.vector_load %arg7[%get3A_241] {strides = array<i32>} : memref<640xf32, #tpu.memory_space<vmem>>, vector<16xf32>,
      %get3A_243 = arith.constant 496 : index
      %get3A_244 = tpu.vector_load %arg6[%get3A_243] {strides = array<i32>} : memref<640xf32, #tpu.memory_space<vmem>>, vector<16xf32>,
      %add3A_245 = arith.addf %get3A_242, %get3A_244 : vector<16xf32>
      %swap3A_246 = arith.constant 496 : index
      %swap3A_247 = tpu.vector_load %arg7[%swap3A_246] {strides = array<i32>} : memref<640xf32, #tpu.memory_space<vmem>>, vector<16xf32>,
      tpu.vector_store %arg7[%swap3A_246], %add3A_245 {strides = array<i32>} : memref<640xf32, #tpu.memory_space<vmem>>, vector<16xf32>,
      %get3A_248 = arith.constant 512 : index
      %get3A_249 = tpu.vector_load %arg7[%get3A_248] {strides = array<i32>} : memref<640xf32, #tpu.memory_space<vmem>>, vector<16xf32>,
      %get3A_250 = arith.constant 512 : index
      %get3A_251 = tpu.vector_load %arg6[%get3A_250] {strides = array<i32>} : memref<640xf32, #tpu.memory_space<vmem>>, vector<16xf32>,
      %add3A_252 = arith.addf %get3A_249, %get3A_251 : vector<16xf32>
      %swap3A_253 = arith.constant 512 : index
      %swap3A_254 = tpu.vector_load %arg7[%swap3A_253] {strides = array<i32>} : memref<640xf32, #tpu.memory_space<vmem>>, vector<16xf32>,
      tpu.vector_store %arg7[%swap3A_253], %add3A_252 {strides = array<i32>} : memref<640xf32, #tpu.memory_space<vmem>>, vector<16xf32>,
      %get3A_255 = arith.constant 528 : index
      %get3A_256 = tpu.vector_load %arg7[%get3A_255] {strides = array<i32>} : memref<640xf32, #tpu.memory_space<vmem>>, vector<16xf32>,
      %get3A_257 = arith.constant 528 : index
      %get3A_258 = tpu.vector_load %arg6[%get3A_257] {strides = array<i32>} : memref<640xf32, #tpu.memory_space<vmem>>, vector<16xf32>,
      %add3A_259 = arith.addf %get3A_256, %get3A_258 : vector<16xf32>
      %swap3A_260 = arith.constant 528 : index
      %swap3A_261 = tpu.vector_load %arg7[%swap3A_260] {strides = array<i32>} : memref<640xf32, #tpu.memory_space<vmem>>, vector<16xf32>,
      tpu.vector_store %arg7[%swap3A_260], %add3A_259 {strides = array<i32>} : memref<640xf32, #tpu.memory_space<vmem>>, vector<16xf32>,
      %get3A_262 = arith.constant 544 : index
      %get3A_263 = tpu.vector_load %arg7[%get3A_262] {strides = array<i32>} : memref<640xf32, #tpu.memory_space<vmem>>, vector<16xf32>,
      %get3A_264 = arith.constant 544 : index
      %get3A_265 = tpu.vector_load %arg6[%get3A_264] {strides = array<i32>} : memref<640xf32, #tpu.memory_space<vmem>>, vector<16xf32>,
      %add3A_266 = arith.addf %get3A_263, %get3A_265 : vector<16xf32>
      %swap3A_267 = arith.constant 544 : index
      %swap3A_268 = tpu.vector_load %arg7[%swap3A_267] {strides = array<i32>} : memref<640xf32, #tpu.memory_space<vmem>>, vector<16xf32>,
      tpu.vector_store %arg7[%swap3A_267], %add3A_266 {strides = array<i32>} : memref<640xf32, #tpu.memory_space<vmem>>, vector<16xf32>,
      %get3A_269 = arith.constant 560 : index
      %get3A_270 = tpu.vector_load %arg7[%get3A_269] {strides = array<i32>} : memref<640xf32, #tpu.memory_space<vmem>>, vector<16xf32>,
      %get3A_271 = arith.constant 560 : index
      %get3A_272 = tpu.vector_load %arg6[%get3A_271] {strides = array<i32>} : memref<640xf32, #tpu.memory_space<vmem>>, vector<16xf32>,
      %add3A_273 = arith.addf %get3A_270, %get3A_272 : vector<16xf32>
      %swap3A_274 = arith.constant 560 : index
      %swap3A_275 = tpu.vector_load %arg7[%swap3A_274] {strides = array<i32>} : memref<640xf32, #tpu.memory_space<vmem>>, vector<16xf32>,
      tpu.vector_store %arg7[%swap3A_274], %add3A_273 {strides = array<i32>} : memref<640xf32, #tpu.memory_space<vmem>>, vector<16xf32>,
      %get3A_276 = arith.constant 576 : index
      %get3A_277 = tpu.vector_load %arg7[%get3A_276] {strides = array<i32>} : memref<640xf32, #tpu.memory_space<vmem>>, vector<16xf32>,
      %get3A_278 = arith.constant 576 : index
      %get3A_279 = tpu.vector_load %arg6[%get3A_278] {strides = array<i32>} : memref<640xf32, #tpu.memory_space<vmem>>, vector<16xf32>,
      %add3A_280 = arith.addf %get3A_277, %get3A_279 : vector<16xf32>
      %swap3A_281 = arith.constant 576 : index
      %swap3A_282 = tpu.vector_load %arg7[%swap3A_281] {strides = array<i32>} : memref<640xf32, #tpu.memory_space<vmem>>, vector<16xf32>,
      tpu.vector_store %arg7[%swap3A_281], %add3A_280 {strides = array<i32>} : memref<640xf32, #tpu.memory_space<vmem>>, vector<16xf32>,
      %get3A_283 = arith.constant 592 : index
      %get3A_284 = tpu.vector_load %arg7[%get3A_283] {strides = array<i32>} : memref<640xf32, #tpu.memory_space<vmem>>, vector<16xf32>,
      %get3A_285 = arith.constant 592 : index
      %get3A_286 = tpu.vector_load %arg6[%get3A_285] {strides = array<i32>} : memref<640xf32, #tpu.memory_space<vmem>>, vector<16xf32>,
      %add3A_287 = arith.addf %get3A_284, %get3A_286 : vector<16xf32>
      %swap3A_288 = arith.constant 592 : index
      %swap3A_289 = tpu.vector_load %arg7[%swap3A_288] {strides = array<i32>} : memref<640xf32, #tpu.memory_space<vmem>>, vector<16xf32>,
      tpu.vector_store %arg7[%swap3A_288], %add3A_287 {strides = array<i32>} : memref<640xf32, #tpu.memory_space<vmem>>, vector<16xf32>,
      %get3A_290 = arith.constant 608 : index
      %get3A_291 = tpu.vector_load %arg7[%get3A_290] {strides = array<i32>} : memref<640xf32, #tpu.memory_space<vmem>>, vector<16xf32>,
      %get3A_292 = arith.constant 608 : index
      %get3A_293 = tpu.vector_load %arg6[%get3A_292] {strides = array<i32>} : memref<640xf32, #tpu.memory_space<vmem>>, vector<16xf32>,
      %add3A_294 = arith.addf %get3A_291, %get3A_293 : vector<16xf32>
      %swap3A_295 = arith.constant 608 : index
      %swap3A_296 = tpu.vector_load %arg7[%swap3A_295] {strides = array<i32>} : memref<640xf32, #tpu.memory_space<vmem>>, vector<16xf32>,
      tpu.vector_store %arg7[%swap3A_295], %add3A_294 {strides = array<i32>} : memref<640xf32, #tpu.memory_space<vmem>>, vector<16xf32>,
      %get3A_297 = arith.constant 624 : index
      %get3A_298 = tpu.vector_load %arg7[%get3A_297] {strides = array<i32>} : memref<640xf32, #tpu.memory_space<vmem>>, vector<16xf32>,
      %get3A_299 = arith.constant 624 : index
      %get3A_300 = tpu.vector_load %arg6[%get3A_299] {strides = array<i32>} : memref<640xf32, #tpu.memory_space<vmem>>, vector<16xf32>,
      %add3A_301 = arith.addf %get3A_298, %get3A_300 : vector<16xf32>
      %swap3A_302 = arith.constant 624 : index
      %swap3A_303 = tpu.vector_load %arg7[%swap3A_302] {strides = array<i32>} : memref<640xf32, #tpu.memory_space<vmem>>, vector<16xf32>,
      tpu.vector_store %arg7[%swap3A_302], %add3A_301 {strides = array<i32>} : memref<640xf32, #tpu.memory_space<vmem>>, vector<16xf32>,
    }
    %scan3A_24 = arith.constant 15 : i32
    "tpu.region"() ({
      %run_scoped3A_25 = tpu.sem_alloc : memref<!tpu.dma_semaphore, #tpu.memory_space<semaphore_mem>>
      %dma_start3A = tpu.memref_slice %arg3[%arg0, %mul3A_18] : memref<2x10240xf32, #tpu.memory_space<hbm>> -> memref<1x640xf32, #tpu.memory_space<hbm>>
      %dma_start3A_26 = tpu.memref_squeeze %dma_start3A : memref<1x640xf32, #tpu.memory_space<hbm>> -> memref<640xf32, #tpu.memory_space<hbm>>
      %dma_start3A_27 = tpu.memref_slice %arg3[%arg0, %mul3A_18] : memref<2x10240xf32, #tpu.memory_space<hbm>> -> memref<1x640xf32, #tpu.memory_space<hbm>>
      %dma_start3A_28 = tpu.memref_squeeze %dma_start3A_27 : memref<1x640xf32, #tpu.memory_space<hbm>> -> memref<640xf32, #tpu.memory_space<hbm>>
      tpu.enqueue_dma source(%arg7 : memref<640xf32, #tpu.memory_space<vmem>>) target(%dma_start3A_28 : memref<640xf32, #tpu.memory_space<hbm>>) target_semaphore(%run_scoped3A_25 : memref<!tpu.dma_semaphore, #tpu.memory_space<semaphore_mem>>)
      %dma_wait3A = tpu.memref_slice %arg3[%arg0, %mul3A_18] : memref<2x10240xf32, #tpu.memory_space<hbm>> -> memref<1x640xf32, #tpu.memory_space<hbm>>
      %dma_wait3A_29 = tpu.memref_squeeze %dma_wait3A : memref<1x640xf32, #tpu.memory_space<hbm>> -> memref<640xf32, #tpu.memory_space<hbm>>
      %dma_wait3A_30 = tpu.memref_slice %arg3[%arg0, %mul3A_18] : memref<2x10240xf32, #tpu.memory_space<hbm>> -> memref<1x640xf32, #tpu.memory_space<hbm>>
      %dma_wait3A_31 = tpu.memref_squeeze %dma_wait3A_30 : memref<1x640xf32, #tpu.memory_space<hbm>> -> memref<640xf32, #tpu.memory_space<hbm>>
      tpu.wait_dma2 semaphore(%run_scoped3A_25 : memref<!tpu.dma_semaphore, #tpu.memory_space<semaphore_mem>>) src(%arg7 : memref<640xf32, #tpu.memory_space<vmem>>) dst(%dma_wait3A_31 : memref<640xf32, #tpu.memory_space<hbm>>)
      tpu.yield
    }) : () -> ()
    return
  }
}

#map = affine_map<(d0, d1) -> (0, 0)>
#map1 = affine_map<(d0, d1) -> (0)>
#map2 = affine_map<(d0, d1) -> (0, 0, 0)>
module attributes {stable_mosaic.version = 14 : i64} {
  func.func @_sc_edge(%arg0: i32, %arg1: i32, %arg2: memref<10240x128xf32, #tpu.memory_space<hbm>>, %arg3: memref<320000xi32, #tpu.memory_space<hbm>>, %arg4: memref<320000xi32, #tpu.memory_space<hbm>>, %arg5: memref<2x10240x128xf32, #tpu.memory_space<hbm>>, %arg6: memref<3x80xi32, #tpu.memory_space<vmem>>, %arg7: memref<3x80xi32, #tpu.memory_space<vmem>>, %arg8: memref<3x80x128xf32, #tpu.memory_space<vmem>>, %arg9: memref<10240x128xf32, #tpu.memory_space<vmem_shared>>, %arg10: memref<!tpu.dma_semaphore, #tpu.memory_space<semaphore_mem>>, %arg11: memref<!tpu.dma_semaphore, #tpu.memory_space<semaphore_mem>>, %arg12: memref<!tpu.dma_semaphore, #tpu.memory_space<semaphore_mem>>, %arg13: memref<!tpu.dma_semaphore, #tpu.memory_space<semaphore_mem>>, %arg14: memref<!tpu.dma_semaphore, #tpu.memory_space<semaphore_mem>>, %arg15: memref<!tpu.dma_semaphore, #tpu.memory_space<semaphore_mem>>) attributes {dimension_semantics = [#tpu.dimension_semantics<core_parallel>, #tpu.dimension_semantics<subcore_parallel>], iteration_bounds = array<i64: 2, 16>, scalar_prefetch = 0 : i64, scratch_operands = 10 : i64, tpu.core_type = #tpu.core_type<sc_vector_subcore>, window_params = [{transform_indices = #map}, {transform_indices = #map1}, {transform_indices = #map1}, {transform_indices = #map2}]} {
    %mul3A = arith.constant 2 : i32
    %mul3A_0 = arith.muli %arg1, %mul3A : i32
    %add3A = arith.addi %mul3A_0, %arg0 : i32
    %broadcast_in_dim3A = arith.constant 0.000000e+00 : f32
    %broadcast_in_dim3A_1 = vector.broadcast %broadcast_in_dim3A : f32 to vector<16xf32>
    %scan3A = arith.constant 0 : i32
    %scan3A_2 = arith.constant 0 : i32
    %scan3A_3 = arith.constant 80 : i32
    %scan3A_4 = arith.addi %scan3A_2, %scan3A_3 : i32
    %scan3A_5 = arith.constant 1 : i32
    scf.for %scan3A_215 = %scan3A_2 to %scan3A_4 step %scan3A_5  : i32 {
      %swap3A = arith.constant 0 : i32
      %swap3A_216 = arith.index_cast %swap3A : i32 to index
      %swap3A_217 = arith.index_cast %scan3A_215 : i32 to index
      %swap3A_218 = arith.constant 0 : index
      %swap3A_219 = tpu.vector_load %arg8[%swap3A_216, %swap3A_217, %swap3A_218] {strides = array<i32>} : memref<3x80x128xf32, #tpu.memory_space<vmem>>, vector<16xf32>,
      tpu.vector_store %arg8[%swap3A_216, %swap3A_217, %swap3A_218], %broadcast_in_dim3A_1 {strides = array<i32>} : memref<3x80x128xf32, #tpu.memory_space<vmem>>, vector<16xf32>,
      %swap3A_220 = arith.constant 0 : i32
      %swap3A_221 = arith.index_cast %swap3A_220 : i32 to index
      %swap3A_222 = arith.index_cast %scan3A_215 : i32 to index
      %swap3A_223 = arith.constant 16 : index
      %swap3A_224 = tpu.vector_load %arg8[%swap3A_221, %swap3A_222, %swap3A_223] {strides = array<i32>} : memref<3x80x128xf32, #tpu.memory_space<vmem>>, vector<16xf32>,
      tpu.vector_store %arg8[%swap3A_221, %swap3A_222, %swap3A_223], %broadcast_in_dim3A_1 {strides = array<i32>} : memref<3x80x128xf32, #tpu.memory_space<vmem>>, vector<16xf32>,
      %swap3A_225 = arith.constant 0 : i32
      %swap3A_226 = arith.index_cast %swap3A_225 : i32 to index
      %swap3A_227 = arith.index_cast %scan3A_215 : i32 to index
      %swap3A_228 = arith.constant 32 : index
      %swap3A_229 = tpu.vector_load %arg8[%swap3A_226, %swap3A_227, %swap3A_228] {strides = array<i32>} : memref<3x80x128xf32, #tpu.memory_space<vmem>>, vector<16xf32>,
      tpu.vector_store %arg8[%swap3A_226, %swap3A_227, %swap3A_228], %broadcast_in_dim3A_1 {strides = array<i32>} : memref<3x80x128xf32, #tpu.memory_space<vmem>>, vector<16xf32>,
      %swap3A_230 = arith.constant 0 : i32
      %swap3A_231 = arith.index_cast %swap3A_230 : i32 to index
      %swap3A_232 = arith.index_cast %scan3A_215 : i32 to index
      %swap3A_233 = arith.constant 48 : index
      %swap3A_234 = tpu.vector_load %arg8[%swap3A_231, %swap3A_232, %swap3A_233] {strides = array<i32>} : memref<3x80x128xf32, #tpu.memory_space<vmem>>, vector<16xf32>,
      tpu.vector_store %arg8[%swap3A_231, %swap3A_232, %swap3A_233], %broadcast_in_dim3A_1 {strides = array<i32>} : memref<3x80x128xf32, #tpu.memory_space<vmem>>, vector<16xf32>,
      %swap3A_235 = arith.constant 0 : i32
      %swap3A_236 = arith.index_cast %swap3A_235 : i32 to index
      %swap3A_237 = arith.index_cast %scan3A_215 : i32 to index
      %swap3A_238 = arith.constant 64 : index
      %swap3A_239 = tpu.vector_load %arg8[%swap3A_236, %swap3A_237, %swap3A_238] {strides = array<i32>} : memref<3x80x128xf32, #tpu.memory_space<vmem>>, vector<16xf32>,
      tpu.vector_store %arg8[%swap3A_236, %swap3A_237, %swap3A_238], %broadcast_in_dim3A_1 {strides = array<i32>} : memref<3x80x128xf32, #tpu.memory_space<vmem>>, vector<16xf32>,
      %swap3A_240 = arith.constant 0 : i32
      %swap3A_241 = arith.index_cast %swap3A_240 : i32 to index
      %swap3A_242 = arith.index_cast %scan3A_215 : i32 to index
      %swap3A_243 = arith.constant 80 : index
      %swap3A_244 = tpu.vector_load %arg8[%swap3A_241, %swap3A_242, %swap3A_243] {strides = array<i32>} : memref<3x80x128xf32, #tpu.memory_space<vmem>>, vector<16xf32>,
      tpu.vector_store %arg8[%swap3A_241, %swap3A_242, %swap3A_243], %broadcast_in_dim3A_1 {strides = array<i32>} : memref<3x80x128xf32, #tpu.memory_space<vmem>>, vector<16xf32>,
      %swap3A_245 = arith.constant 0 : i32
      %swap3A_246 = arith.index_cast %swap3A_245 : i32 to index
      %swap3A_247 = arith.index_cast %scan3A_215 : i32 to index
      %swap3A_248 = arith.constant 96 : index
      %swap3A_249 = tpu.vector_load %arg8[%swap3A_246, %swap3A_247, %swap3A_248] {strides = array<i32>} : memref<3x80x128xf32, #tpu.memory_space<vmem>>, vector<16xf32>,
      tpu.vector_store %arg8[%swap3A_246, %swap3A_247, %swap3A_248], %broadcast_in_dim3A_1 {strides = array<i32>} : memref<3x80x128xf32, #tpu.memory_space<vmem>>, vector<16xf32>,
      %swap3A_250 = arith.constant 0 : i32
      %swap3A_251 = arith.index_cast %swap3A_250 : i32 to index
      %swap3A_252 = arith.index_cast %scan3A_215 : i32 to index
      %swap3A_253 = arith.constant 112 : index
      %swap3A_254 = tpu.vector_load %arg8[%swap3A_251, %swap3A_252, %swap3A_253] {strides = array<i32>} : memref<3x80x128xf32, #tpu.memory_space<vmem>>, vector<16xf32>,
      tpu.vector_store %arg8[%swap3A_251, %swap3A_252, %swap3A_253], %broadcast_in_dim3A_1 {strides = array<i32>} : memref<3x80x128xf32, #tpu.memory_space<vmem>>, vector<16xf32>,
    }
    %scan3A_6 = arith.constant 80 : i32
    %mul3A_7 = arith.constant 640 : i32
    %mul3A_8 = arith.muli %arg1, %mul3A_7 : i32
    %add3A_9 = arith.constant 0 : i32
    %add3A_10 = arith.addi %mul3A_8, %add3A_9 : i32
    %run_scoped3A = arith.constant 0 : i32
    "tpu.region"() ({
      %run_scoped3A_215 = tpu.sem_alloc : memref<!tpu.dma_semaphore, #tpu.memory_space<semaphore_mem>>
      %dma_start3A_216 = arith.constant 0 : i32
      %dma_start3A_217 = arith.constant 0 : i32
      %dma_start3A_218 = tpu.memref_slice %arg8[%run_scoped3A, %dma_start3A_216, %dma_start3A_217] : memref<3x80x128xf32, #tpu.memory_space<vmem>> -> memref<1x80x128xf32, #tpu.memory_space<vmem>>
      %dma_start3A_219 = tpu.memref_squeeze %dma_start3A_218 : memref<1x80x128xf32, #tpu.memory_space<vmem>> -> memref<80x128xf32, #tpu.memory_space<vmem>>
      %dma_start3A_220 = arith.constant 0 : i32
      %dma_start3A_221 = tpu.memref_slice %arg9[%add3A_10, %dma_start3A_220] : memref<10240x128xf32, #tpu.memory_space<vmem_shared>> -> memref<80x128xf32, #tpu.memory_space<vmem_shared>>
      %dma_start3A_222 = arith.constant 0 : i32
      %dma_start3A_223 = tpu.memref_slice %arg9[%add3A_10, %dma_start3A_222] : memref<10240x128xf32, #tpu.memory_space<vmem_shared>> -> memref<80x128xf32, #tpu.memory_space<vmem_shared>>
      %dma_start3A_224 = arith.constant 0 : i32
      %dma_start3A_225 = arith.constant 0 : i32
      %dma_start3A_226 = tpu.memref_slice %arg8[%run_scoped3A, %dma_start3A_224, %dma_start3A_225] : memref<3x80x128xf32, #tpu.memory_space<vmem>> -> memref<1x80x128xf32, #tpu.memory_space<vmem>>
      %dma_start3A_227 = tpu.memref_squeeze %dma_start3A_226 : memref<1x80x128xf32, #tpu.memory_space<vmem>> -> memref<80x128xf32, #tpu.memory_space<vmem>>
      tpu.enqueue_dma source(%dma_start3A_227 : memref<80x128xf32, #tpu.memory_space<vmem>>) target(%dma_start3A_223 : memref<80x128xf32, #tpu.memory_space<vmem_shared>>) target_semaphore(%run_scoped3A_215 : memref<!tpu.dma_semaphore, #tpu.memory_space<semaphore_mem>>)
      %dma_wait3A_228 = arith.constant 0 : i32
      %dma_wait3A_229 = arith.constant 0 : i32
      %dma_wait3A_230 = tpu.memref_slice %arg8[%run_scoped3A, %dma_wait3A_228, %dma_wait3A_229] : memref<3x80x128xf32, #tpu.memory_space<vmem>> -> memref<1x80x128xf32, #tpu.memory_space<vmem>>
      %dma_wait3A_231 = tpu.memref_squeeze %dma_wait3A_230 : memref<1x80x128xf32, #tpu.memory_space<vmem>> -> memref<80x128xf32, #tpu.memory_space<vmem>>
      %dma_wait3A_232 = arith.constant 0 : i32
      %dma_wait3A_233 = tpu.memref_slice %arg9[%add3A_10, %dma_wait3A_232] : memref<10240x128xf32, #tpu.memory_space<vmem_shared>> -> memref<80x128xf32, #tpu.memory_space<vmem_shared>>
      %dma_wait3A_234 = arith.constant 0 : i32
      %dma_wait3A_235 = tpu.memref_slice %arg9[%add3A_10, %dma_wait3A_234] : memref<10240x128xf32, #tpu.memory_space<vmem_shared>> -> memref<80x128xf32, #tpu.memory_space<vmem_shared>>
      %dma_wait3A_236 = arith.constant 0 : i32
      %dma_wait3A_237 = arith.constant 0 : i32
      %dma_wait3A_238 = tpu.memref_slice %arg8[%run_scoped3A, %dma_wait3A_236, %dma_wait3A_237] : memref<3x80x128xf32, #tpu.memory_space<vmem>> -> memref<1x80x128xf32, #tpu.memory_space<vmem>>
      %dma_wait3A_239 = tpu.memref_squeeze %dma_wait3A_238 : memref<1x80x128xf32, #tpu.memory_space<vmem>> -> memref<80x128xf32, #tpu.memory_space<vmem>>
      tpu.wait_dma2 semaphore(%run_scoped3A_215 : memref<!tpu.dma_semaphore, #tpu.memory_space<semaphore_mem>>) src(%dma_wait3A_239 : memref<80x128xf32, #tpu.memory_space<vmem>>) dst(%dma_wait3A_235 : memref<80x128xf32, #tpu.memory_space<vmem_shared>>)
      tpu.yield
    }) : () -> ()
    %mul3A_11 = arith.constant 640 : i32
    %mul3A_12 = arith.muli %arg1, %mul3A_11 : i32
    %add3A_13 = arith.constant 80 : i32
    %add3A_14 = arith.addi %mul3A_12, %add3A_13 : i32
    %run_scoped3A_15 = arith.constant 0 : i32
    "tpu.region"() ({
      %run_scoped3A_215 = tpu.sem_alloc : memref<!tpu.dma_semaphore, #tpu.memory_space<semaphore_mem>>
      %dma_start3A_216 = arith.constant 0 : i32
      %dma_start3A_217 = arith.constant 0 : i32
      %dma_start3A_218 = tpu.memref_slice %arg8[%run_scoped3A_15, %dma_start3A_216, %dma_start3A_217] : memref<3x80x128xf32, #tpu.memory_space<vmem>> -> memref<1x80x128xf32, #tpu.memory_space<vmem>>
      %dma_start3A_219 = tpu.memref_squeeze %dma_start3A_218 : memref<1x80x128xf32, #tpu.memory_space<vmem>> -> memref<80x128xf32, #tpu.memory_space<vmem>>
      %dma_start3A_220 = arith.constant 0 : i32
      %dma_start3A_221 = tpu.memref_slice %arg9[%add3A_14, %dma_start3A_220] : memref<10240x128xf32, #tpu.memory_space<vmem_shared>> -> memref<80x128xf32, #tpu.memory_space<vmem_shared>>
      %dma_start3A_222 = arith.constant 0 : i32
      %dma_start3A_223 = tpu.memref_slice %arg9[%add3A_14, %dma_start3A_222] : memref<10240x128xf32, #tpu.memory_space<vmem_shared>> -> memref<80x128xf32, #tpu.memory_space<vmem_shared>>
      %dma_start3A_224 = arith.constant 0 : i32
      %dma_start3A_225 = arith.constant 0 : i32
      %dma_start3A_226 = tpu.memref_slice %arg8[%run_scoped3A_15, %dma_start3A_224, %dma_start3A_225] : memref<3x80x128xf32, #tpu.memory_space<vmem>> -> memref<1x80x128xf32, #tpu.memory_space<vmem>>
      %dma_start3A_227 = tpu.memref_squeeze %dma_start3A_226 : memref<1x80x128xf32, #tpu.memory_space<vmem>> -> memref<80x128xf32, #tpu.memory_space<vmem>>
      tpu.enqueue_dma source(%dma_start3A_227 : memref<80x128xf32, #tpu.memory_space<vmem>>) target(%dma_start3A_223 : memref<80x128xf32, #tpu.memory_space<vmem_shared>>) target_semaphore(%run_scoped3A_215 : memref<!tpu.dma_semaphore, #tpu.memory_space<semaphore_mem>>)
      %dma_wait3A_228 = arith.constant 0 : i32
      %dma_wait3A_229 = arith.constant 0 : i32
      %dma_wait3A_230 = tpu.memref_slice %arg8[%run_scoped3A_15, %dma_wait3A_228, %dma_wait3A_229] : memref<3x80x128xf32, #tpu.memory_space<vmem>> -> memref<1x80x128xf32, #tpu.memory_space<vmem>>
      %dma_wait3A_231 = tpu.memref_squeeze %dma_wait3A_230 : memref<1x80x128xf32, #tpu.memory_space<vmem>> -> memref<80x128xf32, #tpu.memory_space<vmem>>
      %dma_wait3A_232 = arith.constant 0 : i32
      %dma_wait3A_233 = tpu.memref_slice %arg9[%add3A_14, %dma_wait3A_232] : memref<10240x128xf32, #tpu.memory_space<vmem_shared>> -> memref<80x128xf32, #tpu.memory_space<vmem_shared>>
      %dma_wait3A_234 = arith.constant 0 : i32
      %dma_wait3A_235 = tpu.memref_slice %arg9[%add3A_14, %dma_wait3A_234] : memref<10240x128xf32, #tpu.memory_space<vmem_shared>> -> memref<80x128xf32, #tpu.memory_space<vmem_shared>>
      %dma_wait3A_236 = arith.constant 0 : i32
      %dma_wait3A_237 = arith.constant 0 : i32
      %dma_wait3A_238 = tpu.memref_slice %arg8[%run_scoped3A_15, %dma_wait3A_236, %dma_wait3A_237] : memref<3x80x128xf32, #tpu.memory_space<vmem>> -> memref<1x80x128xf32, #tpu.memory_space<vmem>>
      %dma_wait3A_239 = tpu.memref_squeeze %dma_wait3A_238 : memref<1x80x128xf32, #tpu.memory_space<vmem>> -> memref<80x128xf32, #tpu.memory_space<vmem>>
      tpu.wait_dma2 semaphore(%run_scoped3A_215 : memref<!tpu.dma_semaphore, #tpu.memory_space<semaphore_mem>>) src(%dma_wait3A_239 : memref<80x128xf32, #tpu.memory_space<vmem>>) dst(%dma_wait3A_235 : memref<80x128xf32, #tpu.memory_space<vmem_shared>>)
      tpu.yield
    }) : () -> ()
    %mul3A_16 = arith.constant 640 : i32
    %mul3A_17 = arith.muli %arg1, %mul3A_16 : i32
    %add3A_18 = arith.constant 160 : i32
    %add3A_19 = arith.addi %mul3A_17, %add3A_18 : i32
    %run_scoped3A_20 = arith.constant 0 : i32
    "tpu.region"() ({
      %run_scoped3A_215 = tpu.sem_alloc : memref<!tpu.dma_semaphore, #tpu.memory_space<semaphore_mem>>
      %dma_start3A_216 = arith.constant 0 : i32
      %dma_start3A_217 = arith.constant 0 : i32
      %dma_start3A_218 = tpu.memref_slice %arg8[%run_scoped3A_20, %dma_start3A_216, %dma_start3A_217] : memref<3x80x128xf32, #tpu.memory_space<vmem>> -> memref<1x80x128xf32, #tpu.memory_space<vmem>>
      %dma_start3A_219 = tpu.memref_squeeze %dma_start3A_218 : memref<1x80x128xf32, #tpu.memory_space<vmem>> -> memref<80x128xf32, #tpu.memory_space<vmem>>
      %dma_start3A_220 = arith.constant 0 : i32
      %dma_start3A_221 = tpu.memref_slice %arg9[%add3A_19, %dma_start3A_220] : memref<10240x128xf32, #tpu.memory_space<vmem_shared>> -> memref<80x128xf32, #tpu.memory_space<vmem_shared>>
      %dma_start3A_222 = arith.constant 0 : i32
      %dma_start3A_223 = tpu.memref_slice %arg9[%add3A_19, %dma_start3A_222] : memref<10240x128xf32, #tpu.memory_space<vmem_shared>> -> memref<80x128xf32, #tpu.memory_space<vmem_shared>>
      %dma_start3A_224 = arith.constant 0 : i32
      %dma_start3A_225 = arith.constant 0 : i32
      %dma_start3A_226 = tpu.memref_slice %arg8[%run_scoped3A_20, %dma_start3A_224, %dma_start3A_225] : memref<3x80x128xf32, #tpu.memory_space<vmem>> -> memref<1x80x128xf32, #tpu.memory_space<vmem>>
      %dma_start3A_227 = tpu.memref_squeeze %dma_start3A_226 : memref<1x80x128xf32, #tpu.memory_space<vmem>> -> memref<80x128xf32, #tpu.memory_space<vmem>>
      tpu.enqueue_dma source(%dma_start3A_227 : memref<80x128xf32, #tpu.memory_space<vmem>>) target(%dma_start3A_223 : memref<80x128xf32, #tpu.memory_space<vmem_shared>>) target_semaphore(%run_scoped3A_215 : memref<!tpu.dma_semaphore, #tpu.memory_space<semaphore_mem>>)
      %dma_wait3A_228 = arith.constant 0 : i32
      %dma_wait3A_229 = arith.constant 0 : i32
      %dma_wait3A_230 = tpu.memref_slice %arg8[%run_scoped3A_20, %dma_wait3A_228, %dma_wait3A_229] : memref<3x80x128xf32, #tpu.memory_space<vmem>> -> memref<1x80x128xf32, #tpu.memory_space<vmem>>
      %dma_wait3A_231 = tpu.memref_squeeze %dma_wait3A_230 : memref<1x80x128xf32, #tpu.memory_space<vmem>> -> memref<80x128xf32, #tpu.memory_space<vmem>>
      %dma_wait3A_232 = arith.constant 0 : i32
      %dma_wait3A_233 = tpu.memref_slice %arg9[%add3A_19, %dma_wait3A_232] : memref<10240x128xf32, #tpu.memory_space<vmem_shared>> -> memref<80x128xf32, #tpu.memory_space<vmem_shared>>
      %dma_wait3A_234 = arith.constant 0 : i32
      %dma_wait3A_235 = tpu.memref_slice %arg9[%add3A_19, %dma_wait3A_234] : memref<10240x128xf32, #tpu.memory_space<vmem_shared>> -> memref<80x128xf32, #tpu.memory_space<vmem_shared>>
      %dma_wait3A_236 = arith.constant 0 : i32
      %dma_wait3A_237 = arith.constant 0 : i32
      %dma_wait3A_238 = tpu.memref_slice %arg8[%run_scoped3A_20, %dma_wait3A_236, %dma_wait3A_237] : memref<3x80x128xf32, #tpu.memory_space<vmem>> -> memref<1x80x128xf32, #tpu.memory_space<vmem>>
      %dma_wait3A_239 = tpu.memref_squeeze %dma_wait3A_238 : memref<1x80x128xf32, #tpu.memory_space<vmem>> -> memref<80x128xf32, #tpu.memory_space<vmem>>
      tpu.wait_dma2 semaphore(%run_scoped3A_215 : memref<!tpu.dma_semaphore, #tpu.memory_space<semaphore_mem>>) src(%dma_wait3A_239 : memref<80x128xf32, #tpu.memory_space<vmem>>) dst(%dma_wait3A_235 : memref<80x128xf32, #tpu.memory_space<vmem_shared>>)
      tpu.yield
    }) : () -> ()
    %mul3A_21 = arith.constant 640 : i32
    %mul3A_22 = arith.muli %arg1, %mul3A_21 : i32
    %add3A_23 = arith.constant 240 : i32
    %add3A_24 = arith.addi %mul3A_22, %add3A_23 : i32
    %run_scoped3A_25 = arith.constant 0 : i32
    "tpu.region"() ({
      %run_scoped3A_215 = tpu.sem_alloc : memref<!tpu.dma_semaphore, #tpu.memory_space<semaphore_mem>>
      %dma_start3A_216 = arith.constant 0 : i32
      %dma_start3A_217 = arith.constant 0 : i32
      %dma_start3A_218 = tpu.memref_slice %arg8[%run_scoped3A_25, %dma_start3A_216, %dma_start3A_217] : memref<3x80x128xf32, #tpu.memory_space<vmem>> -> memref<1x80x128xf32, #tpu.memory_space<vmem>>
      %dma_start3A_219 = tpu.memref_squeeze %dma_start3A_218 : memref<1x80x128xf32, #tpu.memory_space<vmem>> -> memref<80x128xf32, #tpu.memory_space<vmem>>
      %dma_start3A_220 = arith.constant 0 : i32
      %dma_start3A_221 = tpu.memref_slice %arg9[%add3A_24, %dma_start3A_220] : memref<10240x128xf32, #tpu.memory_space<vmem_shared>> -> memref<80x128xf32, #tpu.memory_space<vmem_shared>>
      %dma_start3A_222 = arith.constant 0 : i32
      %dma_start3A_223 = tpu.memref_slice %arg9[%add3A_24, %dma_start3A_222] : memref<10240x128xf32, #tpu.memory_space<vmem_shared>> -> memref<80x128xf32, #tpu.memory_space<vmem_shared>>
      %dma_start3A_224 = arith.constant 0 : i32
      %dma_start3A_225 = arith.constant 0 : i32
      %dma_start3A_226 = tpu.memref_slice %arg8[%run_scoped3A_25, %dma_start3A_224, %dma_start3A_225] : memref<3x80x128xf32, #tpu.memory_space<vmem>> -> memref<1x80x128xf32, #tpu.memory_space<vmem>>
      %dma_start3A_227 = tpu.memref_squeeze %dma_start3A_226 : memref<1x80x128xf32, #tpu.memory_space<vmem>> -> memref<80x128xf32, #tpu.memory_space<vmem>>
      tpu.enqueue_dma source(%dma_start3A_227 : memref<80x128xf32, #tpu.memory_space<vmem>>) target(%dma_start3A_223 : memref<80x128xf32, #tpu.memory_space<vmem_shared>>) target_semaphore(%run_scoped3A_215 : memref<!tpu.dma_semaphore, #tpu.memory_space<semaphore_mem>>)
      %dma_wait3A_228 = arith.constant 0 : i32
      %dma_wait3A_229 = arith.constant 0 : i32
      %dma_wait3A_230 = tpu.memref_slice %arg8[%run_scoped3A_25, %dma_wait3A_228, %dma_wait3A_229] : memref<3x80x128xf32, #tpu.memory_space<vmem>> -> memref<1x80x128xf32, #tpu.memory_space<vmem>>
      %dma_wait3A_231 = tpu.memref_squeeze %dma_wait3A_230 : memref<1x80x128xf32, #tpu.memory_space<vmem>> -> memref<80x128xf32, #tpu.memory_space<vmem>>
      %dma_wait3A_232 = arith.constant 0 : i32
      %dma_wait3A_233 = tpu.memref_slice %arg9[%add3A_24, %dma_wait3A_232] : memref<10240x128xf32, #tpu.memory_space<vmem_shared>> -> memref<80x128xf32, #tpu.memory_space<vmem_shared>>
      %dma_wait3A_234 = arith.constant 0 : i32
      %dma_wait3A_235 = tpu.memref_slice %arg9[%add3A_24, %dma_wait3A_234] : memref<10240x128xf32, #tpu.memory_space<vmem_shared>> -> memref<80x128xf32, #tpu.memory_space<vmem_shared>>
      %dma_wait3A_236 = arith.constant 0 : i32
      %dma_wait3A_237 = arith.constant 0 : i32
      %dma_wait3A_238 = tpu.memref_slice %arg8[%run_scoped3A_25, %dma_wait3A_236, %dma_wait3A_237] : memref<3x80x128xf32, #tpu.memory_space<vmem>> -> memref<1x80x128xf32, #tpu.memory_space<vmem>>
      %dma_wait3A_239 = tpu.memref_squeeze %dma_wait3A_238 : memref<1x80x128xf32, #tpu.memory_space<vmem>> -> memref<80x128xf32, #tpu.memory_space<vmem>>
      tpu.wait_dma2 semaphore(%run_scoped3A_215 : memref<!tpu.dma_semaphore, #tpu.memory_space<semaphore_mem>>) src(%dma_wait3A_239 : memref<80x128xf32, #tpu.memory_space<vmem>>) dst(%dma_wait3A_235 : memref<80x128xf32, #tpu.memory_space<vmem_shared>>)
      tpu.yield
    }) : () -> ()
    %mul3A_26 = arith.constant 640 : i32
    %mul3A_27 = arith.muli %arg1, %mul3A_26 : i32
    %add3A_28 = arith.constant 320 : i32
    %add3A_29 = arith.addi %mul3A_27, %add3A_28 : i32
    %run_scoped3A_30 = arith.constant 0 : i32
    "tpu.region"() ({
      %run_scoped3A_215 = tpu.sem_alloc : memref<!tpu.dma_semaphore, #tpu.memory_space<semaphore_mem>>
      %dma_start3A_216 = arith.constant 0 : i32
      %dma_start3A_217 = arith.constant 0 : i32
      %dma_start3A_218 = tpu.memref_slice %arg8[%run_scoped3A_30, %dma_start3A_216, %dma_start3A_217] : memref<3x80x128xf32, #tpu.memory_space<vmem>> -> memref<1x80x128xf32, #tpu.memory_space<vmem>>
      %dma_start3A_219 = tpu.memref_squeeze %dma_start3A_218 : memref<1x80x128xf32, #tpu.memory_space<vmem>> -> memref<80x128xf32, #tpu.memory_space<vmem>>
      %dma_start3A_220 = arith.constant 0 : i32
      %dma_start3A_221 = tpu.memref_slice %arg9[%add3A_29, %dma_start3A_220] : memref<10240x128xf32, #tpu.memory_space<vmem_shared>> -> memref<80x128xf32, #tpu.memory_space<vmem_shared>>
      %dma_start3A_222 = arith.constant 0 : i32
      %dma_start3A_223 = tpu.memref_slice %arg9[%add3A_29, %dma_start3A_222] : memref<10240x128xf32, #tpu.memory_space<vmem_shared>> -> memref<80x128xf32, #tpu.memory_space<vmem_shared>>
      %dma_start3A_224 = arith.constant 0 : i32
      %dma_start3A_225 = arith.constant 0 : i32
      %dma_start3A_226 = tpu.memref_slice %arg8[%run_scoped3A_30, %dma_start3A_224, %dma_start3A_225] : memref<3x80x128xf32, #tpu.memory_space<vmem>> -> memref<1x80x128xf32, #tpu.memory_space<vmem>>
      %dma_start3A_227 = tpu.memref_squeeze %dma_start3A_226 : memref<1x80x128xf32, #tpu.memory_space<vmem>> -> memref<80x128xf32, #tpu.memory_space<vmem>>
      tpu.enqueue_dma source(%dma_start3A_227 : memref<80x128xf32, #tpu.memory_space<vmem>>) target(%dma_start3A_223 : memref<80x128xf32, #tpu.memory_space<vmem_shared>>) target_semaphore(%run_scoped3A_215 : memref<!tpu.dma_semaphore, #tpu.memory_space<semaphore_mem>>)
      %dma_wait3A_228 = arith.constant 0 : i32
      %dma_wait3A_229 = arith.constant 0 : i32
      %dma_wait3A_230 = tpu.memref_slice %arg8[%run_scoped3A_30, %dma_wait3A_228, %dma_wait3A_229] : memref<3x80x128xf32, #tpu.memory_space<vmem>> -> memref<1x80x128xf32, #tpu.memory_space<vmem>>
      %dma_wait3A_231 = tpu.memref_squeeze %dma_wait3A_230 : memref<1x80x128xf32, #tpu.memory_space<vmem>> -> memref<80x128xf32, #tpu.memory_space<vmem>>
      %dma_wait3A_232 = arith.constant 0 : i32
      %dma_wait3A_233 = tpu.memref_slice %arg9[%add3A_29, %dma_wait3A_232] : memref<10240x128xf32, #tpu.memory_space<vmem_shared>> -> memref<80x128xf32, #tpu.memory_space<vmem_shared>>
      %dma_wait3A_234 = arith.constant 0 : i32
      %dma_wait3A_235 = tpu.memref_slice %arg9[%add3A_29, %dma_wait3A_234] : memref<10240x128xf32, #tpu.memory_space<vmem_shared>> -> memref<80x128xf32, #tpu.memory_space<vmem_shared>>
      %dma_wait3A_236 = arith.constant 0 : i32
      %dma_wait3A_237 = arith.constant 0 : i32
      %dma_wait3A_238 = tpu.memref_slice %arg8[%run_scoped3A_30, %dma_wait3A_236, %dma_wait3A_237] : memref<3x80x128xf32, #tpu.memory_space<vmem>> -> memref<1x80x128xf32, #tpu.memory_space<vmem>>
      %dma_wait3A_239 = tpu.memref_squeeze %dma_wait3A_238 : memref<1x80x128xf32, #tpu.memory_space<vmem>> -> memref<80x128xf32, #tpu.memory_space<vmem>>
      tpu.wait_dma2 semaphore(%run_scoped3A_215 : memref<!tpu.dma_semaphore, #tpu.memory_space<semaphore_mem>>) src(%dma_wait3A_239 : memref<80x128xf32, #tpu.memory_space<vmem>>) dst(%dma_wait3A_235 : memref<80x128xf32, #tpu.memory_space<vmem_shared>>)
      tpu.yield
    }) : () -> ()
    %mul3A_31 = arith.constant 640 : i32
    %mul3A_32 = arith.muli %arg1, %mul3A_31 : i32
    %add3A_33 = arith.constant 400 : i32
    %add3A_34 = arith.addi %mul3A_32, %add3A_33 : i32
    %run_scoped3A_35 = arith.constant 0 : i32
    "tpu.region"() ({
      %run_scoped3A_215 = tpu.sem_alloc : memref<!tpu.dma_semaphore, #tpu.memory_space<semaphore_mem>>
      %dma_start3A_216 = arith.constant 0 : i32
      %dma_start3A_217 = arith.constant 0 : i32
      %dma_start3A_218 = tpu.memref_slice %arg8[%run_scoped3A_35, %dma_start3A_216, %dma_start3A_217] : memref<3x80x128xf32, #tpu.memory_space<vmem>> -> memref<1x80x128xf32, #tpu.memory_space<vmem>>
      %dma_start3A_219 = tpu.memref_squeeze %dma_start3A_218 : memref<1x80x128xf32, #tpu.memory_space<vmem>> -> memref<80x128xf32, #tpu.memory_space<vmem>>
      %dma_start3A_220 = arith.constant 0 : i32
      %dma_start3A_221 = tpu.memref_slice %arg9[%add3A_34, %dma_start3A_220] : memref<10240x128xf32, #tpu.memory_space<vmem_shared>> -> memref<80x128xf32, #tpu.memory_space<vmem_shared>>
      %dma_start3A_222 = arith.constant 0 : i32
      %dma_start3A_223 = tpu.memref_slice %arg9[%add3A_34, %dma_start3A_222] : memref<10240x128xf32, #tpu.memory_space<vmem_shared>> -> memref<80x128xf32, #tpu.memory_space<vmem_shared>>
      %dma_start3A_224 = arith.constant 0 : i32
      %dma_start3A_225 = arith.constant 0 : i32
      %dma_start3A_226 = tpu.memref_slice %arg8[%run_scoped3A_35, %dma_start3A_224, %dma_start3A_225] : memref<3x80x128xf32, #tpu.memory_space<vmem>> -> memref<1x80x128xf32, #tpu.memory_space<vmem>>
      %dma_start3A_227 = tpu.memref_squeeze %dma_start3A_226 : memref<1x80x128xf32, #tpu.memory_space<vmem>> -> memref<80x128xf32, #tpu.memory_space<vmem>>
      tpu.enqueue_dma source(%dma_start3A_227 : memref<80x128xf32, #tpu.memory_space<vmem>>) target(%dma_start3A_223 : memref<80x128xf32, #tpu.memory_space<vmem_shared>>) target_semaphore(%run_scoped3A_215 : memref<!tpu.dma_semaphore, #tpu.memory_space<semaphore_mem>>)
      %dma_wait3A_228 = arith.constant 0 : i32
      %dma_wait3A_229 = arith.constant 0 : i32
      %dma_wait3A_230 = tpu.memref_slice %arg8[%run_scoped3A_35, %dma_wait3A_228, %dma_wait3A_229] : memref<3x80x128xf32, #tpu.memory_space<vmem>> -> memref<1x80x128xf32, #tpu.memory_space<vmem>>
      %dma_wait3A_231 = tpu.memref_squeeze %dma_wait3A_230 : memref<1x80x128xf32, #tpu.memory_space<vmem>> -> memref<80x128xf32, #tpu.memory_space<vmem>>
      %dma_wait3A_232 = arith.constant 0 : i32
      %dma_wait3A_233 = tpu.memref_slice %arg9[%add3A_34, %dma_wait3A_232] : memref<10240x128xf32, #tpu.memory_space<vmem_shared>> -> memref<80x128xf32, #tpu.memory_space<vmem_shared>>
      %dma_wait3A_234 = arith.constant 0 : i32
      %dma_wait3A_235 = tpu.memref_slice %arg9[%add3A_34, %dma_wait3A_234] : memref<10240x128xf32, #tpu.memory_space<vmem_shared>> -> memref<80x128xf32, #tpu.memory_space<vmem_shared>>
      %dma_wait3A_236 = arith.constant 0 : i32
      %dma_wait3A_237 = arith.constant 0 : i32
      %dma_wait3A_238 = tpu.memref_slice %arg8[%run_scoped3A_35, %dma_wait3A_236, %dma_wait3A_237] : memref<3x80x128xf32, #tpu.memory_space<vmem>> -> memref<1x80x128xf32, #tpu.memory_space<vmem>>
      %dma_wait3A_239 = tpu.memref_squeeze %dma_wait3A_238 : memref<1x80x128xf32, #tpu.memory_space<vmem>> -> memref<80x128xf32, #tpu.memory_space<vmem>>
      tpu.wait_dma2 semaphore(%run_scoped3A_215 : memref<!tpu.dma_semaphore, #tpu.memory_space<semaphore_mem>>) src(%dma_wait3A_239 : memref<80x128xf32, #tpu.memory_space<vmem>>) dst(%dma_wait3A_235 : memref<80x128xf32, #tpu.memory_space<vmem_shared>>)
      tpu.yield
    }) : () -> ()
    %mul3A_36 = arith.constant 640 : i32
    %mul3A_37 = arith.muli %arg1, %mul3A_36 : i32
    %add3A_38 = arith.constant 480 : i32
    %add3A_39 = arith.addi %mul3A_37, %add3A_38 : i32
    %run_scoped3A_40 = arith.constant 0 : i32
    "tpu.region"() ({
      %run_scoped3A_215 = tpu.sem_alloc : memref<!tpu.dma_semaphore, #tpu.memory_space<semaphore_mem>>
      %dma_start3A_216 = arith.constant 0 : i32
      %dma_start3A_217 = arith.constant 0 : i32
      %dma_start3A_218 = tpu.memref_slice %arg8[%run_scoped3A_40, %dma_start3A_216, %dma_start3A_217] : memref<3x80x128xf32, #tpu.memory_space<vmem>> -> memref<1x80x128xf32, #tpu.memory_space<vmem>>
      %dma_start3A_219 = tpu.memref_squeeze %dma_start3A_218 : memref<1x80x128xf32, #tpu.memory_space<vmem>> -> memref<80x128xf32, #tpu.memory_space<vmem>>
      %dma_start3A_220 = arith.constant 0 : i32
      %dma_start3A_221 = tpu.memref_slice %arg9[%add3A_39, %dma_start3A_220] : memref<10240x128xf32, #tpu.memory_space<vmem_shared>> -> memref<80x128xf32, #tpu.memory_space<vmem_shared>>
      %dma_start3A_222 = arith.constant 0 : i32
      %dma_start3A_223 = tpu.memref_slice %arg9[%add3A_39, %dma_start3A_222] : memref<10240x128xf32, #tpu.memory_space<vmem_shared>> -> memref<80x128xf32, #tpu.memory_space<vmem_shared>>
      %dma_start3A_224 = arith.constant 0 : i32
      %dma_start3A_225 = arith.constant 0 : i32
      %dma_start3A_226 = tpu.memref_slice %arg8[%run_scoped3A_40, %dma_start3A_224, %dma_start3A_225] : memref<3x80x128xf32, #tpu.memory_space<vmem>> -> memref<1x80x128xf32, #tpu.memory_space<vmem>>
      %dma_start3A_227 = tpu.memref_squeeze %dma_start3A_226 : memref<1x80x128xf32, #tpu.memory_space<vmem>> -> memref<80x128xf32, #tpu.memory_space<vmem>>
      tpu.enqueue_dma source(%dma_start3A_227 : memref<80x128xf32, #tpu.memory_space<vmem>>) target(%dma_start3A_223 : memref<80x128xf32, #tpu.memory_space<vmem_shared>>) target_semaphore(%run_scoped3A_215 : memref<!tpu.dma_semaphore, #tpu.memory_space<semaphore_mem>>)
      %dma_wait3A_228 = arith.constant 0 : i32
      %dma_wait3A_229 = arith.constant 0 : i32
      %dma_wait3A_230 = tpu.memref_slice %arg8[%run_scoped3A_40, %dma_wait3A_228, %dma_wait3A_229] : memref<3x80x128xf32, #tpu.memory_space<vmem>> -> memref<1x80x128xf32, #tpu.memory_space<vmem>>
      %dma_wait3A_231 = tpu.memref_squeeze %dma_wait3A_230 : memref<1x80x128xf32, #tpu.memory_space<vmem>> -> memref<80x128xf32, #tpu.memory_space<vmem>>
      %dma_wait3A_232 = arith.constant 0 : i32
      %dma_wait3A_233 = tpu.memref_slice %arg9[%add3A_39, %dma_wait3A_232] : memref<10240x128xf32, #tpu.memory_space<vmem_shared>> -> memref<80x128xf32, #tpu.memory_space<vmem_shared>>
      %dma_wait3A_234 = arith.constant 0 : i32
      %dma_wait3A_235 = tpu.memref_slice %arg9[%add3A_39, %dma_wait3A_234] : memref<10240x128xf32, #tpu.memory_space<vmem_shared>> -> memref<80x128xf32, #tpu.memory_space<vmem_shared>>
      %dma_wait3A_236 = arith.constant 0 : i32
      %dma_wait3A_237 = arith.constant 0 : i32
      %dma_wait3A_238 = tpu.memref_slice %arg8[%run_scoped3A_40, %dma_wait3A_236, %dma_wait3A_237] : memref<3x80x128xf32, #tpu.memory_space<vmem>> -> memref<1x80x128xf32, #tpu.memory_space<vmem>>
      %dma_wait3A_239 = tpu.memref_squeeze %dma_wait3A_238 : memref<1x80x128xf32, #tpu.memory_space<vmem>> -> memref<80x128xf32, #tpu.memory_space<vmem>>
      tpu.wait_dma2 semaphore(%run_scoped3A_215 : memref<!tpu.dma_semaphore, #tpu.memory_space<semaphore_mem>>) src(%dma_wait3A_239 : memref<80x128xf32, #tpu.memory_space<vmem>>) dst(%dma_wait3A_235 : memref<80x128xf32, #tpu.memory_space<vmem_shared>>)
      tpu.yield
    }) : () -> ()
    %mul3A_41 = arith.constant 640 : i32
    %mul3A_42 = arith.muli %arg1, %mul3A_41 : i32
    %add3A_43 = arith.constant 560 : i32
    %add3A_44 = arith.addi %mul3A_42, %add3A_43 : i32
    %run_scoped3A_45 = arith.constant 0 : i32
    "tpu.region"() ({
      %run_scoped3A_215 = tpu.sem_alloc : memref<!tpu.dma_semaphore, #tpu.memory_space<semaphore_mem>>
      %dma_start3A_216 = arith.constant 0 : i32
      %dma_start3A_217 = arith.constant 0 : i32
      %dma_start3A_218 = tpu.memref_slice %arg8[%run_scoped3A_45, %dma_start3A_216, %dma_start3A_217] : memref<3x80x128xf32, #tpu.memory_space<vmem>> -> memref<1x80x128xf32, #tpu.memory_space<vmem>>
      %dma_start3A_219 = tpu.memref_squeeze %dma_start3A_218 : memref<1x80x128xf32, #tpu.memory_space<vmem>> -> memref<80x128xf32, #tpu.memory_space<vmem>>
      %dma_start3A_220 = arith.constant 0 : i32
      %dma_start3A_221 = tpu.memref_slice %arg9[%add3A_44, %dma_start3A_220] : memref<10240x128xf32, #tpu.memory_space<vmem_shared>> -> memref<80x128xf32, #tpu.memory_space<vmem_shared>>
      %dma_start3A_222 = arith.constant 0 : i32
      %dma_start3A_223 = tpu.memref_slice %arg9[%add3A_44, %dma_start3A_222] : memref<10240x128xf32, #tpu.memory_space<vmem_shared>> -> memref<80x128xf32, #tpu.memory_space<vmem_shared>>
      %dma_start3A_224 = arith.constant 0 : i32
      %dma_start3A_225 = arith.constant 0 : i32
      %dma_start3A_226 = tpu.memref_slice %arg8[%run_scoped3A_45, %dma_start3A_224, %dma_start3A_225] : memref<3x80x128xf32, #tpu.memory_space<vmem>> -> memref<1x80x128xf32, #tpu.memory_space<vmem>>
      %dma_start3A_227 = tpu.memref_squeeze %dma_start3A_226 : memref<1x80x128xf32, #tpu.memory_space<vmem>> -> memref<80x128xf32, #tpu.memory_space<vmem>>
      tpu.enqueue_dma source(%dma_start3A_227 : memref<80x128xf32, #tpu.memory_space<vmem>>) target(%dma_start3A_223 : memref<80x128xf32, #tpu.memory_space<vmem_shared>>) target_semaphore(%run_scoped3A_215 : memref<!tpu.dma_semaphore, #tpu.memory_space<semaphore_mem>>)
      %dma_wait3A_228 = arith.constant 0 : i32
      %dma_wait3A_229 = arith.constant 0 : i32
      %dma_wait3A_230 = tpu.memref_slice %arg8[%run_scoped3A_45, %dma_wait3A_228, %dma_wait3A_229] : memref<3x80x128xf32, #tpu.memory_space<vmem>> -> memref<1x80x128xf32, #tpu.memory_space<vmem>>
      %dma_wait3A_231 = tpu.memref_squeeze %dma_wait3A_230 : memref<1x80x128xf32, #tpu.memory_space<vmem>> -> memref<80x128xf32, #tpu.memory_space<vmem>>
      %dma_wait3A_232 = arith.constant 0 : i32
      %dma_wait3A_233 = tpu.memref_slice %arg9[%add3A_44, %dma_wait3A_232] : memref<10240x128xf32, #tpu.memory_space<vmem_shared>> -> memref<80x128xf32, #tpu.memory_space<vmem_shared>>
      %dma_wait3A_234 = arith.constant 0 : i32
      %dma_wait3A_235 = tpu.memref_slice %arg9[%add3A_44, %dma_wait3A_234] : memref<10240x128xf32, #tpu.memory_space<vmem_shared>> -> memref<80x128xf32, #tpu.memory_space<vmem_shared>>
      %dma_wait3A_236 = arith.constant 0 : i32
      %dma_wait3A_237 = arith.constant 0 : i32
      %dma_wait3A_238 = tpu.memref_slice %arg8[%run_scoped3A_45, %dma_wait3A_236, %dma_wait3A_237] : memref<3x80x128xf32, #tpu.memory_space<vmem>> -> memref<1x80x128xf32, #tpu.memory_space<vmem>>
      %dma_wait3A_239 = tpu.memref_squeeze %dma_wait3A_238 : memref<1x80x128xf32, #tpu.memory_space<vmem>> -> memref<80x128xf32, #tpu.memory_space<vmem>>
      tpu.wait_dma2 semaphore(%run_scoped3A_215 : memref<!tpu.dma_semaphore, #tpu.memory_space<semaphore_mem>>) src(%dma_wait3A_239 : memref<80x128xf32, #tpu.memory_space<vmem>>) dst(%dma_wait3A_235 : memref<80x128xf32, #tpu.memory_space<vmem_shared>>)
      tpu.yield
    }) : () -> ()
    %barrier3A = arith.constant 0 : index
    tpu.barrier barrier_id(%barrier3A)
    %mul3A_46 = arith.constant 10000 : i32
    %mul3A_47 = arith.muli %add3A, %mul3A_46 : i32
    %add3A_48 = arith.constant 0 : i32
    %add3A_49 = arith.addi %mul3A_47, %add3A_48 : i32
    %dma_start3A = arith.constant 0 : i32
    %dma_start3A_50 = arith.constant 0 : i32
    %dma_start3A_51 = tpu.memref_slice %arg6[%dma_start3A, %dma_start3A_50] : memref<3x80xi32, #tpu.memory_space<vmem>> -> memref<1x80xi32, #tpu.memory_space<vmem>>
    %dma_start3A_52 = tpu.memref_squeeze %dma_start3A_51 : memref<1x80xi32, #tpu.memory_space<vmem>> -> memref<80xi32, #tpu.memory_space<vmem>>
    %dma_start3A_53 = tpu.memref_slice %arg3[%add3A_49] : memref<320000xi32, #tpu.memory_space<hbm>> -> memref<80xi32, #tpu.memory_space<hbm>>
    %dma_start3A_54 = arith.constant 0 : i32
    %dma_start3A_55 = tpu.memref_slice %arg6[%dma_start3A, %dma_start3A_54] : memref<3x80xi32, #tpu.memory_space<vmem>> -> memref<1x80xi32, #tpu.memory_space<vmem>>
    %dma_start3A_56 = tpu.memref_squeeze %dma_start3A_55 : memref<1x80xi32, #tpu.memory_space<vmem>> -> memref<80xi32, #tpu.memory_space<vmem>>
    %dma_start3A_57 = tpu.memref_slice %arg3[%add3A_49] : memref<320000xi32, #tpu.memory_space<hbm>> -> memref<80xi32, #tpu.memory_space<hbm>>
    tpu.enqueue_dma source(%dma_start3A_57 : memref<80xi32, #tpu.memory_space<hbm>>) target(%dma_start3A_56 : memref<80xi32, #tpu.memory_space<vmem>>) target_semaphore(%arg13 : memref<!tpu.dma_semaphore, #tpu.memory_space<semaphore_mem>>)
    %dma_start3A_58 = arith.constant 0 : i32
    %dma_start3A_59 = arith.constant 0 : i32
    %dma_start3A_60 = tpu.memref_slice %arg7[%dma_start3A_58, %dma_start3A_59] : memref<3x80xi32, #tpu.memory_space<vmem>> -> memref<1x80xi32, #tpu.memory_space<vmem>>
    %dma_start3A_61 = tpu.memref_squeeze %dma_start3A_60 : memref<1x80xi32, #tpu.memory_space<vmem>> -> memref<80xi32, #tpu.memory_space<vmem>>
    %dma_start3A_62 = tpu.memref_slice %arg4[%add3A_49] : memref<320000xi32, #tpu.memory_space<hbm>> -> memref<80xi32, #tpu.memory_space<hbm>>
    %dma_start3A_63 = arith.constant 0 : i32
    %dma_start3A_64 = tpu.memref_slice %arg7[%dma_start3A_58, %dma_start3A_63] : memref<3x80xi32, #tpu.memory_space<vmem>> -> memref<1x80xi32, #tpu.memory_space<vmem>>
    %dma_start3A_65 = tpu.memref_squeeze %dma_start3A_64 : memref<1x80xi32, #tpu.memory_space<vmem>> -> memref<80xi32, #tpu.memory_space<vmem>>
    %dma_start3A_66 = tpu.memref_slice %arg4[%add3A_49] : memref<320000xi32, #tpu.memory_space<hbm>> -> memref<80xi32, #tpu.memory_space<hbm>>
    tpu.enqueue_dma source(%dma_start3A_66 : memref<80xi32, #tpu.memory_space<hbm>>) target(%dma_start3A_65 : memref<80xi32, #tpu.memory_space<vmem>>) target_semaphore(%arg13 : memref<!tpu.dma_semaphore, #tpu.memory_space<semaphore_mem>>)
    %mul3A_67 = arith.constant 10000 : i32
    %mul3A_68 = arith.muli %add3A, %mul3A_67 : i32
    %add3A_69 = arith.constant 80 : i32
    %add3A_70 = arith.addi %mul3A_68, %add3A_69 : i32
    %dma_start3A_71 = arith.constant 1 : i32
    %dma_start3A_72 = arith.constant 0 : i32
    %dma_start3A_73 = tpu.memref_slice %arg6[%dma_start3A_71, %dma_start3A_72] : memref<3x80xi32, #tpu.memory_space<vmem>> -> memref<1x80xi32, #tpu.memory_space<vmem>>
    %dma_start3A_74 = tpu.memref_squeeze %dma_start3A_73 : memref<1x80xi32, #tpu.memory_space<vmem>> -> memref<80xi32, #tpu.memory_space<vmem>>
    %dma_start3A_75 = tpu.memref_slice %arg3[%add3A_70] : memref<320000xi32, #tpu.memory_space<hbm>> -> memref<80xi32, #tpu.memory_space<hbm>>
    %dma_start3A_76 = arith.constant 0 : i32
    %dma_start3A_77 = tpu.memref_slice %arg6[%dma_start3A_71, %dma_start3A_76] : memref<3x80xi32, #tpu.memory_space<vmem>> -> memref<1x80xi32, #tpu.memory_space<vmem>>
    %dma_start3A_78 = tpu.memref_squeeze %dma_start3A_77 : memref<1x80xi32, #tpu.memory_space<vmem>> -> memref<80xi32, #tpu.memory_space<vmem>>
    %dma_start3A_79 = tpu.memref_slice %arg3[%add3A_70] : memref<320000xi32, #tpu.memory_space<hbm>> -> memref<80xi32, #tpu.memory_space<hbm>>
    tpu.enqueue_dma source(%dma_start3A_79 : memref<80xi32, #tpu.memory_space<hbm>>) target(%dma_start3A_78 : memref<80xi32, #tpu.memory_space<vmem>>) target_semaphore(%arg14 : memref<!tpu.dma_semaphore, #tpu.memory_space<semaphore_mem>>)
    %dma_start3A_80 = arith.constant 1 : i32
    %dma_start3A_81 = arith.constant 0 : i32
    %dma_start3A_82 = tpu.memref_slice %arg7[%dma_start3A_80, %dma_start3A_81] : memref<3x80xi32, #tpu.memory_space<vmem>> -> memref<1x80xi32, #tpu.memory_space<vmem>>
    %dma_start3A_83 = tpu.memref_squeeze %dma_start3A_82 : memref<1x80xi32, #tpu.memory_space<vmem>> -> memref<80xi32, #tpu.memory_space<vmem>>
    %dma_start3A_84 = tpu.memref_slice %arg4[%add3A_70] : memref<320000xi32, #tpu.memory_space<hbm>> -> memref<80xi32, #tpu.memory_space<hbm>>
    %dma_start3A_85 = arith.constant 0 : i32
    %dma_start3A_86 = tpu.memref_slice %arg7[%dma_start3A_80, %dma_start3A_85] : memref<3x80xi32, #tpu.memory_space<vmem>> -> memref<1x80xi32, #tpu.memory_space<vmem>>
    %dma_start3A_87 = tpu.memref_squeeze %dma_start3A_86 : memref<1x80xi32, #tpu.memory_space<vmem>> -> memref<80xi32, #tpu.memory_space<vmem>>
    %dma_start3A_88 = tpu.memref_slice %arg4[%add3A_70] : memref<320000xi32, #tpu.memory_space<hbm>> -> memref<80xi32, #tpu.memory_space<hbm>>
    tpu.enqueue_dma source(%dma_start3A_88 : memref<80xi32, #tpu.memory_space<hbm>>) target(%dma_start3A_87 : memref<80xi32, #tpu.memory_space<vmem>>) target_semaphore(%arg14 : memref<!tpu.dma_semaphore, #tpu.memory_space<semaphore_mem>>)
    %mul3A_89 = arith.constant 10000 : i32
    %mul3A_90 = arith.muli %add3A, %mul3A_89 : i32
    %add3A_91 = arith.constant 160 : i32
    %add3A_92 = arith.addi %mul3A_90, %add3A_91 : i32
    %dma_start3A_93 = arith.constant 2 : i32
    %dma_start3A_94 = arith.constant 0 : i32
    %dma_start3A_95 = tpu.memref_slice %arg6[%dma_start3A_93, %dma_start3A_94] : memref<3x80xi32, #tpu.memory_space<vmem>> -> memref<1x80xi32, #tpu.memory_space<vmem>>
    %dma_start3A_96 = tpu.memref_squeeze %dma_start3A_95 : memref<1x80xi32, #tpu.memory_space<vmem>> -> memref<80xi32, #tpu.memory_space<vmem>>
    %dma_start3A_97 = tpu.memref_slice %arg3[%add3A_92] : memref<320000xi32, #tpu.memory_space<hbm>> -> memref<80xi32, #tpu.memory_space<hbm>>
    %dma_start3A_98 = arith.constant 0 : i32
    %dma_start3A_99 = tpu.memref_slice %arg6[%dma_start3A_93, %dma_start3A_98] : memref<3x80xi32, #tpu.memory_space<vmem>> -> memref<1x80xi32, #tpu.memory_space<vmem>>
    %dma_start3A_100 = tpu.memref_squeeze %dma_start3A_99 : memref<1x80xi32, #tpu.memory_space<vmem>> -> memref<80xi32, #tpu.memory_space<vmem>>
    %dma_start3A_101 = tpu.memref_slice %arg3[%add3A_92] : memref<320000xi32, #tpu.memory_space<hbm>> -> memref<80xi32, #tpu.memory_space<hbm>>
    tpu.enqueue_dma source(%dma_start3A_101 : memref<80xi32, #tpu.memory_space<hbm>>) target(%dma_start3A_100 : memref<80xi32, #tpu.memory_space<vmem>>) target_semaphore(%arg15 : memref<!tpu.dma_semaphore, #tpu.memory_space<semaphore_mem>>)
    %dma_start3A_102 = arith.constant 2 : i32
    %dma_start3A_103 = arith.constant 0 : i32
    %dma_start3A_104 = tpu.memref_slice %arg7[%dma_start3A_102, %dma_start3A_103] : memref<3x80xi32, #tpu.memory_space<vmem>> -> memref<1x80xi32, #tpu.memory_space<vmem>>
    %dma_start3A_105 = tpu.memref_squeeze %dma_start3A_104 : memref<1x80xi32, #tpu.memory_space<vmem>> -> memref<80xi32, #tpu.memory_space<vmem>>
    %dma_start3A_106 = tpu.memref_slice %arg4[%add3A_92] : memref<320000xi32, #tpu.memory_space<hbm>> -> memref<80xi32, #tpu.memory_space<hbm>>
    %dma_start3A_107 = arith.constant 0 : i32
    %dma_start3A_108 = tpu.memref_slice %arg7[%dma_start3A_102, %dma_start3A_107] : memref<3x80xi32, #tpu.memory_space<vmem>> -> memref<1x80xi32, #tpu.memory_space<vmem>>
    %dma_start3A_109 = tpu.memref_squeeze %dma_start3A_108 : memref<1x80xi32, #tpu.memory_space<vmem>> -> memref<80xi32, #tpu.memory_space<vmem>>
    %dma_start3A_110 = tpu.memref_slice %arg4[%add3A_92] : memref<320000xi32, #tpu.memory_space<hbm>> -> memref<80xi32, #tpu.memory_space<hbm>>
    tpu.enqueue_dma source(%dma_start3A_110 : memref<80xi32, #tpu.memory_space<hbm>>) target(%dma_start3A_109 : memref<80xi32, #tpu.memory_space<vmem>>) target_semaphore(%arg15 : memref<!tpu.dma_semaphore, #tpu.memory_space<semaphore_mem>>)
    %mul3A_111 = arith.constant 10000 : i32
    %mul3A_112 = arith.muli %add3A, %mul3A_111 : i32
    %add3A_113 = arith.constant 0 : i32
    %add3A_114 = arith.addi %mul3A_112, %add3A_113 : i32
    %dma_wait3A = arith.constant 0 : i32
    %dma_wait3A_115 = arith.constant 0 : i32
    %dma_wait3A_116 = tpu.memref_slice %arg6[%dma_wait3A, %dma_wait3A_115] : memref<3x80xi32, #tpu.memory_space<vmem>> -> memref<1x80xi32, #tpu.memory_space<vmem>>
    %dma_wait3A_117 = tpu.memref_squeeze %dma_wait3A_116 : memref<1x80xi32, #tpu.memory_space<vmem>> -> memref<80xi32, #tpu.memory_space<vmem>>
    %dma_wait3A_118 = tpu.memref_slice %arg3[%add3A_114] : memref<320000xi32, #tpu.memory_space<hbm>> -> memref<80xi32, #tpu.memory_space<hbm>>
    %dma_wait3A_119 = arith.constant 0 : i32
    %dma_wait3A_120 = tpu.memref_slice %arg6[%dma_wait3A, %dma_wait3A_119] : memref<3x80xi32, #tpu.memory_space<vmem>> -> memref<1x80xi32, #tpu.memory_space<vmem>>
    %dma_wait3A_121 = tpu.memref_squeeze %dma_wait3A_120 : memref<1x80xi32, #tpu.memory_space<vmem>> -> memref<80xi32, #tpu.memory_space<vmem>>
    %dma_wait3A_122 = tpu.memref_slice %arg3[%add3A_114] : memref<320000xi32, #tpu.memory_space<hbm>> -> memref<80xi32, #tpu.memory_space<hbm>>
    tpu.wait_dma2 semaphore(%arg13 : memref<!tpu.dma_semaphore, #tpu.memory_space<semaphore_mem>>) src(%dma_wait3A_122 : memref<80xi32, #tpu.memory_space<hbm>>) dst(%dma_wait3A_121 : memref<80xi32, #tpu.memory_space<vmem>>)
    %dma_wait3A_123 = arith.constant 0 : i32
    %dma_wait3A_124 = arith.constant 0 : i32
    %dma_wait3A_125 = tpu.memref_slice %arg7[%dma_wait3A_123, %dma_wait3A_124] : memref<3x80xi32, #tpu.memory_space<vmem>> -> memref<1x80xi32, #tpu.memory_space<vmem>>
    %dma_wait3A_126 = tpu.memref_squeeze %dma_wait3A_125 : memref<1x80xi32, #tpu.memory_space<vmem>> -> memref<80xi32, #tpu.memory_space<vmem>>
    %dma_wait3A_127 = tpu.memref_slice %arg4[%add3A_114] : memref<320000xi32, #tpu.memory_space<hbm>> -> memref<80xi32, #tpu.memory_space<hbm>>
    %dma_wait3A_128 = arith.constant 0 : i32
    %dma_wait3A_129 = tpu.memref_slice %arg7[%dma_wait3A_123, %dma_wait3A_128] : memref<3x80xi32, #tpu.memory_space<vmem>> -> memref<1x80xi32, #tpu.memory_space<vmem>>
    %dma_wait3A_130 = tpu.memref_squeeze %dma_wait3A_129 : memref<1x80xi32, #tpu.memory_space<vmem>> -> memref<80xi32, #tpu.memory_space<vmem>>
    %dma_wait3A_131 = tpu.memref_slice %arg4[%add3A_114] : memref<320000xi32, #tpu.memory_space<hbm>> -> memref<80xi32, #tpu.memory_space<hbm>>
    tpu.wait_dma2 semaphore(%arg13 : memref<!tpu.dma_semaphore, #tpu.memory_space<semaphore_mem>>) src(%dma_wait3A_131 : memref<80xi32, #tpu.memory_space<hbm>>) dst(%dma_wait3A_130 : memref<80xi32, #tpu.memory_space<vmem>>)
    %dma_start3A_132 = arith.constant 0 : i32
    %dma_start3A_133 = arith.constant 0 : i32
    %dma_start3A_134 = arith.constant 0 : i32
    %dma_start3A_135 = arith.constant 0 : i32
    %dma_start3A_136 = tpu.memref_slice %arg8[%dma_start3A_133, %dma_start3A_134, %dma_start3A_135] : memref<3x80x128xf32, #tpu.memory_space<vmem>> -> memref<1x80x128xf32, #tpu.memory_space<vmem>>
    %dma_start3A_137 = tpu.memref_squeeze %dma_start3A_136 : memref<1x80x128xf32, #tpu.memory_space<vmem>> -> memref<80x128xf32, #tpu.memory_space<vmem>>
    %dma_start3A_138 = arith.constant 0 : i32
    %dma_start3A_139 = tpu.memref_slice %arg6[%dma_start3A_132, %dma_start3A_138] : memref<3x80xi32, #tpu.memory_space<vmem>> -> memref<1x80xi32, #tpu.memory_space<vmem>>
    %dma_start3A_140 = tpu.memref_squeeze %dma_start3A_139 : memref<1x80xi32, #tpu.memory_space<vmem>> -> memref<80xi32, #tpu.memory_space<vmem>>
    %dma_start3A_141 = arith.constant 0 : i32
    %dma_start3A_142 = arith.constant 0 : i32
    %dma_start3A_143 = tpu.memref_slice %arg2[%dma_start3A_141, %dma_start3A_142] : memref<10240x128xf32, #tpu.memory_space<hbm>> -> memref<10240x128xf32, #tpu.memory_space<hbm>>
    tpu.enqueue_indirect_dma source(%dma_start3A_143 : memref<10240x128xf32, #tpu.memory_space<hbm>>) target(%dma_start3A_137 : memref<80x128xf32, #tpu.memory_space<vmem>>) offsets(%dma_start3A_140 : memref<80xi32, #tpu.memory_space<vmem>>) semaphore(%arg10 : memref<!tpu.dma_semaphore, #tpu.memory_space<semaphore_mem>>)
    %mul3A_144 = arith.constant 10000 : i32
    %mul3A_145 = arith.muli %add3A, %mul3A_144 : i32
    %add3A_146 = arith.constant 80 : i32
    %add3A_147 = arith.addi %mul3A_145, %add3A_146 : i32
    %dma_wait3A_148 = arith.constant 1 : i32
    %dma_wait3A_149 = arith.constant 0 : i32
    %dma_wait3A_150 = tpu.memref_slice %arg6[%dma_wait3A_148, %dma_wait3A_149] : memref<3x80xi32, #tpu.memory_space<vmem>> -> memref<1x80xi32, #tpu.memory_space<vmem>>
    %dma_wait3A_151 = tpu.memref_squeeze %dma_wait3A_150 : memref<1x80xi32, #tpu.memory_space<vmem>> -> memref<80xi32, #tpu.memory_space<vmem>>
    %dma_wait3A_152 = tpu.memref_slice %arg3[%add3A_147] : memref<320000xi32, #tpu.memory_space<hbm>> -> memref<80xi32, #tpu.memory_space<hbm>>
    %dma_wait3A_153 = arith.constant 0 : i32
    %dma_wait3A_154 = tpu.memref_slice %arg6[%dma_wait3A_148, %dma_wait3A_153] : memref<3x80xi32, #tpu.memory_space<vmem>> -> memref<1x80xi32, #tpu.memory_space<vmem>>
    %dma_wait3A_155 = tpu.memref_squeeze %dma_wait3A_154 : memref<1x80xi32, #tpu.memory_space<vmem>> -> memref<80xi32, #tpu.memory_space<vmem>>
    %dma_wait3A_156 = tpu.memref_slice %arg3[%add3A_147] : memref<320000xi32, #tpu.memory_space<hbm>> -> memref<80xi32, #tpu.memory_space<hbm>>
    tpu.wait_dma2 semaphore(%arg14 : memref<!tpu.dma_semaphore, #tpu.memory_space<semaphore_mem>>) src(%dma_wait3A_156 : memref<80xi32, #tpu.memory_space<hbm>>) dst(%dma_wait3A_155 : memref<80xi32, #tpu.memory_space<vmem>>)
    %dma_wait3A_157 = arith.constant 1 : i32
    %dma_wait3A_158 = arith.constant 0 : i32
    %dma_wait3A_159 = tpu.memref_slice %arg7[%dma_wait3A_157, %dma_wait3A_158] : memref<3x80xi32, #tpu.memory_space<vmem>> -> memref<1x80xi32, #tpu.memory_space<vmem>>
    %dma_wait3A_160 = tpu.memref_squeeze %dma_wait3A_159 : memref<1x80xi32, #tpu.memory_space<vmem>> -> memref<80xi32, #tpu.memory_space<vmem>>
    %dma_wait3A_161 = tpu.memref_slice %arg4[%add3A_147] : memref<320000xi32, #tpu.memory_space<hbm>> -> memref<80xi32, #tpu.memory_space<hbm>>
    %dma_wait3A_162 = arith.constant 0 : i32
    %dma_wait3A_163 = tpu.memref_slice %arg7[%dma_wait3A_157, %dma_wait3A_162] : memref<3x80xi32, #tpu.memory_space<vmem>> -> memref<1x80xi32, #tpu.memory_space<vmem>>
    %dma_wait3A_164 = tpu.memref_squeeze %dma_wait3A_163 : memref<1x80xi32, #tpu.memory_space<vmem>> -> memref<80xi32, #tpu.memory_space<vmem>>
    %dma_wait3A_165 = tpu.memref_slice %arg4[%add3A_147] : memref<320000xi32, #tpu.memory_space<hbm>> -> memref<80xi32, #tpu.memory_space<hbm>>
    tpu.wait_dma2 semaphore(%arg14 : memref<!tpu.dma_semaphore, #tpu.memory_space<semaphore_mem>>) src(%dma_wait3A_165 : memref<80xi32, #tpu.memory_space<hbm>>) dst(%dma_wait3A_164 : memref<80xi32, #tpu.memory_space<vmem>>)
    %dma_start3A_166 = arith.constant 1 : i32
    %dma_start3A_167 = arith.constant 1 : i32
    %dma_start3A_168 = arith.constant 0 : i32
    %dma_start3A_169 = arith.constant 0 : i32
    %dma_start3A_170 = tpu.memref_slice %arg8[%dma_start3A_167, %dma_start3A_168, %dma_start3A_169] : memref<3x80x128xf32, #tpu.memory_space<vmem>> -> memref<1x80x128xf32, #tpu.memory_space<vmem>>
    %dma_start3A_171 = tpu.memref_squeeze %dma_start3A_170 : memref<1x80x128xf32, #tpu.memory_space<vmem>> -> memref<80x128xf32, #tpu.memory_space<vmem>>
    %dma_start3A_172 = arith.constant 0 : i32
    %dma_start3A_173 = tpu.memref_slice %arg6[%dma_start3A_166, %dma_start3A_172] : memref<3x80xi32, #tpu.memory_space<vmem>> -> memref<1x80xi32, #tpu.memory_space<vmem>>
    %dma_start3A_174 = tpu.memref_squeeze %dma_start3A_173 : memref<1x80xi32, #tpu.memory_space<vmem>> -> memref<80xi32, #tpu.memory_space<vmem>>
    %dma_start3A_175 = arith.constant 0 : i32
    %dma_start3A_176 = arith.constant 0 : i32
    %dma_start3A_177 = tpu.memref_slice %arg2[%dma_start3A_175, %dma_start3A_176] : memref<10240x128xf32, #tpu.memory_space<hbm>> -> memref<10240x128xf32, #tpu.memory_space<hbm>>
    tpu.enqueue_indirect_dma source(%dma_start3A_177 : memref<10240x128xf32, #tpu.memory_space<hbm>>) target(%dma_start3A_171 : memref<80x128xf32, #tpu.memory_space<vmem>>) offsets(%dma_start3A_174 : memref<80xi32, #tpu.memory_space<vmem>>) semaphore(%arg11 : memref<!tpu.dma_semaphore, #tpu.memory_space<semaphore_mem>>)
    %scan3A_178 = arith.constant 0 : i32
    %scan3A_179 = arith.constant 0 : i32
    %scan3A_180 = arith.constant 41 : i32
    %scan3A_181 = arith.addi %scan3A_179, %scan3A_180 : i32
    %scan3A_182 = arith.constant 1 : i32
    scf.for %scan3A_215 = %scan3A_179 to %scan3A_181 step %scan3A_182  : i32 {
      %mul3A_216 = arith.constant 3 : i32
      %mul3A_217 = arith.muli %mul3A_216, %scan3A_215 : i32
      %add3A_218 = arith.constant 0 : i32
      %add3A_219 = arith.addi %mul3A_217, %add3A_218 : i32
      %dma_wait3A_220 = arith.constant 0 : i32
      %dma_wait3A_221 = arith.constant 0 : i32
      %dma_wait3A_222 = arith.constant 0 : i32
      %dma_wait3A_223 = arith.constant 0 : i32
      %dma_wait3A_224 = tpu.memref_slice %arg8[%dma_wait3A_221, %dma_wait3A_222, %dma_wait3A_223] : memref<3x80x128xf32, #tpu.memory_space<vmem>> -> memref<1x80x128xf32, #tpu.memory_space<vmem>>
      %dma_wait3A_225 = tpu.memref_squeeze %dma_wait3A_224 : memref<1x80x128xf32, #tpu.memory_space<vmem>> -> memref<80x128xf32, #tpu.memory_space<vmem>>
      %dma_wait3A_226 = arith.constant 0 : i32
      %dma_wait3A_227 = tpu.memref_slice %arg6[%dma_wait3A_220, %dma_wait3A_226] : memref<3x80xi32, #tpu.memory_space<vmem>> -> memref<1x80xi32, #tpu.memory_space<vmem>>
      %dma_wait3A_228 = tpu.memref_squeeze %dma_wait3A_227 : memref<1x80xi32, #tpu.memory_space<vmem>> -> memref<80xi32, #tpu.memory_space<vmem>>
      %dma_wait3A_229 = arith.constant 0 : i32
      %dma_wait3A_230 = arith.constant 0 : i32
      %dma_wait3A_231 = tpu.memref_slice %arg2[%dma_wait3A_229, %dma_wait3A_230] : memref<10240x128xf32, #tpu.memory_space<hbm>> -> memref<10240x128xf32, #tpu.memory_space<hbm>>
      tpu.wait_indirect_dma semaphore(%arg10 : memref<!tpu.dma_semaphore, #tpu.memory_space<semaphore_mem>>) src(%dma_wait3A_231 : memref<10240x128xf32, #tpu.memory_space<hbm>>) dst(%dma_wait3A_225 : memref<80x128xf32, #tpu.memory_space<vmem>>)
      %add3A_232 = arith.constant 2 : i32
      %add3A_233 = arith.addi %add3A_219, %add3A_232 : i32
      %mul3A_234 = arith.constant 10000 : i32
      %mul3A_235 = arith.muli %add3A, %mul3A_234 : i32
      %mul3A_236 = arith.constant 80 : i32
      %mul3A_237 = arith.muli %add3A_233, %mul3A_236 : i32
      %add3A_238 = arith.addi %mul3A_235, %mul3A_237 : i32
      %dma_wait3A_239 = arith.constant 2 : i32
      %dma_wait3A_240 = arith.constant 0 : i32
      %dma_wait3A_241 = tpu.memref_slice %arg6[%dma_wait3A_239, %dma_wait3A_240] : memref<3x80xi32, #tpu.memory_space<vmem>> -> memref<1x80xi32, #tpu.memory_space<vmem>>
      %dma_wait3A_242 = tpu.memref_squeeze %dma_wait3A_241 : memref<1x80xi32, #tpu.memory_space<vmem>> -> memref<80xi32, #tpu.memory_space<vmem>>
      %dma_wait3A_243 = tpu.memref_slice %arg3[%add3A_238] : memref<320000xi32, #tpu.memory_space<hbm>> -> memref<80xi32, #tpu.memory_space<hbm>>
      %dma_wait3A_244 = arith.constant 0 : i32
      %dma_wait3A_245 = tpu.memref_slice %arg6[%dma_wait3A_239, %dma_wait3A_244] : memref<3x80xi32, #tpu.memory_space<vmem>> -> memref<1x80xi32, #tpu.memory_space<vmem>>
      %dma_wait3A_246 = tpu.memref_squeeze %dma_wait3A_245 : memref<1x80xi32, #tpu.memory_space<vmem>> -> memref<80xi32, #tpu.memory_space<vmem>>
      %dma_wait3A_247 = tpu.memref_slice %arg3[%add3A_238] : memref<320000xi32, #tpu.memory_space<hbm>> -> memref<80xi32, #tpu.memory_space<hbm>>
      tpu.wait_dma2 semaphore(%arg15 : memref<!tpu.dma_semaphore, #tpu.memory_space<semaphore_mem>>) src(%dma_wait3A_247 : memref<80xi32, #tpu.memory_space<hbm>>) dst(%dma_wait3A_246 : memref<80xi32, #tpu.memory_space<vmem>>)
      %dma_wait3A_248 = arith.constant 2 : i32
      %dma_wait3A_249 = arith.constant 0 : i32
      %dma_wait3A_250 = tpu.memref_slice %arg7[%dma_wait3A_248, %dma_wait3A_249] : memref<3x80xi32, #tpu.memory_space<vmem>> -> memref<1x80xi32, #tpu.memory_space<vmem>>
      %dma_wait3A_251 = tpu.memref_squeeze %dma_wait3A_250 : memref<1x80xi32, #tpu.memory_space<vmem>> -> memref<80xi32, #tpu.memory_space<vmem>>
      %dma_wait3A_252 = tpu.memref_slice %arg4[%add3A_238] : memref<320000xi32, #tpu.memory_space<hbm>> -> memref<80xi32, #tpu.memory_space<hbm>>
      %dma_wait3A_253 = arith.constant 0 : i32
      %dma_wait3A_254 = tpu.memref_slice %arg7[%dma_wait3A_248, %dma_wait3A_253] : memref<3x80xi32, #tpu.memory_space<vmem>> -> memref<1x80xi32, #tpu.memory_space<vmem>>
      %dma_wait3A_255 = tpu.memref_squeeze %dma_wait3A_254 : memref<1x80xi32, #tpu.memory_space<vmem>> -> memref<80xi32, #tpu.memory_space<vmem>>
      %dma_wait3A_256 = tpu.memref_slice %arg4[%add3A_238] : memref<320000xi32, #tpu.memory_space<hbm>> -> memref<80xi32, #tpu.memory_space<hbm>>
      tpu.wait_dma2 semaphore(%arg15 : memref<!tpu.dma_semaphore, #tpu.memory_space<semaphore_mem>>) src(%dma_wait3A_256 : memref<80xi32, #tpu.memory_space<hbm>>) dst(%dma_wait3A_255 : memref<80xi32, #tpu.memory_space<vmem>>)
      %dma_start3A_257 = arith.constant 2 : i32
      %dma_start3A_258 = arith.constant 2 : i32
      %dma_start3A_259 = arith.constant 0 : i32
      %dma_start3A_260 = arith.constant 0 : i32
      %dma_start3A_261 = tpu.memref_slice %arg8[%dma_start3A_258, %dma_start3A_259, %dma_start3A_260] : memref<3x80x128xf32, #tpu.memory_space<vmem>> -> memref<1x80x128xf32, #tpu.memory_space<vmem>>
      %dma_start3A_262 = tpu.memref_squeeze %dma_start3A_261 : memref<1x80x128xf32, #tpu.memory_space<vmem>> -> memref<80x128xf32, #tpu.memory_space<vmem>>
      %dma_start3A_263 = arith.constant 0 : i32
      %dma_start3A_264 = tpu.memref_slice %arg6[%dma_start3A_257, %dma_start3A_263] : memref<3x80xi32, #tpu.memory_space<vmem>> -> memref<1x80xi32, #tpu.memory_space<vmem>>
      %dma_start3A_265 = tpu.memref_squeeze %dma_start3A_264 : memref<1x80xi32, #tpu.memory_space<vmem>> -> memref<80xi32, #tpu.memory_space<vmem>>
      %dma_start3A_266 = arith.constant 0 : i32
      %dma_start3A_267 = arith.constant 0 : i32
      %dma_start3A_268 = tpu.memref_slice %arg2[%dma_start3A_266, %dma_start3A_267] : memref<10240x128xf32, #tpu.memory_space<hbm>> -> memref<10240x128xf32, #tpu.memory_space<hbm>>
      tpu.enqueue_indirect_dma source(%dma_start3A_268 : memref<10240x128xf32, #tpu.memory_space<hbm>>) target(%dma_start3A_262 : memref<80x128xf32, #tpu.memory_space<vmem>>) offsets(%dma_start3A_265 : memref<80xi32, #tpu.memory_space<vmem>>) semaphore(%arg12 : memref<!tpu.dma_semaphore, #tpu.memory_space<semaphore_mem>>)
      %run_scoped3A_269 = arith.constant 0 : i32
      %run_scoped3A_270 = arith.constant 0 : i32
      "tpu.region"() ({
        %run_scoped3A_399 = tpu.sem_alloc : memref<!tpu.dma_semaphore, #tpu.memory_space<semaphore_mem>>
        %dma_start3A_400 = arith.constant 0 : i32
        %dma_start3A_401 = arith.constant 0 : i32
        %dma_start3A_402 = tpu.memref_slice %arg8[%run_scoped3A_269, %dma_start3A_400, %dma_start3A_401] : memref<3x80x128xf32, #tpu.memory_space<vmem>> -> memref<1x80x128xf32, #tpu.memory_space<vmem>>
        %dma_start3A_403 = tpu.memref_squeeze %dma_start3A_402 : memref<1x80x128xf32, #tpu.memory_space<vmem>> -> memref<80x128xf32, #tpu.memory_space<vmem>>
        %dma_start3A_404 = arith.constant 0 : i32
        %dma_start3A_405 = tpu.memref_slice %arg7[%run_scoped3A_270, %dma_start3A_404] : memref<3x80xi32, #tpu.memory_space<vmem>> -> memref<1x80xi32, #tpu.memory_space<vmem>>
        %dma_start3A_406 = tpu.memref_squeeze %dma_start3A_405 : memref<1x80xi32, #tpu.memory_space<vmem>> -> memref<80xi32, #tpu.memory_space<vmem>>
        %dma_start3A_407 = arith.constant 0 : i32
        %dma_start3A_408 = arith.constant 0 : i32
        %dma_start3A_409 = tpu.memref_slice %arg9[%dma_start3A_407, %dma_start3A_408] : memref<10240x128xf32, #tpu.memory_space<vmem_shared>> -> memref<10240x128xf32, #tpu.memory_space<vmem_shared>>
        tpu.enqueue_indirect_dma source(%dma_start3A_403 : memref<80x128xf32, #tpu.memory_space<vmem>>) target(%dma_start3A_409 : memref<10240x128xf32, #tpu.memory_space<vmem_shared>>) offsets(%dma_start3A_406 : memref<80xi32, #tpu.memory_space<vmem>>) semaphore(%run_scoped3A_399 : memref<!tpu.dma_semaphore, #tpu.memory_space<semaphore_mem>>) {add = true}
        %dma_wait3A_410 = arith.constant 0 : i32
        %dma_wait3A_411 = arith.constant 0 : i32
        %dma_wait3A_412 = tpu.memref_slice %arg8[%run_scoped3A_269, %dma_wait3A_410, %dma_wait3A_411] : memref<3x80x128xf32, #tpu.memory_space<vmem>> -> memref<1x80x128xf32, #tpu.memory_space<vmem>>
        %dma_wait3A_413 = tpu.memref_squeeze %dma_wait3A_412 : memref<1x80x128xf32, #tpu.memory_space<vmem>> -> memref<80x128xf32, #tpu.memory_space<vmem>>
        %dma_wait3A_414 = arith.constant 0 : i32
        %dma_wait3A_415 = tpu.memref_slice %arg7[%run_scoped3A_270, %dma_wait3A_414] : memref<3x80xi32, #tpu.memory_space<vmem>> -> memref<1x80xi32, #tpu.memory_space<vmem>>
        %dma_wait3A_416 = tpu.memref_squeeze %dma_wait3A_415 : memref<1x80xi32, #tpu.memory_space<vmem>> -> memref<80xi32, #tpu.memory_space<vmem>>
        %dma_wait3A_417 = arith.constant 0 : i32
        %dma_wait3A_418 = arith.constant 0 : i32
        %dma_wait3A_419 = tpu.memref_slice %arg9[%dma_wait3A_417, %dma_wait3A_418] : memref<10240x128xf32, #tpu.memory_space<vmem_shared>> -> memref<10240x128xf32, #tpu.memory_space<vmem_shared>>
        tpu.wait_indirect_dma semaphore(%run_scoped3A_399 : memref<!tpu.dma_semaphore, #tpu.memory_space<semaphore_mem>>) src(%dma_wait3A_413 : memref<80x128xf32, #tpu.memory_space<vmem>>) dst(%dma_wait3A_419 : memref<10240x128xf32, #tpu.memory_space<vmem_shared>>)
        tpu.yield
      }) : () -> ()
      %add3A_271 = arith.constant 3 : i32
      %add3A_272 = arith.addi %add3A_219, %add3A_271 : i32
      %lt3A = arith.constant 125 : i32
      %lt3A_273 = arith.cmpi slt, %add3A_272, %lt3A : i32
      %convert_element_type3A = arith.extui %lt3A_273 : i1 to i32
      %cond3A = arith.constant 0 : i32
      %cond3A_274 = arith.cmpi ne, %convert_element_type3A, %cond3A : i32
      scf.if %cond3A_274 {
        %mul3A_399 = arith.constant 10000 : i32
        %mul3A_400 = arith.muli %add3A, %mul3A_399 : i32
        %mul3A_401 = arith.constant 80 : i32
        %mul3A_402 = arith.muli %add3A_272, %mul3A_401 : i32
        %add3A_403 = arith.addi %mul3A_400, %mul3A_402 : i32
        %dma_start3A_404 = arith.constant 0 : i32
        %dma_start3A_405 = arith.constant 0 : i32
        %dma_start3A_406 = tpu.memref_slice %arg6[%dma_start3A_404, %dma_start3A_405] : memref<3x80xi32, #tpu.memory_space<vmem>> -> memref<1x80xi32, #tpu.memory_space<vmem>>
        %dma_start3A_407 = tpu.memref_squeeze %dma_start3A_406 : memref<1x80xi32, #tpu.memory_space<vmem>> -> memref<80xi32, #tpu.memory_space<vmem>>
        %dma_start3A_408 = tpu.memref_slice %arg3[%add3A_403] : memref<320000xi32, #tpu.memory_space<hbm>> -> memref<80xi32, #tpu.memory_space<hbm>>
        %dma_start3A_409 = arith.constant 0 : i32
        %dma_start3A_410 = tpu.memref_slice %arg6[%dma_start3A_404, %dma_start3A_409] : memref<3x80xi32, #tpu.memory_space<vmem>> -> memref<1x80xi32, #tpu.memory_space<vmem>>
        %dma_start3A_411 = tpu.memref_squeeze %dma_start3A_410 : memref<1x80xi32, #tpu.memory_space<vmem>> -> memref<80xi32, #tpu.memory_space<vmem>>
        %dma_start3A_412 = tpu.memref_slice %arg3[%add3A_403] : memref<320000xi32, #tpu.memory_space<hbm>> -> memref<80xi32, #tpu.memory_space<hbm>>
        tpu.enqueue_dma source(%dma_start3A_412 : memref<80xi32, #tpu.memory_space<hbm>>) target(%dma_start3A_411 : memref<80xi32, #tpu.memory_space<vmem>>) target_semaphore(%arg13 : memref<!tpu.dma_semaphore, #tpu.memory_space<semaphore_mem>>)
        %dma_start3A_413 = arith.constant 0 : i32
        %dma_start3A_414 = arith.constant 0 : i32
        %dma_start3A_415 = tpu.memref_slice %arg7[%dma_start3A_413, %dma_start3A_414] : memref<3x80xi32, #tpu.memory_space<vmem>> -> memref<1x80xi32, #tpu.memory_space<vmem>>
        %dma_start3A_416 = tpu.memref_squeeze %dma_start3A_415 : memref<1x80xi32, #tpu.memory_space<vmem>> -> memref<80xi32, #tpu.memory_space<vmem>>
        %dma_start3A_417 = tpu.memref_slice %arg4[%add3A_403] : memref<320000xi32, #tpu.memory_space<hbm>> -> memref<80xi32, #tpu.memory_space<hbm>>
        %dma_start3A_418 = arith.constant 0 : i32
        %dma_start3A_419 = tpu.memref_slice %arg7[%dma_start3A_413, %dma_start3A_418] : memref<3x80xi32, #tpu.memory_space<vmem>> -> memref<1x80xi32, #tpu.memory_space<vmem>>
        %dma_start3A_420 = tpu.memref_squeeze %dma_start3A_419 : memref<1x80xi32, #tpu.memory_space<vmem>> -> memref<80xi32, #tpu.memory_space<vmem>>
        %dma_start3A_421 = tpu.memref_slice %arg4[%add3A_403] : memref<320000xi32, #tpu.memory_space<hbm>> -> memref<80xi32, #tpu.memory_space<hbm>>
        tpu.enqueue_dma source(%dma_start3A_421 : memref<80xi32, #tpu.memory_space<hbm>>) target(%dma_start3A_420 : memref<80xi32, #tpu.memory_space<vmem>>) target_semaphore(%arg13 : memref<!tpu.dma_semaphore, #tpu.memory_space<semaphore_mem>>)
      } else {
      }
      %mul3A_275 = arith.constant 3 : i32
      %mul3A_276 = arith.muli %mul3A_275, %scan3A_215 : i32
      %add3A_277 = arith.constant 1 : i32
      %add3A_278 = arith.addi %mul3A_276, %add3A_277 : i32
      %dma_wait3A_279 = arith.constant 1 : i32
      %dma_wait3A_280 = arith.constant 1 : i32
      %dma_wait3A_281 = arith.constant 0 : i32
      %dma_wait3A_282 = arith.constant 0 : i32
      %dma_wait3A_283 = tpu.memref_slice %arg8[%dma_wait3A_280, %dma_wait3A_281, %dma_wait3A_282] : memref<3x80x128xf32, #tpu.memory_space<vmem>> -> memref<1x80x128xf32, #tpu.memory_space<vmem>>
      %dma_wait3A_284 = tpu.memref_squeeze %dma_wait3A_283 : memref<1x80x128xf32, #tpu.memory_space<vmem>> -> memref<80x128xf32, #tpu.memory_space<vmem>>
      %dma_wait3A_285 = arith.constant 0 : i32
      %dma_wait3A_286 = tpu.memref_slice %arg6[%dma_wait3A_279, %dma_wait3A_285] : memref<3x80xi32, #tpu.memory_space<vmem>> -> memref<1x80xi32, #tpu.memory_space<vmem>>
      %dma_wait3A_287 = tpu.memref_squeeze %dma_wait3A_286 : memref<1x80xi32, #tpu.memory_space<vmem>> -> memref<80xi32, #tpu.memory_space<vmem>>
      %dma_wait3A_288 = arith.constant 0 : i32
      %dma_wait3A_289 = arith.constant 0 : i32
      %dma_wait3A_290 = tpu.memref_slice %arg2[%dma_wait3A_288, %dma_wait3A_289] : memref<10240x128xf32, #tpu.memory_space<hbm>> -> memref<10240x128xf32, #tpu.memory_space<hbm>>
      tpu.wait_indirect_dma semaphore(%arg11 : memref<!tpu.dma_semaphore, #tpu.memory_space<semaphore_mem>>) src(%dma_wait3A_290 : memref<10240x128xf32, #tpu.memory_space<hbm>>) dst(%dma_wait3A_284 : memref<80x128xf32, #tpu.memory_space<vmem>>)
      %add3A_291 = arith.constant 2 : i32
      %add3A_292 = arith.addi %add3A_278, %add3A_291 : i32
      %mul3A_293 = arith.constant 10000 : i32
      %mul3A_294 = arith.muli %add3A, %mul3A_293 : i32
      %mul3A_295 = arith.constant 80 : i32
      %mul3A_296 = arith.muli %add3A_292, %mul3A_295 : i32
      %add3A_297 = arith.addi %mul3A_294, %mul3A_296 : i32
      %dma_wait3A_298 = arith.constant 0 : i32
      %dma_wait3A_299 = arith.constant 0 : i32
      %dma_wait3A_300 = tpu.memref_slice %arg6[%dma_wait3A_298, %dma_wait3A_299] : memref<3x80xi32, #tpu.memory_space<vmem>> -> memref<1x80xi32, #tpu.memory_space<vmem>>
      %dma_wait3A_301 = tpu.memref_squeeze %dma_wait3A_300 : memref<1x80xi32, #tpu.memory_space<vmem>> -> memref<80xi32, #tpu.memory_space<vmem>>
      %dma_wait3A_302 = tpu.memref_slice %arg3[%add3A_297] : memref<320000xi32, #tpu.memory_space<hbm>> -> memref<80xi32, #tpu.memory_space<hbm>>
      %dma_wait3A_303 = arith.constant 0 : i32
      %dma_wait3A_304 = tpu.memref_slice %arg6[%dma_wait3A_298, %dma_wait3A_303] : memref<3x80xi32, #tpu.memory_space<vmem>> -> memref<1x80xi32, #tpu.memory_space<vmem>>
      %dma_wait3A_305 = tpu.memref_squeeze %dma_wait3A_304 : memref<1x80xi32, #tpu.memory_space<vmem>> -> memref<80xi32, #tpu.memory_space<vmem>>
      %dma_wait3A_306 = tpu.memref_slice %arg3[%add3A_297] : memref<320000xi32, #tpu.memory_space<hbm>> -> memref<80xi32, #tpu.memory_space<hbm>>
      tpu.wait_dma2 semaphore(%arg13 : memref<!tpu.dma_semaphore, #tpu.memory_space<semaphore_mem>>) src(%dma_wait3A_306 : memref<80xi32, #tpu.memory_space<hbm>>) dst(%dma_wait3A_305 : memref<80xi32, #tpu.memory_space<vmem>>)
      %dma_wait3A_307 = arith.constant 0 : i32
      %dma_wait3A_308 = arith.constant 0 : i32
      %dma_wait3A_309 = tpu.memref_slice %arg7[%dma_wait3A_307, %dma_wait3A_308] : memref<3x80xi32, #tpu.memory_space<vmem>> -> memref<1x80xi32, #tpu.memory_space<vmem>>
      %dma_wait3A_310 = tpu.memref_squeeze %dma_wait3A_309 : memref<1x80xi32, #tpu.memory_space<vmem>> -> memref<80xi32, #tpu.memory_space<vmem>>
      %dma_wait3A_311 = tpu.memref_slice %arg4[%add3A_297] : memref<320000xi32, #tpu.memory_space<hbm>> -> memref<80xi32, #tpu.memory_space<hbm>>
      %dma_wait3A_312 = arith.constant 0 : i32
      %dma_wait3A_313 = tpu.memref_slice %arg7[%dma_wait3A_307, %dma_wait3A_312] : memref<3x80xi32, #tpu.memory_space<vmem>> -> memref<1x80xi32, #tpu.memory_space<vmem>>
      %dma_wait3A_314 = tpu.memref_squeeze %dma_wait3A_313 : memref<1x80xi32, #tpu.memory_space<vmem>> -> memref<80xi32, #tpu.memory_space<vmem>>
      %dma_wait3A_315 = tpu.memref_slice %arg4[%add3A_297] : memref<320000xi32, #tpu.memory_space<hbm>> -> memref<80xi32, #tpu.memory_space<hbm>>
      tpu.wait_dma2 semaphore(%arg13 : memref<!tpu.dma_semaphore, #tpu.memory_space<semaphore_mem>>) src(%dma_wait3A_315 : memref<80xi32, #tpu.memory_space<hbm>>) dst(%dma_wait3A_314 : memref<80xi32, #tpu.memory_space<vmem>>)
      %dma_start3A_316 = arith.constant 0 : i32
      %dma_start3A_317 = arith.constant 0 : i32
      %dma_start3A_318 = arith.constant 0 : i32
      %dma_start3A_319 = arith.constant 0 : i32
      %dma_start3A_320 = tpu.memref_slice %arg8[%dma_start3A_317, %dma_start3A_318, %dma_start3A_319] : memref<3x80x128xf32, #tpu.memory_space<vmem>> -> memref<1x80x128xf32, #tpu.memory_space<vmem>>
      %dma_start3A_321 = tpu.memref_squeeze %dma_start3A_320 : memref<1x80x128xf32, #tpu.memory_space<vmem>> -> memref<80x128xf32, #tpu.memory_space<vmem>>
      %dma_start3A_322 = arith.constant 0 : i32
      %dma_start3A_323 = tpu.memref_slice %arg6[%dma_start3A_316, %dma_start3A_322] : memref<3x80xi32, #tpu.memory_space<vmem>> -> memref<1x80xi32, #tpu.memory_space<vmem>>
      %dma_start3A_324 = tpu.memref_squeeze %dma_start3A_323 : memref<1x80xi32, #tpu.memory_space<vmem>> -> memref<80xi32, #tpu.memory_space<vmem>>
      %dma_start3A_325 = arith.constant 0 : i32
      %dma_start3A_326 = arith.constant 0 : i32
      %dma_start3A_327 = tpu.memref_slice %arg2[%dma_start3A_325, %dma_start3A_326] : memref<10240x128xf32, #tpu.memory_space<hbm>> -> memref<10240x128xf32, #tpu.memory_space<hbm>>
      tpu.enqueue_indirect_dma source(%dma_start3A_327 : memref<10240x128xf32, #tpu.memory_space<hbm>>) target(%dma_start3A_321 : memref<80x128xf32, #tpu.memory_space<vmem>>) offsets(%dma_start3A_324 : memref<80xi32, #tpu.memory_space<vmem>>) semaphore(%arg10 : memref<!tpu.dma_semaphore, #tpu.memory_space<semaphore_mem>>)
      %run_scoped3A_328 = arith.constant 1 : i32
      %run_scoped3A_329 = arith.constant 1 : i32
      "tpu.region"() ({
        %run_scoped3A_399 = tpu.sem_alloc : memref<!tpu.dma_semaphore, #tpu.memory_space<semaphore_mem>>
        %dma_start3A_400 = arith.constant 0 : i32
        %dma_start3A_401 = arith.constant 0 : i32
        %dma_start3A_402 = tpu.memref_slice %arg8[%run_scoped3A_328, %dma_start3A_400, %dma_start3A_401] : memref<3x80x128xf32, #tpu.memory_space<vmem>> -> memref<1x80x128xf32, #tpu.memory_space<vmem>>
        %dma_start3A_403 = tpu.memref_squeeze %dma_start3A_402 : memref<1x80x128xf32, #tpu.memory_space<vmem>> -> memref<80x128xf32, #tpu.memory_space<vmem>>
        %dma_start3A_404 = arith.constant 0 : i32
        %dma_start3A_405 = tpu.memref_slice %arg7[%run_scoped3A_329, %dma_start3A_404] : memref<3x80xi32, #tpu.memory_space<vmem>> -> memref<1x80xi32, #tpu.memory_space<vmem>>
        %dma_start3A_406 = tpu.memref_squeeze %dma_start3A_405 : memref<1x80xi32, #tpu.memory_space<vmem>> -> memref<80xi32, #tpu.memory_space<vmem>>
        %dma_start3A_407 = arith.constant 0 : i32
        %dma_start3A_408 = arith.constant 0 : i32
        %dma_start3A_409 = tpu.memref_slice %arg9[%dma_start3A_407, %dma_start3A_408] : memref<10240x128xf32, #tpu.memory_space<vmem_shared>> -> memref<10240x128xf32, #tpu.memory_space<vmem_shared>>
        tpu.enqueue_indirect_dma source(%dma_start3A_403 : memref<80x128xf32, #tpu.memory_space<vmem>>) target(%dma_start3A_409 : memref<10240x128xf32, #tpu.memory_space<vmem_shared>>) offsets(%dma_start3A_406 : memref<80xi32, #tpu.memory_space<vmem>>) semaphore(%run_scoped3A_399 : memref<!tpu.dma_semaphore, #tpu.memory_space<semaphore_mem>>) {add = true}
        %dma_wait3A_410 = arith.constant 0 : i32
        %dma_wait3A_411 = arith.constant 0 : i32
        %dma_wait3A_412 = tpu.memref_slice %arg8[%run_scoped3A_328, %dma_wait3A_410, %dma_wait3A_411] : memref<3x80x128xf32, #tpu.memory_space<vmem>> -> memref<1x80x128xf32, #tpu.memory_space<vmem>>
        %dma_wait3A_413 = tpu.memref_squeeze %dma_wait3A_412 : memref<1x80x128xf32, #tpu.memory_space<vmem>> -> memref<80x128xf32, #tpu.memory_space<vmem>>
        %dma_wait3A_414 = arith.constant 0 : i32
        %dma_wait3A_415 = tpu.memref_slice %arg7[%run_scoped3A_329, %dma_wait3A_414] : memref<3x80xi32, #tpu.memory_space<vmem>> -> memref<1x80xi32, #tpu.memory_space<vmem>>
        %dma_wait3A_416 = tpu.memref_squeeze %dma_wait3A_415 : memref<1x80xi32, #tpu.memory_space<vmem>> -> memref<80xi32, #tpu.memory_space<vmem>>
        %dma_wait3A_417 = arith.constant 0 : i32
        %dma_wait3A_418 = arith.constant 0 : i32
        %dma_wait3A_419 = tpu.memref_slice %arg9[%dma_wait3A_417, %dma_wait3A_418] : memref<10240x128xf32, #tpu.memory_space<vmem_shared>> -> memref<10240x128xf32, #tpu.memory_space<vmem_shared>>
        tpu.wait_indirect_dma semaphore(%run_scoped3A_399 : memref<!tpu.dma_semaphore, #tpu.memory_space<semaphore_mem>>) src(%dma_wait3A_413 : memref<80x128xf32, #tpu.memory_space<vmem>>) dst(%dma_wait3A_419 : memref<10240x128xf32, #tpu.memory_space<vmem_shared>>)
        tpu.yield
      }) : () -> ()
      %add3A_330 = arith.constant 3 : i32
      %add3A_331 = arith.addi %add3A_278, %add3A_330 : i32
      %lt3A_332 = arith.constant 125 : i32
      %lt3A_333 = arith.cmpi slt, %add3A_331, %lt3A_332 : i32
      %convert_element_type3A_334 = arith.extui %lt3A_333 : i1 to i32
      %cond3A_335 = arith.constant 0 : i32
      %cond3A_336 = arith.cmpi ne, %convert_element_type3A_334, %cond3A_335 : i32
      scf.if %cond3A_336 {
        %mul3A_399 = arith.constant 10000 : i32
        %mul3A_400 = arith.muli %add3A, %mul3A_399 : i32
        %mul3A_401 = arith.constant 80 : i32
        %mul3A_402 = arith.muli %add3A_331, %mul3A_401 : i32
        %add3A_403 = arith.addi %mul3A_400, %mul3A_402 : i32
        %dma_start3A_404 = arith.constant 1 : i32
        %dma_start3A_405 = arith.constant 0 : i32
        %dma_start3A_406 = tpu.memref_slice %arg6[%dma_start3A_404, %dma_start3A_405] : memref<3x80xi32, #tpu.memory_space<vmem>> -> memref<1x80xi32, #tpu.memory_space<vmem>>
        %dma_start3A_407 = tpu.memref_squeeze %dma_start3A_406 : memref<1x80xi32, #tpu.memory_space<vmem>> -> memref<80xi32, #tpu.memory_space<vmem>>
        %dma_start3A_408 = tpu.memref_slice %arg3[%add3A_403] : memref<320000xi32, #tpu.memory_space<hbm>> -> memref<80xi32, #tpu.memory_space<hbm>>
        %dma_start3A_409 = arith.constant 0 : i32
        %dma_start3A_410 = tpu.memref_slice %arg6[%dma_start3A_404, %dma_start3A_409] : memref<3x80xi32, #tpu.memory_space<vmem>> -> memref<1x80xi32, #tpu.memory_space<vmem>>
        %dma_start3A_411 = tpu.memref_squeeze %dma_start3A_410 : memref<1x80xi32, #tpu.memory_space<vmem>> -> memref<80xi32, #tpu.memory_space<vmem>>
        %dma_start3A_412 = tpu.memref_slice %arg3[%add3A_403] : memref<320000xi32, #tpu.memory_space<hbm>> -> memref<80xi32, #tpu.memory_space<hbm>>
        tpu.enqueue_dma source(%dma_start3A_412 : memref<80xi32, #tpu.memory_space<hbm>>) target(%dma_start3A_411 : memref<80xi32, #tpu.memory_space<vmem>>) target_semaphore(%arg14 : memref<!tpu.dma_semaphore, #tpu.memory_space<semaphore_mem>>)
        %dma_start3A_413 = arith.constant 1 : i32
        %dma_start3A_414 = arith.constant 0 : i32
        %dma_start3A_415 = tpu.memref_slice %arg7[%dma_start3A_413, %dma_start3A_414] : memref<3x80xi32, #tpu.memory_space<vmem>> -> memref<1x80xi32, #tpu.memory_space<vmem>>
        %dma_start3A_416 = tpu.memref_squeeze %dma_start3A_415 : memref<1x80xi32, #tpu.memory_space<vmem>> -> memref<80xi32, #tpu.memory_space<vmem>>
        %dma_start3A_417 = tpu.memref_slice %arg4[%add3A_403] : memref<320000xi32, #tpu.memory_space<hbm>> -> memref<80xi32, #tpu.memory_space<hbm>>
        %dma_start3A_418 = arith.constant 0 : i32
        %dma_start3A_419 = tpu.memref_slice %arg7[%dma_start3A_413, %dma_start3A_418] : memref<3x80xi32, #tpu.memory_space<vmem>> -> memref<1x80xi32, #tpu.memory_space<vmem>>
        %dma_start3A_420 = tpu.memref_squeeze %dma_start3A_419 : memref<1x80xi32, #tpu.memory_space<vmem>> -> memref<80xi32, #tpu.memory_space<vmem>>
        %dma_start3A_421 = tpu.memref_slice %arg4[%add3A_403] : memref<320000xi32, #tpu.memory_space<hbm>> -> memref<80xi32, #tpu.memory_space<hbm>>
        tpu.enqueue_dma source(%dma_start3A_421 : memref<80xi32, #tpu.memory_space<hbm>>) target(%dma_start3A_420 : memref<80xi32, #tpu.memory_space<vmem>>) target_semaphore(%arg14 : memref<!tpu.dma_semaphore, #tpu.memory_space<semaphore_mem>>)
      } else {
      }
      %mul3A_337 = arith.constant 3 : i32
      %mul3A_338 = arith.muli %mul3A_337, %scan3A_215 : i32
      %add3A_339 = arith.constant 2 : i32
      %add3A_340 = arith.addi %mul3A_338, %add3A_339 : i32
      %dma_wait3A_341 = arith.constant 2 : i32
      %dma_wait3A_342 = arith.constant 2 : i32
      %dma_wait3A_343 = arith.constant 0 : i32
      %dma_wait3A_344 = arith.constant 0 : i32
      %dma_wait3A_345 = tpu.memref_slice %arg8[%dma_wait3A_342, %dma_wait3A_343, %dma_wait3A_344] : memref<3x80x128xf32, #tpu.memory_space<vmem>> -> memref<1x80x128xf32, #tpu.memory_space<vmem>>
      %dma_wait3A_346 = tpu.memref_squeeze %dma_wait3A_345 : memref<1x80x128xf32, #tpu.memory_space<vmem>> -> memref<80x128xf32, #tpu.memory_space<vmem>>
      %dma_wait3A_347 = arith.constant 0 : i32
      %dma_wait3A_348 = tpu.memref_slice %arg6[%dma_wait3A_341, %dma_wait3A_347] : memref<3x80xi32, #tpu.memory_space<vmem>> -> memref<1x80xi32, #tpu.memory_space<vmem>>
      %dma_wait3A_349 = tpu.memref_squeeze %dma_wait3A_348 : memref<1x80xi32, #tpu.memory_space<vmem>> -> memref<80xi32, #tpu.memory_space<vmem>>
      %dma_wait3A_350 = arith.constant 0 : i32
      %dma_wait3A_351 = arith.constant 0 : i32
      %dma_wait3A_352 = tpu.memref_slice %arg2[%dma_wait3A_350, %dma_wait3A_351] : memref<10240x128xf32, #tpu.memory_space<hbm>> -> memref<10240x128xf32, #tpu.memory_space<hbm>>
      tpu.wait_indirect_dma semaphore(%arg12 : memref<!tpu.dma_semaphore, #tpu.memory_space<semaphore_mem>>) src(%dma_wait3A_352 : memref<10240x128xf32, #tpu.memory_space<hbm>>) dst(%dma_wait3A_346 : memref<80x128xf32, #tpu.memory_space<vmem>>)
      %add3A_353 = arith.constant 2 : i32
      %add3A_354 = arith.addi %add3A_340, %add3A_353 : i32
      %mul3A_355 = arith.constant 10000 : i32
      %mul3A_356 = arith.muli %add3A, %mul3A_355 : i32
      %mul3A_357 = arith.constant 80 : i32
      %mul3A_358 = arith.muli %add3A_354, %mul3A_357 : i32
      %add3A_359 = arith.addi %mul3A_356, %mul3A_358 : i32
      %dma_wait3A_360 = arith.constant 1 : i32
      %dma_wait3A_361 = arith.constant 0 : i32
      %dma_wait3A_362 = tpu.memref_slice %arg6[%dma_wait3A_360, %dma_wait3A_361] : memref<3x80xi32, #tpu.memory_space<vmem>> -> memref<1x80xi32, #tpu.memory_space<vmem>>
      %dma_wait3A_363 = tpu.memref_squeeze %dma_wait3A_362 : memref<1x80xi32, #tpu.memory_space<vmem>> -> memref<80xi32, #tpu.memory_space<vmem>>
      %dma_wait3A_364 = tpu.memref_slice %arg3[%add3A_359] : memref<320000xi32, #tpu.memory_space<hbm>> -> memref<80xi32, #tpu.memory_space<hbm>>
      %dma_wait3A_365 = arith.constant 0 : i32
      %dma_wait3A_366 = tpu.memref_slice %arg6[%dma_wait3A_360, %dma_wait3A_365] : memref<3x80xi32, #tpu.memory_space<vmem>> -> memref<1x80xi32, #tpu.memory_space<vmem>>
      %dma_wait3A_367 = tpu.memref_squeeze %dma_wait3A_366 : memref<1x80xi32, #tpu.memory_space<vmem>> -> memref<80xi32, #tpu.memory_space<vmem>>
      %dma_wait3A_368 = tpu.memref_slice %arg3[%add3A_359] : memref<320000xi32, #tpu.memory_space<hbm>> -> memref<80xi32, #tpu.memory_space<hbm>>
      tpu.wait_dma2 semaphore(%arg14 : memref<!tpu.dma_semaphore, #tpu.memory_space<semaphore_mem>>) src(%dma_wait3A_368 : memref<80xi32, #tpu.memory_space<hbm>>) dst(%dma_wait3A_367 : memref<80xi32, #tpu.memory_space<vmem>>)
      %dma_wait3A_369 = arith.constant 1 : i32
      %dma_wait3A_370 = arith.constant 0 : i32
      %dma_wait3A_371 = tpu.memref_slice %arg7[%dma_wait3A_369, %dma_wait3A_370] : memref<3x80xi32, #tpu.memory_space<vmem>> -> memref<1x80xi32, #tpu.memory_space<vmem>>
      %dma_wait3A_372 = tpu.memref_squeeze %dma_wait3A_371 : memref<1x80xi32, #tpu.memory_space<vmem>> -> memref<80xi32, #tpu.memory_space<vmem>>
      %dma_wait3A_373 = tpu.memref_slice %arg4[%add3A_359] : memref<320000xi32, #tpu.memory_space<hbm>> -> memref<80xi32, #tpu.memory_space<hbm>>
      %dma_wait3A_374 = arith.constant 0 : i32
      %dma_wait3A_375 = tpu.memref_slice %arg7[%dma_wait3A_369, %dma_wait3A_374] : memref<3x80xi32, #tpu.memory_space<vmem>> -> memref<1x80xi32, #tpu.memory_space<vmem>>
      %dma_wait3A_376 = tpu.memref_squeeze %dma_wait3A_375 : memref<1x80xi32, #tpu.memory_space<vmem>> -> memref<80xi32, #tpu.memory_space<vmem>>
      %dma_wait3A_377 = tpu.memref_slice %arg4[%add3A_359] : memref<320000xi32, #tpu.memory_space<hbm>> -> memref<80xi32, #tpu.memory_space<hbm>>
      tpu.wait_dma2 semaphore(%arg14 : memref<!tpu.dma_semaphore, #tpu.memory_space<semaphore_mem>>) src(%dma_wait3A_377 : memref<80xi32, #tpu.memory_space<hbm>>) dst(%dma_wait3A_376 : memref<80xi32, #tpu.memory_space<vmem>>)
      %dma_start3A_378 = arith.constant 1 : i32
      %dma_start3A_379 = arith.constant 1 : i32
      %dma_start3A_380 = arith.constant 0 : i32
      %dma_start3A_381 = arith.constant 0 : i32
      %dma_start3A_382 = tpu.memref_slice %arg8[%dma_start3A_379, %dma_start3A_380, %dma_start3A_381] : memref<3x80x128xf32, #tpu.memory_space<vmem>> -> memref<1x80x128xf32, #tpu.memory_space<vmem>>
      %dma_start3A_383 = tpu.memref_squeeze %dma_start3A_382 : memref<1x80x128xf32, #tpu.memory_space<vmem>> -> memref<80x128xf32, #tpu.memory_space<vmem>>
      %dma_start3A_384 = arith.constant 0 : i32
      %dma_start3A_385 = tpu.memref_slice %arg6[%dma_start3A_378, %dma_start3A_384] : memref<3x80xi32, #tpu.memory_space<vmem>> -> memref<1x80xi32, #tpu.memory_space<vmem>>
      %dma_start3A_386 = tpu.memref_squeeze %dma_start3A_385 : memref<1x80xi32, #tpu.memory_space<vmem>> -> memref<80xi32, #tpu.memory_space<vmem>>
      %dma_start3A_387 = arith.constant 0 : i32
      %dma_start3A_388 = arith.constant 0 : i32
      %dma_start3A_389 = tpu.memref_slice %arg2[%dma_start3A_387, %dma_start3A_388] : memref<10240x128xf32, #tpu.memory_space<hbm>> -> memref<10240x128xf32, #tpu.memory_space<hbm>>
      tpu.enqueue_indirect_dma source(%dma_start3A_389 : memref<10240x128xf32, #tpu.memory_space<hbm>>) target(%dma_start3A_383 : memref<80x128xf32, #tpu.memory_space<vmem>>) offsets(%dma_start3A_386 : memref<80xi32, #tpu.memory_space<vmem>>) semaphore(%arg11 : memref<!tpu.dma_semaphore, #tpu.memory_space<semaphore_mem>>)
      %run_scoped3A_390 = arith.constant 2 : i32
      %run_scoped3A_391 = arith.constant 2 : i32
      "tpu.region"() ({
        %run_scoped3A_399 = tpu.sem_alloc : memref<!tpu.dma_semaphore, #tpu.memory_space<semaphore_mem>>
        %dma_start3A_400 = arith.constant 0 : i32
        %dma_start3A_401 = arith.constant 0 : i32
        %dma_start3A_402 = tpu.memref_slice %arg8[%run_scoped3A_390, %dma_start3A_400, %dma_start3A_401] : memref<3x80x128xf32, #tpu.memory_space<vmem>> -> memref<1x80x128xf32, #tpu.memory_space<vmem>>
        %dma_start3A_403 = tpu.memref_squeeze %dma_start3A_402 : memref<1x80x128xf32, #tpu.memory_space<vmem>> -> memref<80x128xf32, #tpu.memory_space<vmem>>
        %dma_start3A_404 = arith.constant 0 : i32
        %dma_start3A_405 = tpu.memref_slice %arg7[%run_scoped3A_391, %dma_start3A_404] : memref<3x80xi32, #tpu.memory_space<vmem>> -> memref<1x80xi32, #tpu.memory_space<vmem>>
        %dma_start3A_406 = tpu.memref_squeeze %dma_start3A_405 : memref<1x80xi32, #tpu.memory_space<vmem>> -> memref<80xi32, #tpu.memory_space<vmem>>
        %dma_start3A_407 = arith.constant 0 : i32
        %dma_start3A_408 = arith.constant 0 : i32
        %dma_start3A_409 = tpu.memref_slice %arg9[%dma_start3A_407, %dma_start3A_408] : memref<10240x128xf32, #tpu.memory_space<vmem_shared>> -> memref<10240x128xf32, #tpu.memory_space<vmem_shared>>
        tpu.enqueue_indirect_dma source(%dma_start3A_403 : memref<80x128xf32, #tpu.memory_space<vmem>>) target(%dma_start3A_409 : memref<10240x128xf32, #tpu.memory_space<vmem_shared>>) offsets(%dma_start3A_406 : memref<80xi32, #tpu.memory_space<vmem>>) semaphore(%run_scoped3A_399 : memref<!tpu.dma_semaphore, #tpu.memory_space<semaphore_mem>>) {add = true}
        %dma_wait3A_410 = arith.constant 0 : i32
        %dma_wait3A_411 = arith.constant 0 : i32
        %dma_wait3A_412 = tpu.memref_slice %arg8[%run_scoped3A_390, %dma_wait3A_410, %dma_wait3A_411] : memref<3x80x128xf32, #tpu.memory_space<vmem>> -> memref<1x80x128xf32, #tpu.memory_space<vmem>>
        %dma_wait3A_413 = tpu.memref_squeeze %dma_wait3A_412 : memref<1x80x128xf32, #tpu.memory_space<vmem>> -> memref<80x128xf32, #tpu.memory_space<vmem>>
        %dma_wait3A_414 = arith.constant 0 : i32
        %dma_wait3A_415 = tpu.memref_slice %arg7[%run_scoped3A_391, %dma_wait3A_414] : memref<3x80xi32, #tpu.memory_space<vmem>> -> memref<1x80xi32, #tpu.memory_space<vmem>>
        %dma_wait3A_416 = tpu.memref_squeeze %dma_wait3A_415 : memref<1x80xi32, #tpu.memory_space<vmem>> -> memref<80xi32, #tpu.memory_space<vmem>>
        %dma_wait3A_417 = arith.constant 0 : i32
        %dma_wait3A_418 = arith.constant 0 : i32
        %dma_wait3A_419 = tpu.memref_slice %arg9[%dma_wait3A_417, %dma_wait3A_418] : memref<10240x128xf32, #tpu.memory_space<vmem_shared>> -> memref<10240x128xf32, #tpu.memory_space<vmem_shared>>
        tpu.wait_indirect_dma semaphore(%run_scoped3A_399 : memref<!tpu.dma_semaphore, #tpu.memory_space<semaphore_mem>>) src(%dma_wait3A_413 : memref<80x128xf32, #tpu.memory_space<vmem>>) dst(%dma_wait3A_419 : memref<10240x128xf32, #tpu.memory_space<vmem_shared>>)
        tpu.yield
      }) : () -> ()
      %add3A_392 = arith.constant 3 : i32
      %add3A_393 = arith.addi %add3A_340, %add3A_392 : i32
      %lt3A_394 = arith.constant 125 : i32
      %lt3A_395 = arith.cmpi slt, %add3A_393, %lt3A_394 : i32
      %convert_element_type3A_396 = arith.extui %lt3A_395 : i1 to i32
      %cond3A_397 = arith.constant 0 : i32
      %cond3A_398 = arith.cmpi ne, %convert_element_type3A_396, %cond3A_397 : i32
      scf.if %cond3A_398 {
        %mul3A_399 = arith.constant 10000 : i32
        %mul3A_400 = arith.muli %add3A, %mul3A_399 : i32
        %mul3A_401 = arith.constant 80 : i32
        %mul3A_402 = arith.muli %add3A_393, %mul3A_401 : i32
        %add3A_403 = arith.addi %mul3A_400, %mul3A_402 : i32
        %dma_start3A_404 = arith.constant 2 : i32
        %dma_start3A_405 = arith.constant 0 : i32
        %dma_start3A_406 = tpu.memref_slice %arg6[%dma_start3A_404, %dma_start3A_405] : memref<3x80xi32, #tpu.memory_space<vmem>> -> memref<1x80xi32, #tpu.memory_space<vmem>>
        %dma_start3A_407 = tpu.memref_squeeze %dma_start3A_406 : memref<1x80xi32, #tpu.memory_space<vmem>> -> memref<80xi32, #tpu.memory_space<vmem>>
        %dma_start3A_408 = tpu.memref_slice %arg3[%add3A_403] : memref<320000xi32, #tpu.memory_space<hbm>> -> memref<80xi32, #tpu.memory_space<hbm>>
        %dma_start3A_409 = arith.constant 0 : i32
        %dma_start3A_410 = tpu.memref_slice %arg6[%dma_start3A_404, %dma_start3A_409] : memref<3x80xi32, #tpu.memory_space<vmem>> -> memref<1x80xi32, #tpu.memory_space<vmem>>
        %dma_start3A_411 = tpu.memref_squeeze %dma_start3A_410 : memref<1x80xi32, #tpu.memory_space<vmem>> -> memref<80xi32, #tpu.memory_space<vmem>>
        %dma_start3A_412 = tpu.memref_slice %arg3[%add3A_403] : memref<320000xi32, #tpu.memory_space<hbm>> -> memref<80xi32, #tpu.memory_space<hbm>>
        tpu.enqueue_dma source(%dma_start3A_412 : memref<80xi32, #tpu.memory_space<hbm>>) target(%dma_start3A_411 : memref<80xi32, #tpu.memory_space<vmem>>) target_semaphore(%arg15 : memref<!tpu.dma_semaphore, #tpu.memory_space<semaphore_mem>>)
        %dma_start3A_413 = arith.constant 2 : i32
        %dma_start3A_414 = arith.constant 0 : i32
        %dma_start3A_415 = tpu.memref_slice %arg7[%dma_start3A_413, %dma_start3A_414] : memref<3x80xi32, #tpu.memory_space<vmem>> -> memref<1x80xi32, #tpu.memory_space<vmem>>
        %dma_start3A_416 = tpu.memref_squeeze %dma_start3A_415 : memref<1x80xi32, #tpu.memory_space<vmem>> -> memref<80xi32, #tpu.memory_space<vmem>>
        %dma_start3A_417 = tpu.memref_slice %arg4[%add3A_403] : memref<320000xi32, #tpu.memory_space<hbm>> -> memref<80xi32, #tpu.memory_space<hbm>>
        %dma_start3A_418 = arith.constant 0 : i32
        %dma_start3A_419 = tpu.memref_slice %arg7[%dma_start3A_413, %dma_start3A_418] : memref<3x80xi32, #tpu.memory_space<vmem>> -> memref<1x80xi32, #tpu.memory_space<vmem>>
        %dma_start3A_420 = tpu.memref_squeeze %dma_start3A_419 : memref<1x80xi32, #tpu.memory_space<vmem>> -> memref<80xi32, #tpu.memory_space<vmem>>
        %dma_start3A_421 = tpu.memref_slice %arg4[%add3A_403] : memref<320000xi32, #tpu.memory_space<hbm>> -> memref<80xi32, #tpu.memory_space<hbm>>
        tpu.enqueue_dma source(%dma_start3A_421 : memref<80xi32, #tpu.memory_space<hbm>>) target(%dma_start3A_420 : memref<80xi32, #tpu.memory_space<vmem>>) target_semaphore(%arg15 : memref<!tpu.dma_semaphore, #tpu.memory_space<semaphore_mem>>)
      } else {
      }
    }
    %scan3A_183 = arith.constant 41 : i32
    %dma_wait3A_184 = arith.constant 0 : i32
    %dma_wait3A_185 = arith.constant 0 : i32
    %dma_wait3A_186 = arith.constant 0 : i32
    %dma_wait3A_187 = arith.constant 0 : i32
    %dma_wait3A_188 = tpu.memref_slice %arg8[%dma_wait3A_185, %dma_wait3A_186, %dma_wait3A_187] : memref<3x80x128xf32, #tpu.memory_space<vmem>> -> memref<1x80x128xf32, #tpu.memory_space<vmem>>
    %dma_wait3A_189 = tpu.memref_squeeze %dma_wait3A_188 : memref<1x80x128xf32, #tpu.memory_space<vmem>> -> memref<80x128xf32, #tpu.memory_space<vmem>>
    %dma_wait3A_190 = arith.constant 0 : i32
    %dma_wait3A_191 = tpu.memref_slice %arg6[%dma_wait3A_184, %dma_wait3A_190] : memref<3x80xi32, #tpu.memory_space<vmem>> -> memref<1x80xi32, #tpu.memory_space<vmem>>
    %dma_wait3A_192 = tpu.memref_squeeze %dma_wait3A_191 : memref<1x80xi32, #tpu.memory_space<vmem>> -> memref<80xi32, #tpu.memory_space<vmem>>
    %dma_wait3A_193 = arith.constant 0 : i32
    %dma_wait3A_194 = arith.constant 0 : i32
    %dma_wait3A_195 = tpu.memref_slice %arg2[%dma_wait3A_193, %dma_wait3A_194] : memref<10240x128xf32, #tpu.memory_space<hbm>> -> memref<10240x128xf32, #tpu.memory_space<hbm>>
    tpu.wait_indirect_dma semaphore(%arg10 : memref<!tpu.dma_semaphore, #tpu.memory_space<semaphore_mem>>) src(%dma_wait3A_195 : memref<10240x128xf32, #tpu.memory_space<hbm>>) dst(%dma_wait3A_189 : memref<80x128xf32, #tpu.memory_space<vmem>>)
    %run_scoped3A_196 = arith.constant 0 : i32
    %run_scoped3A_197 = arith.constant 0 : i32
    "tpu.region"() ({
      %run_scoped3A_215 = tpu.sem_alloc : memref<!tpu.dma_semaphore, #tpu.memory_space<semaphore_mem>>
      %dma_start3A_216 = arith.constant 0 : i32
      %dma_start3A_217 = arith.constant 0 : i32
      %dma_start3A_218 = tpu.memref_slice %arg8[%run_scoped3A_196, %dma_start3A_216, %dma_start3A_217] : memref<3x80x128xf32, #tpu.memory_space<vmem>> -> memref<1x80x128xf32, #tpu.memory_space<vmem>>
      %dma_start3A_219 = tpu.memref_squeeze %dma_start3A_218 : memref<1x80x128xf32, #tpu.memory_space<vmem>> -> memref<80x128xf32, #tpu.memory_space<vmem>>
      %dma_start3A_220 = arith.constant 0 : i32
      %dma_start3A_221 = tpu.memref_slice %arg7[%run_scoped3A_197, %dma_start3A_220] : memref<3x80xi32, #tpu.memory_space<vmem>> -> memref<1x80xi32, #tpu.memory_space<vmem>>
      %dma_start3A_222 = tpu.memref_squeeze %dma_start3A_221 : memref<1x80xi32, #tpu.memory_space<vmem>> -> memref<80xi32, #tpu.memory_space<vmem>>
      %dma_start3A_223 = arith.constant 0 : i32
      %dma_start3A_224 = arith.constant 0 : i32
      %dma_start3A_225 = tpu.memref_slice %arg9[%dma_start3A_223, %dma_start3A_224] : memref<10240x128xf32, #tpu.memory_space<vmem_shared>> -> memref<10240x128xf32, #tpu.memory_space<vmem_shared>>
      tpu.enqueue_indirect_dma source(%dma_start3A_219 : memref<80x128xf32, #tpu.memory_space<vmem>>) target(%dma_start3A_225 : memref<10240x128xf32, #tpu.memory_space<vmem_shared>>) offsets(%dma_start3A_222 : memref<80xi32, #tpu.memory_space<vmem>>) semaphore(%run_scoped3A_215 : memref<!tpu.dma_semaphore, #tpu.memory_space<semaphore_mem>>) {add = true}
      %dma_wait3A_226 = arith.constant 0 : i32
      %dma_wait3A_227 = arith.constant 0 : i32
      %dma_wait3A_228 = tpu.memref_slice %arg8[%run_scoped3A_196, %dma_wait3A_226, %dma_wait3A_227] : memref<3x80x128xf32, #tpu.memory_space<vmem>> -> memref<1x80x128xf32, #tpu.memory_space<vmem>>
      %dma_wait3A_229 = tpu.memref_squeeze %dma_wait3A_228 : memref<1x80x128xf32, #tpu.memory_space<vmem>> -> memref<80x128xf32, #tpu.memory_space<vmem>>
      %dma_wait3A_230 = arith.constant 0 : i32
      %dma_wait3A_231 = tpu.memref_slice %arg7[%run_scoped3A_197, %dma_wait3A_230] : memref<3x80xi32, #tpu.memory_space<vmem>> -> memref<1x80xi32, #tpu.memory_space<vmem>>
      %dma_wait3A_232 = tpu.memref_squeeze %dma_wait3A_231 : memref<1x80xi32, #tpu.memory_space<vmem>> -> memref<80xi32, #tpu.memory_space<vmem>>
      %dma_wait3A_233 = arith.constant 0 : i32
      %dma_wait3A_234 = arith.constant 0 : i32
      %dma_wait3A_235 = tpu.memref_slice %arg9[%dma_wait3A_233, %dma_wait3A_234] : memref<10240x128xf32, #tpu.memory_space<vmem_shared>> -> memref<10240x128xf32, #tpu.memory_space<vmem_shared>>
      tpu.wait_indirect_dma semaphore(%run_scoped3A_215 : memref<!tpu.dma_semaphore, #tpu.memory_space<semaphore_mem>>) src(%dma_wait3A_229 : memref<80x128xf32, #tpu.memory_space<vmem>>) dst(%dma_wait3A_235 : memref<10240x128xf32, #tpu.memory_space<vmem_shared>>)
      tpu.yield
    }) : () -> ()
    %dma_wait3A_198 = arith.constant 1 : i32
    %dma_wait3A_199 = arith.constant 1 : i32
    %dma_wait3A_200 = arith.constant 0 : i32
    %dma_wait3A_201 = arith.constant 0 : i32
    %dma_wait3A_202 = tpu.memref_slice %arg8[%dma_wait3A_199, %dma_wait3A_200, %dma_wait3A_201] : memref<3x80x128xf32, #tpu.memory_space<vmem>> -> memref<1x80x128xf32, #tpu.memory_space<vmem>>
    %dma_wait3A_203 = tpu.memref_squeeze %dma_wait3A_202 : memref<1x80x128xf32, #tpu.memory_space<vmem>> -> memref<80x128xf32, #tpu.memory_space<vmem>>
    %dma_wait3A_204 = arith.constant 0 : i32
    %dma_wait3A_205 = tpu.memref_slice %arg6[%dma_wait3A_198, %dma_wait3A_204] : memref<3x80xi32, #tpu.memory_space<vmem>> -> memref<1x80xi32, #tpu.memory_space<vmem>>
    %dma_wait3A_206 = tpu.memref_squeeze %dma_wait3A_205 : memref<1x80xi32, #tpu.memory_space<vmem>> -> memref<80xi32, #tpu.memory_space<vmem>>
    %dma_wait3A_207 = arith.constant 0 : i32
    %dma_wait3A_208 = arith.constant 0 : i32
    %dma_wait3A_209 = tpu.memref_slice %arg2[%dma_wait3A_207, %dma_wait3A_208] : memref<10240x128xf32, #tpu.memory_space<hbm>> -> memref<10240x128xf32, #tpu.memory_space<hbm>>
    tpu.wait_indirect_dma semaphore(%arg11 : memref<!tpu.dma_semaphore, #tpu.memory_space<semaphore_mem>>) src(%dma_wait3A_209 : memref<10240x128xf32, #tpu.memory_space<hbm>>) dst(%dma_wait3A_203 : memref<80x128xf32, #tpu.memory_space<vmem>>)
    %run_scoped3A_210 = arith.constant 1 : i32
    %run_scoped3A_211 = arith.constant 1 : i32
    "tpu.region"() ({
      %run_scoped3A_215 = tpu.sem_alloc : memref<!tpu.dma_semaphore, #tpu.memory_space<semaphore_mem>>
      %dma_start3A_216 = arith.constant 0 : i32
      %dma_start3A_217 = arith.constant 0 : i32
      %dma_start3A_218 = tpu.memref_slice %arg8[%run_scoped3A_210, %dma_start3A_216, %dma_start3A_217] : memref<3x80x128xf32, #tpu.memory_space<vmem>> -> memref<1x80x128xf32, #tpu.memory_space<vmem>>
      %dma_start3A_219 = tpu.memref_squeeze %dma_start3A_218 : memref<1x80x128xf32, #tpu.memory_space<vmem>> -> memref<80x128xf32, #tpu.memory_space<vmem>>
      %dma_start3A_220 = arith.constant 0 : i32
      %dma_start3A_221 = tpu.memref_slice %arg7[%run_scoped3A_211, %dma_start3A_220] : memref<3x80xi32, #tpu.memory_space<vmem>> -> memref<1x80xi32, #tpu.memory_space<vmem>>
      %dma_start3A_222 = tpu.memref_squeeze %dma_start3A_221 : memref<1x80xi32, #tpu.memory_space<vmem>> -> memref<80xi32, #tpu.memory_space<vmem>>
      %dma_start3A_223 = arith.constant 0 : i32
      %dma_start3A_224 = arith.constant 0 : i32
      %dma_start3A_225 = tpu.memref_slice %arg9[%dma_start3A_223, %dma_start3A_224] : memref<10240x128xf32, #tpu.memory_space<vmem_shared>> -> memref<10240x128xf32, #tpu.memory_space<vmem_shared>>
      tpu.enqueue_indirect_dma source(%dma_start3A_219 : memref<80x128xf32, #tpu.memory_space<vmem>>) target(%dma_start3A_225 : memref<10240x128xf32, #tpu.memory_space<vmem_shared>>) offsets(%dma_start3A_222 : memref<80xi32, #tpu.memory_space<vmem>>) semaphore(%run_scoped3A_215 : memref<!tpu.dma_semaphore, #tpu.memory_space<semaphore_mem>>) {add = true}
      %dma_wait3A_226 = arith.constant 0 : i32
      %dma_wait3A_227 = arith.constant 0 : i32
      %dma_wait3A_228 = tpu.memref_slice %arg8[%run_scoped3A_210, %dma_wait3A_226, %dma_wait3A_227] : memref<3x80x128xf32, #tpu.memory_space<vmem>> -> memref<1x80x128xf32, #tpu.memory_space<vmem>>
      %dma_wait3A_229 = tpu.memref_squeeze %dma_wait3A_228 : memref<1x80x128xf32, #tpu.memory_space<vmem>> -> memref<80x128xf32, #tpu.memory_space<vmem>>
      %dma_wait3A_230 = arith.constant 0 : i32
      %dma_wait3A_231 = tpu.memref_slice %arg7[%run_scoped3A_211, %dma_wait3A_230] : memref<3x80xi32, #tpu.memory_space<vmem>> -> memref<1x80xi32, #tpu.memory_space<vmem>>
      %dma_wait3A_232 = tpu.memref_squeeze %dma_wait3A_231 : memref<1x80xi32, #tpu.memory_space<vmem>> -> memref<80xi32, #tpu.memory_space<vmem>>
      %dma_wait3A_233 = arith.constant 0 : i32
      %dma_wait3A_234 = arith.constant 0 : i32
      %dma_wait3A_235 = tpu.memref_slice %arg9[%dma_wait3A_233, %dma_wait3A_234] : memref<10240x128xf32, #tpu.memory_space<vmem_shared>> -> memref<10240x128xf32, #tpu.memory_space<vmem_shared>>
      tpu.wait_indirect_dma semaphore(%run_scoped3A_215 : memref<!tpu.dma_semaphore, #tpu.memory_space<semaphore_mem>>) src(%dma_wait3A_229 : memref<80x128xf32, #tpu.memory_space<vmem>>) dst(%dma_wait3A_235 : memref<10240x128xf32, #tpu.memory_space<vmem_shared>>)
      tpu.yield
    }) : () -> ()
    %barrier3A_212 = arith.constant 0 : index
    tpu.barrier barrier_id(%barrier3A_212)
    %mul3A_213 = arith.constant 640 : i32
    %mul3A_214 = arith.muli %arg1, %mul3A_213 : i32
    "tpu.region"() ({
      %run_scoped3A_215 = tpu.sem_alloc : memref<!tpu.dma_semaphore, #tpu.memory_space<semaphore_mem>>
      %dma_start3A_216 = arith.constant 0 : i32
      %dma_start3A_217 = tpu.memref_slice %arg5[%arg0, %mul3A_214, %dma_start3A_216] : memref<2x10240x128xf32, #tpu.memory_space<hbm>> -> memref<1x640x128xf32, #tpu.memory_space<hbm>>
      %dma_start3A_218 = tpu.memref_squeeze %dma_start3A_217 : memref<1x640x128xf32, #tpu.memory_space<hbm>> -> memref<640x128xf32, #tpu.memory_space<hbm>>
      %dma_start3A_219 = arith.constant 0 : i32
      %dma_start3A_220 = tpu.memref_slice %arg9[%mul3A_214, %dma_start3A_219] : memref<10240x128xf32, #tpu.memory_space<vmem_shared>> -> memref<640x128xf32, #tpu.memory_space<vmem_shared>>
      tpu.enqueue_dma source(%dma_start3A_220 : memref<640x128xf32, #tpu.memory_space<vmem_shared>>) target(%dma_start3A_218 : memref<640x128xf32, #tpu.memory_space<hbm>>) target_semaphore(%run_scoped3A_215 : memref<!tpu.dma_semaphore, #tpu.memory_space<semaphore_mem>>)
      %dma_wait3A_221 = arith.constant 0 : i32
      %dma_wait3A_222 = tpu.memref_slice %arg5[%arg0, %mul3A_214, %dma_wait3A_221] : memref<2x10240x128xf32, #tpu.memory_space<hbm>> -> memref<1x640x128xf32, #tpu.memory_space<hbm>>
      %dma_wait3A_223 = tpu.memref_squeeze %dma_wait3A_222 : memref<1x640x128xf32, #tpu.memory_space<hbm>> -> memref<640x128xf32, #tpu.memory_space<hbm>>
      %dma_wait3A_224 = arith.constant 0 : i32
      %dma_wait3A_225 = tpu.memref_slice %arg9[%mul3A_214, %dma_wait3A_224] : memref<10240x128xf32, #tpu.memory_space<vmem_shared>> -> memref<640x128xf32, #tpu.memory_space<vmem_shared>>
      tpu.wait_dma2 semaphore(%run_scoped3A_215 : memref<!tpu.dma_semaphore, #tpu.memory_space<semaphore_mem>>) src(%dma_wait3A_225 : memref<640x128xf32, #tpu.memory_space<vmem_shared>>) dst(%dma_wait3A_223 : memref<640x128xf32, #tpu.memory_space<hbm>>)
      tpu.yield
    }) : () -> ()
    return
  }
}

module attributes {stable_mosaic.version = 14 : i64} {
  func.func @_tc_mid_body(%arg0: i32, %arg1: memref<2x1280x128xf32, #tpu.memory_space<vmem>>, %arg2: memref<2x1280xf32, #tpu.memory_space<vmem>>, %arg3: memref<1280x128xf32, #tpu.memory_space<vmem>>, %arg4: memref<1x1xf32, #tpu.memory_space<vmem>>, %arg5: memref<128x128xf32, #tpu.memory_space<vmem>>, %arg6: memref<128x128xf32, #tpu.memory_space<vmem>>, %arg7: memref<1x128xf32, #tpu.memory_space<vmem>>, %arg8: memref<1x128xf32, #tpu.memory_space<vmem>>, %arg9: memref<1280x128xf32, #tpu.memory_space<vmem>>, %arg10: memref<1280x128xf32, #tpu.memory_space<vmem>>) attributes {dimension_semantics = [#tpu.dimension_semantics<arbitrary>], iteration_bounds = array<i64: 8>, scalar_prefetch = 0 : i64, scratch_operands = 0 : i64, tpu.core_type = #tpu.core_type<tc>, window_params = [{transform_indices = @transform_0, window_bounds = array<i64: 2, 1280, 128>}, {transform_indices = @transform_1, window_bounds = array<i64: 2, 1280>}, {transform_indices = @transform_2, window_bounds = array<i64: 1280, 128>}, {pipeline_mode = #tpu.pipeline_mode<synchronous>, transform_indices = @transform_3, window_bounds = array<i64: 1, 1>}, {pipeline_mode = #tpu.pipeline_mode<synchronous>, transform_indices = @transform_4, window_bounds = array<i64: 128, 128>}, {pipeline_mode = #tpu.pipeline_mode<synchronous>, transform_indices = @transform_5, window_bounds = array<i64: 128, 128>}, {pipeline_mode = #tpu.pipeline_mode<synchronous>, transform_indices = @transform_6, window_bounds = array<i64: 1, 128>}, {pipeline_mode = #tpu.pipeline_mode<synchronous>, transform_indices = @transform_7, window_bounds = array<i64: 1, 128>}, {transform_indices = @transform_8, window_bounds = array<i64: 1280, 128>}, {transform_indices = @transform_9, window_bounds = array<i64: 1280, 128>}]} {
    %get3A = arith.constant 0 : index
    %get3A_0 = arith.constant 0 : index
    %get3A_1 = arith.constant 0 : index
    %get3A_2 = vector.load %arg1[%get3A, %get3A_0, %get3A_1] : memref<2x1280x128xf32, #tpu.memory_space<vmem>>, vector<1x1280x128xf32>
    %get3A_3 = vector.shape_cast %get3A_2 : vector<1x1280x128xf32> to vector<1280x128xf32>
    %get3A_4 = arith.constant 1 : index
    %get3A_5 = arith.constant 0 : index
    %get3A_6 = arith.constant 0 : index
    %get3A_7 = vector.load %arg1[%get3A_4, %get3A_5, %get3A_6] : memref<2x1280x128xf32, #tpu.memory_space<vmem>>, vector<1x1280x128xf32>
    %get3A_8 = vector.shape_cast %get3A_7 : vector<1x1280x128xf32> to vector<1280x128xf32>
    %add3A = arith.addf %get3A_3, %get3A_8 : vector<1280x128xf32>
    %get3A_9 = arith.constant 0 : index
    %get3A_10 = arith.constant 0 : index
    %get3A_11 = vector.load %arg2[%get3A_9, %get3A_10] : memref<2x1280xf32, #tpu.memory_space<vmem>>, vector<1x1280xf32>
    %get3A_12 = vector.shape_cast %get3A_11 : vector<1x1280xf32> to vector<1280xf32>
    %get3A_13 = arith.constant 1 : index
    %get3A_14 = arith.constant 0 : index
    %get3A_15 = vector.load %arg2[%get3A_13, %get3A_14] : memref<2x1280xf32, #tpu.memory_space<vmem>>, vector<1x1280xf32>
    %get3A_16 = vector.shape_cast %get3A_15 : vector<1x1280xf32> to vector<1280xf32>
    %add3A_17 = arith.addf %get3A_12, %get3A_16 : vector<1280xf32>
    %max3A = arith.constant 1.000000e+00 : f32
    %max3A_18 = vector.broadcast %max3A : f32 to vector<1280xf32>
    %max3A_19 = arith.maximumf %add3A_17, %max3A_18 : vector<1280xf32>
    %div3A = arith.constant 1.000000e+00 : f32
    %div3A_20 = vector.broadcast %div3A : f32 to vector<1280xf32>
    %div3A_21 = arith.divf %div3A_20, %max3A_19 : vector<1280xf32>
    %broadcast_in_dim3A = vector.shape_cast %div3A_21 : vector<1280xf32> to vector<1280x1xf32>
    %mul3A = vector.broadcast %broadcast_in_dim3A : vector<1280x1xf32> to vector<1280x128xf32>
    %mul3A_22 = arith.mulf %add3A, %mul3A : vector<1280x128xf32>
    %get3A_23 = arith.constant 0 : index
    %get3A_24 = arith.constant 0 : index
    %get3A_25 = vector.load %arg3[%get3A_23, %get3A_24] : memref<1280x128xf32, #tpu.memory_space<vmem>>, vector<1280x128xf32>
    %add3A_26 = arith.addf %mul3A_22, %get3A_25 : vector<1280x128xf32>
    %get3A_27 = arith.constant 0 : index
    %get3A_28 = arith.constant 0 : index
    %get3A_29 = vector.load %arg4[%get3A_27, %get3A_28] : memref<1x1xf32, #tpu.memory_space<vmem>>, vector<1x1xf32>
    %get3A_30 = vector.extract %get3A_29[0, 0] : f32 from vector<1x1xf32>
    %ge3A = arith.constant 0.000000e+00 : f32
    %ge3A_31 = vector.broadcast %ge3A : f32 to vector<1280x128xf32>
    %ge3A_32 = arith.cmpf oge, %add3A_26, %ge3A_31 : vector<1280x128xf32>
    %mul3A_33 = vector.broadcast %get3A_30 : f32 to vector<1280x128xf32>
    %mul3A_34 = arith.mulf %mul3A_33, %add3A_26 : vector<1280x128xf32>
    %select_n3A = arith.select %ge3A_32, %add3A_26, %mul3A_34 : vector<1280x128xi1>, vector<1280x128xf32>
    %get3A_35 = arith.constant 0 : index
    %get3A_36 = arith.constant 0 : index
    %get3A_37 = vector.load %arg5[%get3A_35, %get3A_36] : memref<128x128xf32, #tpu.memory_space<vmem>>, vector<128x128xf32>
    %dot_general3A = arith.constant dense<0.000000e+00> : vector<1280x128xf32>
    %dot_general3A_38 = tpu.matmul %select_n3A, %get3A_37, %dot_general3A {dimension_numbers = #tpu.dot_dimension_numbers<[1], [1], [0], [0], [0, 0, 1, 0], [], []>, transpose_lhs_hint = false} : vector<1280x128xf32>, vector<128x128xf32>, vector<1280x128xf32> -> vector<1280x128xf32>
    %swap3A = arith.constant 0 : index
    %swap3A_39 = arith.constant 0 : index
    %swap3A_40 = vector.load %arg9[%swap3A, %swap3A_39] : memref<1280x128xf32, #tpu.memory_space<vmem>>, vector<1280x128xf32>
    tpu.vector_store %arg9[%swap3A, %swap3A_39], %dot_general3A_38 {strides = array<i32>} : memref<1280x128xf32, #tpu.memory_space<vmem>>, vector<1280x128xf32>,
    %get3A_41 = arith.constant 0 : index
    %get3A_42 = arith.constant 0 : index
    %get3A_43 = vector.load %arg6[%get3A_41, %get3A_42] : memref<128x128xf32, #tpu.memory_space<vmem>>, vector<128x128xf32>
    %dot_general3A_44 = arith.constant dense<0.000000e+00> : vector<1280x128xf32>
    %dot_general3A_45 = tpu.matmul %select_n3A, %get3A_43, %dot_general3A_44 {dimension_numbers = #tpu.dot_dimension_numbers<[1], [1], [0], [0], [0, 0, 1, 0], [], []>, transpose_lhs_hint = false} : vector<1280x128xf32>, vector<128x128xf32>, vector<1280x128xf32> -> vector<1280x128xf32>
    %get3A_46 = arith.constant 0 : index
    %get3A_47 = arith.constant 0 : index
    %get3A_48 = vector.load %arg7[%get3A_46, %get3A_47] : memref<1x128xf32, #tpu.memory_space<vmem>>, vector<1x128xf32>
    %add3A_49 = vector.broadcast %get3A_48 : vector<1x128xf32> to vector<1280x128xf32>
    %add3A_50 = arith.addf %dot_general3A_45, %add3A_49 : vector<1280x128xf32>
    %get3A_51 = arith.constant 0 : index
    %get3A_52 = arith.constant 0 : index
    %get3A_53 = vector.load %arg8[%get3A_51, %get3A_52] : memref<1x128xf32, #tpu.memory_space<vmem>>, vector<1x128xf32>
    %add3A_54 = vector.broadcast %get3A_53 : vector<1x128xf32> to vector<1280x128xf32>
    %add3A_55 = arith.addf %add3A_50, %add3A_54 : vector<1280x128xf32>
    %swap3A_56 = arith.constant 0 : index
    %swap3A_57 = arith.constant 0 : index
    %swap3A_58 = vector.load %arg10[%swap3A_56, %swap3A_57] : memref<1280x128xf32, #tpu.memory_space<vmem>>, vector<1280x128xf32>
    tpu.vector_store %arg10[%swap3A_56, %swap3A_57], %add3A_55 {strides = array<i32>} : memref<1280x128xf32, #tpu.memory_space<vmem>>, vector<1280x128xf32>,
    return
  }
  func.func @transform_0(%arg0: i32) -> (i32, i32, i32) {
    %c0_i32 = arith.constant 0 : i32
    %c0_i32_0 = arith.constant 0 : i32
    %c0_i32_1 = arith.constant 0 : i32
    return %c0_i32, %arg0, %c0_i32_0 : i32, i32, i32
  }
  func.func @transform_1(%arg0: i32) -> (i32, i32) {
    %c0_i32 = arith.constant 0 : i32
    %c0_i32_0 = arith.constant 0 : i32
    return %c0_i32, %arg0 : i32, i32
  }
  func.func @transform_2(%arg0: i32) -> (i32, i32) {
    %c0_i32 = arith.constant 0 : i32
    %c0_i32_0 = arith.constant 0 : i32
    return %arg0, %c0_i32 : i32, i32
  }
  func.func @transform_3(%arg0: i32) -> (i32, i32) {
    %c0_i32 = arith.constant 0 : i32
    %c0_i32_0 = arith.constant 0 : i32
    %c0_i32_1 = arith.constant 0 : i32
    return %c0_i32, %c0_i32_0 : i32, i32
  }
  func.func @transform_4(%arg0: i32) -> (i32, i32) {
    %c0_i32 = arith.constant 0 : i32
    %c0_i32_0 = arith.constant 0 : i32
    %c0_i32_1 = arith.constant 0 : i32
    return %c0_i32, %c0_i32_0 : i32, i32
  }
  func.func @transform_5(%arg0: i32) -> (i32, i32) {
    %c0_i32 = arith.constant 0 : i32
    %c0_i32_0 = arith.constant 0 : i32
    %c0_i32_1 = arith.constant 0 : i32
    return %c0_i32, %c0_i32_0 : i32, i32
  }
  func.func @transform_6(%arg0: i32) -> (i32, i32) {
    %c0_i32 = arith.constant 0 : i32
    %c0_i32_0 = arith.constant 0 : i32
    %c0_i32_1 = arith.constant 0 : i32
    return %c0_i32, %c0_i32_0 : i32, i32
  }
  func.func @transform_7(%arg0: i32) -> (i32, i32) {
    %c0_i32 = arith.constant 0 : i32
    %c0_i32_0 = arith.constant 0 : i32
    %c0_i32_1 = arith.constant 0 : i32
    return %c0_i32, %c0_i32_0 : i32, i32
  }
  func.func @transform_8(%arg0: i32) -> (i32, i32) {
    %c0_i32 = arith.constant 0 : i32
    %c0_i32_0 = arith.constant 0 : i32
    return %arg0, %c0_i32 : i32, i32
  }
  func.func @transform_9(%arg0: i32) -> (i32, i32) {
    %c0_i32 = arith.constant 0 : i32
    %c0_i32_0 = arith.constant 0 : i32
    return %arg0, %c0_i32 : i32, i32
  }
}

module attributes {stable_mosaic.version = 14 : i64} {
  func.func @_tc_first_body(%arg0: i32, %arg1: memref<1280x128xf32, #tpu.memory_space<vmem>>, %arg2: memref<128x128xf32, #tpu.memory_space<vmem>>, %arg3: memref<128x128xf32, #tpu.memory_space<vmem>>, %arg4: memref<1x128xf32, #tpu.memory_space<vmem>>, %arg5: memref<1x128xf32, #tpu.memory_space<vmem>>, %arg6: memref<1280x128xf32, #tpu.memory_space<vmem>>, %arg7: memref<1280x128xf32, #tpu.memory_space<vmem>>) attributes {dimension_semantics = [#tpu.dimension_semantics<arbitrary>], iteration_bounds = array<i64: 8>, scalar_prefetch = 0 : i64, scratch_operands = 0 : i64, tpu.core_type = #tpu.core_type<tc>, window_params = [{transform_indices = @transform_0, window_bounds = array<i64: 1280, 128>}, {pipeline_mode = #tpu.pipeline_mode<synchronous>, transform_indices = @transform_1, window_bounds = array<i64: 128, 128>}, {pipeline_mode = #tpu.pipeline_mode<synchronous>, transform_indices = @transform_2, window_bounds = array<i64: 128, 128>}, {pipeline_mode = #tpu.pipeline_mode<synchronous>, transform_indices = @transform_3, window_bounds = array<i64: 1, 128>}, {pipeline_mode = #tpu.pipeline_mode<synchronous>, transform_indices = @transform_4, window_bounds = array<i64: 1, 128>}, {transform_indices = @transform_5, window_bounds = array<i64: 1280, 128>}, {transform_indices = @transform_6, window_bounds = array<i64: 1280, 128>}]} {
    %get3A = arith.constant 0 : index
    %get3A_0 = arith.constant 0 : index
    %get3A_1 = vector.load %arg1[%get3A, %get3A_0] : memref<1280x128xf32, #tpu.memory_space<vmem>>, vector<1280x128xf32>
    %get3A_2 = arith.constant 0 : index
    %get3A_3 = arith.constant 0 : index
    %get3A_4 = vector.load %arg2[%get3A_2, %get3A_3] : memref<128x128xf32, #tpu.memory_space<vmem>>, vector<128x128xf32>
    %dot_general3A = arith.constant dense<0.000000e+00> : vector<1280x128xf32>
    %dot_general3A_5 = tpu.matmul %get3A_1, %get3A_4, %dot_general3A {dimension_numbers = #tpu.dot_dimension_numbers<[1], [1], [0], [0], [0, 0, 1, 0], [], []>, transpose_lhs_hint = false} : vector<1280x128xf32>, vector<128x128xf32>, vector<1280x128xf32> -> vector<1280x128xf32>
    %swap3A = arith.constant 0 : index
    %swap3A_6 = arith.constant 0 : index
    %swap3A_7 = vector.load %arg6[%swap3A, %swap3A_6] : memref<1280x128xf32, #tpu.memory_space<vmem>>, vector<1280x128xf32>
    tpu.vector_store %arg6[%swap3A, %swap3A_6], %dot_general3A_5 {strides = array<i32>} : memref<1280x128xf32, #tpu.memory_space<vmem>>, vector<1280x128xf32>,
    %get3A_8 = arith.constant 0 : index
    %get3A_9 = arith.constant 0 : index
    %get3A_10 = vector.load %arg3[%get3A_8, %get3A_9] : memref<128x128xf32, #tpu.memory_space<vmem>>, vector<128x128xf32>
    %dot_general3A_11 = arith.constant dense<0.000000e+00> : vector<1280x128xf32>
    %dot_general3A_12 = tpu.matmul %get3A_1, %get3A_10, %dot_general3A_11 {dimension_numbers = #tpu.dot_dimension_numbers<[1], [1], [0], [0], [0, 0, 1, 0], [], []>, transpose_lhs_hint = false} : vector<1280x128xf32>, vector<128x128xf32>, vector<1280x128xf32> -> vector<1280x128xf32>
    %get3A_13 = arith.constant 0 : index
    %get3A_14 = arith.constant 0 : index
    %get3A_15 = vector.load %arg4[%get3A_13, %get3A_14] : memref<1x128xf32, #tpu.memory_space<vmem>>, vector<1x128xf32>
    %add3A = vector.broadcast %get3A_15 : vector<1x128xf32> to vector<1280x128xf32>
    %add3A_16 = arith.addf %dot_general3A_12, %add3A : vector<1280x128xf32>
    %get3A_17 = arith.constant 0 : index
    %get3A_18 = arith.constant 0 : index
    %get3A_19 = vector.load %arg5[%get3A_17, %get3A_18] : memref<1x128xf32, #tpu.memory_space<vmem>>, vector<1x128xf32>
    %add3A_20 = vector.broadcast %get3A_19 : vector<1x128xf32> to vector<1280x128xf32>
    %add3A_21 = arith.addf %add3A_16, %add3A_20 : vector<1280x128xf32>
    %swap3A_22 = arith.constant 0 : index
    %swap3A_23 = arith.constant 0 : index
    %swap3A_24 = vector.load %arg7[%swap3A_22, %swap3A_23] : memref<1280x128xf32, #tpu.memory_space<vmem>>, vector<1280x128xf32>
    tpu.vector_store %arg7[%swap3A_22, %swap3A_23], %add3A_21 {strides = array<i32>} : memref<1280x128xf32, #tpu.memory_space<vmem>>, vector<1280x128xf32>,
    return
  }
  func.func @transform_0(%arg0: i32) -> (i32, i32) {
    %c0_i32 = arith.constant 0 : i32
    %c0_i32_0 = arith.constant 0 : i32
    return %arg0, %c0_i32 : i32, i32
  }
  func.func @transform_1(%arg0: i32) -> (i32, i32) {
    %c0_i32 = arith.constant 0 : i32
    %c0_i32_0 = arith.constant 0 : i32
    %c0_i32_1 = arith.constant 0 : i32
    return %c0_i32, %c0_i32_0 : i32, i32
  }
  func.func @transform_2(%arg0: i32) -> (i32, i32) {
    %c0_i32 = arith.constant 0 : i32
    %c0_i32_0 = arith.constant 0 : i32
    %c0_i32_1 = arith.constant 0 : i32
    return %c0_i32, %c0_i32_0 : i32, i32
  }
  func.func @transform_3(%arg0: i32) -> (i32, i32) {
    %c0_i32 = arith.constant 0 : i32
    %c0_i32_0 = arith.constant 0 : i32
    %c0_i32_1 = arith.constant 0 : i32
    return %c0_i32, %c0_i32_0 : i32, i32
  }
  func.func @transform_4(%arg0: i32) -> (i32, i32) {
    %c0_i32 = arith.constant 0 : i32
    %c0_i32_0 = arith.constant 0 : i32
    %c0_i32_1 = arith.constant 0 : i32
    return %c0_i32, %c0_i32_0 : i32, i32
  }
  func.func @transform_5(%arg0: i32) -> (i32, i32) {
    %c0_i32 = arith.constant 0 : i32
    %c0_i32_0 = arith.constant 0 : i32
    return %arg0, %c0_i32 : i32, i32
  }
  func.func @transform_6(%arg0: i32) -> (i32, i32) {
    %c0_i32 = arith.constant 0 : i32
    %c0_i32_0 = arith.constant 0 : i32
    return %arg0, %c0_i32 : i32, i32
  }
}

module attributes {stable_mosaic.version = 14 : i64} {
  func.func @_tc_final_body(%arg0: i32, %arg1: memref<2x1000x128xf32, #tpu.memory_space<vmem>>, %arg2: memref<1000x2xf32, #tpu.memory_space<vmem>>, %arg3: memref<1000x128xf32, #tpu.memory_space<vmem>>, %arg4: memref<1x1xf32, #tpu.memory_space<vmem>>, %arg5: memref<128x128xf32, #tpu.memory_space<vmem>>, %arg6: memref<1x128xf32, #tpu.memory_space<vmem>>, %arg7: memref<1000x128xf32, #tpu.memory_space<vmem>>) attributes {dimension_semantics = [#tpu.dimension_semantics<arbitrary>], iteration_bounds = array<i64: 10>, scalar_prefetch = 0 : i64, scratch_operands = 0 : i64, tpu.core_type = #tpu.core_type<tc>, window_params = [{transform_indices = @transform_0, window_bounds = array<i64: 2, 1000, 128>}, {transform_indices = @transform_1, window_bounds = array<i64: 1000, 2>}, {transform_indices = @transform_2, window_bounds = array<i64: 1000, 128>}, {pipeline_mode = #tpu.pipeline_mode<synchronous>, transform_indices = @transform_3, window_bounds = array<i64: 1, 1>}, {pipeline_mode = #tpu.pipeline_mode<synchronous>, transform_indices = @transform_4, window_bounds = array<i64: 128, 128>}, {pipeline_mode = #tpu.pipeline_mode<synchronous>, transform_indices = @transform_5, window_bounds = array<i64: 1, 128>}, {transform_indices = @transform_6, window_bounds = array<i64: 1000, 128>}]} {
    %get3A = arith.constant 0 : index
    %get3A_0 = arith.constant 0 : index
    %get3A_1 = arith.constant 0 : index
    %get3A_2 = vector.load %arg1[%get3A, %get3A_0, %get3A_1] : memref<2x1000x128xf32, #tpu.memory_space<vmem>>, vector<1x1000x128xf32>
    %get3A_3 = vector.shape_cast %get3A_2 : vector<1x1000x128xf32> to vector<1000x128xf32>
    %get3A_4 = arith.constant 1 : index
    %get3A_5 = arith.constant 0 : index
    %get3A_6 = arith.constant 0 : index
    %get3A_7 = vector.load %arg1[%get3A_4, %get3A_5, %get3A_6] : memref<2x1000x128xf32, #tpu.memory_space<vmem>>, vector<1x1000x128xf32>
    %get3A_8 = vector.shape_cast %get3A_7 : vector<1x1000x128xf32> to vector<1000x128xf32>
    %add3A = arith.addf %get3A_3, %get3A_8 : vector<1000x128xf32>
    %get3A_9 = arith.constant 0 : index
    %get3A_10 = arith.constant 0 : index
    %get3A_11 = vector.load %arg2[%get3A_9, %get3A_10] : memref<1000x2xf32, #tpu.memory_space<vmem>>, vector<1000x1xf32>
    %get3A_12 = vector.shape_cast %get3A_11 : vector<1000x1xf32> to vector<1000xf32>
    %get3A_13 = arith.constant 0 : index
    %get3A_14 = arith.constant 1 : index
    %get3A_15 = vector.load %arg2[%get3A_13, %get3A_14] : memref<1000x2xf32, #tpu.memory_space<vmem>>, vector<1000x1xf32>
    %get3A_16 = vector.shape_cast %get3A_15 : vector<1000x1xf32> to vector<1000xf32>
    %add3A_17 = arith.addf %get3A_12, %get3A_16 : vector<1000xf32>
    %max3A = arith.constant 1.000000e+00 : f32
    %max3A_18 = vector.broadcast %max3A : f32 to vector<1000xf32>
    %max3A_19 = arith.maximumf %add3A_17, %max3A_18 : vector<1000xf32>
    %div3A = arith.constant 1.000000e+00 : f32
    %div3A_20 = vector.broadcast %div3A : f32 to vector<1000xf32>
    %div3A_21 = arith.divf %div3A_20, %max3A_19 : vector<1000xf32>
    %broadcast_in_dim3A = vector.shape_cast %div3A_21 : vector<1000xf32> to vector<1000x1xf32>
    %mul3A = vector.broadcast %broadcast_in_dim3A : vector<1000x1xf32> to vector<1000x128xf32>
    %mul3A_22 = arith.mulf %add3A, %mul3A : vector<1000x128xf32>
    %get3A_23 = arith.constant 0 : index
    %get3A_24 = arith.constant 0 : index
    %get3A_25 = vector.load %arg3[%get3A_23, %get3A_24] : memref<1000x128xf32, #tpu.memory_space<vmem>>, vector<1000x128xf32>
    %add3A_26 = arith.addf %mul3A_22, %get3A_25 : vector<1000x128xf32>
    %get3A_27 = arith.constant 0 : index
    %get3A_28 = arith.constant 0 : index
    %get3A_29 = vector.load %arg4[%get3A_27, %get3A_28] : memref<1x1xf32, #tpu.memory_space<vmem>>, vector<1x1xf32>
    %get3A_30 = vector.extract %get3A_29[0, 0] : f32 from vector<1x1xf32>
    %ge3A = arith.constant 0.000000e+00 : f32
    %ge3A_31 = vector.broadcast %ge3A : f32 to vector<1000x128xf32>
    %ge3A_32 = arith.cmpf oge, %add3A_26, %ge3A_31 : vector<1000x128xf32>
    %mul3A_33 = vector.broadcast %get3A_30 : f32 to vector<1000x128xf32>
    %mul3A_34 = arith.mulf %mul3A_33, %add3A_26 : vector<1000x128xf32>
    %select_n3A = arith.select %ge3A_32, %add3A_26, %mul3A_34 : vector<1000x128xi1>, vector<1000x128xf32>
    %get3A_35 = arith.constant 0 : index
    %get3A_36 = arith.constant 0 : index
    %get3A_37 = vector.load %arg5[%get3A_35, %get3A_36] : memref<128x128xf32, #tpu.memory_space<vmem>>, vector<128x128xf32>
    %dot_general3A = arith.constant dense<0.000000e+00> : vector<1000x128xf32>
    %dot_general3A_38 = tpu.matmul %select_n3A, %get3A_37, %dot_general3A {dimension_numbers = #tpu.dot_dimension_numbers<[1], [1], [0], [0], [0, 0, 1, 0], [], []>, transpose_lhs_hint = false} : vector<1000x128xf32>, vector<128x128xf32>, vector<1000x128xf32> -> vector<1000x128xf32>
    %get3A_39 = arith.constant 0 : index
    %get3A_40 = arith.constant 0 : index
    %get3A_41 = vector.load %arg6[%get3A_39, %get3A_40] : memref<1x128xf32, #tpu.memory_space<vmem>>, vector<1x128xf32>
    %add3A_42 = vector.broadcast %get3A_41 : vector<1x128xf32> to vector<1000x128xf32>
    %add3A_43 = arith.addf %dot_general3A_38, %add3A_42 : vector<1000x128xf32>
    %swap3A = arith.constant 0 : index
    %swap3A_44 = arith.constant 0 : index
    %swap3A_45 = vector.load %arg7[%swap3A, %swap3A_44] : memref<1000x128xf32, #tpu.memory_space<vmem>>, vector<1000x128xf32>
    tpu.vector_store %arg7[%swap3A, %swap3A_44], %add3A_43 {strides = array<i32>} : memref<1000x128xf32, #tpu.memory_space<vmem>>, vector<1000x128xf32>,
    return
  }
  func.func @transform_0(%arg0: i32) -> (i32, i32, i32) {
    %c0_i32 = arith.constant 0 : i32
    %c0_i32_0 = arith.constant 0 : i32
    %c0_i32_1 = arith.constant 0 : i32
    return %c0_i32, %arg0, %c0_i32_0 : i32, i32, i32
  }
  func.func @transform_1(%arg0: i32) -> (i32, i32) {
    %c0_i32 = arith.constant 0 : i32
    %c0_i32_0 = arith.constant 0 : i32
    return %arg0, %c0_i32 : i32, i32
  }
  func.func @transform_2(%arg0: i32) -> (i32, i32) {
    %c0_i32 = arith.constant 0 : i32
    %c0_i32_0 = arith.constant 0 : i32
    return %arg0, %c0_i32 : i32, i32
  }
  func.func @transform_3(%arg0: i32) -> (i32, i32) {
    %c0_i32 = arith.constant 0 : i32
    %c0_i32_0 = arith.constant 0 : i32
    %c0_i32_1 = arith.constant 0 : i32
    return %c0_i32, %c0_i32_0 : i32, i32
  }
  func.func @transform_4(%arg0: i32) -> (i32, i32) {
    %c0_i32 = arith.constant 0 : i32
    %c0_i32_0 = arith.constant 0 : i32
    %c0_i32_1 = arith.constant 0 : i32
    return %c0_i32, %c0_i32_0 : i32, i32
  }
  func.func @transform_5(%arg0: i32) -> (i32, i32) {
    %c0_i32 = arith.constant 0 : i32
    %c0_i32_0 = arith.constant 0 : i32
    %c0_i32_1 = arith.constant 0 : i32
    return %c0_i32, %c0_i32_0 : i32, i32
  }
  func.func @transform_6(%arg0: i32) -> (i32, i32) {
    %c0_i32 = arith.constant 0 : i32
    %c0_i32_0 = arith.constant 0 : i32
    return %arg0, %c0_i32 : i32, i32
  }
}

</mosaic_0001>

<sc_bundles>
// kernel: kernel.11.cloned.1.call-start
scs
__scs_entry_jumppad:
0x0: {  	(pc) =	sbr.rel $0x88, $3  }
0x1: {  	(tag) =	ssettag $0x0;
	lr =	simm.s32 $0x1  }
0x2: {  	[smem:$0x3F8D] =	sst lr;
	_ =	strace $0xD0000000  }
0x3: {  	_ = 	snop  }
0x4: {  	_ = 	snop  }
0x5: {  	_ = 	snop  }
0x6: {  	_ = 	snop  }
0x7: {  	_ = 	snop  }
__scs_overlays_trampoline_lowered:
0x8: {  	[smem:$0x3F9C] =	sst s0  }
0x9: {  	[smem:$0x3F9D] =	sst s1  }
0xa: {  	[smem:$0x3F9E] =	sst s2  }
0xb: {  	[smem:$0x3F9F] =	sst s3  }
0xc: {  	[smem:$0x3FA0] =	sst s4  }
0xd: {  	[smem:$0x3FA1] =	sst s5  }
0xe: {  	[smem:$0x3FA2] =	sst s6  }
0xf: {  	[smem:$0x3FA3] =	sst s7  }
0x10: {  	[smem:$0x3FA4] =	sst s8  }
0x11: {  	[smem:$0x3FA5] =	sst s9;
	s0 =	simm.s32 @!p0 $0x0  }
0x12: {  	s1 =	sld [smem:$0x3F8B];
	s0 =	simm.s32 @p0 $0x1  }
0x13: {  	[smem:$0x3FA6] =	sst s0;
	s0 =	simm.s32 @!p1 $0x0  }
0x14: {  	s2 =	sld [smem:$0x3F8A];
	s0 =	simm.s32 @p1 $0x1  }
0x15: {  	[smem:$0x3FA7] =	sst s0;
	s0 =	simm.s32 @!p2 $0x0  }
0x16: {  	s3 =	sld [smem:$0x3FDB];
	s0 =	simm.s32 @p2 $0x1  }
0x17: {  	s4 =	simm.s32 $0x1BF5;
	[smem:$0x3FA9] =	sst s0  }
0x18: {  	s0 =	sld [smem:$0x3F8C];
	_ =	swait.ge [sflag:s4], $0x0  }
0x19: {  	s7 =	sld [smem:$0x3F8D]  }
0x1a: {  	s8 =	sadd.s32 $0xFFFFE003, lr  }
0x1b: {  	s9 =	sadd.s32 $0xFFFFFEF7, lr;
	s5 =	simm.s32 $0xFFFFFFFF;
	p2 =	slt.u32 s8, $0xFFFFF086  }
0x1c: {  	p1 =	slt.u32 s9, $0xF7A;
	s5 =	simm.s32 @!p2 $0x0  }
0x1d: {  	s5 =	simm.s32 @p1 $0x1;
	p0 =	seq.s32 s7, s2  }
0x1e: {  	s7 =	smul.u32 @!p0 $0xF7A, s2;
	p2 =	seq.s32 @!p0 s5, $0x0  }
0x1f: {  	s9 =	smul.u32 $0xF7A, s1;
	s8 =	simm.s32 @!p0 $0x1BF5;
	p2 =	por !p2, p0  }
0x20: {  	[sflag:s8] =	ssyncset.s32 @!p0 $0xFFFFF086;
	s6 =	sadd.s32 @!p0 s3, s7;
	s7 =	simm.s32 @!p0 $0x108  }
0x21: {  	s3 =	sadd.s32 s3, s9;
	s6 =	sadd.s32 @!p0 $0x88, s6;
	s7 =	simm.s32 @p2 $0x1082  }
0x22: {  	[simem:s7], [sflag:s8] =	dma.local @!p0 [hbm:s6], $0xF7A  }
0x23: {  	s9 =	sor.u32 $0xD0000000, s2;
	s6 =	simm.s32 $0x108;
	_ =	swait.ge @!p0 [sflag:s8], $0x0  }
0x24: {  	s3 =	sadd.s32 $0x88, s3;
	s6 =	simm.s32 @!p1 $0x1082;
	[sflag:s4] =	ssyncset.s32 $0xFFFFF086  }
0x25: {  	[simem:s6], [sflag:s4] =	dma.local [hbm:s3], $0xF7A  }
0x26: {  	[smem:$0x3F8D] =	sst s1;
	(tag) =	ssettag s2;
	_ =	strace s9  }
0x27: {  	s1 =	sld [smem:$0x3F9D]  }
0x28: {  	s2 =	sld [smem:$0x3F9E]  }
0x29: {  	s4 =	sld [smem:$0x3FA0]  }
0x2a: {  	p0 =	seq.s32 s5, $0x0;
	s5 =	sld [smem:$0x3FA1]  }
0x2b: {  	s6 =	sld [smem:$0x3FA2]  }
0x2c: {  	s7 =	sld [smem:$0x3FA3]  }
0x2d: {  	s3 =	simm.s32 $0x108;
	s8 =	sld [smem:$0x3FA4]  }
0x2e: {  	s3 =	simm.s32 @!p0 $0x1082;
	s9 =	sld [smem:$0x3FA5]  }
0x2f: {  	lr =	sadd.s32 s0, s3;
	s0 =	sld [smem:$0x3F9C]  }
0x30: {  	s3 =	sld [smem:$0x3F9F]  }
0x31: {  	[smem:$0x3FA8] =	sst s10  }
0x32: {  	s10 =	sld [smem:$0x3FA6];
	_ =	sdelay $0x3  }
0x33: {  	p0 =	seq.s32 s10, $0x1;
	s10 =	sld [smem:$0x3FA8];
	_ =	sdelay $0x3  }
0x34: {  	[smem:$0x3FA8] =	sst s10  }
0x35: {  	s10 =	sld [smem:$0x3FA7];
	_ =	sdelay $0x3  }
0x36: {  	p1 =	seq.s32 s10, $0x1;
	s10 =	sld [smem:$0x3FA8];
	_ =	sdelay $0x3  }
0x37: {  	[smem:$0x3FA8] =	sst s10  }
0x38: {  	s10 =	sld [smem:$0x3FA9]  }
0x39: {  	_ = 	snop;
	(pc) =	sbr.ind lr, $3  }
0x3a: {  	_ = 	snop  }
0x3b: {  	_ = 	snop  }
0x3c: {  	p2 =	seq.s32 s10, $0x1;
	s10 =	sld [smem:$0x3FA8]  }
0x3d: {  	_ =	shalt  }
0x3e: {  	_ =	shalt  }
0x3f: {  	_ =	shalt  }
0x40: {  	_ =	shalt  }
0x41: {  	_ =	shalt  }
0x42: {  	_ =	shalt  }
0x43: {  	_ =	shalt  }
0x44: {  	_ =	shalt  }
0x45: {  	_ =	shalt  }
0x46: {  	_ =	shalt  }
0x47: {  	_ =	shalt  }
0x48: {  	_ =	shalt  }
0x49: {  	_ =	shalt  }
0x4a: {  	_ =	shalt  }
0x4b: {  	_ =	shalt  }
0x4c: {  	_ =	shalt  }
0x4d: {  	_ =	shalt  }
0x4e: {  	_ =	shalt  }
0x4f: {  	_ =	shalt  }
0x50: {  	_ =	shalt  }
0x51: {  	_ =	shalt  }
0x52: {  	_ =	shalt  }
0x53: {  	_ =	shalt  }
0x54: {  	_ =	shalt  }
0x55: {  	_ =	shalt  }
0x56: {  	_ =	shalt  }
0x57: {  	_ =	shalt  }
0x58: {  	_ =	shalt  }
0x59: {  	_ =	shalt  }
0x5a: {  	_ =	shalt  }
0x5b: {  	_ =	shalt  }
0x5c: {  	_ =	shalt  }
0x5d: {  	_ =	shalt  }
0x5e: {  	_ =	shalt  }
0x5f: {  	_ =	shalt  }
0x60: {  	_ =	shalt  }
0x61: {  	_ =	shalt  }
0x62: {  	_ =	shalt  }
0x63: {  	_ =	shalt  }
0x64: {  	_ =	shalt  }
0x65: {  	_ =	shalt  }
0x66: {  	_ =	shalt  }
0x67: {  	_ =	shalt  }
0x68: {  	_ =	shalt  }
0x69: {  	_ =	shalt  }
0x6a: {  	_ =	shalt  }
0x6b: {  	_ =	shalt  }
0x6c: {  	_ =	shalt  }
0x6d: {  	_ =	shalt  }
0x6e: {  	_ =	shalt  }
0x6f: {  	_ =	shalt  }
0x70: {  	_ =	shalt  }
0x71: {  	_ =	shalt  }
0x72: {  	_ =	shalt  }
0x73: {  	_ =	shalt  }
0x74: {  	_ =	shalt  }
0x75: {  	_ =	shalt  }
0x76: {  	_ =	shalt  }
0x77: {  	_ =	shalt  }
0x78: {  	_ =	shalt  }
0x79: {  	_ =	shalt  }
0x7a: {  	_ =	shalt  }
0x7b: {  	_ =	shalt  }
0x7c: {  	_ =	shalt  }
0x7d: {  	_ =	shalt  }
0x7e: {  	_ =	shalt  }
0x7f: {  	_ =	shalt  }
0x80: {  	_ =	shalt  }
0x81: {  	_ =	shalt  }
0x82: {  	_ =	shalt  }
0x83: {  	_ =	shalt  }
0x84: {  	_ =	shalt  }
0x85: {  	_ =	shalt  }
0x86: {  	_ =	shalt  }
0x87: {  	_ =	shalt  }
.Lfunc_end0:
.L_simem_size_0:
called_computation_lowered:
.L_overlay_start_0:
0x88: {  	s2 =	sld [smem:$0x3FD9]  }
0x89: {  	s3 =	sld [smem:$0x3FFE];
	_ =	sdelay $0x1  }
0x8a: {  	s1 =	srdreg.scid  }
0x8b: {  	s0 =	sand.u32 $0x1, s1  }
0x8c: {  	s17 =	sshll.u32 s0, $0xA;
	s2 =	sadd.s32 s3, s2  }
0x8d: {  	s2 =	sadd.s32 s2, s17  }
0x8e: {  	[smem:$0x3FB4] =	sst s2  }
0x8f: {  	_ = 	snop  }
0x90: {  	s2 =	sld [smem:$0x3FC7];
	(tm) =	ssettm $0x1  }
0x91: {  	s18 =	sld [smem:$0x3FFB];
	_ =	sdelay $0x3  }
0x92: {  	_ =	strace s18  }
0x93: {  	s3 =	sld [smem:$0x3FFC];
	_ =	sdelay $0x3  }
0x94: {  	_ =	strace s3  }
0x95: {  	s3 =	sld [smem:$0x3FFD];
	_ =	sdelay $0x3  }
0x96: {  	_ =	strace s3  }
0x97: {  	_ =	strace $0x8FFFFFFF  }
0x98: {  	s19 =	sld [smem:$0x3FDB];
	_ =	sdelay $0x1  }
0x99: {  	s4 =	simm.s32 $_scs_section_size  }
0x9a: {  	s5 =	simm.s32 $_size__tile_overlayer_lowered;
	s6 =	simm.s32 $_tile_overlayer_lowered  }
0x9b: {  	s22 =	simm.s32 $0x1BFF;
	s21 =	sshll.u32 s6, $0x1;
	s3 =	sadd.s32 s4, s19  }
0x9c: {  	s7 =	simm.s32 $0x0;
	s20 =	sshll.u32 s5, $0x1;
	s5 =	sadd.s32 s21, s3  }
0x9d: {  	[timem:s7], [sflag:s22] =	dma.local [hbm:s5], s20  }
0x9e: {  	_ =	swait.ge [sflag:s22], s20  }
0x9f: {  	s4 =	ssub.s32 $0x0, s20;
	[sflag:s22] =	ssyncset.done $0x0  }
0xa0: {  	[sflag:s22] =	ssyncadd.s32 s4;
	_ =	sdelay $0x1  }
0xa1: {  	s23 =	simm.s32 $0x1B8B  }
0xa2: {  	_ =	swait.ge [sflag:s23], $0x1  }
0xa3: {  	[sflag:s23] =	ssyncset.done $0x0  }
0xa4: {  	s25 =	simm.s32 $0x1B8E;
	s24 =	sld [smem:$0x3FFE];
	[sflag:s23] =	ssyncadd.s32 $0xFFFFFFFF  }
0xa5: {  	s26 =	simm.s32 $execute0_lowered;
	[smem:$0x3FD2] =	sst s25  }
0xa6: {  	s5 =	sshll.u32 s26, $0x1;
	_ =	strace $0x80000046;
	[dreg:$0x1] =	wrdreg $0xFFFFFFFF  }
0xa7: {  	s28 =	simm.s32 $_size_execute0_lowered;
	s3 =	sadd.s32 s3, s5;
	[dreg:$0x0] =	wrdreg $0x0  }
0xa8: {  	s5 =	sshll.u32 s28, $0x1;
	[dreg:$0x2] =	wrdreg s3  }
0xa9: {  	[dreg:$0x3] =	wrdreg s5  }
0xaa: {  	[dreg:$0x4] =	wrdreg $0xC0  }
0xab: {  	_ =	task [dreg:s7], $0x5FFFF  }
0xac: {  	[dreg:$0x1] =	wrdreg $0xFFFFFFFF  }
0xad: {  	[dreg:$0x0] =	wrdreg $0x60  }
0xae: {  	[dreg:$0x2] =	wrdreg s24  }
0xaf: {  	[dreg:$0x3] =	wrdreg s2  }
0xb0: {  	[dreg:$0x4] =	wrdreg $0xA  }
0xb1: {  	_ =	task.clear_ibuf [dreg:s7], $0x5FFFF;
	_ =	strace $0x90000046  }
0xb2: {  	s29 =	simm.s32 $0xA;
	_ =	strace $0x80000048  }
0xb3: {  	_ =	swait.ge [sflag:s29], $0x1  }
0xb4: {  	[sflag:s29] =	ssyncadd.s32 $0xFFFFFFFF  }
0xb5: {  	_ =	strace $0x90000048  }
0xb6: {  	_ =	sfence  }
0xb7: {  	s30 =	sld [smem:$0x0];
	_ =	sdelay $0x2  }
0xb8: {  	s31 =	sshll.u32 s1, $0xD;
	s1 =	sshrl.u32 s1, $0x2  }
0xb9: {  	s3 =	sand.u32 $0x4000, s31;
	s1 =	sadd.s32 s1, s30  }
0xba: {  	s0 =	sor.u32 s3, s0;
	s1 =	sshll.u32 s1, $0x11  }
0xbb: {  	s0 =	sor.u32 s1, s0  }
0xbc: {  	s0 =	sadd.s32 $0x8F2B, s0  }
0xbd: {  	[sflag:s0] =	ssyncadd.remote.s32 $0x1  }
0xbe: {  	_ =	sfence.sel $0xFFFF  }
0xbf: {  	[dreg:$0x0] =	wrdreg $0xFFFFFFFF;
	(pc) =	sbr.abs _section_cstart, $3  }
0xc0: {  	[dreg:$0x1] =	wrdreg $0xFFFFFFFF  }
0xc1: {  	_ =	task.clear_ibuf [dreg:s7], $0x2FFFF;
	_ =	strace $0x9FFFFFFF  }
0xc2: {  	(tm) =	ssettm $0x7FFFFFFF  }
0xc3: {  	_ =	shalt  }
tec
execute0_lowered:
.L_overlay_start_1:
0x0: {  	(tag) =	ssettag $0x1  }
0x1: {  	s1 =	srdreg.scid;
	s0 =	stileid.u32  }
0x2: {  	s14 =	sand.u32 $0x1, s1;
	s29 =	sshll.u32 s0, $0x1  }
0x3: {  	s15 =	rddreg [dreg:$0x0];
	s16 =	sor.u32 s14, s29  }
0x4: {  	s2 =	rddreg [dreg:$0x1];
	s4 =	smul.u32 $0x28, s16  }
0x5: {  	s3 =	simm.s32 $0x0;
	s1 =	rddreg [dreg:$0x2]  }
0x6: {  	[smem:$0x7FF] =	sst s3;
	s4 =	sadd.s32 s4, s15  }
0x7: {  	_ =	strace $0x80000047;
	s5 =	sadd.s32 $0x3C00, s4;
	s4 =	simm.s32 $0x2  }
0x8: {  	[tilespmem:s3], [sflag:$0x2] =	stream.linear.gather [hbm4b:s5+s3], $0x140, $0x38;
	[tilespmem:$0xA180] =	vst v63  }
0x9: {  	_ =	swait.ge [sflag:s4], $0x140  }
0xa: {  	[sflag:s4] =	ssyncset.done $0x0  }
0xb: {  	s6 =	simm.s32 $0x50;
	s7 =	simm.s32 $0x180;
	[sflag:s4] =	ssyncadd.s32 $0xFFFFFEC0  }
0xc: {  	[tilespmem:s7], [sflag:$0x1] =	stream.indirect.gather [hbm4b:s2+s6], $0x80, s3, s6, $0xb8;
	[tilespmem:$0xA180] =	vst v63  }
0xd: {  	s8 =	simm.s32 $0x2980  }
0xe: {  	[tilespmem:s8], [sflag:$0x1] =	stream.indirect.gather [hbm4b:s2+s6], $0x80, s6, s6, $0xb8;
	[tilespmem:$0xA180] =	vst v63  }
0xf: {  	s9 =	simm.s32 $0xA0;
	s10 =	simm.s32 $0x5180  }
0x10: {  	[tilespmem:s10], [sflag:$0x1] =	stream.indirect.gather [hbm4b:s2+s6], $0x80, s9, s6, $0xb8;
	[tilespmem:$0xA180] =	vst v63  }
0x11: {  	s11 =	simm.s32 $0xF0;
	s12 =	simm.s32 $0x7980;
	s13 =	simm.s32 $0x1  }
0x12: {  	[tilespmem:s12], [sflag:$0x1] =	stream.indirect.gather [hbm4b:s2+s6], $0x80, s11, s6, $0xb8;
	[tilespmem:$0xA180] =	vst v63  }
0x13: {  	_ =	swait.ge [sflag:s13], $0x2800  }
0x14: {  	[sflag:s13] =	ssyncset.done $0x0  }
0x15: {  	[sflag:s13] =	ssyncadd.s32 $0xFFFFD800  }
0x16: {  	_ =	swait.ge [sflag:s13], $0x2800  }
0x17: {  	[sflag:s13] =	ssyncset.done $0x0  }
0x18: {  	s14 =	ssub.s32 $0x2, s14;
	[sflag:s13] =	ssyncadd.s32 $0xFFFFD800  }
0x19: {  	s17 =	sshrl.u32 s14, $0x1;
	_ =	swait.ge [sflag:s13], $0x2800  }
0x1a: {  	s30 =	ssub.s32 s14, s17;
	[sflag:s13] =	ssyncset.done $0x0  }
0x1b: {  	s16 =	smul.u32 $0x1400, s16;
	s31 =	smax.u32 s30, $0x1;
	[sflag:s13] =	ssyncadd.s32 $0xFFFFD800  }
0x1c: {  	p0 =	sne.s32 s31, $0x1;
	_ =	swait.ge [sflag:s13], $0x2800  }
.Ltmp0:
0x1d: {  	s15 =	sadd.s32 s16, s15;
	[sflag:s13] =	ssyncset.done $0x0;
	(pc) =	sbr.rel @!p0 .LBB2_2-.Ltmp0, $4  }
0x1e: {  	s14 =	sadd.s32 $0x4200, s15;
	[sflag:s13] =	ssyncadd.s32 $0xFFFFD800  }
0x1f: {  	[hbm4b:s14+s3] =	stream.linear.scatter [tilespmem:s7], [sflag:$0x2], $0xA000, $0x38;
	[tilespmem:$0xA180] =	vst v63  }
0x20: {  	_ =	swait.ge [sflag:s4], $0xA000  }
0x21: {  	s15 =	sadd.s32 $0xFFFFFFFF, s31;
	[sflag:s4] =	ssyncset.done $0x0  }
.LBB2_1:
0x22: {  	p0 =	sne.s32 s15, $0x1;
	s15 =	sadd.s32 $0xFFFFFFFF, s15;
	[sflag:s4] =	ssyncadd.s32 $0xFFFF6000  }
0x23: {  	[tilespmem:s3], [sflag:$0x2] =	stream.linear.gather [hbm4b:s5+s3], $0x140, $0x38;
	[tilespmem:$0xA180] =	vst v63  }
0x24: {  	_ =	swait.ge [sflag:s4], $0x140  }
0x25: {  	[sflag:s4] =	ssyncset.done $0x0  }
0x26: {  	[sflag:s4] =	ssyncadd.s32 $0xFFFFFEC0  }
0x27: {  	[tilespmem:s7], [sflag:$0x1] =	stream.indirect.gather [hbm4b:s2+s6], $0x80, s3, s6, $0xb8;
	[tilespmem:$0xA180] =	vst v63  }
0x28: {  	_ = 	snop  }
0x29: {  	[tilespmem:s8], [sflag:$0x1] =	stream.indirect.gather [hbm4b:s2+s6], $0x80, s6, s6, $0xb8;
	[tilespmem:$0xA180] =	vst v63  }
0x2a: {  	_ = 	snop  }
0x2b: {  	[tilespmem:s10], [sflag:$0x1] =	stream.indirect.gather [hbm4b:s2+s6], $0x80, s9, s6, $0xb8;
	[tilespmem:$0xA180] =	vst v63  }
0x2c: {  	_ = 	snop  }
0x2d: {  	[tilespmem:s12], [sflag:$0x1] =	stream.indirect.gather [hbm4b:s2+s6], $0x80, s11, s6, $0xb8;
	[tilespmem:$0xA180] =	vst v63  }
0x2e: {  	_ =	swait.ge [sflag:s13], $0x2800  }
0x2f: {  	[sflag:s13] =	ssyncset.done $0x0  }
0x30: {  	[sflag:s13] =	ssyncadd.s32 $0xFFFFD800  }
0x31: {  	_ =	swait.ge [sflag:s13], $0x2800  }
0x32: {  	[sflag:s13] =	ssyncset.done $0x0  }
0x33: {  	[sflag:s13] =	ssyncadd.s32 $0xFFFFD800  }
0x34: {  	_ =	swait.ge [sflag:s13], $0x2800  }
0x35: {  	[sflag:s13] =	ssyncset.done $0x0  }
0x36: {  	[sflag:s13] =	ssyncadd.s32 $0xFFFFD800  }
0x37: {  	_ =	swait.ge [sflag:s13], $0x2800  }
.Ltmp1:
0x38: {  	[sflag:s13] =	ssyncset.done $0x0;
	(pc) =	sbr.rel @p0 .LBB2_1-.Ltmp1, $4  }
0x39: {  	[sflag:s13] =	ssyncadd.s32 $0xFFFFD800  }
0x3a: {  	[hbm4b:s14+s3] =	stream.linear.scatter [tilespmem:s7], [sflag:$0x2], $0xA000, $0x38;
	[tilespmem:$0xA180] =	vst v63  }
0x3b: {  	_ =	swait.ge [sflag:s4], $0xA000  }
0x3c: {  	[sflag:s4] =	ssyncset.done $0x0  }
.LBB2_2:
0x3d: {  	[sflag:s4] =	ssyncadd.s32 $0xFFFF6000  }
0x3e: {  	_ =	sfence.sel $0x180000  }
0x3f: {  	[bflag:$0x0] =	sbarrier.arrive $0xFFFF  }
0x40: {  	p0 =	sne.s32 s0, $0x0;
	_ =	strace $0x90000047  }
0x41: {  	s0 =	sadd.s32 @!p0 $0x100000, s1;
	[bflag:$0x2] =	sbarrier.arrive $0xFFFF  }
0x42: {  	[sflag:s0] =	ssyncadd.tile.s32 @!p0 $0x1;
	_ =	shalt  }
.Lfunc_end2:
_tile_overlayer_lowered:
.L_overlay_start_2:
0x43: {  	(tag) =	ssettag $0x2  }
0x44: {  	s0 =	rddreg [dreg:$0x0];
	s2 =	stileid.u32  }
0x45: {  	s1 =	rddreg [dreg:$0x1];
	p0 =	sne.s32 s2, $0x0  }
0x46: {  	s3 =	rddreg [dreg:$0x2];
	[bflag:$0x3] =	sbarrier.arrive $0xFFFF;
	s2 =	simm.s32 @!p0 $0x1C02  }
0x47: {  	[timem:s3], [sflag:s2] =	dma.local @!p0 [hbm:s0], s1  }
0x48: {  	s0 =	simm.s32 @!p0 $0x2  }
0x49: {  	_ =	swait.ge @!p0 [sflag:s0], s1  }
0x4a: {  	s1 =	ssub.s32 @!p0 $0x0, s1;
	[sflag:s0] =	ssyncset.done @!p0 $0x0  }
0x4b: {  	[sflag:s0] =	ssyncadd.s32 @!p0 s1  }
0x4c: {  	[bflag:$0x3] =	sbarrier.arrive $0xFFFF  }
0x4d: {  	_ =	shalt  }

// kernel: kernel.14.cloned.1.call-start
scs
__scs_entry_jumppad:
0x0: {  	(pc) =	sbr.rel $0x88, $3  }
0x1: {  	(tag) =	ssettag $0x0;
	lr =	simm.s32 $0x1  }
0x2: {  	[smem:$0x3F8D] =	sst lr;
	_ =	strace $0xD0000000  }
0x3: {  	_ = 	snop  }
0x4: {  	_ = 	snop  }
0x5: {  	_ = 	snop  }
0x6: {  	_ = 	snop  }
0x7: {  	_ = 	snop  }
__scs_overlays_trampoline_lowered:
0x8: {  	[smem:$0x3F9C] =	sst s0  }
0x9: {  	[smem:$0x3F9D] =	sst s1  }
0xa: {  	[smem:$0x3F9E] =	sst s2  }
0xb: {  	[smem:$0x3F9F] =	sst s3  }
0xc: {  	[smem:$0x3FA0] =	sst s4  }
0xd: {  	[smem:$0x3FA1] =	sst s5  }
0xe: {  	[smem:$0x3FA2] =	sst s6  }
0xf: {  	[smem:$0x3FA3] =	sst s7  }
0x10: {  	[smem:$0x3FA4] =	sst s8  }
0x11: {  	[smem:$0x3FA5] =	sst s9;
	s0 =	simm.s32 @!p0 $0x0  }
0x12: {  	s1 =	sld [smem:$0x3F8B];
	s0 =	simm.s32 @p0 $0x1  }
0x13: {  	[smem:$0x3FA6] =	sst s0;
	s0 =	simm.s32 @!p1 $0x0  }
0x14: {  	s2 =	sld [smem:$0x3F8A];
	s0 =	simm.s32 @p1 $0x1  }
0x15: {  	[smem:$0x3FA7] =	sst s0;
	s0 =	simm.s32 @!p2 $0x0  }
0x16: {  	s3 =	sld [smem:$0x3FDB];
	s0 =	simm.s32 @p2 $0x1  }
0x17: {  	s4 =	simm.s32 $0x1BF5;
	[smem:$0x3FA9] =	sst s0  }
0x18: {  	s0 =	sld [smem:$0x3F8C];
	_ =	swait.ge [sflag:s4], $0x0  }
0x19: {  	s7 =	sld [smem:$0x3F8D]  }
0x1a: {  	s8 =	sadd.s32 $0xFFFFE003, lr  }
0x1b: {  	s9 =	sadd.s32 $0xFFFFFEF7, lr;
	s5 =	simm.s32 $0xFFFFFFFF;
	p2 =	slt.u32 s8, $0xFFFFF086  }
0x1c: {  	p1 =	slt.u32 s9, $0xF7A;
	s5 =	simm.s32 @!p2 $0x0  }
0x1d: {  	s5 =	simm.s32 @p1 $0x1;
	p0 =	seq.s32 s7, s2  }
0x1e: {  	s7 =	smul.u32 @!p0 $0xF7A, s2;
	p2 =	seq.s32 @!p0 s5, $0x0  }
0x1f: {  	s9 =	smul.u32 $0xF7A, s1;
	s8 =	simm.s32 @!p0 $0x1BF5;
	p2 =	por !p2, p0  }
0x20: {  	[sflag:s8] =	ssyncset.s32 @!p0 $0xFFFFF086;
	s6 =	sadd.s32 @!p0 s3, s7;
	s7 =	simm.s32 @!p0 $0x108  }
0x21: {  	s3 =	sadd.s32 s3, s9;
	s6 =	sadd.s32 @!p0 $0x88, s6;
	s7 =	simm.s32 @p2 $0x1082  }
0x22: {  	[simem:s7], [sflag:s8] =	dma.local @!p0 [hbm:s6], $0xF7A  }
0x23: {  	s9 =	sor.u32 $0xD0000000, s2;
	s6 =	simm.s32 $0x108;
	_ =	swait.ge @!p0 [sflag:s8], $0x0  }
0x24: {  	s3 =	sadd.s32 $0x88, s3;
	s6 =	simm.s32 @!p1 $0x1082;
	[sflag:s4] =	ssyncset.s32 $0xFFFFF086  }
0x25: {  	[simem:s6], [sflag:s4] =	dma.local [hbm:s3], $0xF7A  }
0x26: {  	[smem:$0x3F8D] =	sst s1;
	(tag) =	ssettag s2;
	_ =	strace s9  }
0x27: {  	s1 =	sld [smem:$0x3F9D]  }
0x28: {  	s2 =	sld [smem:$0x3F9E]  }
0x29: {  	s4 =	sld [smem:$0x3FA0]  }
0x2a: {  	p0 =	seq.s32 s5, $0x0;
	s5 =	sld [smem:$0x3FA1]  }
0x2b: {  	s6 =	sld [smem:$0x3FA2]  }
0x2c: {  	s7 =	sld [smem:$0x3FA3]  }
0x2d: {  	s3 =	simm.s32 $0x108;
	s8 =	sld [smem:$0x3FA4]  }
0x2e: {  	s3 =	simm.s32 @!p0 $0x1082;
	s9 =	sld [smem:$0x3FA5]  }
0x2f: {  	lr =	sadd.s32 s0, s3;
	s0 =	sld [smem:$0x3F9C]  }
0x30: {  	s3 =	sld [smem:$0x3F9F]  }
0x31: {  	[smem:$0x3FA8] =	sst s10  }
0x32: {  	s10 =	sld [smem:$0x3FA6];
	_ =	sdelay $0x3  }
0x33: {  	p0 =	seq.s32 s10, $0x1;
	s10 =	sld [smem:$0x3FA8];
	_ =	sdelay $0x3  }
0x34: {  	[smem:$0x3FA8] =	sst s10  }
0x35: {  	s10 =	sld [smem:$0x3FA7];
	_ =	sdelay $0x3  }
0x36: {  	p1 =	seq.s32 s10, $0x1;
	s10 =	sld [smem:$0x3FA8];
	_ =	sdelay $0x3  }
0x37: {  	[smem:$0x3FA8] =	sst s10  }
0x38: {  	s10 =	sld [smem:$0x3FA9]  }
0x39: {  	_ = 	snop;
	(pc) =	sbr.ind lr, $3  }
0x3a: {  	_ = 	snop  }
0x3b: {  	_ = 	snop  }
0x3c: {  	p2 =	seq.s32 s10, $0x1;
	s10 =	sld [smem:$0x3FA8]  }
0x3d: {  	_ =	shalt  }
0x3e: {  	_ =	shalt  }
0x3f: {  	_ =	shalt  }
0x40: {  	_ =	shalt  }
0x41: {  	_ =	shalt  }
0x42: {  	_ =	shalt  }
0x43: {  	_ =	shalt  }
0x44: {  	_ =	shalt  }
0x45: {  	_ =	shalt  }
0x46: {  	_ =	shalt  }
0x47: {  	_ =	shalt  }
0x48: {  	_ =	shalt  }
0x49: {  	_ =	shalt  }
0x4a: {  	_ =	shalt  }
0x4b: {  	_ =	shalt  }
0x4c: {  	_ =	shalt  }
0x4d: {  	_ =	shalt  }
0x4e: {  	_ =	shalt  }
0x4f: {  	_ =	shalt  }
0x50: {  	_ =	shalt  }
0x51: {  	_ =	shalt  }
0x52: {  	_ =	shalt  }
0x53: {  	_ =	shalt  }
0x54: {  	_ =	shalt  }
0x55: {  	_ =	shalt  }
0x56: {  	_ =	shalt  }
0x57: {  	_ =	shalt  }
0x58: {  	_ =	shalt  }
0x59: {  	_ =	shalt  }
0x5a: {  	_ =	shalt  }
0x5b: {  	_ =	shalt  }
0x5c: {  	_ =	shalt  }
0x5d: {  	_ =	shalt  }
0x5e: {  	_ =	shalt  }
0x5f: {  	_ =	shalt  }
0x60: {  	_ =	shalt  }
0x61: {  	_ =	shalt  }
0x62: {  	_ =	shalt  }
0x63: {  	_ =	shalt  }
0x64: {  	_ =	shalt  }
0x65: {  	_ =	shalt  }
0x66: {  	_ =	shalt  }
0x67: {  	_ =	shalt  }
0x68: {  	_ =	shalt  }
0x69: {  	_ =	shalt  }
0x6a: {  	_ =	shalt  }
0x6b: {  	_ =	shalt  }
0x6c: {  	_ =	shalt  }
0x6d: {  	_ =	shalt  }
0x6e: {  	_ =	shalt  }
0x6f: {  	_ =	shalt  }
0x70: {  	_ =	shalt  }
0x71: {  	_ =	shalt  }
0x72: {  	_ =	shalt  }
0x73: {  	_ =	shalt  }
0x74: {  	_ =	shalt  }
0x75: {  	_ =	shalt  }
0x76: {  	_ =	shalt  }
0x77: {  	_ =	shalt  }
0x78: {  	_ =	shalt  }
0x79: {  	_ =	shalt  }
0x7a: {  	_ =	shalt  }
0x7b: {  	_ =	shalt  }
0x7c: {  	_ =	shalt  }
0x7d: {  	_ =	shalt  }
0x7e: {  	_ =	shalt  }
0x7f: {  	_ =	shalt  }
0x80: {  	_ =	shalt  }
0x81: {  	_ =	shalt  }
0x82: {  	_ =	shalt  }
0x83: {  	_ =	shalt  }
0x84: {  	_ =	shalt  }
0x85: {  	_ =	shalt  }
0x86: {  	_ =	shalt  }
0x87: {  	_ =	shalt  }
.Lfunc_end0:
.L_simem_size_0:
called_computation.1_lowered:
.L_overlay_start_0:
0x88: {  	s2 =	sld [smem:$0x3FD9]  }
0x89: {  	s3 =	sld [smem:$0x3FFE];
	_ =	sdelay $0x1  }
0x8a: {  	s1 =	srdreg.scid  }
0x8b: {  	s0 =	sand.u32 $0x1, s1  }
0x8c: {  	s17 =	sshll.u32 s0, $0xA;
	s2 =	sadd.s32 s3, s2  }
0x8d: {  	s2 =	sadd.s32 s2, s17  }
0x8e: {  	[smem:$0x3FB4] =	sst s2  }
0x8f: {  	_ = 	snop  }
0x90: {  	s18 =	sld [smem:$0x3FD0];
	(tm) =	ssettm $0x1  }
0x91: {  	s19 =	sld [smem:$0x3FFB];
	_ =	sdelay $0x3  }
0x92: {  	_ =	strace s19  }
0x93: {  	s2 =	sld [smem:$0x3FFC];
	_ =	sdelay $0x3  }
0x94: {  	_ =	strace s2  }
0x95: {  	s2 =	sld [smem:$0x3FFD];
	_ =	sdelay $0x3  }
0x96: {  	_ =	strace s2  }
0x97: {  	_ =	strace $0x8FFFFFFF  }
0x98: {  	s20 =	sld [smem:$0x3FDB];
	_ =	sdelay $0x1  }
0x99: {  	s4 =	simm.s32 $_scs_section_size  }
0x9a: {  	s5 =	simm.s32 $_size__tile_overlayer_lowered;
	s6 =	simm.s32 $_tile_overlayer_lowered  }
0x9b: {  	s7 =	simm.s32 $0x1BFF;
	s21 =	sshll.u32 s6, $0x1;
	s4 =	sadd.s32 s4, s20  }
0x9c: {  	s22 =	simm.s32 $0x0;
	s5 =	sshll.u32 s5, $0x1;
	s6 =	sadd.s32 s21, s4  }
0x9d: {  	[timem:s22], [sflag:s7] =	dma.local [hbm:s6], s5  }
0x9e: {  	_ =	swait.ge [sflag:s7], s5  }
0x9f: {  	s5 =	ssub.s32 $0x0, s5;
	[sflag:s7] =	ssyncset.done $0x0  }
0xa0: {  	[sflag:s7] =	ssyncadd.s32 s5;
	_ =	sdelay $0x1  }
0xa1: {  	s23 =	simm.s32 $0x1B8B  }
0xa2: {  	_ =	swait.ge [sflag:s23], $0x1  }
0xa3: {  	[sflag:s23] =	ssyncset.done $0x0  }
0xa4: {  	[sflag:s23] =	ssyncadd.s32 $0xFFFFFFFF  }
0xa5: {  	s5 =	sld [smem:$0x0]  }
0xa6: {  	s6 =	sand.u32 $0xFFFFFFFE, s1  }
0xa7: {  	p0 =	sne.s32 s1, s6  }
0xa8: {  	s6 =	sshll.u32 @p0 s6, $0xE  }
0xa9: {  	s6 =	sadd.s32 @p0 $0x11B8D, s6;
	s7 =	sshll.u32 @p0 s5, $0x11  }
0xaa: {  	s6 =	sor.u32 @p0 s7, s6  }
0xab: {  	[sflag:s6] =	ssyncadd.remote.s32 @p0 $0x1;
	_ =	sdelay $0x1  }
0xac: {  	s6 =	simm.s32 @p0 $0x1B8D  }
0xad: {  	_ =	swait.eq @p0 [sflag:s6], $0x1  }
0xae: {  	[sflag:s6] =	ssyncadd.s32 @p0 $0xFFFFFFFF  }
0xaf: {  	s7 =	sshll.u32 @!p0 s1, $0xE  }
0xb0: {  	s7 =	sor.u32 @!p0 $0x4000, s7;
	s6 =	simm.s32 @!p0 $0x1B8D  }
0xb1: {  	s5 =	sshll.u32 @!p0 s5, $0x11;
	s7 =	sadd.s32 @!p0 $0x11B8D, s7;
	_ =	swait.eq @!p0 [sflag:s6], $0x1  }
0xb2: {  	s5 =	sor.u32 @!p0 s5, s7;
	[sflag:s6] =	ssyncadd.s32 @!p0 $0xFFFFFFFF  }
0xb3: {  	s25 =	simm.s32 $0x1B8E;
	s24 =	sld [smem:$0x3FFE];
	[sflag:s5] =	ssyncadd.remote.s32 @!p0 $0x1  }
0xb4: {  	s26 =	simm.s32 $execute0_lowered;
	[smem:$0x3FD2] =	sst s25  }
0xb5: {  	s6 =	sshll.u32 s26, $0x1;
	_ =	strace $0x80000049;
	[dreg:$0x1] =	wrdreg $0xFFFFFFFF  }
0xb6: {  	s28 =	simm.s32 $_size_execute0_lowered;
	s4 =	sadd.s32 s4, s6;
	[dreg:$0x0] =	wrdreg $0x0  }
0xb7: {  	s6 =	sshll.u32 s28, $0x1;
	[dreg:$0x2] =	wrdreg s4  }
0xb8: {  	[dreg:$0x3] =	wrdreg s6  }
0xb9: {  	[dreg:$0x4] =	wrdreg $0xC0  }
0xba: {  	_ =	task [dreg:s22], $0x5FFFF  }
0xbb: {  	[dreg:$0x1] =	wrdreg $0xFFFFFFFF  }
0xbc: {  	[dreg:$0x0] =	wrdreg $0x60  }
0xbd: {  	[dreg:$0x2] =	wrdreg s18  }
0xbe: {  	[dreg:$0x3] =	wrdreg s24  }
0xbf: {  	[dreg:$0x4] =	wrdreg $0x54800  }
0xc0: {  	[dreg:$0x5] =	wrdreg $0x9  }
0xc1: {  	_ =	task.clear_ibuf [dreg:s22], $0x6FFFF;
	_ =	strace $0x90000049  }
0xc2: {  	s29 =	simm.s32 $0x9;
	_ =	strace $0x8000004B  }
0xc3: {  	_ =	swait.ge [sflag:s29], $0x1  }
0xc4: {  	[sflag:s29] =	ssyncadd.s32 $0xFFFFFFFF  }
0xc5: {  	_ =	strace $0x9000004B  }
0xc6: {  	_ =	sfence  }
0xc7: {  	s30 =	sld [smem:$0x0];
	_ =	sdelay $0x2  }
0xc8: {  	s31 =	sshll.u32 s1, $0xD;
	s1 =	sshrl.u32 s1, $0x2  }
0xc9: {  	s4 =	sand.u32 $0x4000, s31;
	s1 =	sadd.s32 s1, s30  }
0xca: {  	s0 =	sor.u32 s4, s0;
	s1 =	sshll.u32 s1, $0x11  }
0xcb: {  	s0 =	sor.u32 s1, s0  }
0xcc: {  	s0 =	sadd.s32 $0x8F2B, s0  }
0xcd: {  	[sflag:s0] =	ssyncadd.remote.s32 $0x1  }
0xce: {  	_ =	sfence.sel $0xFFFF  }
0xcf: {  	[dreg:$0x0] =	wrdreg $0xFFFFFFFF;
	(pc) =	sbr.abs _section_cstart, $3  }
0xd0: {  	[dreg:$0x1] =	wrdreg $0xFFFFFFFF  }
0xd1: {  	_ =	task.clear_ibuf [dreg:s22], $0x2FFFF;
	_ =	strace $0x9FFFFFFF  }
0xd2: {  	(tm) =	ssettm $0x7FFFFFFF  }
0xd3: {  	_ =	shalt  }
tec
execute0_lowered:
.L_overlay_start_1:
0x0: {  	(tag) =	ssettag $0x1  }
0x1: {  	s3 =	rddreg [dreg:$0x0]  }
0x2: {  	s4 =	rddreg [dreg:$0x1]  }
0x3: {  	s5 =	rddreg [dreg:$0x2]  }
0x4: {  	s0 =	rddreg [dreg:$0x3]  }
0x5: {  	s6 =	srdreg.scid;
	s1 =	stileid.u32  }
0x6: {  	s2 =	simm.s32 $0x0;
	s11 =	simm.s32 $0x5200;
	s12 =	simm.s32 $0x80  }
0x7: {  	s13 =	simm.s32 $0x4F80;
	s14 =	simm.s32 $0x100;
	s15 =	simm.s32 $0x0  }
0x8: {  	s6 =	sand.u32 $0x1, s6;
	s7 =	smul.u32 $0x500, s1;
	[smem:$0x7FF] =	sst s2  }
0x9: {  	s9 =	sshll.u32 s1, $0x1;
	s26 =	sshrl.u32 s1, $0x3;
	s28 =	smul.u32 $0x5000, s1  }
0xa: {  	s29 =	sshll.u32 s1, $0x7;
	s8 =	sshll.u32 s6, $0x7;
	_ =	strace $0x8000004A  }
0xb: {  	s25 =	sor.u32 s6, s9;
	s6 =	ssub.s32 $0x2, s6;
	s9 =	smul.u32 $0x50000, s26  }
0xc: {  	s7 =	sor.u32 s8, s7;
	s8 =	smul.u32 $0x4E2, s25;
	s10 =	sshrl.u32 s6, $0x1  }
0xd: {  	s31 =	sshrl.u32 s28, $0x2;
	s7 =	sshrl.u32 s7, $0x3;
	s10 =	ssub.s32 s6, s10  }
0xe: {  	s30 =	sshrl.u32 s9, $0x2;
	s6 =	sand.u32 $0x380, s29;
	s9 =	simm.s32 $0x2780  }
0xf: {  	s7 =	sadd.s32 s7, s4;
	s3 =	sadd.s32 s3, s8;
	s8 =	sadd.s32 s30, s5  }
0x10: {  	s5 =	sadd.s32 s31, s5;
	s4 =	sadd.s32 s6, s8;
	s6 =	sadd.s32 $0x36000, s7  }
0x11: {  	v0 =	vimm.f32 $0.0e+00;
	v1 =	vimm.f32 $1.000000000e+00;
	s7 =	smax.u32 s10, $0x1;
	s8 =	simm.s32 $0x1;
	s10 =	simm.s32 $0x400  }
.LBB2_1:
0x12: {  	[tilespmem:s2], [sflag:$0x1] =	stream.linear.gather [hbm4b:s3+s2], $0x2710, $0x38;
	[tilespmem:$0x7C80] =	vst v63  }
0x13: {  	_ =	swait.ge [sflag:s8], $0x2710  }
0x14: {  	[sflag:s8] =	ssyncset.done $0x0  }
0x15: {  	s16 =	simm.s32 $0x0;
	[sflag:s8] =	ssyncadd.s32 $0xFFFFD8F0  }
.LBB2_2:
0x16: {  	p0 =	sne.s32 s16, $0x9FC0  }
.Ltmp0:
0x17: {  	_ = 	snop;
	(pc) =	sbr.rel @p0 .LBB2_2-.Ltmp0, $3  }
0x18: {  	_ =	sdelay $0x1  }
0x19: {  	s17 =	sshra.s32 s16, $0x2  }
0x1a: {  	s16 =	sadd.s32 $0x40, s16;
	[tilespmem:s17+$0x2780] =	vst v0  }
0x1b: {  	s16 =	simm.s32 $0x0  }
.LBB2_4:
0x1c: {  	s17 =	sshra.s32 s16, $0x2  }
0x1d: {  	v2 =	vld [tilespmem:s17+$0x0];
	_ =	sdelay $0x7  }
0x1e: {  	[tilespmem:v2+s9+$0x0] =	vst.idx.add.f32.msk $0xffff, v1  }
0x1f: {  	v2 =	vld [tilespmem:s17+$0x10];
	_ =	sdelay $0x7  }
0x20: {  	[tilespmem:v2+s9+$0x0] =	vst.idx.add.f32.msk $0xffff, v1  }
0x21: {  	v2 =	vld [tilespmem:s17+$0x20];
	_ =	sdelay $0x7  }
0x22: {  	[tilespmem:v2+s9+$0x0] =	vst.idx.add.f32.msk $0xffff, v1  }
0x23: {  	v2 =	vld [tilespmem:s17+$0x30];
	_ =	sdelay $0x7  }
0x24: {  	[tilespmem:v2+s9+$0x0] =	vst.idx.add.f32.msk $0xffff, v1  }
0x25: {  	v2 =	vld [tilespmem:s17+$0x40];
	_ =	sdelay $0x2  }
0x26: {  	p0 =	sne.s32 s16, $0x9B00  }
.Ltmp1:
0x27: {  	_ = 	snop;
	(pc) =	sbr.rel @p0 .LBB2_4-.Ltmp1, $2  }
0x28: {  	_ =	sdelay $0x2  }
0x29: {  	s16 =	sadd.s32 $0x140, s16;
	[tilespmem:v2+s9+$0x0] =	vst.idx.add.f32.msk $0xffff, v1  }
0x2a: {  	s16 =	simm.s32 $0x80;
	s17 =	simm.s32 $0x1  }
0x2b: {  	[spmem:s4] =	stream.strided.scatter [tilespmem:s9], [sflag:$0x1], $0x2800, s10, s16, $0x38;
	[tilespmem:$0x7C80] =	vst v63  }
0x2c: {  	_ =	swait.ge [sflag:s17], $0x2800  }
0x2d: {  	[sflag:s17] =	ssyncset.done $0x0  }
0x2e: {  	[sflag:s17] =	ssyncadd.s32 $0xFFFFD800  }
0x2f: {  	[bflag:$0x0] =	sbarrier.arrive $0xFFFF  }
0x30: {  	[tilespmem:s11], [sflag:$0x1] =	stream.strided.gather [spmem:s5], $0x280, s10, s16, $0x38;
	[tilespmem:$0x7C80] =	vst v63  }
0x31: {  	_ =	swait.ge [sflag:s17], $0x280  }
0x32: {  	[sflag:s17] =	ssyncset.done $0x0  }
0x33: {  	[sflag:s17] =	ssyncadd.s32 $0xFFFFFD80  }
.LBB2_6:
0x34: {  	s18 =	sshrl.u32 s17, $0x3  }
0x35: {  	s18 =	smul.u32 $0x50000, s18;
	_ =	sdelay $0x1  }
0x36: {  	s18 =	sshra.s32 s18, $0x2  }
0x37: {  	s19 =	sand.u32 $0x380, s16;
	s18 =	sadd.s32 s18, s5  }
0x38: {  	s18 =	sadd.s32 s19, s18  }
0x39: {  	[tilespmem:s13], [sflag:$0x1] =	stream.strided.gather [spmem:s18], $0x280, s10, s12, $0x38;
	[tilespmem:$0x7C80] =	vst v63  }
0x3a: {  	_ =	swait.ge [sflag:s8], $0x280  }
0x3b: {  	[sflag:s8] =	ssyncset.done $0x0  }
0x3c: {  	[sflag:s8] =	ssyncadd.s32 $0xFFFFFD80  }
0x3d: {  	v2 =	vld [tilespmem:$0x5200]  }
0x3e: {  	v3 =	vld [tilespmem:$0x4F80]  }
0x3f: {  	v4 =	vld [tilespmem:$0x5210]  }
0x40: {  	v5 =	vld [tilespmem:$0x4F90]  }
0x41: {  	v6 =	vld [tilespmem:$0x5220]  }
0x42: {  	v7 =	vld [tilespmem:$0x4FA0]  }
0x43: {  	v8 =	vld [tilespmem:$0x5230]  }
0x44: {  	v9 =	vld [tilespmem:$0x4FB0]  }
0x45: {  	v10 =	vld [tilespmem:$0x5240]  }
0x46: {  	v11 =	vld [tilespmem:$0x4FC0]  }
0x47: {  	v12 =	vld [tilespmem:$0x5250]  }
0x48: {  	v13 =	vld [tilespmem:$0x4FD0]  }
0x49: {  	v14 =	vld [tilespmem:$0x5260]  }
0x4a: {  	v15 =	vld [tilespmem:$0x4FE0]  }
0x4b: {  	v16 =	vld [tilespmem:$0x5270]  }
0x4c: {  	v17 =	vld [tilespmem:$0x4FF0]  }
0x4d: {  	v18 =	vld [tilespmem:$0x5280]  }
0x4e: {  	v19 =	vld [tilespmem:$0x5000]  }
0x4f: {  	v20 =	vld [tilespmem:$0x5290]  }
0x50: {  	v21 =	vld [tilespmem:$0x5010]  }
0x51: {  	v22 =	vld [tilespmem:$0x52A0]  }
0x52: {  	v23 =	vld [tilespmem:$0x5020]  }
0x53: {  	v24 =	vld [tilespmem:$0x52B0]  }
0x54: {  	v25 =	vld [tilespmem:$0x5030]  }
0x55: {  	v26 =	vld [tilespmem:$0x52C0]  }
0x56: {  	v27 =	vld [tilespmem:$0x5040]  }
0x57: {  	v28 =	vld [tilespmem:$0x52D0]  }
0x58: {  	v29 =	vld [tilespmem:$0x5050]  }
0x59: {  	v30 =	vld [tilespmem:$0x52E0]  }
0x5a: {  	v31 =	vld [tilespmem:$0x5060]  }
0x5b: {  	v32 =	vld [tilespmem:$0x52F0]  }
0x5c: {  	v33 =	vld [tilespmem:$0x5070]  }
0x5d: {  	v34 =	vld [tilespmem:$0x5300]  }
0x5e: {  	v35 =	vld [tilespmem:$0x5080]  }
0x5f: {  	v36 =	vld [tilespmem:$0x5310]  }
0x60: {  	v37 =	vld [tilespmem:$0x5090]  }
0x61: {  	v38 =	vld [tilespmem:$0x5320]  }
0x62: {  	v39 =	vld [tilespmem:$0x50A0]  }
0x63: {  	v40 =	vld [tilespmem:$0x5330]  }
0x64: {  	v41 =	vld [tilespmem:$0x50B0]  }
0x65: {  	v42 =	vld [tilespmem:$0x5340]  }
0x66: {  	v43 =	vld [tilespmem:$0x50C0]  }
0x67: {  	v44 =	vld [tilespmem:$0x5350]  }
0x68: {  	v45 =	vld [tilespmem:$0x50D0]  }
0x69: {  	v46 =	vld [tilespmem:$0x5360]  }
0x6a: {  	v47 =	vld [tilespmem:$0x5370];
	v2 =	vadd.f32 v3, v2  }
0x6b: {  	v48 =	vld [tilespmem:$0x50F0];
	v4 =	vadd.f32 v5, v4  }
0x6c: {  	v50 =	vld [tilespmem:$0x5380];
	[tilespmem:$0x5200] =	vst v2;
	v2 =	vadd.f32 v7, v6  }
0x6d: {  	v51 =	vld [tilespmem:$0x5100];
	v49 =	vadd.f32 v9, v8;
	[tilespmem:$0x5210] =	vst v4  }
0x6e: {  	v53 =	vld [tilespmem:$0x5390];
	[tilespmem:$0x5220] =	vst v2;
	v2 =	vadd.f32 v11, v10  }
0x6f: {  	v54 =	vld [tilespmem:$0x5110];
	v52 =	vadd.f32 v13, v12;
	[tilespmem:$0x5230] =	vst v49  }
0x70: {  	v56 =	vld [tilespmem:$0x53A0];
	[tilespmem:$0x5240] =	vst v2;
	v2 =	vadd.f32 v15, v14  }
0x71: {  	v57 =	vld [tilespmem:$0x5120];
	v55 =	vadd.f32 v17, v16;
	[tilespmem:$0x5250] =	vst v52  }
0x72: {  	v59 =	vld [tilespmem:$0x53B0];
	[tilespmem:$0x5260] =	vst v2;
	v2 =	vadd.f32 v19, v18  }
0x73: {  	v60 =	vld [tilespmem:$0x5130];
	v58 =	vadd.f32 v21, v20;
	[tilespmem:$0x5270] =	vst v55  }
0x74: {  	v62 =	vld [tilespmem:$0x53C0];
	[tilespmem:$0x5280] =	vst v2;
	v2 =	vadd.f32 v23, v22  }
0x75: {  	v63 =	vld [tilespmem:$0x5140];
	v61 =	vadd.f32 v25, v24;
	[tilespmem:$0x5290] =	vst v58  }
0x76: {  	v3 =	vld [tilespmem:$0x50E0];
	[tilespmem:$0x52A0] =	vst v2;
	v2 =	vadd.f32 v27, v26  }
0x77: {  	v28 =	vadd.f32 v29, v28;
	v29 =	vld [tilespmem:$0x53D0];
	[tilespmem:$0x52B0] =	vst v61  }
0x78: {  	v32 =	vadd.f32 v33, v32;
	v33 =	vld [tilespmem:$0x53E0];
	[tilespmem:$0x52C0] =	vst v2;
	v2 =	vadd.f32 v31, v30  }
0x79: {  	v36 =	vadd.f32 v37, v36;
	v37 =	vld [tilespmem:$0x53F0];
	[tilespmem:$0x52D0] =	vst v28  }
0x7a: {  	v40 =	vadd.f32 v41, v40;
	v41 =	vld [tilespmem:$0x5400];
	[tilespmem:$0x52E0] =	vst v2;
	v2 =	vadd.f32 v35, v34  }
0x7b: {  	v44 =	vadd.f32 v45, v44;
	v45 =	vld [tilespmem:$0x5410];
	[tilespmem:$0x52F0] =	vst v32  }
0x7c: {  	v47 =	vadd.f32 v48, v47;
	v48 =	vld [tilespmem:$0x5420];
	[tilespmem:$0x5300] =	vst v2;
	v2 =	vadd.f32 v39, v38  }
0x7d: {  	[tilespmem:$0x5310] =	vst v36;
	v49 =	vld [tilespmem:$0x51A0]  }
0x7e: {  	v52 =	vld [tilespmem:$0x51B0];
	[tilespmem:$0x5320] =	vst v2;
	v2 =	vadd.f32 v43, v42  }
0x7f: {  	[tilespmem:$0x5330] =	vst v40;
	v55 =	vld [tilespmem:$0x51C0]  }
0x80: {  	v58 =	vld [tilespmem:$0x51D0];
	[tilespmem:$0x5340] =	vst v2;
	v2 =	vadd.f32 v3, v46  }
0x81: {  	[tilespmem:$0x5350] =	vst v44;
	v39 =	vld [tilespmem:$0x5170]  }
0x82: {  	v61 =	vld [tilespmem:$0x51E0];
	[tilespmem:$0x5360] =	vst v2;
	v2 =	vadd.f32 v51, v50  }
0x83: {  	[tilespmem:$0x5370] =	vst v47;
	v31 =	vld [tilespmem:$0x5150];
	v50 =	vadd.f32 v54, v53  }
0x84: {  	v35 =	vld [tilespmem:$0x5160];
	v53 =	vadd.f32 v60, v59;
	[tilespmem:$0x5380] =	vst v2  }
0x85: {  	v3 =	vld [tilespmem:$0x5190];
	v2 =	vadd.f32 v57, v56;
	[tilespmem:$0x5390] =	vst v50  }
0x86: {  	v43 =	vld [tilespmem:$0x5180];
	v59 =	vadd.f32 v39, v37;
	[tilespmem:$0x53B0] =	vst v53  }
0x87: {  	v51 =	vld [tilespmem:$0x5430];
	[tilespmem:$0x53A0] =	vst v2;
	v2 =	vadd.f32 v63, v62  }
0x88: {  	v54 =	vld [tilespmem:$0x5440];
	v56 =	vadd.f32 v31, v29;
	[tilespmem:$0x53F0] =	vst v59  }
0x89: {  	v57 =	vld [tilespmem:$0x5450];
	[tilespmem:$0x53C0] =	vst v2;
	v2 =	vadd.f32 v35, v33  }
0x8a: {  	v3 =	vadd.f32 v3, v45;
	[tilespmem:$0x53D0] =	vst v56;
	v62 =	vld [tilespmem:$0x5470]  }
0x8b: {  	v63 =	vld [tilespmem:$0x51F0];
	[tilespmem:$0x53E0] =	vst v2;
	v2 =	vadd.f32 v43, v41  }
0x8c: {  	v60 =	vld [tilespmem:$0x5460];
	[tilespmem:$0x5410] =	vst v3;
	v3 =	vadd.f32 v52, v51  }
0x8d: {  	[tilespmem:$0x5400] =	vst v2;
	v2 =	vadd.f32 v49, v48  }
0x8e: {  	p0 =	sne.s32 s17, $0xF;
	[tilespmem:$0x5430] =	vst v3;
	v3 =	vadd.f32 v58, v57  }
.Ltmp2:
0x8f: {  	[tilespmem:$0x5420] =	vst v2;
	v2 =	vadd.f32 v55, v54;
	(pc) =	sbr.rel @p0 .LBB2_6-.Ltmp2, $4  }
0x90: {  	[tilespmem:$0x5450] =	vst v3;
	v3 =	vadd.f32 v63, v62  }
0x91: {  	[tilespmem:$0x5440] =	vst v2;
	v2 =	vadd.f32 v61, v60  }
0x92: {  	[tilespmem:$0x5470] =	vst v3  }
0x93: {  	s16 =	sadd.s32 $0x80, s16;
	s17 =	sadd.s32 $0x1, s17;
	[tilespmem:$0x5460] =	vst v2  }
0x94: {  	s15 =	sadd.s32 $0x1, s15  }
0x95: {  	p0 =	sne.s32 s15, s7  }
.Ltmp3:
0x96: {  	_ = 	snop;
	(pc) =	sbr.rel @p0 .LBB2_1-.Ltmp3, $4  }
0x97: {  	[hbm4b:s6+s12] =	stream.strided.scatter [tilespmem:s11], [sflag:$0x1], $0x280, s14, s12, $0x38;
	[tilespmem:$0x7C80] =	vst v63  }
0x98: {  	_ =	swait.ge [sflag:s8], $0x280  }
0x99: {  	[sflag:s8] =	ssyncset.done $0x0  }
0x9a: {  	[sflag:s8] =	ssyncadd.s32 $0xFFFFFD80  }
0x9b: {  	_ =	sfence.sel $0x180000  }
0x9c: {  	[bflag:$0x0] =	sbarrier.arrive $0xFFFF  }
0x9d: {  	p0 =	sne.s32 s1, $0x0;
	_ =	strace $0x9000004A  }
0x9e: {  	s0 =	sadd.s32 @!p0 $0x100000, s0;
	[bflag:$0x2] =	sbarrier.arrive $0xFFFF  }
0x9f: {  	[sflag:s0] =	ssyncadd.tile.s32 @!p0 $0x1;
	_ =	shalt  }
.Lfunc_end2:
_tile_overlayer_lowered:
.L_overlay_start_2:
0xa0: {  	(tag) =	ssettag $0x2  }
0xa1: {  	s0 =	rddreg [dreg:$0x0];
	s2 =	stileid.u32  }
0xa2: {  	s1 =	rddreg [dreg:$0x1];
	p0 =	sne.s32 s2, $0x0  }
0xa3: {  	s3 =	rddreg [dreg:$0x2];
	[bflag:$0x3] =	sbarrier.arrive $0xFFFF;
	s2 =	simm.s32 @!p0 $0x1C01  }
0xa4: {  	[timem:s3], [sflag:s2] =	dma.local @!p0 [hbm:s0], s1  }
0xa5: {  	s0 =	simm.s32 @!p0 $0x1  }
0xa6: {  	_ =	swait.ge @!p0 [sflag:s0], s1  }
0xa7: {  	s1 =	ssub.s32 @!p0 $0x0, s1;
	[sflag:s0] =	ssyncset.done @!p0 $0x0  }
0xa8: {  	[sflag:s0] =	ssyncadd.s32 @!p0 s1  }
0xa9: {  	[bflag:$0x3] =	sbarrier.arrive $0xFFFF  }
0xaa: {  	_ =	shalt  }

// kernel: kernel.17.cloned.1.call-start
scs
__scs_entry_jumppad:
0x0: {  	(pc) =	sbr.rel $0x88, $3  }
0x1: {  	(tag) =	ssettag $0x0;
	lr =	simm.s32 $0x1  }
0x2: {  	[smem:$0x3F8D] =	sst lr;
	_ =	strace $0xD0000000  }
0x3: {  	_ = 	snop  }
0x4: {  	_ = 	snop  }
0x5: {  	_ = 	snop  }
0x6: {  	_ = 	snop  }
0x7: {  	_ = 	snop  }
__scs_overlays_trampoline_lowered:
0x8: {  	[smem:$0x3F9C] =	sst s0  }
0x9: {  	[smem:$0x3F9D] =	sst s1  }
0xa: {  	[smem:$0x3F9E] =	sst s2  }
0xb: {  	[smem:$0x3F9F] =	sst s3  }
0xc: {  	[smem:$0x3FA0] =	sst s4  }
0xd: {  	[smem:$0x3FA1] =	sst s5  }
0xe: {  	[smem:$0x3FA2] =	sst s6  }
0xf: {  	[smem:$0x3FA3] =	sst s7  }
0x10: {  	[smem:$0x3FA4] =	sst s8  }
0x11: {  	[smem:$0x3FA5] =	sst s9;
	s0 =	simm.s32 @!p0 $0x0  }
0x12: {  	s1 =	sld [smem:$0x3F8B];
	s0 =	simm.s32 @p0 $0x1  }
0x13: {  	[smem:$0x3FA6] =	sst s0;
	s0 =	simm.s32 @!p1 $0x0  }
0x14: {  	s2 =	sld [smem:$0x3F8A];
	s0 =	simm.s32 @p1 $0x1  }
0x15: {  	[smem:$0x3FA7] =	sst s0;
	s0 =	simm.s32 @!p2 $0x0  }
0x16: {  	s3 =	sld [smem:$0x3FDB];
	s0 =	simm.s32 @p2 $0x1  }
0x17: {  	s4 =	simm.s32 $0x1BF5;
	[smem:$0x3FA9] =	sst s0  }
0x18: {  	s0 =	sld [smem:$0x3F8C];
	_ =	swait.ge [sflag:s4], $0x0  }
0x19: {  	s7 =	sld [smem:$0x3F8D]  }
0x1a: {  	s8 =	sadd.s32 $0xFFFFE003, lr  }
0x1b: {  	s9 =	sadd.s32 $0xFFFFFEF7, lr;
	s5 =	simm.s32 $0xFFFFFFFF;
	p2 =	slt.u32 s8, $0xFFFFF086  }
0x1c: {  	p1 =	slt.u32 s9, $0xF7A;
	s5 =	simm.s32 @!p2 $0x0  }
0x1d: {  	s5 =	simm.s32 @p1 $0x1;
	p0 =	seq.s32 s7, s2  }
0x1e: {  	s7 =	smul.u32 @!p0 $0xF7A, s2;
	p2 =	seq.s32 @!p0 s5, $0x0  }
0x1f: {  	s9 =	smul.u32 $0xF7A, s1;
	s8 =	simm.s32 @!p0 $0x1BF5;
	p2 =	por !p2, p0  }
0x20: {  	[sflag:s8] =	ssyncset.s32 @!p0 $0xFFFFF086;
	s6 =	sadd.s32 @!p0 s3, s7;
	s7 =	simm.s32 @!p0 $0x108  }
0x21: {  	s3 =	sadd.s32 s3, s9;
	s6 =	sadd.s32 @!p0 $0x88, s6;
	s7 =	simm.s32 @p2 $0x1082  }
0x22: {  	[simem:s7], [sflag:s8] =	dma.local @!p0 [hbm:s6], $0xF7A  }
0x23: {  	s9 =	sor.u32 $0xD0000000, s2;
	s6 =	simm.s32 $0x108;
	_ =	swait.ge @!p0 [sflag:s8], $0x0  }
0x24: {  	s3 =	sadd.s32 $0x88, s3;
	s6 =	simm.s32 @!p1 $0x1082;
	[sflag:s4] =	ssyncset.s32 $0xFFFFF086  }
0x25: {  	[simem:s6], [sflag:s4] =	dma.local [hbm:s3], $0xF7A  }
0x26: {  	[smem:$0x3F8D] =	sst s1;
	(tag) =	ssettag s2;
	_ =	strace s9  }
0x27: {  	s1 =	sld [smem:$0x3F9D]  }
0x28: {  	s2 =	sld [smem:$0x3F9E]  }
0x29: {  	s4 =	sld [smem:$0x3FA0]  }
0x2a: {  	p0 =	seq.s32 s5, $0x0;
	s5 =	sld [smem:$0x3FA1]  }
0x2b: {  	s6 =	sld [smem:$0x3FA2]  }
0x2c: {  	s7 =	sld [smem:$0x3FA3]  }
0x2d: {  	s3 =	simm.s32 $0x108;
	s8 =	sld [smem:$0x3FA4]  }
0x2e: {  	s3 =	simm.s32 @!p0 $0x1082;
	s9 =	sld [smem:$0x3FA5]  }
0x2f: {  	lr =	sadd.s32 s0, s3;
	s0 =	sld [smem:$0x3F9C]  }
0x30: {  	s3 =	sld [smem:$0x3F9F]  }
0x31: {  	[smem:$0x3FA8] =	sst s10  }
0x32: {  	s10 =	sld [smem:$0x3FA6];
	_ =	sdelay $0x3  }
0x33: {  	p0 =	seq.s32 s10, $0x1;
	s10 =	sld [smem:$0x3FA8];
	_ =	sdelay $0x3  }
0x34: {  	[smem:$0x3FA8] =	sst s10  }
0x35: {  	s10 =	sld [smem:$0x3FA7];
	_ =	sdelay $0x3  }
0x36: {  	p1 =	seq.s32 s10, $0x1;
	s10 =	sld [smem:$0x3FA8];
	_ =	sdelay $0x3  }
0x37: {  	[smem:$0x3FA8] =	sst s10  }
0x38: {  	s10 =	sld [smem:$0x3FA9]  }
0x39: {  	_ = 	snop;
	(pc) =	sbr.ind lr, $3  }
0x3a: {  	_ = 	snop  }
0x3b: {  	_ = 	snop  }
0x3c: {  	p2 =	seq.s32 s10, $0x1;
	s10 =	sld [smem:$0x3FA8]  }
0x3d: {  	_ =	shalt  }
0x3e: {  	_ =	shalt  }
0x3f: {  	_ =	shalt  }
0x40: {  	_ =	shalt  }
0x41: {  	_ =	shalt  }
0x42: {  	_ =	shalt  }
0x43: {  	_ =	shalt  }
0x44: {  	_ =	shalt  }
0x45: {  	_ =	shalt  }
0x46: {  	_ =	shalt  }
0x47: {  	_ =	shalt  }
0x48: {  	_ =	shalt  }
0x49: {  	_ =	shalt  }
0x4a: {  	_ =	shalt  }
0x4b: {  	_ =	shalt  }
0x4c: {  	_ =	shalt  }
0x4d: {  	_ =	shalt  }
0x4e: {  	_ =	shalt  }
0x4f: {  	_ =	shalt  }
0x50: {  	_ =	shalt  }
0x51: {  	_ =	shalt  }
0x52: {  	_ =	shalt  }
0x53: {  	_ =	shalt  }
0x54: {  	_ =	shalt  }
0x55: {  	_ =	shalt  }
0x56: {  	_ =	shalt  }
0x57: {  	_ =	shalt  }
0x58: {  	_ =	shalt  }
0x59: {  	_ =	shalt  }
0x5a: {  	_ =	shalt  }
0x5b: {  	_ =	shalt  }
0x5c: {  	_ =	shalt  }
0x5d: {  	_ =	shalt  }
0x5e: {  	_ =	shalt  }
0x5f: {  	_ =	shalt  }
0x60: {  	_ =	shalt  }
0x61: {  	_ =	shalt  }
0x62: {  	_ =	shalt  }
0x63: {  	_ =	shalt  }
0x64: {  	_ =	shalt  }
0x65: {  	_ =	shalt  }
0x66: {  	_ =	shalt  }
0x67: {  	_ =	shalt  }
0x68: {  	_ =	shalt  }
0x69: {  	_ =	shalt  }
0x6a: {  	_ =	shalt  }
0x6b: {  	_ =	shalt  }
0x6c: {  	_ =	shalt  }
0x6d: {  	_ =	shalt  }
0x6e: {  	_ =	shalt  }
0x6f: {  	_ =	shalt  }
0x70: {  	_ =	shalt  }
0x71: {  	_ =	shalt  }
0x72: {  	_ =	shalt  }
0x73: {  	_ =	shalt  }
0x74: {  	_ =	shalt  }
0x75: {  	_ =	shalt  }
0x76: {  	_ =	shalt  }
0x77: {  	_ =	shalt  }
0x78: {  	_ =	shalt  }
0x79: {  	_ =	shalt  }
0x7a: {  	_ =	shalt  }
0x7b: {  	_ =	shalt  }
0x7c: {  	_ =	shalt  }
0x7d: {  	_ =	shalt  }
0x7e: {  	_ =	shalt  }
0x7f: {  	_ =	shalt  }
0x80: {  	_ =	shalt  }
0x81: {  	_ =	shalt  }
0x82: {  	_ =	shalt  }
0x83: {  	_ =	shalt  }
0x84: {  	_ =	shalt  }
0x85: {  	_ =	shalt  }
0x86: {  	_ =	shalt  }
0x87: {  	_ =	shalt  }
.Lfunc_end0:
.L_simem_size_0:
called_computation.2_lowered:
.L_overlay_start_0:
0x88: {  	s2 =	sld [smem:$0x3FD9]  }
0x89: {  	s3 =	sld [smem:$0x3FFE];
	_ =	sdelay $0x1  }
0x8a: {  	s1 =	srdreg.scid  }
0x8b: {  	s0 =	sand.u32 $0x1, s1  }
0x8c: {  	s17 =	sshll.u32 s0, $0xA;
	s2 =	sadd.s32 s3, s2  }
0x8d: {  	s2 =	sadd.s32 s2, s17  }
0x8e: {  	[smem:$0x3FB4] =	sst s2  }
0x8f: {  	_ = 	snop  }
0x90: {  	s18 =	sld [smem:$0x3FD0];
	(tm) =	ssettm $0x1  }
0x91: {  	s19 =	sld [smem:$0x3FFB];
	_ =	sdelay $0x3  }
0x92: {  	_ =	strace s19  }
0x93: {  	s2 =	sld [smem:$0x3FFC];
	_ =	sdelay $0x3  }
0x94: {  	_ =	strace s2  }
0x95: {  	s2 =	sld [smem:$0x3FFD];
	_ =	sdelay $0x3  }
0x96: {  	_ =	strace s2  }
0x97: {  	_ =	strace $0x8FFFFFFF  }
0x98: {  	s20 =	sld [smem:$0x3FDB];
	_ =	sdelay $0x1  }
0x99: {  	s4 =	simm.s32 $_scs_section_size  }
0x9a: {  	s5 =	simm.s32 $_size__tile_overlayer_lowered;
	s6 =	simm.s32 $_tile_overlayer_lowered  }
0x9b: {  	s7 =	simm.s32 $0x1BFF;
	s21 =	sshll.u32 s6, $0x1;
	s4 =	sadd.s32 s4, s20  }
0x9c: {  	s22 =	simm.s32 $0x0;
	s5 =	sshll.u32 s5, $0x1;
	s6 =	sadd.s32 s21, s4  }
0x9d: {  	[timem:s22], [sflag:s7] =	dma.local [hbm:s6], s5  }
0x9e: {  	_ =	swait.ge [sflag:s7], s5  }
0x9f: {  	s5 =	ssub.s32 $0x0, s5;
	[sflag:s7] =	ssyncset.done $0x0  }
0xa0: {  	[sflag:s7] =	ssyncadd.s32 s5;
	_ =	sdelay $0x1  }
0xa1: {  	s23 =	simm.s32 $0x1B8B  }
0xa2: {  	_ =	swait.ge [sflag:s23], $0x1  }
0xa3: {  	[sflag:s23] =	ssyncset.done $0x0  }
0xa4: {  	[sflag:s23] =	ssyncadd.s32 $0xFFFFFFFF  }
0xa5: {  	s5 =	sld [smem:$0x0]  }
0xa6: {  	s6 =	sand.u32 $0xFFFFFFFE, s1  }
0xa7: {  	p0 =	sne.s32 s1, s6  }
0xa8: {  	s6 =	sshll.u32 @p0 s6, $0xE  }
0xa9: {  	s6 =	sadd.s32 @p0 $0x11B8D, s6;
	s7 =	sshll.u32 @p0 s5, $0x11  }
0xaa: {  	s6 =	sor.u32 @p0 s7, s6  }
0xab: {  	[sflag:s6] =	ssyncadd.remote.s32 @p0 $0x1;
	_ =	sdelay $0x1  }
0xac: {  	s6 =	simm.s32 @p0 $0x1B8D  }
0xad: {  	_ =	swait.eq @p0 [sflag:s6], $0x1  }
0xae: {  	[sflag:s6] =	ssyncadd.s32 @p0 $0xFFFFFFFF  }
0xaf: {  	s7 =	sshll.u32 @!p0 s1, $0xE  }
0xb0: {  	s7 =	sor.u32 @!p0 $0x4000, s7;
	s6 =	simm.s32 @!p0 $0x1B8D  }
0xb1: {  	s5 =	sshll.u32 @!p0 s5, $0x11;
	s7 =	sadd.s32 @!p0 $0x11B8D, s7;
	_ =	swait.eq @!p0 [sflag:s6], $0x1  }
0xb2: {  	s5 =	sor.u32 @!p0 s5, s7;
	[sflag:s6] =	ssyncadd.s32 @!p0 $0xFFFFFFFF  }
0xb3: {  	s25 =	simm.s32 $0x1B8E;
	s24 =	sld [smem:$0x3FFE];
	[sflag:s5] =	ssyncadd.remote.s32 @!p0 $0x1  }
0xb4: {  	s26 =	simm.s32 $execute0_lowered;
	[smem:$0x3FD2] =	sst s25  }
0xb5: {  	s6 =	sshll.u32 s26, $0x1;
	_ =	strace $0x8000004C;
	[dreg:$0x1] =	wrdreg $0xFFFFFFFF  }
0xb6: {  	s28 =	simm.s32 $_size_execute0_lowered;
	s4 =	sadd.s32 s4, s6;
	[dreg:$0x0] =	wrdreg $0x0  }
0xb7: {  	s6 =	sshll.u32 s28, $0x1;
	[dreg:$0x2] =	wrdreg s4  }
0xb8: {  	[dreg:$0x3] =	wrdreg s6  }
0xb9: {  	[dreg:$0x4] =	wrdreg $0xC0  }
0xba: {  	_ =	task [dreg:s22], $0x5FFFF  }
0xbb: {  	[dreg:$0x1] =	wrdreg $0xFFFFFFFF  }
0xbc: {  	[dreg:$0x0] =	wrdreg $0x60  }
0xbd: {  	[dreg:$0x2] =	wrdreg s24  }
0xbe: {  	[dreg:$0x3] =	wrdreg s18  }
0xbf: {  	[dreg:$0x4] =	wrdreg $0x7C000  }
0xc0: {  	[dreg:$0x5] =	wrdreg $0xA  }
0xc1: {  	_ =	task.clear_ibuf [dreg:s22], $0x6FFFF;
	_ =	strace $0x9000004C  }
0xc2: {  	s29 =	simm.s32 $0xA;
	_ =	strace $0x8000004E  }
0xc3: {  	_ =	swait.ge [sflag:s29], $0x1  }
0xc4: {  	[sflag:s29] =	ssyncadd.s32 $0xFFFFFFFF  }
0xc5: {  	_ =	strace $0x9000004E  }
0xc6: {  	_ =	sfence  }
0xc7: {  	s30 =	sld [smem:$0x0];
	_ =	sdelay $0x2  }
0xc8: {  	s31 =	sshll.u32 s1, $0xD;
	s1 =	sshrl.u32 s1, $0x2  }
0xc9: {  	s4 =	sand.u32 $0x4000, s31;
	s1 =	sadd.s32 s1, s30  }
0xca: {  	s0 =	sor.u32 s4, s0;
	s1 =	sshll.u32 s1, $0x11  }
0xcb: {  	s0 =	sor.u32 s1, s0  }
0xcc: {  	s0 =	sadd.s32 $0x8F2B, s0  }
0xcd: {  	[sflag:s0] =	ssyncadd.remote.s32 $0x1  }
0xce: {  	_ =	sfence.sel $0xFFFF  }
0xcf: {  	[dreg:$0x0] =	wrdreg $0xFFFFFFFF;
	(pc) =	sbr.abs _section_cstart, $3  }
0xd0: {  	[dreg:$0x1] =	wrdreg $0xFFFFFFFF  }
0xd1: {  	_ =	task.clear_ibuf [dreg:s22], $0x2FFFF;
	_ =	strace $0x9FFFFFFF  }
0xd2: {  	(tm) =	ssettm $0x7FFFFFFF  }
0xd3: {  	_ =	shalt  }
tec
execute0_lowered:
.L_overlay_start_1:
0x0: {  	(tag) =	ssettag $0x1  }
0x1: {  	s0 =	rddreg [dreg:$0x0]  }
0x2: {  	s2 =	rddreg [dreg:$0x1];
	s1 =	srdreg.scid  }
0x3: {  	s3 =	rddreg [dreg:$0x2];
	s11 =	stileid.u32  }
0x4: {  	s4 =	simm.s32 $0x0;
	s29 =	simm.s32 $0x400;
	s6 =	smul.u32 $0x14000, s11  }
0x5: {  	s30 =	simm.s32 $0x7;
	s31 =	simm.s32 $0x200;
	s8 =	smul.u32 $0x50000, s11  }
0x6: {  	s1 =	sand.u32 $0x1, s1;
	[smem:$0x7FF] =	sst s4;
	s18 =	smul.u32 $0x4E20, s11  }
0x7: {  	s24 =	sshll.u32 s11, $0x1;
	s5 =	smul.u32 $0x140000, s1;
	_ =	strace $0x8000004D  }
0x8: {  	s9 =	ssub.s32 $0x2, s1;
	s10 =	sor.u32 s1, s24;
	s1 =	smul.u32 $0x2710, s1  }
0x9: {  	s25 =	sshrl.u32 s8, $0x2;
	s26 =	sshrl.u32 s9, $0x1;
	s10 =	smul.u32 $0x2710, s10  }
0xa: {  	s6 =	sadd.s32 s6, s5;
	s5 =	sadd.s32 $0x3C00, s0;
	s8 =	ssub.s32 s9, s26  }
0xb: {  	s1 =	sadd.s32 s1, s18;
	s18 =	simm.s32 $0x3;
	s7 =	sshrl.u32 s6, $0x3  }
0xc: {  	s6 =	sadd.s32 $0x2C200, s0;
	s15 =	sshrl.u32 s10, $0x3;
	s22 =	sadd.s32 $0x190, s1  }
0xd: {  	s23 =	sadd.s32 $0x140, s1;
	s8 =	smax.u32 s8, $0x1;
	s10 =	simm.s32 $0x4  }
0xe: {  	s0 =	sadd.s32 s7, s0;
	s17 =	sadd.s32 s6, s15;
	[dreg:$0x10] =	wrdreg s8  }
0xf: {  	s7 =	sadd.s32 s25, s3;
	s19 =	sadd.s32 s2, s15;
	[dreg:$0x9] =	wrdreg s17  }
0x10: {  	s20 =	sadd.s32 $0xA, s15;
	s25 =	sadd.s32 $0xF0, s1;
	[dreg:$0xa] =	wrdreg s19  }
0x11: {  	s9 =	sadd.s32 $0x14, s15;
	s28 =	sadd.s32 $0x2800, s7;
	[dreg:$0x11] =	wrdreg s25  }
0x12: {  	s24 =	sshrl.u32 s23, $0x3;
	s12 =	sadd.s32 $0x5000, s7;
	[dreg:$0x4] =	wrdreg s28  }
0x13: {  	s1 =	simm.s32 $0x280;
	s13 =	sadd.s32 $0x7800, s7;
	[dreg:$0x5] =	wrdreg s12  }
0x14: {  	s8 =	simm.s32 $0x100;
	s14 =	sadd.s32 $0xA000, s7;
	[dreg:$0x6] =	wrdreg s13  }
0x15: {  	s15 =	simm.s32 $0x6;
	s16 =	sadd.s32 $0xC800, s7;
	[dreg:$0x7] =	wrdreg s14  }
0x16: {  	s11 =	sadd.s32 s2, s20;
	s21 =	sadd.s32 s6, s9;
	[dreg:$0x8] =	wrdreg s16  }
0x17: {  	s9 =	sadd.s32 s2, s9;
	s0 =	sadd.s32 $0x36A00, s0;
	[dreg:$0xc] =	wrdreg s11  }
0x18: {  	s23 =	sadd.s32 s24, s2;
	s24 =	sadd.s32 s24, s6;
	[dreg:$0xd] =	wrdreg s21  }
0x19: {  	s26 =	sadd.s32 $0xF000, s7;
	s17 =	simm.s32 $0x2;
	[dreg:$0xe] =	wrdreg s9  }
0x1a: {  	s19 =	simm.s32 $0x0;
	s12 =	sadd.s32 s6, s20;
	[dreg:$0xf] =	wrdreg s0  }
.Ltmp0:
0x1b: {  	s0 =	sshrl.u32 s22, $0x3;
	[dreg:$0x12] =	wrdreg s26;
	(pc) =	sbr.rel .LBB2_1-.Ltmp0, $4  }
0x1c: {  	s28 =	sadd.s32 $0x11800, s7;
	s9 =	simm.s32 $0x300;
	s11 =	simm.s32 $0x50  }
0x1d: {  	s13 =	simm.s32 $0x2C00;
	s14 =	simm.s32 $0x1;
	s16 =	simm.s32 $0x5400  }
0x1e: {  	[dreg:$0xb] =	wrdreg s12;
	s21 =	sadd.s32 s0, s2;
	s22 =	sadd.s32 s0, s6  }
0x1f: {  	v0 =	vimm.f32 $0.0e+00;
	[dreg:$0x13] =	wrdreg s28;
	s0 =	simm.s32 $0x80;
	s12 =	simm.s32 $0x5  }
.LBB2_6:
0x20: {  	_ =	swait.ge [sflag:s14], $0x2800  }
0x21: {  	[sflag:s14] =	ssyncset.done $0x0  }
0x22: {  	[sflag:s14] =	ssyncadd.s32 $0xFFFFD800  }
0x23: {  	[spmem:s3] =	stream.indirect.scatter.add.f32 [tilespmem:s29], [sflag:$0x7], $0x80, s31, s11, $0xb8;
	[tilespmem:$0x1BC00] =	vst v63  }
0x24: {  	_ =	swait.ge [sflag:s30], $0x2800  }
0x25: {  	[sflag:s30] =	ssyncset.done $0x0  }
0x26: {  	[sflag:s30] =	ssyncadd.s32 $0xFFFFD800  }
0x27: {  	_ =	swait.ge [sflag:s17], $0x2800  }
0x28: {  	[sflag:s17] =	ssyncset.done $0x0  }
0x29: {  	[sflag:s17] =	ssyncadd.s32 $0xFFFFD800  }
0x2a: {  	[spmem:s3] =	stream.indirect.scatter.add.f32 [tilespmem:s13], [sflag:$0x7], $0x80, s1, s11, $0xb8;
	[tilespmem:$0x1BC00] =	vst v63  }
0x2b: {  	_ =	swait.ge [sflag:s30], $0x2800  }
0x2c: {  	[sflag:s30] =	ssyncset.done $0x0  }
0x2d: {  	s20 =	stileid.u32;
	[sflag:s30] =	ssyncadd.s32 $0xFFFFD800  }
0x2e: {  	s20 =	sshll.u32 s20, $0x6;
	[bflag:$0x0] =	sbarrier.arrive $0xFFFF  }
0x2f: {  	s25 =	sshrl.u32 s7, $0x3;
	s20 =	sor.u32 $0x1C07, s20;
	s26 =	rddreg [dreg:$0xf]  }
0x30: {  	[hbm:s26], [sflag:s20] =	dma.local [spmem:s25], $0x2800  }
0x31: {  	_ =	swait.ge [sflag:s30], $0x2800  }
0x32: {  	s19 =	sadd.s32 $0x1, s19;
	s28 =	rddreg [dreg:$0x10]  }
0x33: {  	p0 =	sne.s32 s19, s28  }
.Ltmp1:
0x34: {  	_ = 	snop;
	(pc) =	sbr.rel @!p0 .LBB2_7-.Ltmp1, $3  }
0x35: {  	_ =	sdelay $0x1  }
0x36: {  	[sflag:s30] =	ssyncset.done $0x0  }
0x37: {  	[sflag:s30] =	ssyncadd.s32 $0xFFFFD800  }
.LBB2_1:
0x38: {  	s20 =	simm.s32 $0x0;
	s25 =	simm.s32 $0x200  }
.LBB2_2:
0x39: {  	p0 =	sne.s32 s25, $0x9E00;
	[tilespmem:s20+$0x470] =	vst v0  }
0x3a: {  	[tilespmem:s20+$0x400] =	vst v0  }
0x3b: {  	[tilespmem:s20+$0x410] =	vst v0  }
.Ltmp2:
0x3c: {  	[tilespmem:s20+$0x420] =	vst v0;
	(pc) =	sbr.rel @p0 .LBB2_2-.Ltmp2, $4  }
0x3d: {  	[tilespmem:s20+$0x430] =	vst v0  }
0x3e: {  	[tilespmem:s20+$0x440] =	vst v0  }
0x3f: {  	[tilespmem:s20+$0x450] =	vst v0  }
0x40: {  	[tilespmem:s20+$0x460] =	vst v0;
	s20 =	sshra.s32 s25, $0x2;
	s25 =	sadd.s32 $0x200, s25  }
0x41: {  	[tilespmem:s20+$0x470] =	vst v0  }
0x42: {  	[tilespmem:s20+$0x400] =	vst v0  }
0x43: {  	[tilespmem:s20+$0x410] =	vst v0  }
0x44: {  	[tilespmem:s20+$0x420] =	vst v0  }
0x45: {  	[tilespmem:s20+$0x430] =	vst v0  }
0x46: {  	[tilespmem:s20+$0x440] =	vst v0  }
0x47: {  	[tilespmem:s20+$0x450] =	vst v0  }
0x48: {  	[tilespmem:s20+$0x460] =	vst v0  }
0x49: {  	[spmem:s7] =	stream.linear.scatter [tilespmem:s29], [sflag:$0x7], $0x2800, $0x38;
	[tilespmem:$0x1BC00] =	vst v63  }
0x4a: {  	_ =	swait.ge [sflag:s30], $0x2800  }
0x4b: {  	[sflag:s30] =	ssyncset.done $0x0  }
0x4c: {  	s26 =	rddreg [dreg:$0x4];
	[sflag:s30] =	ssyncadd.s32 $0xFFFFD800  }
0x4d: {  	[spmem:s26] =	stream.linear.scatter [tilespmem:s29], [sflag:$0x7], $0x2800, $0x38;
	[tilespmem:$0x1BC00] =	vst v63  }
0x4e: {  	_ =	swait.ge [sflag:s30], $0x2800  }
0x4f: {  	[sflag:s30] =	ssyncset.done $0x0  }
0x50: {  	s28 =	rddreg [dreg:$0x5];
	[sflag:s30] =	ssyncadd.s32 $0xFFFFD800  }
0x51: {  	[spmem:s28] =	stream.linear.scatter [tilespmem:s29], [sflag:$0x7], $0x2800, $0x38;
	[tilespmem:$0x1BC00] =	vst v63  }
0x52: {  	_ =	swait.ge [sflag:s30], $0x2800  }
0x53: {  	[sflag:s30] =	ssyncset.done $0x0  }
0x54: {  	s25 =	rddreg [dreg:$0x6];
	[sflag:s30] =	ssyncadd.s32 $0xFFFFD800  }
0x55: {  	[spmem:s25] =	stream.linear.scatter [tilespmem:s29], [sflag:$0x7], $0x2800, $0x38;
	[tilespmem:$0x1BC00] =	vst v63  }
0x56: {  	_ =	swait.ge [sflag:s30], $0x2800  }
0x57: {  	[sflag:s30] =	ssyncset.done $0x0  }
0x58: {  	s26 =	rddreg [dreg:$0x7];
	[sflag:s30] =	ssyncadd.s32 $0xFFFFD800  }
0x59: {  	[spmem:s26] =	stream.linear.scatter [tilespmem:s29], [sflag:$0x7], $0x2800, $0x38;
	[tilespmem:$0x1BC00] =	vst v63  }
0x5a: {  	_ =	swait.ge [sflag:s30], $0x2800  }
0x5b: {  	[sflag:s30] =	ssyncset.done $0x0  }
0x5c: {  	s28 =	rddreg [dreg:$0x8];
	[sflag:s30] =	ssyncadd.s32 $0xFFFFD800  }
0x5d: {  	[spmem:s28] =	stream.linear.scatter [tilespmem:s29], [sflag:$0x7], $0x2800, $0x38;
	[tilespmem:$0x1BC00] =	vst v63  }
0x5e: {  	_ =	swait.ge [sflag:s30], $0x2800  }
0x5f: {  	[sflag:s30] =	ssyncset.done $0x0  }
0x60: {  	s25 =	rddreg [dreg:$0x12];
	[sflag:s30] =	ssyncadd.s32 $0xFFFFD800  }
0x61: {  	[spmem:s25] =	stream.linear.scatter [tilespmem:s29], [sflag:$0x7], $0x2800, $0x38;
	[tilespmem:$0x1BC00] =	vst v63  }
0x62: {  	_ =	swait.ge [sflag:s30], $0x2800  }
0x63: {  	[sflag:s30] =	ssyncset.done $0x0  }
0x64: {  	s26 =	rddreg [dreg:$0x13];
	[sflag:s30] =	ssyncadd.s32 $0xFFFFD800  }
0x65: {  	[spmem:s26] =	stream.linear.scatter [tilespmem:s29], [sflag:$0x7], $0x2800, $0x38;
	[tilespmem:$0x1BC00] =	vst v63  }
0x66: {  	_ =	swait.ge [sflag:s30], $0x2800  }
0x67: {  	[sflag:s30] =	ssyncset.done $0x0  }
0x68: {  	[sflag:s30] =	ssyncadd.s32 $0xFFFFD800  }
0x69: {  	[bflag:$0x0] =	sbarrier.arrive $0xFFFF  }
0x6a: {  	s20 =	simm.s32 $0x0;
	s25 =	rddreg [dreg:$0x9]  }
0x6b: {  	[tilespmem:s20], [sflag:$0x4] =	stream.linear.gather [hbm4b:s25+s20], $0x50, $0x38;
	[tilespmem:$0x1BC00] =	vst v63  }
0x6c: {  	s28 =	rddreg [dreg:$0xa]  }
0x6d: {  	[tilespmem:s31], [sflag:$0x4] =	stream.linear.gather [hbm4b:s28+s20], $0x50, $0x38;
	[tilespmem:$0x1BC00] =	vst v63  }
0x6e: {  	s26 =	rddreg [dreg:$0xb]  }
0x6f: {  	[tilespmem:s0], [sflag:$0x5] =	stream.linear.gather [hbm4b:s26+s20], $0x50, $0x38;
	[tilespmem:$0x1BC00] =	vst v63  }
0x70: {  	s28 =	rddreg [dreg:$0xc]  }
0x71: {  	[tilespmem:s1], [sflag:$0x5] =	stream.linear.gather [hbm4b:s28+s20], $0x50, $0x38;
	[tilespmem:$0x1BC00] =	vst v63  }
0x72: {  	s26 =	rddreg [dreg:$0xd]  }
0x73: {  	[tilespmem:s8], [sflag:$0x6] =	stream.linear.gather [hbm4b:s26+s20], $0x50, $0x38;
	[tilespmem:$0x1BC00] =	vst v63  }
0x74: {  	s28 =	rddreg [dreg:$0xe]  }
0x75: {  	[tilespmem:s9], [sflag:$0x6] =	stream.linear.gather [hbm4b:s28+s20], $0x50, $0x38;
	[tilespmem:$0x1BC00] =	vst v63  }
0x76: {  	_ =	swait.ge [sflag:s10], $0x50  }
0x77: {  	[sflag:s10] =	ssyncset.done $0x0  }
0x78: {  	[sflag:s10] =	ssyncadd.s32 $0xFFFFFFB0  }
0x79: {  	_ =	swait.ge [sflag:s10], $0x50  }
0x7a: {  	[sflag:s10] =	ssyncset.done $0x0  }
0x7b: {  	[sflag:s10] =	ssyncadd.s32 $0xFFFFFFB0  }
0x7c: {  	[tilespmem:s29], [sflag:$0x1] =	stream.indirect.gather [hbm4b:s5+s11], $0x80, s20, s11, $0xb8;
	[tilespmem:$0x1BC00] =	vst v63  }
0x7d: {  	_ =	swait.ge [sflag:s12], $0x50  }
0x7e: {  	[sflag:s12] =	ssyncset.done $0x0  }
0x7f: {  	[sflag:s12] =	ssyncadd.s32 $0xFFFFFFB0  }
0x80: {  	_ =	swait.ge [sflag:s12], $0x50  }
0x81: {  	[sflag:s12] =	ssyncset.done $0x0  }
0x82: {  	s25 =	rddreg [dreg:$0x11];
	[sflag:s12] =	ssyncadd.s32 $0xFFFFFFB0  }
0x83: {  	[tilespmem:s13], [sflag:$0x2] =	stream.indirect.gather [hbm4b:s5+s11], $0x80, s0, s11, $0xb8;
	[tilespmem:$0x1BC00] =	vst v63  }
.LBB2_4:
0x84: {  	_ =	swait.ge [sflag:s14], $0x2800  }
0x85: {  	[sflag:s14] =	ssyncset.done $0x0  }
0x86: {  	[sflag:s14] =	ssyncadd.s32 $0xFFFFD800  }
0x87: {  	_ =	swait.ge [sflag:s15], $0x50  }
0x88: {  	[sflag:s15] =	ssyncset.done $0x0  }
0x89: {  	[sflag:s15] =	ssyncadd.s32 $0xFFFFFFB0  }
0x8a: {  	_ =	swait.ge [sflag:s15], $0x50  }
0x8b: {  	[sflag:s15] =	ssyncset.done $0x0  }
0x8c: {  	[sflag:s15] =	ssyncadd.s32 $0xFFFFFFB0  }
0x8d: {  	[tilespmem:s16], [sflag:$0x3] =	stream.indirect.gather [hbm4b:s5+s11], $0x80, s8, s11, $0xb8;
	[tilespmem:$0x1BC00] =	vst v63  }
0x8e: {  	_ = 	snop  }
0x8f: {  	[spmem:s3] =	stream.indirect.scatter.add.f32 [tilespmem:s29], [sflag:$0x7], $0x80, s31, s11, $0xb8;
	[tilespmem:$0x1BC00] =	vst v63  }
0x90: {  	_ =	swait.ge [sflag:s30], $0x2800  }
0x91: {  	s28 =	sshrl.u32 s25, $0x3;
	[sflag:s30] =	ssyncset.done $0x0  }
0x92: {  	s26 =	sadd.s32 s6, s28;
	[sflag:s30] =	ssyncadd.s32 $0xFFFFD800  }
0x93: {  	[tilespmem:s4], [sflag:$0x4] =	stream.linear.gather [hbm4b:s26+s4], $0x50, $0x38;
	[tilespmem:$0x1BC00] =	vst v63  }
0x94: {  	s28 =	sadd.s32 s2, s28  }
0x95: {  	[tilespmem:s31], [sflag:$0x4] =	stream.linear.gather [hbm4b:s28+s4], $0x50, $0x38;
	[tilespmem:$0x1BC00] =	vst v63  }
0x96: {  	_ =	swait.ge [sflag:s17], $0x2800  }
0x97: {  	[sflag:s17] =	ssyncset.done $0x0  }
0x98: {  	[sflag:s17] =	ssyncadd.s32 $0xFFFFD800  }
0x99: {  	_ =	swait.ge [sflag:s10], $0x50  }
0x9a: {  	[sflag:s10] =	ssyncset.done $0x0  }
0x9b: {  	[sflag:s10] =	ssyncadd.s32 $0xFFFFFFB0  }
0x9c: {  	_ =	swait.ge [sflag:s10], $0x50  }
0x9d: {  	[sflag:s10] =	ssyncset.done $0x0  }
0x9e: {  	[sflag:s10] =	ssyncadd.s32 $0xFFFFFFB0  }
0x9f: {  	[tilespmem:s29], [sflag:$0x1] =	stream.indirect.gather [hbm4b:s5+s11], $0x80, s4, s11, $0xb8;
	[tilespmem:$0x1BC00] =	vst v63  }
0xa0: {  	_ = 	snop  }
0xa1: {  	[spmem:s3] =	stream.indirect.scatter.add.f32 [tilespmem:s13], [sflag:$0x7], $0x80, s1, s11, $0xb8;
	[tilespmem:$0x1BC00] =	vst v63  }
0xa2: {  	_ =	swait.ge [sflag:s30], $0x2800  }
0xa3: {  	[sflag:s30] =	ssyncset.done $0x0  }
0xa4: {  	s28 =	sadd.s32 s20, s24;
	[sflag:s30] =	ssyncadd.s32 $0xFFFFD800  }
0xa5: {  	[tilespmem:s0], [sflag:$0x5] =	stream.linear.gather [hbm4b:s28+s4], $0x50, $0x38;
	[tilespmem:$0x1BC00] =	vst v63  }
0xa6: {  	s28 =	sadd.s32 s20, s23  }
0xa7: {  	[tilespmem:s1], [sflag:$0x5] =	stream.linear.gather [hbm4b:s28+s4], $0x50, $0x38;
	[tilespmem:$0x1BC00] =	vst v63  }
0xa8: {  	_ =	swait.ge [sflag:s18], $0x2800  }
0xa9: {  	[sflag:s18] =	ssyncset.done $0x0  }
0xaa: {  	[sflag:s18] =	ssyncadd.s32 $0xFFFFD800  }
0xab: {  	_ =	swait.ge [sflag:s12], $0x50  }
0xac: {  	[sflag:s12] =	ssyncset.done $0x0  }
0xad: {  	[sflag:s12] =	ssyncadd.s32 $0xFFFFFFB0  }
0xae: {  	_ =	swait.ge [sflag:s12], $0x50  }
0xaf: {  	[sflag:s12] =	ssyncset.done $0x0  }
0xb0: {  	p0 =	seq.s32 s20, $0x4B0;
	[sflag:s12] =	ssyncadd.s32 $0xFFFFFFB0  }
0xb1: {  	[tilespmem:s13], [sflag:$0x2] =	stream.indirect.gather [hbm4b:s5+s11], $0x80, s0, s11, $0xb8;
	[tilespmem:$0x1BC00] =	vst v63  }
.Ltmp3:
0xb2: {  	_ = 	snop;
	(pc) =	sbr.rel @p0 .LBB2_6-.Ltmp3, $4  }
0xb3: {  	[spmem:s3] =	stream.indirect.scatter.add.f32 [tilespmem:s16], [sflag:$0x7], $0x80, s9, s11, $0xb8;
	[tilespmem:$0x1BC00] =	vst v63  }
0xb4: {  	_ =	swait.ge [sflag:s30], $0x2800  }
0xb5: {  	[sflag:s30] =	ssyncset.done $0x0  }
0xb6: {  	[sflag:s30] =	ssyncadd.s32 $0xFFFFD800  }
.Ltmp4:
0xb7: {  	(pc) =	sbr.rel .LBB2_4-.Ltmp4, $4  }
0xb8: {  	s26 =	sadd.s32 s20, s22  }
0xb9: {  	[tilespmem:s8], [sflag:$0x6] =	stream.linear.gather [hbm4b:s26+s4], $0x50, $0x38;
	[tilespmem:$0x1BC00] =	vst v63  }
0xba: {  	s28 =	sadd.s32 s20, s21;
	s20 =	sadd.s32 $0x1E, s20;
	s25 =	sadd.s32 $0xF0, s25  }
0xbb: {  	[tilespmem:s9], [sflag:$0x6] =	stream.linear.gather [hbm4b:s28+s4], $0x50, $0x38;
	[tilespmem:$0x1BC00] =	vst v63  }
.LBB2_7:
0xbc: {  	_ =	sfence.sel $0x180000  }
0xbd: {  	[bflag:$0x0] =	sbarrier.arrive $0xFFFF  }
0xbe: {  	_ =	strace $0x9000004D  }
0xbf: {  	s0 =	stileid.u32;
	[bflag:$0x2] =	sbarrier.arrive $0xFFFF  }
0xc0: {  	p0 =	sne.s32 s0, $0x0;
	s0 =	rddreg [dreg:$0x3]  }
0xc1: {  	s0 =	sadd.s32 @!p0 $0x100000, s0  }
0xc2: {  	[sflag:s0] =	ssyncadd.tile.s32 @!p0 $0x1;
	_ =	shalt  }
.Lfunc_end2:
_tile_overlayer_lowered:
.L_overlay_start_2:
0xc3: {  	(tag) =	ssettag $0x2  }
0xc4: {  	s0 =	rddreg [dreg:$0x0];
	s2 =	stileid.u32  }
0xc5: {  	s1 =	rddreg [dreg:$0x1];
	p0 =	sne.s32 s2, $0x0  }
0xc6: {  	s3 =	rddreg [dreg:$0x2];
	[bflag:$0x3] =	sbarrier.arrive $0xFFFF;
	s2 =	simm.s32 @!p0 $0x1C07  }
0xc7: {  	[timem:s3], [sflag:s2] =	dma.local @!p0 [hbm:s0], s1  }
0xc8: {  	s0 =	simm.s32 @!p0 $0x7  }
0xc9: {  	_ =	swait.ge @!p0 [sflag:s0], s1  }
0xca: {  	s1 =	ssub.s32 @!p0 $0x0, s1;
	[sflag:s0] =	ssyncset.done @!p0 $0x0  }
0xcb: {  	[sflag:s0] =	ssyncadd.s32 @!p0 s1  }
0xcc: {  	[bflag:$0x3] =	sbarrier.arrive $0xFFFF  }
0xcd: {  	_ =	shalt  }

// kernel: kernel.20.cloned.1.call-start
scs
__scs_entry_jumppad:
0x0: {  	(pc) =	sbr.rel $0x88, $3  }
0x1: {  	(tag) =	ssettag $0x0;
	lr =	simm.s32 $0x1  }
0x2: {  	[smem:$0x3F8D] =	sst lr;
	_ =	strace $0xD0000000  }
0x3: {  	_ = 	snop  }
0x4: {  	_ = 	snop  }
0x5: {  	_ = 	snop  }
0x6: {  	_ = 	snop  }
0x7: {  	_ = 	snop  }
__scs_overlays_trampoline_lowered:
0x8: {  	[smem:$0x3F9C] =	sst s0  }
0x9: {  	[smem:$0x3F9D] =	sst s1  }
0xa: {  	[smem:$0x3F9E] =	sst s2  }
0xb: {  	[smem:$0x3F9F] =	sst s3  }
0xc: {  	[smem:$0x3FA0] =	sst s4  }
0xd: {  	[smem:$0x3FA1] =	sst s5  }
0xe: {  	[smem:$0x3FA2] =	sst s6  }
0xf: {  	[smem:$0x3FA3] =	sst s7  }
0x10: {  	[smem:$0x3FA4] =	sst s8  }
0x11: {  	[smem:$0x3FA5] =	sst s9;
	s0 =	simm.s32 @!p0 $0x0  }
0x12: {  	s1 =	sld [smem:$0x3F8B];
	s0 =	simm.s32 @p0 $0x1  }
0x13: {  	[smem:$0x3FA6] =	sst s0;
	s0 =	simm.s32 @!p1 $0x0  }
0x14: {  	s2 =	sld [smem:$0x3F8A];
	s0 =	simm.s32 @p1 $0x1  }
0x15: {  	[smem:$0x3FA7] =	sst s0;
	s0 =	simm.s32 @!p2 $0x0  }
0x16: {  	s3 =	sld [smem:$0x3FDB];
	s0 =	simm.s32 @p2 $0x1  }
0x17: {  	s4 =	simm.s32 $0x1BF5;
	[smem:$0x3FA9] =	sst s0  }
0x18: {  	s0 =	sld [smem:$0x3F8C];
	_ =	swait.ge [sflag:s4], $0x0  }
0x19: {  	s7 =	sld [smem:$0x3F8D]  }
0x1a: {  	s8 =	sadd.s32 $0xFFFFE003, lr  }
0x1b: {  	s9 =	sadd.s32 $0xFFFFFEF7, lr;
	s5 =	simm.s32 $0xFFFFFFFF;
	p2 =	slt.u32 s8, $0xFFFFF086  }
0x1c: {  	p1 =	slt.u32 s9, $0xF7A;
	s5 =	simm.s32 @!p2 $0x0  }
0x1d: {  	s5 =	simm.s32 @p1 $0x1;
	p0 =	seq.s32 s7, s2  }
0x1e: {  	s7 =	smul.u32 @!p0 $0xF7A, s2;
	p2 =	seq.s32 @!p0 s5, $0x0  }
0x1f: {  	s9 =	smul.u32 $0xF7A, s1;
	s8 =	simm.s32 @!p0 $0x1BF5;
	p2 =	por !p2, p0  }
0x20: {  	[sflag:s8] =	ssyncset.s32 @!p0 $0xFFFFF086;
	s6 =	sadd.s32 @!p0 s3, s7;
	s7 =	simm.s32 @!p0 $0x108  }
0x21: {  	s3 =	sadd.s32 s3, s9;
	s6 =	sadd.s32 @!p0 $0x88, s6;
	s7 =	simm.s32 @p2 $0x1082  }
0x22: {  	[simem:s7], [sflag:s8] =	dma.local @!p0 [hbm:s6], $0xF7A  }
0x23: {  	s9 =	sor.u32 $0xD0000000, s2;
	s6 =	simm.s32 $0x108;
	_ =	swait.ge @!p0 [sflag:s8], $0x0  }
0x24: {  	s3 =	sadd.s32 $0x88, s3;
	s6 =	simm.s32 @!p1 $0x1082;
	[sflag:s4] =	ssyncset.s32 $0xFFFFF086  }
0x25: {  	[simem:s6], [sflag:s4] =	dma.local [hbm:s3], $0xF7A  }
0x26: {  	[smem:$0x3F8D] =	sst s1;
	(tag) =	ssettag s2;
	_ =	strace s9  }
0x27: {  	s1 =	sld [smem:$0x3F9D]  }
0x28: {  	s2 =	sld [smem:$0x3F9E]  }
0x29: {  	s4 =	sld [smem:$0x3FA0]  }
0x2a: {  	p0 =	seq.s32 s5, $0x0;
	s5 =	sld [smem:$0x3FA1]  }
0x2b: {  	s6 =	sld [smem:$0x3FA2]  }
0x2c: {  	s7 =	sld [smem:$0x3FA3]  }
0x2d: {  	s3 =	simm.s32 $0x108;
	s8 =	sld [smem:$0x3FA4]  }
0x2e: {  	s3 =	simm.s32 @!p0 $0x1082;
	s9 =	sld [smem:$0x3FA5]  }
0x2f: {  	lr =	sadd.s32 s0, s3;
	s0 =	sld [smem:$0x3F9C]  }
0x30: {  	s3 =	sld [smem:$0x3F9F]  }
0x31: {  	[smem:$0x3FA8] =	sst s10  }
0x32: {  	s10 =	sld [smem:$0x3FA6];
	_ =	sdelay $0x3  }
0x33: {  	p0 =	seq.s32 s10, $0x1;
	s10 =	sld [smem:$0x3FA8];
	_ =	sdelay $0x3  }
0x34: {  	[smem:$0x3FA8] =	sst s10  }
0x35: {  	s10 =	sld [smem:$0x3FA7];
	_ =	sdelay $0x3  }
0x36: {  	p1 =	seq.s32 s10, $0x1;
	s10 =	sld [smem:$0x3FA8];
	_ =	sdelay $0x3  }
0x37: {  	[smem:$0x3FA8] =	sst s10  }
0x38: {  	s10 =	sld [smem:$0x3FA9]  }
0x39: {  	_ = 	snop;
	(pc) =	sbr.ind lr, $3  }
0x3a: {  	_ = 	snop  }
0x3b: {  	_ = 	snop  }
0x3c: {  	p2 =	seq.s32 s10, $0x1;
	s10 =	sld [smem:$0x3FA8]  }
0x3d: {  	_ =	shalt  }
0x3e: {  	_ =	shalt  }
0x3f: {  	_ =	shalt  }
0x40: {  	_ =	shalt  }
0x41: {  	_ =	shalt  }
0x42: {  	_ =	shalt  }
0x43: {  	_ =	shalt  }
0x44: {  	_ =	shalt  }
0x45: {  	_ =	shalt  }
0x46: {  	_ =	shalt  }
0x47: {  	_ =	shalt  }
0x48: {  	_ =	shalt  }
0x49: {  	_ =	shalt  }
0x4a: {  	_ =	shalt  }
0x4b: {  	_ =	shalt  }
0x4c: {  	_ =	shalt  }
0x4d: {  	_ =	shalt  }
0x4e: {  	_ =	shalt  }
0x4f: {  	_ =	shalt  }
0x50: {  	_ =	shalt  }
0x51: {  	_ =	shalt  }
0x52: {  	_ =	shalt  }
0x53: {  	_ =	shalt  }
0x54: {  	_ =	shalt  }
0x55: {  	_ =	shalt  }
0x56: {  	_ =	shalt  }
0x57: {  	_ =	shalt  }
0x58: {  	_ =	shalt  }
0x59: {  	_ =	shalt  }
0x5a: {  	_ =	shalt  }
0x5b: {  	_ =	shalt  }
0x5c: {  	_ =	shalt  }
0x5d: {  	_ =	shalt  }
0x5e: {  	_ =	shalt  }
0x5f: {  	_ =	shalt  }
0x60: {  	_ =	shalt  }
0x61: {  	_ =	shalt  }
0x62: {  	_ =	shalt  }
0x63: {  	_ =	shalt  }
0x64: {  	_ =	shalt  }
0x65: {  	_ =	shalt  }
0x66: {  	_ =	shalt  }
0x67: {  	_ =	shalt  }
0x68: {  	_ =	shalt  }
0x69: {  	_ =	shalt  }
0x6a: {  	_ =	shalt  }
0x6b: {  	_ =	shalt  }
0x6c: {  	_ =	shalt  }
0x6d: {  	_ =	shalt  }
0x6e: {  	_ =	shalt  }
0x6f: {  	_ =	shalt  }
0x70: {  	_ =	shalt  }
0x71: {  	_ =	shalt  }
0x72: {  	_ =	shalt  }
0x73: {  	_ =	shalt  }
0x74: {  	_ =	shalt  }
0x75: {  	_ =	shalt  }
0x76: {  	_ =	shalt  }
0x77: {  	_ =	shalt  }
0x78: {  	_ =	shalt  }
0x79: {  	_ =	shalt  }
0x7a: {  	_ =	shalt  }
0x7b: {  	_ =	shalt  }
0x7c: {  	_ =	shalt  }
0x7d: {  	_ =	shalt  }
0x7e: {  	_ =	shalt  }
0x7f: {  	_ =	shalt  }
0x80: {  	_ =	shalt  }
0x81: {  	_ =	shalt  }
0x82: {  	_ =	shalt  }
0x83: {  	_ =	shalt  }
0x84: {  	_ =	shalt  }
0x85: {  	_ =	shalt  }
0x86: {  	_ =	shalt  }
0x87: {  	_ =	shalt  }
.Lfunc_end0:
.L_simem_size_0:
called_computation.3_lowered:
.L_overlay_start_0:
0x88: {  	s2 =	sld [smem:$0x3FD9]  }
0x89: {  	s3 =	sld [smem:$0x3FFE];
	_ =	sdelay $0x1  }
0x8a: {  	s1 =	srdreg.scid  }
0x8b: {  	s0 =	sand.u32 $0x1, s1  }
0x8c: {  	s17 =	sshll.u32 s0, $0xA;
	s2 =	sadd.s32 s3, s2  }
0x8d: {  	s2 =	sadd.s32 s2, s17  }
0x8e: {  	[smem:$0x3FB4] =	sst s2  }
0x8f: {  	_ = 	snop  }
0x90: {  	s2 =	sld [smem:$0x3FD0];
	(tm) =	ssettm $0x1  }
0x91: {  	s18 =	sld [smem:$0x3FFB];
	_ =	sdelay $0x3  }
0x92: {  	_ =	strace s18  }
0x93: {  	s3 =	sld [smem:$0x3FFC];
	_ =	sdelay $0x3  }
0x94: {  	_ =	strace s3  }
0x95: {  	s3 =	sld [smem:$0x3FFD];
	_ =	sdelay $0x3  }
0x96: {  	_ =	strace s3  }
0x97: {  	_ =	strace $0x8FFFFFFF  }
0x98: {  	s19 =	sld [smem:$0x3FDB];
	_ =	sdelay $0x1  }
0x99: {  	s4 =	simm.s32 $_scs_section_size  }
0x9a: {  	s5 =	simm.s32 $_size__tile_overlayer_lowered;
	s6 =	simm.s32 $_tile_overlayer_lowered  }
0x9b: {  	s22 =	simm.s32 $0x1BFF;
	s21 =	sshll.u32 s6, $0x1;
	s3 =	sadd.s32 s4, s19  }
0x9c: {  	s7 =	simm.s32 $0x0;
	s20 =	sshll.u32 s5, $0x1;
	s5 =	sadd.s32 s21, s3  }
0x9d: {  	[timem:s7], [sflag:s22] =	dma.local [hbm:s5], s20  }
0x9e: {  	_ =	swait.ge [sflag:s22], s20  }
0x9f: {  	s4 =	ssub.s32 $0x0, s20;
	[sflag:s22] =	ssyncset.done $0x0  }
0xa0: {  	[sflag:s22] =	ssyncadd.s32 s4;
	_ =	sdelay $0x1  }
0xa1: {  	s23 =	simm.s32 $0x1B8B  }
0xa2: {  	_ =	swait.ge [sflag:s23], $0x1  }
0xa3: {  	[sflag:s23] =	ssyncset.done $0x0  }
0xa4: {  	s25 =	simm.s32 $0x1B8E;
	s24 =	sld [smem:$0x3FFE];
	[sflag:s23] =	ssyncadd.s32 $0xFFFFFFFF  }
0xa5: {  	s26 =	simm.s32 $execute0_lowered;
	[smem:$0x3FD2] =	sst s25  }
0xa6: {  	s5 =	sshll.u32 s26, $0x1;
	_ =	strace $0x8000004F;
	[dreg:$0x1] =	wrdreg $0xFFFFFFFF  }
0xa7: {  	s28 =	simm.s32 $_size_execute0_lowered;
	s3 =	sadd.s32 s3, s5;
	[dreg:$0x0] =	wrdreg $0x0  }
0xa8: {  	s5 =	sshll.u32 s28, $0x1;
	[dreg:$0x2] =	wrdreg s3  }
0xa9: {  	[dreg:$0x3] =	wrdreg s5  }
0xaa: {  	[dreg:$0x4] =	wrdreg $0xC0  }
0xab: {  	_ =	task [dreg:s7], $0x5FFFF  }
0xac: {  	[dreg:$0x1] =	wrdreg $0xFFFFFFFF  }
0xad: {  	[dreg:$0x0] =	wrdreg $0x60  }
0xae: {  	[dreg:$0x2] =	wrdreg s24  }
0xaf: {  	[dreg:$0x3] =	wrdreg s2  }
0xb0: {  	[dreg:$0x4] =	wrdreg $0x7C000  }
0xb1: {  	[dreg:$0x5] =	wrdreg $0x9  }
0xb2: {  	_ =	task.clear_ibuf [dreg:s7], $0x6FFFF;
	_ =	strace $0x9000004F  }
0xb3: {  	s29 =	simm.s32 $0x9;
	_ =	strace $0x80000051  }
0xb4: {  	_ =	swait.ge [sflag:s29], $0x1  }
0xb5: {  	[sflag:s29] =	ssyncadd.s32 $0xFFFFFFFF  }
0xb6: {  	_ =	strace $0x90000051  }
0xb7: {  	_ =	sfence  }
0xb8: {  	s30 =	sld [smem:$0x0];
	_ =	sdelay $0x2  }
0xb9: {  	s31 =	sshll.u32 s1, $0xD;
	s1 =	sshrl.u32 s1, $0x2  }
0xba: {  	s3 =	sand.u32 $0x4000, s31;
	s1 =	sadd.s32 s1, s30  }
0xbb: {  	s0 =	sor.u32 s3, s0;
	s1 =	sshll.u32 s1, $0x11  }
0xbc: {  	s0 =	sor.u32 s1, s0  }
0xbd: {  	s0 =	sadd.s32 $0x8F2B, s0  }
0xbe: {  	[sflag:s0] =	ssyncadd.remote.s32 $0x1  }
0xbf: {  	_ =	sfence.sel $0xFFFF  }
0xc0: {  	[dreg:$0x0] =	wrdreg $0xFFFFFFFF;
	(pc) =	sbr.abs _section_cstart, $3  }
0xc1: {  	[dreg:$0x1] =	wrdreg $0xFFFFFFFF  }
0xc2: {  	_ =	task.clear_ibuf [dreg:s7], $0x2FFFF;
	_ =	strace $0x9FFFFFFF  }
0xc3: {  	(tm) =	ssettm $0x7FFFFFFF  }
tec
execute0_lowered:
.L_overlay_start_1:
0x0: {  	(tag) =	ssettag $0x1  }
0x1: {  	s0 =	rddreg [dreg:$0x0]  }
0x2: {  	s2 =	rddreg [dreg:$0x1];
	s1 =	srdreg.scid  }
0x3: {  	s3 =	rddreg [dreg:$0x2];
	s11 =	stileid.u32  }
0x4: {  	s4 =	simm.s32 $0x0;
	s29 =	simm.s32 $0x400;
	s6 =	smul.u32 $0x14000, s11  }
0x5: {  	s30 =	simm.s32 $0x7;
	s31 =	simm.s32 $0x200;
	s8 =	smul.u32 $0x50000, s11  }
0x6: {  	s1 =	sand.u32 $0x1, s1;
	[smem:$0x7FF] =	sst s4;
	s18 =	smul.u32 $0x4E20, s11  }
0x7: {  	s24 =	sshll.u32 s11, $0x1;
	s5 =	smul.u32 $0x140000, s1;
	_ =	strace $0x80000050  }
0x8: {  	s9 =	ssub.s32 $0x2, s1;
	s10 =	sor.u32 s1, s24;
	s1 =	smul.u32 $0x2710, s1  }
0x9: {  	s25 =	sshrl.u32 s8, $0x2;
	s26 =	sshrl.u32 s9, $0x1;
	s10 =	smul.u32 $0x2710, s10  }
0xa: {  	s6 =	sadd.s32 s6, s5;
	s5 =	sadd.s32 $0x3C00, s0;
	s8 =	ssub.s32 s9, s26  }
0xb: {  	s1 =	sadd.s32 s1, s18;
	s18 =	simm.s32 $0x3;
	s7 =	sshrl.u32 s6, $0x3  }
0xc: {  	s6 =	sadd.s32 $0x2C200, s0;
	s15 =	sshrl.u32 s10, $0x3;
	s22 =	sadd.s32 $0x190, s1  }
0xd: {  	s23 =	sadd.s32 $0x140, s1;
	s8 =	smax.u32 s8, $0x1;
	s10 =	simm.s32 $0x4  }
0xe: {  	s0 =	sadd.s32 s7, s0;
	s17 =	sadd.s32 s6, s15;
	[dreg:$0x10] =	wrdreg s8  }
0xf: {  	s7 =	sadd.s32 s25, s3;
	s19 =	sadd.s32 s2, s15;
	[dreg:$0x9] =	wrdreg s17  }
0x10: {  	s20 =	sadd.s32 $0xA, s15;
	s25 =	sadd.s32 $0xF0, s1;
	[dreg:$0xa] =	wrdreg s19  }
0x11: {  	s9 =	sadd.s32 $0x14, s15;
	s28 =	sadd.s32 $0x2800, s7;
	[dreg:$0x11] =	wrdreg s25  }
0x12: {  	s24 =	sshrl.u32 s23, $0x3;
	s12 =	sadd.s32 $0x5000, s7;
	[dreg:$0x4] =	wrdreg s28  }
0x13: {  	s1 =	simm.s32 $0x280;
	s13 =	sadd.s32 $0x7800, s7;
	[dreg:$0x5] =	wrdreg s12  }
0x14: {  	s8 =	simm.s32 $0x100;
	s14 =	sadd.s32 $0xA000, s7;
	[dreg:$0x6] =	wrdreg s13  }
0x15: {  	s15 =	simm.s32 $0x6;
	s16 =	sadd.s32 $0xC800, s7;
	[dreg:$0x7] =	wrdreg s14  }
0x16: {  	s11 =	sadd.s32 s2, s20;
	s21 =	sadd.s32 s6, s9;
	[dreg:$0x8] =	wrdreg s16  }
0x17: {  	s9 =	sadd.s32 s2, s9;
	s0 =	sadd.s32 $0x36000, s0;
	[dreg:$0xc] =	wrdreg s11  }
0x18: {  	s23 =	sadd.s32 s24, s2;
	s24 =	sadd.s32 s24, s6;
	[dreg:$0xd] =	wrdreg s21  }
0x19: {  	s26 =	sadd.s32 $0xF000, s7;
	s17 =	simm.s32 $0x2;
	[dreg:$0xe] =	wrdreg s9  }
0x1a: {  	s19 =	simm.s32 $0x0;
	s12 =	sadd.s32 s6, s20;
	[dreg:$0xf] =	wrdreg s0  }
.Ltmp0:
0x1b: {  	s0 =	sshrl.u32 s22, $0x3;
	[dreg:$0x12] =	wrdreg s26;
	(pc) =	sbr.rel .LBB2_1-.Ltmp0, $4  }
0x1c: {  	s28 =	sadd.s32 $0x11800, s7;
	s9 =	simm.s32 $0x300;
	s11 =	simm.s32 $0x50  }
0x1d: {  	s13 =	simm.s32 $0x2C00;
	s14 =	simm.s32 $0x1;
	s16 =	simm.s32 $0x5400  }
0x1e: {  	[dreg:$0xb] =	wrdreg s12;
	s21 =	sadd.s32 s0, s2;
	s22 =	sadd.s32 s0, s6  }
0x1f: {  	v0 =	vimm.f32 $0.0e+00;
	[dreg:$0x13] =	wrdreg s28;
	s0 =	simm.s32 $0x80;
	s12 =	simm.s32 $0x5  }
.LBB2_6:
0x20: {  	_ =	swait.ge [sflag:s14], $0x2800  }
0x21: {  	[sflag:s14] =	ssyncset.done $0x0  }
0x22: {  	[sflag:s14] =	ssyncadd.s32 $0xFFFFD800  }
0x23: {  	[spmem:s3] =	stream.indirect.scatter.add.f32 [tilespmem:s29], [sflag:$0x7], $0x80, s31, s11, $0xb8;
	[tilespmem:$0x1BC00] =	vst v63  }
0x24: {  	_ =	swait.ge [sflag:s30], $0x2800  }
0x25: {  	[sflag:s30] =	ssyncset.done $0x0  }
0x26: {  	[sflag:s30] =	ssyncadd.s32 $0xFFFFD800  }
0x27: {  	_ =	swait.ge [sflag:s17], $0x2800  }
0x28: {  	[sflag:s17] =	ssyncset.done $0x0  }
0x29: {  	[sflag:s17] =	ssyncadd.s32 $0xFFFFD800  }
0x2a: {  	[spmem:s3] =	stream.indirect.scatter.add.f32 [tilespmem:s13], [sflag:$0x7], $0x80, s1, s11, $0xb8;
	[tilespmem:$0x1BC00] =	vst v63  }
0x2b: {  	_ =	swait.ge [sflag:s30], $0x2800  }
0x2c: {  	[sflag:s30] =	ssyncset.done $0x0  }
0x2d: {  	s20 =	stileid.u32;
	[sflag:s30] =	ssyncadd.s32 $0xFFFFD800  }
0x2e: {  	s20 =	sshll.u32 s20, $0x6;
	[bflag:$0x0] =	sbarrier.arrive $0xFFFF  }
0x2f: {  	s25 =	sshrl.u32 s7, $0x3;
	s20 =	sor.u32 $0x1C07, s20;
	s26 =	rddreg [dreg:$0xf]  }
0x30: {  	[hbm:s26], [sflag:s20] =	dma.local [spmem:s25], $0x2800  }
0x31: {  	_ =	swait.ge [sflag:s30], $0x2800  }
0x32: {  	s19 =	sadd.s32 $0x1, s19;
	s28 =	rddreg [dreg:$0x10]  }
0x33: {  	p0 =	sne.s32 s19, s28  }
.Ltmp1:
0x34: {  	_ = 	snop;
	(pc) =	sbr.rel @!p0 .LBB2_7-.Ltmp1, $3  }
0x35: {  	_ =	sdelay $0x1  }
0x36: {  	[sflag:s30] =	ssyncset.done $0x0  }
0x37: {  	[sflag:s30] =	ssyncadd.s32 $0xFFFFD800  }
.LBB2_1:
0x38: {  	s20 =	simm.s32 $0x0;
	s25 =	simm.s32 $0x200  }
.LBB2_2:
0x39: {  	p0 =	sne.s32 s25, $0x9E00;
	[tilespmem:s20+$0x470] =	vst v0  }
0x3a: {  	[tilespmem:s20+$0x400] =	vst v0  }
0x3b: {  	[tilespmem:s20+$0x410] =	vst v0  }
.Ltmp2:
0x3c: {  	[tilespmem:s20+$0x420] =	vst v0;
	(pc) =	sbr.rel @p0 .LBB2_2-.Ltmp2, $4  }
0x3d: {  	[tilespmem:s20+$0x430] =	vst v0  }
0x3e: {  	[tilespmem:s20+$0x440] =	vst v0  }
0x3f: {  	[tilespmem:s20+$0x450] =	vst v0  }
0x40: {  	[tilespmem:s20+$0x460] =	vst v0;
	s20 =	sshra.s32 s25, $0x2;
	s25 =	sadd.s32 $0x200, s25  }
0x41: {  	[tilespmem:s20+$0x470] =	vst v0  }
0x42: {  	[tilespmem:s20+$0x400] =	vst v0  }
0x43: {  	[tilespmem:s20+$0x410] =	vst v0  }
0x44: {  	[tilespmem:s20+$0x420] =	vst v0  }
0x45: {  	[tilespmem:s20+$0x430] =	vst v0  }
0x46: {  	[tilespmem:s20+$0x440] =	vst v0  }
0x47: {  	[tilespmem:s20+$0x450] =	vst v0  }
0x48: {  	[tilespmem:s20+$0x460] =	vst v0  }
0x49: {  	[spmem:s7] =	stream.linear.scatter [tilespmem:s29], [sflag:$0x7], $0x2800, $0x38;
	[tilespmem:$0x1BC00] =	vst v63  }
0x4a: {  	_ =	swait.ge [sflag:s30], $0x2800  }
0x4b: {  	[sflag:s30] =	ssyncset.done $0x0  }
0x4c: {  	s26 =	rddreg [dreg:$0x4];
	[sflag:s30] =	ssyncadd.s32 $0xFFFFD800  }
0x4d: {  	[spmem:s26] =	stream.linear.scatter [tilespmem:s29], [sflag:$0x7], $0x2800, $0x38;
	[tilespmem:$0x1BC00] =	vst v63  }
0x4e: {  	_ =	swait.ge [sflag:s30], $0x2800  }
0x4f: {  	[sflag:s30] =	ssyncset.done $0x0  }
0x50: {  	s28 =	rddreg [dreg:$0x5];
	[sflag:s30] =	ssyncadd.s32 $0xFFFFD800  }
0x51: {  	[spmem:s28] =	stream.linear.scatter [tilespmem:s29], [sflag:$0x7], $0x2800, $0x38;
	[tilespmem:$0x1BC00] =	vst v63  }
0x52: {  	_ =	swait.ge [sflag:s30], $0x2800  }
0x53: {  	[sflag:s30] =	ssyncset.done $0x0  }
0x54: {  	s25 =	rddreg [dreg:$0x6];
	[sflag:s30] =	ssyncadd.s32 $0xFFFFD800  }
0x55: {  	[spmem:s25] =	stream.linear.scatter [tilespmem:s29], [sflag:$0x7], $0x2800, $0x38;
	[tilespmem:$0x1BC00] =	vst v63  }
0x56: {  	_ =	swait.ge [sflag:s30], $0x2800  }
0x57: {  	[sflag:s30] =	ssyncset.done $0x0  }
0x58: {  	s26 =	rddreg [dreg:$0x7];
	[sflag:s30] =	ssyncadd.s32 $0xFFFFD800  }
0x59: {  	[spmem:s26] =	stream.linear.scatter [tilespmem:s29], [sflag:$0x7], $0x2800, $0x38;
	[tilespmem:$0x1BC00] =	vst v63  }
0x5a: {  	_ =	swait.ge [sflag:s30], $0x2800  }
0x5b: {  	[sflag:s30] =	ssyncset.done $0x0  }
0x5c: {  	s28 =	rddreg [dreg:$0x8];
	[sflag:s30] =	ssyncadd.s32 $0xFFFFD800  }
0x5d: {  	[spmem:s28] =	stream.linear.scatter [tilespmem:s29], [sflag:$0x7], $0x2800, $0x38;
	[tilespmem:$0x1BC00] =	vst v63  }
0x5e: {  	_ =	swait.ge [sflag:s30], $0x2800  }
0x5f: {  	[sflag:s30] =	ssyncset.done $0x0  }
0x60: {  	s25 =	rddreg [dreg:$0x12];
	[sflag:s30] =	ssyncadd.s32 $0xFFFFD800  }
0x61: {  	[spmem:s25] =	stream.linear.scatter [tilespmem:s29], [sflag:$0x7], $0x2800, $0x38;
	[tilespmem:$0x1BC00] =	vst v63  }
0x62: {  	_ =	swait.ge [sflag:s30], $0x2800  }
0x63: {  	[sflag:s30] =	ssyncset.done $0x0  }
0x64: {  	s26 =	rddreg [dreg:$0x13];
	[sflag:s30] =	ssyncadd.s32 $0xFFFFD800  }
0x65: {  	[spmem:s26] =	stream.linear.scatter [tilespmem:s29], [sflag:$0x7], $0x2800, $0x38;
	[tilespmem:$0x1BC00] =	vst v63  }
0x66: {  	_ =	swait.ge [sflag:s30], $0x2800  }
0x67: {  	[sflag:s30] =	ssyncset.done $0x0  }
0x68: {  	[sflag:s30] =	ssyncadd.s32 $0xFFFFD800  }
0x69: {  	[bflag:$0x0] =	sbarrier.arrive $0xFFFF  }
0x6a: {  	s20 =	simm.s32 $0x0;
	s25 =	rddreg [dreg:$0x9]  }
0x6b: {  	[tilespmem:s20], [sflag:$0x4] =	stream.linear.gather [hbm4b:s25+s20], $0x50, $0x38;
	[tilespmem:$0x1BC00] =	vst v63  }
0x6c: {  	s28 =	rddreg [dreg:$0xa]  }
0x6d: {  	[tilespmem:s31], [sflag:$0x4] =	stream.linear.gather [hbm4b:s28+s20], $0x50, $0x38;
	[tilespmem:$0x1BC00] =	vst v63  }
0x6e: {  	s26 =	rddreg [dreg:$0xb]  }
0x6f: {  	[tilespmem:s0], [sflag:$0x5] =	stream.linear.gather [hbm4b:s26+s20], $0x50, $0x38;
	[tilespmem:$0x1BC00] =	vst v63  }
0x70: {  	s28 =	rddreg [dreg:$0xc]  }
0x71: {  	[tilespmem:s1], [sflag:$0x5] =	stream.linear.gather [hbm4b:s28+s20], $0x50, $0x38;
	[tilespmem:$0x1BC00] =	vst v63  }
0x72: {  	s26 =	rddreg [dreg:$0xd]  }
0x73: {  	[tilespmem:s8], [sflag:$0x6] =	stream.linear.gather [hbm4b:s26+s20], $0x50, $0x38;
	[tilespmem:$0x1BC00] =	vst v63  }
0x74: {  	s28 =	rddreg [dreg:$0xe]  }
0x75: {  	[tilespmem:s9], [sflag:$0x6] =	stream.linear.gather [hbm4b:s28+s20], $0x50, $0x38;
	[tilespmem:$0x1BC00] =	vst v63  }
0x76: {  	_ =	swait.ge [sflag:s10], $0x50  }
0x77: {  	[sflag:s10] =	ssyncset.done $0x0  }
0x78: {  	[sflag:s10] =	ssyncadd.s32 $0xFFFFFFB0  }
0x79: {  	_ =	swait.ge [sflag:s10], $0x50  }
0x7a: {  	[sflag:s10] =	ssyncset.done $0x0  }
0x7b: {  	[sflag:s10] =	ssyncadd.s32 $0xFFFFFFB0  }
0x7c: {  	[tilespmem:s29], [sflag:$0x1] =	stream.indirect.gather [hbm4b:s5+s11], $0x80, s20, s11, $0xb8;
	[tilespmem:$0x1BC00] =	vst v63  }
0x7d: {  	_ =	swait.ge [sflag:s12], $0x50  }
0x7e: {  	[sflag:s12] =	ssyncset.done $0x0  }
0x7f: {  	[sflag:s12] =	ssyncadd.s32 $0xFFFFFFB0  }
0x80: {  	_ =	swait.ge [sflag:s12], $0x50  }
0x81: {  	[sflag:s12] =	ssyncset.done $0x0  }
0x82: {  	s25 =	rddreg [dreg:$0x11];
	[sflag:s12] =	ssyncadd.s32 $0xFFFFFFB0  }
0x83: {  	[tilespmem:s13], [sflag:$0x2] =	stream.indirect.gather [hbm4b:s5+s11], $0x80, s0, s11, $0xb8;
	[tilespmem:$0x1BC00] =	vst v63  }
.LBB2_4:
0x84: {  	_ =	swait.ge [sflag:s14], $0x2800  }
0x85: {  	[sflag:s14] =	ssyncset.done $0x0  }
0x86: {  	[sflag:s14] =	ssyncadd.s32 $0xFFFFD800  }
0x87: {  	_ =	swait.ge [sflag:s15], $0x50  }
0x88: {  	[sflag:s15] =	ssyncset.done $0x0  }
0x89: {  	[sflag:s15] =	ssyncadd.s32 $0xFFFFFFB0  }
0x8a: {  	_ =	swait.ge [sflag:s15], $0x50  }
0x8b: {  	[sflag:s15] =	ssyncset.done $0x0  }
0x8c: {  	[sflag:s15] =	ssyncadd.s32 $0xFFFFFFB0  }
0x8d: {  	[tilespmem:s16], [sflag:$0x3] =	stream.indirect.gather [hbm4b:s5+s11], $0x80, s8, s11, $0xb8;
	[tilespmem:$0x1BC00] =	vst v63  }
0x8e: {  	_ = 	snop  }
0x8f: {  	[spmem:s3] =	stream.indirect.scatter.add.f32 [tilespmem:s29], [sflag:$0x7], $0x80, s31, s11, $0xb8;
	[tilespmem:$0x1BC00] =	vst v63  }
0x90: {  	_ =	swait.ge [sflag:s30], $0x2800  }
0x91: {  	s28 =	sshrl.u32 s25, $0x3;
	[sflag:s30] =	ssyncset.done $0x0  }
0x92: {  	s26 =	sadd.s32 s6, s28;
	[sflag:s30] =	ssyncadd.s32 $0xFFFFD800  }
0x93: {  	[tilespmem:s4], [sflag:$0x4] =	stream.linear.gather [hbm4b:s26+s4], $0x50, $0x38;
	[tilespmem:$0x1BC00] =	vst v63  }
0x94: {  	s28 =	sadd.s32 s2, s28  }
0x95: {  	[tilespmem:s31], [sflag:$0x4] =	stream.linear.gather [hbm4b:s28+s4], $0x50, $0x38;
	[tilespmem:$0x1BC00] =	vst v63  }
0x96: {  	_ =	swait.ge [sflag:s17], $0x2800  }
0x97: {  	[sflag:s17] =	ssyncset.done $0x0  }
0x98: {  	[sflag:s17] =	ssyncadd.s32 $0xFFFFD800  }
0x99: {  	_ =	swait.ge [sflag:s10], $0x50  }
0x9a: {  	[sflag:s10] =	ssyncset.done $0x0  }
0x9b: {  	[sflag:s10] =	ssyncadd.s32 $0xFFFFFFB0  }
0x9c: {  	_ =	swait.ge [sflag:s10], $0x50  }
0x9d: {  	[sflag:s10] =	ssyncset.done $0x0  }
0x9e: {  	[sflag:s10] =	ssyncadd.s32 $0xFFFFFFB0  }
0x9f: {  	[tilespmem:s29], [sflag:$0x1] =	stream.indirect.gather [hbm4b:s5+s11], $0x80, s4, s11, $0xb8;
	[tilespmem:$0x1BC00] =	vst v63  }
0xa0: {  	_ = 	snop  }
0xa1: {  	[spmem:s3] =	stream.indirect.scatter.add.f32 [tilespmem:s13], [sflag:$0x7], $0x80, s1, s11, $0xb8;
	[tilespmem:$0x1BC00] =	vst v63  }
0xa2: {  	_ =	swait.ge [sflag:s30], $0x2800  }
0xa3: {  	[sflag:s30] =	ssyncset.done $0x0  }
0xa4: {  	s28 =	sadd.s32 s20, s24;
	[sflag:s30] =	ssyncadd.s32 $0xFFFFD800  }
0xa5: {  	[tilespmem:s0], [sflag:$0x5] =	stream.linear.gather [hbm4b:s28+s4], $0x50, $0x38;
	[tilespmem:$0x1BC00] =	vst v63  }
0xa6: {  	s28 =	sadd.s32 s20, s23  }
0xa7: {  	[tilespmem:s1], [sflag:$0x5] =	stream.linear.gather [hbm4b:s28+s4], $0x50, $0x38;
	[tilespmem:$0x1BC00] =	vst v63  }
0xa8: {  	_ =	swait.ge [sflag:s18], $0x2800  }
0xa9: {  	[sflag:s18] =	ssyncset.done $0x0  }
0xaa: {  	[sflag:s18] =	ssyncadd.s32 $0xFFFFD800  }
0xab: {  	_ =	swait.ge [sflag:s12], $0x50  }
0xac: {  	[sflag:s12] =	ssyncset.done $0x0  }
0xad: {  	[sflag:s12] =	ssyncadd.s32 $0xFFFFFFB0  }
0xae: {  	_ =	swait.ge [sflag:s12], $0x50  }
0xaf: {  	[sflag:s12] =	ssyncset.done $0x0  }
0xb0: {  	p0 =	seq.s32 s20, $0x4B0;
	[sflag:s12] =	ssyncadd.s32 $0xFFFFFFB0  }
0xb1: {  	[tilespmem:s13], [sflag:$0x2] =	stream.indirect.gather [hbm4b:s5+s11], $0x80, s0, s11, $0xb8;
	[tilespmem:$0x1BC00] =	vst v63  }
.Ltmp3:
0xb2: {  	_ = 	snop;
	(pc) =	sbr.rel @p0 .LBB2_6-.Ltmp3, $4  }
0xb3: {  	[spmem:s3] =	stream.indirect.scatter.add.f32 [tilespmem:s16], [sflag:$0x7], $0x80, s9, s11, $0xb8;
	[tilespmem:$0x1BC00] =	vst v63  }
0xb4: {  	_ =	swait.ge [sflag:s30], $0x2800  }
0xb5: {  	[sflag:s30] =	ssyncset.done $0x0  }
0xb6: {  	[sflag:s30] =	ssyncadd.s32 $0xFFFFD800  }
.Ltmp4:
0xb7: {  	(pc) =	sbr.rel .LBB2_4-.Ltmp4, $4  }
0xb8: {  	s26 =	sadd.s32 s20, s22  }
0xb9: {  	[tilespmem:s8], [sflag:$0x6] =	stream.linear.gather [hbm4b:s26+s4], $0x50, $0x38;
	[tilespmem:$0x1BC00] =	vst v63  }
0xba: {  	s28 =	sadd.s32 s20, s21;
	s20 =	sadd.s32 $0x1E, s20;
	s25 =	sadd.s32 $0xF0, s25  }
0xbb: {  	[tilespmem:s9], [sflag:$0x6] =	stream.linear.gather [hbm4b:s28+s4], $0x50, $0x38;
	[tilespmem:$0x1BC00] =	vst v63  }
.LBB2_7:
0xbc: {  	_ =	sfence.sel $0x180000  }
0xbd: {  	[bflag:$0x0] =	sbarrier.arrive $0xFFFF  }
0xbe: {  	_ =	strace $0x90000050  }
0xbf: {  	s0 =	stileid.u32;
	[bflag:$0x2] =	sbarrier.arrive $0xFFFF  }
0xc0: {  	p0 =	sne.s32 s0, $0x0;
	s0 =	rddreg [dreg:$0x3]  }
0xc1: {  	s0 =	sadd.s32 @!p0 $0x100000, s0  }
0xc2: {  	[sflag:s0] =	ssyncadd.tile.s32 @!p0 $0x1;
	_ =	shalt  }
.Lfunc_end2:
_tile_overlayer_lowered:
.L_overlay_start_2:
0xc3: {  	(tag) =	ssettag $0x2  }
0xc4: {  	s0 =	rddreg [dreg:$0x0];
	s2 =	stileid.u32  }
0xc5: {  	s1 =	rddreg [dreg:$0x1];
	p0 =	sne.s32 s2, $0x0  }
0xc6: {  	s3 =	rddreg [dreg:$0x2];
	[bflag:$0x3] =	sbarrier.arrive $0xFFFF;
	s2 =	simm.s32 @!p0 $0x1C07  }
0xc7: {  	[timem:s3], [sflag:s2] =	dma.local @!p0 [hbm:s0], s1  }
0xc8: {  	s0 =	simm.s32 @!p0 $0x7  }
0xc9: {  	_ =	swait.ge @!p0 [sflag:s0], s1  }
0xca: {  	s1 =	ssub.s32 @!p0 $0x0, s1;
	[sflag:s0] =	ssyncset.done @!p0 $0x0  }
0xcb: {  	[sflag:s0] =	ssyncadd.s32 @!p0 s1  }
0xcc: {  	[bflag:$0x3] =	sbarrier.arrive $0xFFFF  }
0xcd: {  	_ =	shalt  }

// kernel: kernel.23.cloned.1.call-start
scs
__scs_entry_jumppad:
0x0: {  	(pc) =	sbr.rel $0x88, $3  }
0x1: {  	(tag) =	ssettag $0x0;
	lr =	simm.s32 $0x1  }
0x2: {  	[smem:$0x3F8D] =	sst lr;
	_ =	strace $0xD0000000  }
0x3: {  	_ = 	snop  }
0x4: {  	_ = 	snop  }
0x5: {  	_ = 	snop  }
0x6: {  	_ = 	snop  }
0x7: {  	_ = 	snop  }
__scs_overlays_trampoline_lowered:
0x8: {  	[smem:$0x3F9C] =	sst s0  }
0x9: {  	[smem:$0x3F9D] =	sst s1  }
0xa: {  	[smem:$0x3F9E] =	sst s2  }
0xb: {  	[smem:$0x3F9F] =	sst s3  }
0xc: {  	[smem:$0x3FA0] =	sst s4  }
0xd: {  	[smem:$0x3FA1] =	sst s5  }
0xe: {  	[smem:$0x3FA2] =	sst s6  }
0xf: {  	[smem:$0x3FA3] =	sst s7  }
0x10: {  	[smem:$0x3FA4] =	sst s8  }
0x11: {  	[smem:$0x3FA5] =	sst s9;
	s0 =	simm.s32 @!p0 $0x0  }
0x12: {  	s1 =	sld [smem:$0x3F8B];
	s0 =	simm.s32 @p0 $0x1  }
0x13: {  	[smem:$0x3FA6] =	sst s0;
	s0 =	simm.s32 @!p1 $0x0  }
0x14: {  	s2 =	sld [smem:$0x3F8A];
	s0 =	simm.s32 @p1 $0x1  }
0x15: {  	[smem:$0x3FA7] =	sst s0;
	s0 =	simm.s32 @!p2 $0x0  }
0x16: {  	s3 =	sld [smem:$0x3FDB];
	s0 =	simm.s32 @p2 $0x1  }
0x17: {  	s4 =	simm.s32 $0x1BF5;
	[smem:$0x3FA9] =	sst s0  }
0x18: {  	s0 =	sld [smem:$0x3F8C];
	_ =	swait.ge [sflag:s4], $0x0  }
0x19: {  	s7 =	sld [smem:$0x3F8D]  }
0x1a: {  	s8 =	sadd.s32 $0xFFFFE003, lr  }
0x1b: {  	s9 =	sadd.s32 $0xFFFFFEF7, lr;
	s5 =	simm.s32 $0xFFFFFFFF;
	p2 =	slt.u32 s8, $0xFFFFF086  }
0x1c: {  	p1 =	slt.u32 s9, $0xF7A;
	s5 =	simm.s32 @!p2 $0x0  }
0x1d: {  	s5 =	simm.s32 @p1 $0x1;
	p0 =	seq.s32 s7, s2  }
0x1e: {  	s7 =	smul.u32 @!p0 $0xF7A, s2;
	p2 =	seq.s32 @!p0 s5, $0x0  }
0x1f: {  	s9 =	smul.u32 $0xF7A, s1;
	s8 =	simm.s32 @!p0 $0x1BF5;
	p2 =	por !p2, p0  }
0x20: {  	[sflag:s8] =	ssyncset.s32 @!p0 $0xFFFFF086;
	s6 =	sadd.s32 @!p0 s3, s7;
	s7 =	simm.s32 @!p0 $0x108  }
0x21: {  	s3 =	sadd.s32 s3, s9;
	s6 =	sadd.s32 @!p0 $0x88, s6;
	s7 =	simm.s32 @p2 $0x1082  }
0x22: {  	[simem:s7], [sflag:s8] =	dma.local @!p0 [hbm:s6], $0xF7A  }
0x23: {  	s9 =	sor.u32 $0xD0000000, s2;
	s6 =	simm.s32 $0x108;
	_ =	swait.ge @!p0 [sflag:s8], $0x0  }
0x24: {  	s3 =	sadd.s32 $0x88, s3;
	s6 =	simm.s32 @!p1 $0x1082;
	[sflag:s4] =	ssyncset.s32 $0xFFFFF086  }
0x25: {  	[simem:s6], [sflag:s4] =	dma.local [hbm:s3], $0xF7A  }
0x26: {  	[smem:$0x3F8D] =	sst s1;
	(tag) =	ssettag s2;
	_ =	strace s9  }
0x27: {  	s1 =	sld [smem:$0x3F9D]  }
0x28: {  	s2 =	sld [smem:$0x3F9E]  }
0x29: {  	s4 =	sld [smem:$0x3FA0]  }
0x2a: {  	p0 =	seq.s32 s5, $0x0;
	s5 =	sld [smem:$0x3FA1]  }
0x2b: {  	s6 =	sld [smem:$0x3FA2]  }
0x2c: {  	s7 =	sld [smem:$0x3FA3]  }
0x2d: {  	s3 =	simm.s32 $0x108;
	s8 =	sld [smem:$0x3FA4]  }
0x2e: {  	s3 =	simm.s32 @!p0 $0x1082;
	s9 =	sld [smem:$0x3FA5]  }
0x2f: {  	lr =	sadd.s32 s0, s3;
	s0 =	sld [smem:$0x3F9C]  }
0x30: {  	s3 =	sld [smem:$0x3F9F]  }
0x31: {  	[smem:$0x3FA8] =	sst s10  }
0x32: {  	s10 =	sld [smem:$0x3FA6];
	_ =	sdelay $0x3  }
0x33: {  	p0 =	seq.s32 s10, $0x1;
	s10 =	sld [smem:$0x3FA8];
	_ =	sdelay $0x3  }
0x34: {  	[smem:$0x3FA8] =	sst s10  }
0x35: {  	s10 =	sld [smem:$0x3FA7];
	_ =	sdelay $0x3  }
0x36: {  	p1 =	seq.s32 s10, $0x1;
	s10 =	sld [smem:$0x3FA8];
	_ =	sdelay $0x3  }
0x37: {  	[smem:$0x3FA8] =	sst s10  }
0x38: {  	s10 =	sld [smem:$0x3FA9]  }
0x39: {  	_ = 	snop;
	(pc) =	sbr.ind lr, $3  }
0x3a: {  	_ = 	snop  }
0x3b: {  	_ = 	snop  }
0x3c: {  	p2 =	seq.s32 s10, $0x1;
	s10 =	sld [smem:$0x3FA8]  }
0x3d: {  	_ =	shalt  }
0x3e: {  	_ =	shalt  }
0x3f: {  	_ =	shalt  }
0x40: {  	_ =	shalt  }
0x41: {  	_ =	shalt  }
0x42: {  	_ =	shalt  }
0x43: {  	_ =	shalt  }
0x44: {  	_ =	shalt  }
0x45: {  	_ =	shalt  }
0x46: {  	_ =	shalt  }
0x47: {  	_ =	shalt  }
0x48: {  	_ =	shalt  }
0x49: {  	_ =	shalt  }
0x4a: {  	_ =	shalt  }
0x4b: {  	_ =	shalt  }
0x4c: {  	_ =	shalt  }
0x4d: {  	_ =	shalt  }
0x4e: {  	_ =	shalt  }
0x4f: {  	_ =	shalt  }
0x50: {  	_ =	shalt  }
0x51: {  	_ =	shalt  }
0x52: {  	_ =	shalt  }
0x53: {  	_ =	shalt  }
0x54: {  	_ =	shalt  }
0x55: {  	_ =	shalt  }
0x56: {  	_ =	shalt  }
0x57: {  	_ =	shalt  }
0x58: {  	_ =	shalt  }
0x59: {  	_ =	shalt  }
0x5a: {  	_ =	shalt  }
0x5b: {  	_ =	shalt  }
0x5c: {  	_ =	shalt  }
0x5d: {  	_ =	shalt  }
0x5e: {  	_ =	shalt  }
0x5f: {  	_ =	shalt  }
0x60: {  	_ =	shalt  }
0x61: {  	_ =	shalt  }
0x62: {  	_ =	shalt  }
0x63: {  	_ =	shalt  }
0x64: {  	_ =	shalt  }
0x65: {  	_ =	shalt  }
0x66: {  	_ =	shalt  }
0x67: {  	_ =	shalt  }
0x68: {  	_ =	shalt  }
0x69: {  	_ =	shalt  }
0x6a: {  	_ =	shalt  }
0x6b: {  	_ =	shalt  }
0x6c: {  	_ =	shalt  }
0x6d: {  	_ =	shalt  }
0x6e: {  	_ =	shalt  }
0x6f: {  	_ =	shalt  }
0x70: {  	_ =	shalt  }
0x71: {  	_ =	shalt  }
0x72: {  	_ =	shalt  }
0x73: {  	_ =	shalt  }
0x74: {  	_ =	shalt  }
0x75: {  	_ =	shalt  }
0x76: {  	_ =	shalt  }
0x77: {  	_ =	shalt  }
0x78: {  	_ =	shalt  }
0x79: {  	_ =	shalt  }
0x7a: {  	_ =	shalt  }
0x7b: {  	_ =	shalt  }
0x7c: {  	_ =	shalt  }
0x7d: {  	_ =	shalt  }
0x7e: {  	_ =	shalt  }
0x7f: {  	_ =	shalt  }
0x80: {  	_ =	shalt  }
0x81: {  	_ =	shalt  }
0x82: {  	_ =	shalt  }
0x83: {  	_ =	shalt  }
0x84: {  	_ =	shalt  }
0x85: {  	_ =	shalt  }
0x86: {  	_ =	shalt  }
0x87: {  	_ =	shalt  }
.Lfunc_end0:
.L_simem_size_0:
called_computation.4_lowered:
.L_overlay_start_0:
0x88: {  	s2 =	sld [smem:$0x3FD9]  }
0x89: {  	s3 =	sld [smem:$0x3FFE];
	_ =	sdelay $0x1  }
0x8a: {  	s1 =	srdreg.scid  }
0x8b: {  	s0 =	sand.u32 $0x1, s1  }
0x8c: {  	s17 =	sshll.u32 s0, $0xA;
	s2 =	sadd.s32 s3, s2  }
0x8d: {  	s2 =	sadd.s32 s2, s17  }
0x8e: {  	[smem:$0x3FB4] =	sst s2  }
0x8f: {  	_ = 	snop  }
0x90: {  	s2 =	sld [smem:$0x3FD0];
	(tm) =	ssettm $0x1  }
0x91: {  	s18 =	sld [smem:$0x3FFB];
	_ =	sdelay $0x3  }
0x92: {  	_ =	strace s18  }
0x93: {  	s3 =	sld [smem:$0x3FFC];
	_ =	sdelay $0x3  }
0x94: {  	_ =	strace s3  }
0x95: {  	s3 =	sld [smem:$0x3FFD];
	_ =	sdelay $0x3  }
0x96: {  	_ =	strace s3  }
0x97: {  	_ =	strace $0x8FFFFFFF  }
0x98: {  	s19 =	sld [smem:$0x3FDB];
	_ =	sdelay $0x1  }
0x99: {  	s4 =	simm.s32 $_scs_section_size  }
0x9a: {  	s5 =	simm.s32 $_size__tile_overlayer_lowered;
	s6 =	simm.s32 $_tile_overlayer_lowered  }
0x9b: {  	s22 =	simm.s32 $0x1BFF;
	s21 =	sshll.u32 s6, $0x1;
	s3 =	sadd.s32 s4, s19  }
0x9c: {  	s7 =	simm.s32 $0x0;
	s20 =	sshll.u32 s5, $0x1;
	s5 =	sadd.s32 s21, s3  }
0x9d: {  	[timem:s7], [sflag:s22] =	dma.local [hbm:s5], s20  }
0x9e: {  	_ =	swait.ge [sflag:s22], s20  }
0x9f: {  	s4 =	ssub.s32 $0x0, s20;
	[sflag:s22] =	ssyncset.done $0x0  }
0xa0: {  	[sflag:s22] =	ssyncadd.s32 s4;
	_ =	sdelay $0x1  }
0xa1: {  	s23 =	simm.s32 $0x1B8B  }
0xa2: {  	_ =	swait.ge [sflag:s23], $0x1  }
0xa3: {  	[sflag:s23] =	ssyncset.done $0x0  }
0xa4: {  	s25 =	simm.s32 $0x1B8E;
	s24 =	sld [smem:$0x3FFE];
	[sflag:s23] =	ssyncadd.s32 $0xFFFFFFFF  }
0xa5: {  	s26 =	simm.s32 $execute0_lowered;
	[smem:$0x3FD2] =	sst s25  }
0xa6: {  	s5 =	sshll.u32 s26, $0x1;
	_ =	strace $0x80000052;
	[dreg:$0x1] =	wrdreg $0xFFFFFFFF  }
0xa7: {  	s28 =	simm.s32 $_size_execute0_lowered;
	s3 =	sadd.s32 s3, s5;
	[dreg:$0x0] =	wrdreg $0x0  }
0xa8: {  	s5 =	sshll.u32 s28, $0x1;
	[dreg:$0x2] =	wrdreg s3  }
0xa9: {  	[dreg:$0x3] =	wrdreg s5  }
0xaa: {  	[dreg:$0x4] =	wrdreg $0xC0  }
0xab: {  	_ =	task [dreg:s7], $0x5FFFF  }
0xac: {  	[dreg:$0x1] =	wrdreg $0xFFFFFFFF  }
0xad: {  	[dreg:$0x0] =	wrdreg $0x60  }
0xae: {  	[dreg:$0x2] =	wrdreg s24  }
0xaf: {  	[dreg:$0x3] =	wrdreg s2  }
0xb0: {  	[dreg:$0x4] =	wrdreg $0x7C000  }
0xb1: {  	[dreg:$0x5] =	wrdreg $0x9  }
0xb2: {  	_ =	task.clear_ibuf [dreg:s7], $0x6FFFF;
	_ =	strace $0x90000052  }
0xb3: {  	s29 =	simm.s32 $0x9;
	_ =	strace $0x80000054  }
0xb4: {  	_ =	swait.ge [sflag:s29], $0x1  }
0xb5: {  	[sflag:s29] =	ssyncadd.s32 $0xFFFFFFFF  }
0xb6: {  	_ =	strace $0x90000054  }
0xb7: {  	_ =	sfence  }
0xb8: {  	s30 =	sld [smem:$0x0];
	_ =	sdelay $0x2  }
0xb9: {  	s31 =	sshll.u32 s1, $0xD;
	s1 =	sshrl.u32 s1, $0x2  }
0xba: {  	s3 =	sand.u32 $0x4000, s31;
	s1 =	sadd.s32 s1, s30  }
0xbb: {  	s0 =	sor.u32 s3, s0;
	s1 =	sshll.u32 s1, $0x11  }
0xbc: {  	s0 =	sor.u32 s1, s0  }
0xbd: {  	s0 =	sadd.s32 $0x8F2B, s0  }
0xbe: {  	[sflag:s0] =	ssyncadd.remote.s32 $0x1  }
0xbf: {  	_ =	sfence.sel $0xFFFF  }
0xc0: {  	[dreg:$0x0] =	wrdreg $0xFFFFFFFF;
	(pc) =	sbr.abs _section_cstart, $3  }
0xc1: {  	[dreg:$0x1] =	wrdreg $0xFFFFFFFF  }
0xc2: {  	_ =	task.clear_ibuf [dreg:s7], $0x2FFFF;
	_ =	strace $0x9FFFFFFF  }
0xc3: {  	(tm) =	ssettm $0x7FFFFFFF  }
tec
execute0_lowered:
.L_overlay_start_1:
0x0: {  	(tag) =	ssettag $0x1  }
0x1: {  	s0 =	rddreg [dreg:$0x0]  }
0x2: {  	s2 =	rddreg [dreg:$0x1];
	s1 =	srdreg.scid  }
0x3: {  	s3 =	rddreg [dreg:$0x2];
	s11 =	stileid.u32  }
0x4: {  	s4 =	simm.s32 $0x0;
	s29 =	simm.s32 $0x400;
	s6 =	smul.u32 $0x14000, s11  }
0x5: {  	s30 =	simm.s32 $0x7;
	s31 =	simm.s32 $0x200;
	s8 =	smul.u32 $0x50000, s11  }
0x6: {  	s1 =	sand.u32 $0x1, s1;
	[smem:$0x7FF] =	sst s4;
	s18 =	smul.u32 $0x4E20, s11  }
0x7: {  	s24 =	sshll.u32 s11, $0x1;
	s5 =	smul.u32 $0x140000, s1;
	_ =	strace $0x80000053  }
0x8: {  	s9 =	ssub.s32 $0x2, s1;
	s10 =	sor.u32 s1, s24;
	s1 =	smul.u32 $0x2710, s1  }
0x9: {  	s25 =	sshrl.u32 s8, $0x2;
	s26 =	sshrl.u32 s9, $0x1;
	s10 =	smul.u32 $0x2710, s10  }
0xa: {  	s6 =	sadd.s32 s6, s5;
	s5 =	sadd.s32 $0x3C00, s0;
	s8 =	ssub.s32 s9, s26  }
0xb: {  	s1 =	sadd.s32 s1, s18;
	s18 =	simm.s32 $0x3;
	s7 =	sshrl.u32 s6, $0x3  }
0xc: {  	s6 =	sadd.s32 $0x2C200, s0;
	s15 =	sshrl.u32 s10, $0x3;
	s22 =	sadd.s32 $0x190, s1  }
0xd: {  	s23 =	sadd.s32 $0x140, s1;
	s8 =	smax.u32 s8, $0x1;
	s10 =	simm.s32 $0x4  }
0xe: {  	s0 =	sadd.s32 s7, s0;
	s17 =	sadd.s32 s6, s15;
	[dreg:$0x10] =	wrdreg s8  }
0xf: {  	s7 =	sadd.s32 s25, s3;
	s19 =	sadd.s32 s2, s15;
	[dreg:$0x9] =	wrdreg s17  }
0x10: {  	s20 =	sadd.s32 $0xA, s15;
	s25 =	sadd.s32 $0xF0, s1;
	[dreg:$0xa] =	wrdreg s19  }
0x11: {  	s9 =	sadd.s32 $0x14, s15;
	s28 =	sadd.s32 $0x2800, s7;
	[dreg:$0x11] =	wrdreg s25  }
0x12: {  	s24 =	sshrl.u32 s23, $0x3;
	s12 =	sadd.s32 $0x5000, s7;
	[dreg:$0x4] =	wrdreg s28  }
0x13: {  	s1 =	simm.s32 $0x280;
	s13 =	sadd.s32 $0x7800, s7;
	[dreg:$0x5] =	wrdreg s12  }
0x14: {  	s8 =	simm.s32 $0x100;
	s14 =	sadd.s32 $0xA000, s7;
	[dreg:$0x6] =	wrdreg s13  }
0x15: {  	s15 =	simm.s32 $0x6;
	s16 =	sadd.s32 $0xC800, s7;
	[dreg:$0x7] =	wrdreg s14  }
0x16: {  	s11 =	sadd.s32 s2, s20;
	s21 =	sadd.s32 s6, s9;
	[dreg:$0x8] =	wrdreg s16  }
0x17: {  	s9 =	sadd.s32 s2, s9;
	s0 =	sadd.s32 $0x36000, s0;
	[dreg:$0xc] =	wrdreg s11  }
0x18: {  	s23 =	sadd.s32 s24, s2;
	s24 =	sadd.s32 s24, s6;
	[dreg:$0xd] =	wrdreg s21  }
0x19: {  	s26 =	sadd.s32 $0xF000, s7;
	s17 =	simm.s32 $0x2;
	[dreg:$0xe] =	wrdreg s9  }
0x1a: {  	s19 =	simm.s32 $0x0;
	s12 =	sadd.s32 s6, s20;
	[dreg:$0xf] =	wrdreg s0  }
.Ltmp0:
0x1b: {  	s0 =	sshrl.u32 s22, $0x3;
	[dreg:$0x12] =	wrdreg s26;
	(pc) =	sbr.rel .LBB2_1-.Ltmp0, $4  }
0x1c: {  	s28 =	sadd.s32 $0x11800, s7;
	s9 =	simm.s32 $0x300;
	s11 =	simm.s32 $0x50  }
0x1d: {  	s13 =	simm.s32 $0x2C00;
	s14 =	simm.s32 $0x1;
	s16 =	simm.s32 $0x5400  }
0x1e: {  	[dreg:$0xb] =	wrdreg s12;
	s21 =	sadd.s32 s0, s2;
	s22 =	sadd.s32 s0, s6  }
0x1f: {  	v0 =	vimm.f32 $0.0e+00;
	[dreg:$0x13] =	wrdreg s28;
	s0 =	simm.s32 $0x80;
	s12 =	simm.s32 $0x5  }
.LBB2_6:
0x20: {  	_ =	swait.ge [sflag:s14], $0x2800  }
0x21: {  	[sflag:s14] =	ssyncset.done $0x0  }
0x22: {  	[sflag:s14] =	ssyncadd.s32 $0xFFFFD800  }
0x23: {  	[spmem:s3] =	stream.indirect.scatter.add.f32 [tilespmem:s29], [sflag:$0x7], $0x80, s31, s11, $0xb8;
	[tilespmem:$0x1BC00] =	vst v63  }
0x24: {  	_ =	swait.ge [sflag:s30], $0x2800  }
0x25: {  	[sflag:s30] =	ssyncset.done $0x0  }
0x26: {  	[sflag:s30] =	ssyncadd.s32 $0xFFFFD800  }
0x27: {  	_ =	swait.ge [sflag:s17], $0x2800  }
0x28: {  	[sflag:s17] =	ssyncset.done $0x0  }
0x29: {  	[sflag:s17] =	ssyncadd.s32 $0xFFFFD800  }
0x2a: {  	[spmem:s3] =	stream.indirect.scatter.add.f32 [tilespmem:s13], [sflag:$0x7], $0x80, s1, s11, $0xb8;
	[tilespmem:$0x1BC00] =	vst v63  }
0x2b: {  	_ =	swait.ge [sflag:s30], $0x2800  }
0x2c: {  	[sflag:s30] =	ssyncset.done $0x0  }
0x2d: {  	s20 =	stileid.u32;
	[sflag:s30] =	ssyncadd.s32 $0xFFFFD800  }
0x2e: {  	s20 =	sshll.u32 s20, $0x6;
	[bflag:$0x0] =	sbarrier.arrive $0xFFFF  }
0x2f: {  	s25 =	sshrl.u32 s7, $0x3;
	s20 =	sor.u32 $0x1C07, s20;
	s26 =	rddreg [dreg:$0xf]  }
0x30: {  	[hbm:s26], [sflag:s20] =	dma.local [spmem:s25], $0x2800  }
0x31: {  	_ =	swait.ge [sflag:s30], $0x2800  }
0x32: {  	s19 =	sadd.s32 $0x1, s19;
	s28 =	rddreg [dreg:$0x10]  }
0x33: {  	p0 =	sne.s32 s19, s28  }
.Ltmp1:
0x34: {  	_ = 	snop;
	(pc) =	sbr.rel @!p0 .LBB2_7-.Ltmp1, $3  }
0x35: {  	_ =	sdelay $0x1  }
0x36: {  	[sflag:s30] =	ssyncset.done $0x0  }
0x37: {  	[sflag:s30] =	ssyncadd.s32 $0xFFFFD800  }
.LBB2_1:
0x38: {  	s20 =	simm.s32 $0x0;
	s25 =	simm.s32 $0x200  }
.LBB2_2:
0x39: {  	p0 =	sne.s32 s25, $0x9E00;
	[tilespmem:s20+$0x470] =	vst v0  }
0x3a: {  	[tilespmem:s20+$0x400] =	vst v0  }
0x3b: {  	[tilespmem:s20+$0x410] =	vst v0  }
.Ltmp2:
0x3c: {  	[tilespmem:s20+$0x420] =	vst v0;
	(pc) =	sbr.rel @p0 .LBB2_2-.Ltmp2, $4  }
0x3d: {  	[tilespmem:s20+$0x430] =	vst v0  }
0x3e: {  	[tilespmem:s20+$0x440] =	vst v0  }
0x3f: {  	[tilespmem:s20+$0x450] =	vst v0  }
0x40: {  	[tilespmem:s20+$0x460] =	vst v0;
	s20 =	sshra.s32 s25, $0x2;
	s25 =	sadd.s32 $0x200, s25  }
0x41: {  	[tilespmem:s20+$0x470] =	vst v0  }
0x42: {  	[tilespmem:s20+$0x400] =	vst v0  }
0x43: {  	[tilespmem:s20+$0x410] =	vst v0  }
0x44: {  	[tilespmem:s20+$0x420] =	vst v0  }
0x45: {  	[tilespmem:s20+$0x430] =	vst v0  }
0x46: {  	[tilespmem:s20+$0x440] =	vst v0  }
0x47: {  	[tilespmem:s20+$0x450] =	vst v0  }
0x48: {  	[tilespmem:s20+$0x460] =	vst v0  }
0x49: {  	[spmem:s7] =	stream.linear.scatter [tilespmem:s29], [sflag:$0x7], $0x2800, $0x38;
	[tilespmem:$0x1BC00] =	vst v63  }
0x4a: {  	_ =	swait.ge [sflag:s30], $0x2800  }
0x4b: {  	[sflag:s30] =	ssyncset.done $0x0  }
0x4c: {  	s26 =	rddreg [dreg:$0x4];
	[sflag:s30] =	ssyncadd.s32 $0xFFFFD800  }
0x4d: {  	[spmem:s26] =	stream.linear.scatter [tilespmem:s29], [sflag:$0x7], $0x2800, $0x38;
	[tilespmem:$0x1BC00] =	vst v63  }
0x4e: {  	_ =	swait.ge [sflag:s30], $0x2800  }
0x4f: {  	[sflag:s30] =	ssyncset.done $0x0  }
0x50: {  	s28 =	rddreg [dreg:$0x5];
	[sflag:s30] =	ssyncadd.s32 $0xFFFFD800  }
0x51: {  	[spmem:s28] =	stream.linear.scatter [tilespmem:s29], [sflag:$0x7], $0x2800, $0x38;
	[tilespmem:$0x1BC00] =	vst v63  }
0x52: {  	_ =	swait.ge [sflag:s30], $0x2800  }
0x53: {  	[sflag:s30] =	ssyncset.done $0x0  }
0x54: {  	s25 =	rddreg [dreg:$0x6];
	[sflag:s30] =	ssyncadd.s32 $0xFFFFD800  }
0x55: {  	[spmem:s25] =	stream.linear.scatter [tilespmem:s29], [sflag:$0x7], $0x2800, $0x38;
	[tilespmem:$0x1BC00] =	vst v63  }
0x56: {  	_ =	swait.ge [sflag:s30], $0x2800  }
0x57: {  	[sflag:s30] =	ssyncset.done $0x0  }
0x58: {  	s26 =	rddreg [dreg:$0x7];
	[sflag:s30] =	ssyncadd.s32 $0xFFFFD800  }
0x59: {  	[spmem:s26] =	stream.linear.scatter [tilespmem:s29], [sflag:$0x7], $0x2800, $0x38;
	[tilespmem:$0x1BC00] =	vst v63  }
0x5a: {  	_ =	swait.ge [sflag:s30], $0x2800  }
0x5b: {  	[sflag:s30] =	ssyncset.done $0x0  }
0x5c: {  	s28 =	rddreg [dreg:$0x8];
	[sflag:s30] =	ssyncadd.s32 $0xFFFFD800  }
0x5d: {  	[spmem:s28] =	stream.linear.scatter [tilespmem:s29], [sflag:$0x7], $0x2800, $0x38;
	[tilespmem:$0x1BC00] =	vst v63  }
0x5e: {  	_ =	swait.ge [sflag:s30], $0x2800  }
0x5f: {  	[sflag:s30] =	ssyncset.done $0x0  }
0x60: {  	s25 =	rddreg [dreg:$0x12];
	[sflag:s30] =	ssyncadd.s32 $0xFFFFD800  }
0x61: {  	[spmem:s25] =	stream.linear.scatter [tilespmem:s29], [sflag:$0x7], $0x2800, $0x38;
	[tilespmem:$0x1BC00] =	vst v63  }
0x62: {  	_ =	swait.ge [sflag:s30], $0x2800  }
0x63: {  	[sflag:s30] =	ssyncset.done $0x0  }
0x64: {  	s26 =	rddreg [dreg:$0x13];
	[sflag:s30] =	ssyncadd.s32 $0xFFFFD800  }
0x65: {  	[spmem:s26] =	stream.linear.scatter [tilespmem:s29], [sflag:$0x7], $0x2800, $0x38;
	[tilespmem:$0x1BC00] =	vst v63  }
0x66: {  	_ =	swait.ge [sflag:s30], $0x2800  }
0x67: {  	[sflag:s30] =	ssyncset.done $0x0  }
0x68: {  	[sflag:s30] =	ssyncadd.s32 $0xFFFFD800  }
0x69: {  	[bflag:$0x0] =	sbarrier.arrive $0xFFFF  }
0x6a: {  	s20 =	simm.s32 $0x0;
	s25 =	rddreg [dreg:$0x9]  }
0x6b: {  	[tilespmem:s20], [sflag:$0x4] =	stream.linear.gather [hbm4b:s25+s20], $0x50, $0x38;
	[tilespmem:$0x1BC00] =	vst v63  }
0x6c: {  	s28 =	rddreg [dreg:$0xa]  }
0x6d: {  	[tilespmem:s31], [sflag:$0x4] =	stream.linear.gather [hbm4b:s28+s20], $0x50, $0x38;
	[tilespmem:$0x1BC00] =	vst v63  }
0x6e: {  	s26 =	rddreg [dreg:$0xb]  }
0x6f: {  	[tilespmem:s0], [sflag:$0x5] =	stream.linear.gather [hbm4b:s26+s20], $0x50, $0x38;
	[tilespmem:$0x1BC00] =	vst v63  }
0x70: {  	s28 =	rddreg [dreg:$0xc]  }
0x71: {  	[tilespmem:s1], [sflag:$0x5] =	stream.linear.gather [hbm4b:s28+s20], $0x50, $0x38;
	[tilespmem:$0x1BC00] =	vst v63  }
0x72: {  	s26 =	rddreg [dreg:$0xd]  }
0x73: {  	[tilespmem:s8], [sflag:$0x6] =	stream.linear.gather [hbm4b:s26+s20], $0x50, $0x38;
	[tilespmem:$0x1BC00] =	vst v63  }
0x74: {  	s28 =	rddreg [dreg:$0xe]  }
0x75: {  	[tilespmem:s9], [sflag:$0x6] =	stream.linear.gather [hbm4b:s28+s20], $0x50, $0x38;
	[tilespmem:$0x1BC00] =	vst v63  }
0x76: {  	_ =	swait.ge [sflag:s10], $0x50  }
0x77: {  	[sflag:s10] =	ssyncset.done $0x0  }
0x78: {  	[sflag:s10] =	ssyncadd.s32 $0xFFFFFFB0  }
0x79: {  	_ =	swait.ge [sflag:s10], $0x50  }
0x7a: {  	[sflag:s10] =	ssyncset.done $0x0  }
0x7b: {  	[sflag:s10] =	ssyncadd.s32 $0xFFFFFFB0  }
0x7c: {  	[tilespmem:s29], [sflag:$0x1] =	stream.indirect.gather [hbm4b:s5+s11], $0x80, s20, s11, $0xb8;
	[tilespmem:$0x1BC00] =	vst v63  }
0x7d: {  	_ =	swait.ge [sflag:s12], $0x50  }
0x7e: {  	[sflag:s12] =	ssyncset.done $0x0  }
0x7f: {  	[sflag:s12] =	ssyncadd.s32 $0xFFFFFFB0  }
0x80: {  	_ =	swait.ge [sflag:s12], $0x50  }
0x81: {  	[sflag:s12] =	ssyncset.done $0x0  }
0x82: {  	s25 =	rddreg [dreg:$0x11];
	[sflag:s12] =	ssyncadd.s32 $0xFFFFFFB0  }
0x83: {  	[tilespmem:s13], [sflag:$0x2] =	stream.indirect.gather [hbm4b:s5+s11], $0x80, s0, s11, $0xb8;
	[tilespmem:$0x1BC00] =	vst v63  }
.LBB2_4:
0x84: {  	_ =	swait.ge [sflag:s14], $0x2800  }
0x85: {  	[sflag:s14] =	ssyncset.done $0x0  }
0x86: {  	[sflag:s14] =	ssyncadd.s32 $0xFFFFD800  }
0x87: {  	_ =	swait.ge [sflag:s15], $0x50  }
0x88: {  	[sflag:s15] =	ssyncset.done $0x0  }
0x89: {  	[sflag:s15] =	ssyncadd.s32 $0xFFFFFFB0  }
0x8a: {  	_ =	swait.ge [sflag:s15], $0x50  }
0x8b: {  	[sflag:s15] =	ssyncset.done $0x0  }
0x8c: {  	[sflag:s15] =	ssyncadd.s32 $0xFFFFFFB0  }
0x8d: {  	[tilespmem:s16], [sflag:$0x3] =	stream.indirect.gather [hbm4b:s5+s11], $0x80, s8, s11, $0xb8;
	[tilespmem:$0x1BC00] =	vst v63  }
0x8e: {  	_ = 	snop  }
0x8f: {  	[spmem:s3] =	stream.indirect.scatter.add.f32 [tilespmem:s29], [sflag:$0x7], $0x80, s31, s11, $0xb8;
	[tilespmem:$0x1BC00] =	vst v63  }
0x90: {  	_ =	swait.ge [sflag:s30], $0x2800  }
0x91: {  	s28 =	sshrl.u32 s25, $0x3;
	[sflag:s30] =	ssyncset.done $0x0  }
0x92: {  	s26 =	sadd.s32 s6, s28;
	[sflag:s30] =	ssyncadd.s32 $0xFFFFD800  }
0x93: {  	[tilespmem:s4], [sflag:$0x4] =	stream.linear.gather [hbm4b:s26+s4], $0x50, $0x38;
	[tilespmem:$0x1BC00] =	vst v63  }
0x94: {  	s28 =	sadd.s32 s2, s28  }
0x95: {  	[tilespmem:s31], [sflag:$0x4] =	stream.linear.gather [hbm4b:s28+s4], $0x50, $0x38;
	[tilespmem:$0x1BC00] =	vst v63  }
0x96: {  	_ =	swait.ge [sflag:s17], $0x2800  }
0x97: {  	[sflag:s17] =	ssyncset.done $0x0  }
0x98: {  	[sflag:s17] =	ssyncadd.s32 $0xFFFFD800  }
0x99: {  	_ =	swait.ge [sflag:s10], $0x50  }
0x9a: {  	[sflag:s10] =	ssyncset.done $0x0  }
0x9b: {  	[sflag:s10] =	ssyncadd.s32 $0xFFFFFFB0  }
0x9c: {  	_ =	swait.ge [sflag:s10], $0x50  }
0x9d: {  	[sflag:s10] =	ssyncset.done $0x0  }
0x9e: {  	[sflag:s10] =	ssyncadd.s32 $0xFFFFFFB0  }
0x9f: {  	[tilespmem:s29], [sflag:$0x1] =	stream.indirect.gather [hbm4b:s5+s11], $0x80, s4, s11, $0xb8;
	[tilespmem:$0x1BC00] =	vst v63  }
0xa0: {  	_ = 	snop  }
0xa1: {  	[spmem:s3] =	stream.indirect.scatter.add.f32 [tilespmem:s13], [sflag:$0x7], $0x80, s1, s11, $0xb8;
	[tilespmem:$0x1BC00] =	vst v63  }
0xa2: {  	_ =	swait.ge [sflag:s30], $0x2800  }
0xa3: {  	[sflag:s30] =	ssyncset.done $0x0  }
0xa4: {  	s28 =	sadd.s32 s20, s24;
	[sflag:s30] =	ssyncadd.s32 $0xFFFFD800  }
0xa5: {  	[tilespmem:s0], [sflag:$0x5] =	stream.linear.gather [hbm4b:s28+s4], $0x50, $0x38;
	[tilespmem:$0x1BC00] =	vst v63  }
0xa6: {  	s28 =	sadd.s32 s20, s23  }
0xa7: {  	[tilespmem:s1], [sflag:$0x5] =	stream.linear.gather [hbm4b:s28+s4], $0x50, $0x38;
	[tilespmem:$0x1BC00] =	vst v63  }
0xa8: {  	_ =	swait.ge [sflag:s18], $0x2800  }
0xa9: {  	[sflag:s18] =	ssyncset.done $0x0  }
0xaa: {  	[sflag:s18] =	ssyncadd.s32 $0xFFFFD800  }
0xab: {  	_ =	swait.ge [sflag:s12], $0x50  }
0xac: {  	[sflag:s12] =	ssyncset.done $0x0  }
0xad: {  	[sflag:s12] =	ssyncadd.s32 $0xFFFFFFB0  }
0xae: {  	_ =	swait.ge [sflag:s12], $0x50  }
0xaf: {  	[sflag:s12] =	ssyncset.done $0x0  }
0xb0: {  	p0 =	seq.s32 s20, $0x4B0;
	[sflag:s12] =	ssyncadd.s32 $0xFFFFFFB0  }
0xb1: {  	[tilespmem:s13], [sflag:$0x2] =	stream.indirect.gather [hbm4b:s5+s11], $0x80, s0, s11, $0xb8;
	[tilespmem:$0x1BC00] =	vst v63  }
.Ltmp3:
0xb2: {  	_ = 	snop;
	(pc) =	sbr.rel @p0 .LBB2_6-.Ltmp3, $4  }
0xb3: {  	[spmem:s3] =	stream.indirect.scatter.add.f32 [tilespmem:s16], [sflag:$0x7], $0x80, s9, s11, $0xb8;
	[tilespmem:$0x1BC00] =	vst v63  }
0xb4: {  	_ =	swait.ge [sflag:s30], $0x2800  }
0xb5: {  	[sflag:s30] =	ssyncset.done $0x0  }
0xb6: {  	[sflag:s30] =	ssyncadd.s32 $0xFFFFD800  }
.Ltmp4:
0xb7: {  	(pc) =	sbr.rel .LBB2_4-.Ltmp4, $4  }
0xb8: {  	s26 =	sadd.s32 s20, s22  }
0xb9: {  	[tilespmem:s8], [sflag:$0x6] =	stream.linear.gather [hbm4b:s26+s4], $0x50, $0x38;
	[tilespmem:$0x1BC00] =	vst v63  }
0xba: {  	s28 =	sadd.s32 s20, s21;
	s20 =	sadd.s32 $0x1E, s20;
	s25 =	sadd.s32 $0xF0, s25  }
0xbb: {  	[tilespmem:s9], [sflag:$0x6] =	stream.linear.gather [hbm4b:s28+s4], $0x50, $0x38;
	[tilespmem:$0x1BC00] =	vst v63  }
.LBB2_7:
0xbc: {  	_ =	sfence.sel $0x180000  }
0xbd: {  	[bflag:$0x0] =	sbarrier.arrive $0xFFFF  }
0xbe: {  	_ =	strace $0x90000053  }
0xbf: {  	s0 =	stileid.u32;
	[bflag:$0x2] =	sbarrier.arrive $0xFFFF  }
0xc0: {  	p0 =	sne.s32 s0, $0x0;
	s0 =	rddreg [dreg:$0x3]  }
0xc1: {  	s0 =	sadd.s32 @!p0 $0x100000, s0  }
0xc2: {  	[sflag:s0] =	ssyncadd.tile.s32 @!p0 $0x1;
	_ =	shalt  }
.Lfunc_end2:
_tile_overlayer_lowered:
.L_overlay_start_2:
0xc3: {  	(tag) =	ssettag $0x2  }
0xc4: {  	s0 =	rddreg [dreg:$0x0];
	s2 =	stileid.u32  }
0xc5: {  	s1 =	rddreg [dreg:$0x1];
	p0 =	sne.s32 s2, $0x0  }
0xc6: {  	s3 =	rddreg [dreg:$0x2];
	[bflag:$0x3] =	sbarrier.arrive $0xFFFF;
	s2 =	simm.s32 @!p0 $0x1C07  }
0xc7: {  	[timem:s3], [sflag:s2] =	dma.local @!p0 [hbm:s0], s1  }
0xc8: {  	s0 =	simm.s32 @!p0 $0x7  }
0xc9: {  	_ =	swait.ge @!p0 [sflag:s0], s1  }
0xca: {  	s1 =	ssub.s32 @!p0 $0x0, s1;
	[sflag:s0] =	ssyncset.done @!p0 $0x0  }
0xcb: {  	[sflag:s0] =	ssyncadd.s32 @!p0 s1  }
0xcc: {  	[bflag:$0x3] =	sbarrier.arrive $0xFFFF  }
0xcd: {  	_ =	shalt  }

</sc_bundles>
